<compile_context>
chip_gen: v7x
topology: tpu7x:2x2x1
jax: 0.10.2.dev20260603
libtpu: 0.0.44.dev20260713+nightly
codegen_flags: <defaults>
</compile_context>

<pallas_src>
import jax
import jax.numpy as jnp
from jax import lax
from jax.experimental import pallas as pl
from jax.experimental.pallas import tpu as pltpu
from jax.experimental.pallas import tpu_sc as plsc

N = 10000
D = 128
N_PAD = 10112
NC = 2
NS = 16
NW = NC * NS
C = 32
CH = 320
NB = 8
LG = 6
H = 16
CHH = CH // H
EPT = C * CH
E_PAD = NW * EPT
ROWS_PER_TILE = N_PAD // NS
DR = 80
DEG_OFF = 10016
DST_PAD = 10000


def _sc_scatter_body(feat_hbm, src_hbm, dst_hbm, out_hbm,
                     acc, srcv, dstv, deg_pr, buf, *sems):
    cid = lax.axis_index("c")
    sid = lax.axis_index("s")
    wid = cid * NS + sid
    class _SemArr:
        def __init__(self, lst):
            self.lst = lst

        def at(self, i):
            return self.lst[i]

    gsem = _SemArr(sems[:NB])
    ssem = _SemArr(sems[NB:2 * NB])

    zv = jnp.zeros((16,), jnp.float32)

    def zero_buf0(r, _):
        for k in range(D // 16):
            buf[0, r, pl.ds(k * 16, 16)] = zv
        return 0

    lax.fori_loop(0, C, zero_buf0, 0)

    def zero_deg(r, _):
        for k in range(D // 16):
            deg_pr[r, pl.ds(k * 16, 16)] = zv
        return 0

    lax.fori_loop(0, DR, zero_deg, 0)

    base = sid * ROWS_PER_TILE
    nz = ROWS_PER_TILE // C
    for k in range(nz):
        pltpu.async_copy(buf.at[0], acc.at[pl.ds(base + k * C, C)],
                         gsem.at(0))
    rem = ROWS_PER_TILE % C
    if rem:
        pltpu.sync_copy(buf.at[0, pl.ds(0, rem)],
                        acc.at[pl.ds(base + ROWS_PER_TILE - rem, rem)])
    for k in range(nz):
        pltpu.make_async_copy(buf.at[0], acc.at[pl.ds(base + k * C, C)],
                              gsem.at(0)).wait()

    plsc.subcore_barrier()

    ones16 = jnp.ones((16,), jnp.float32)

    def count_deg(m):
        for g in range(C // 16):
            d16 = dstv[m, pl.ds(g * 16, 16)]
            plsc.addupdate_scatter(
                deg_pr, [lax.shift_right_logical(d16, 7),
                         lax.bitwise_and(d16, 127)],
                ones16)

    def gather(m):
        pltpu.async_copy(feat_hbm.at[srcv.at[m]], buf.at[m % NB],
                         gsem.at(m % NB))

    def gather_wait(m):
        pltpu.make_async_copy(feat_hbm.at[srcv.at[m]], buf.at[m % NB],
                              gsem.at(m % NB)).wait()

    def scatter(m):
        pltpu.async_copy(buf.at[m % NB], acc.at[dstv.at[m]],
                         ssem.at(m % NB), add=True)

    def scatter_wait(m):
        pltpu.make_async_copy(buf.at[m % NB], acc.at[dstv.at[m]],
                              ssem.at(m % NB)).wait()


    def slice_body(h, _):
        pltpu.async_copy(src_hbm.at[wid, h], srcv, gsem.at(0))
        pltpu.async_copy(dst_hbm.at[wid, h], dstv, gsem.at(1))
        pltpu.make_async_copy(src_hbm.at[wid, h], srcv, gsem.at(0)).wait()
        pltpu.make_async_copy(dst_hbm.at[wid, h], dstv, gsem.at(1)).wait()
        for m in range(LG):
            gather(m)
        for m in range(CHH):
            gather_wait(m)
            scatter(m)
            count_deg(m)
            if m + LG < CHH:
                if m >= NB - LG:
                    scatter_wait(m - (NB - LG))
                gather(m + LG)
        for m in range(CHH - NB, CHH):
            scatter_wait(m)
        return 0

    lax.fori_loop(0, H, slice_body, 0)

    iota16 = lax.iota(jnp.int32, 16)
    for k in range(DR // 16):
        pltpu.sync_copy(deg_pr.at[pl.ds(k * 16, 16)],
                        acc.at[DEG_OFF + k * 16 + iota16], add=True)

    plsc.subcore_barrier()
    pltpu.sync_copy(acc.at[pl.ds(base, ROWS_PER_TILE)],
                    out_hbm.at[cid, pl.ds(base, ROWS_PER_TILE)])


_sc_scatter = pl.kernel(
    _sc_scatter_body,
    out_type=jax.ShapeDtypeStruct((NC, N_PAD, D), jnp.float32),
    mesh=plsc.VectorSubcoreMesh(core_axis_name="c", subcore_axis_name="s"),
    compiler_params=pltpu.CompilerParams(needs_layout_passes=False),
    scratch_types=[
        pltpu.VMEM_SHARED((N_PAD, D), jnp.float32),
        pltpu.VMEM((CHH, C), jnp.int32),
        pltpu.VMEM((CHH, C), jnp.int32),
        pltpu.VMEM((DR, D), jnp.float32),
        pltpu.VMEM((NB, C, D), jnp.float32),
    ] + [pltpu.SemaphoreType.DMA] * (2 * NB),
)


BN = 1024
N_OUT = 10240


def _tc_epilogue_body(parts_ref, deg_ref, feat_ref, wsT_ref, wnT_ref,
                      bs_ref, bn_ref, out_ref):
    p = parts_ref[...]
    summed = p[0] + p[1]
    dp = deg_ref[...]
    deg = dp[0] + dp[1]
    scale = 1.0 / jnp.maximum(deg, 1.0)
    x = feat_ref[...]
    out_ref[...] = (
        jnp.dot(x, wsT_ref[...], preferred_element_type=jnp.float32)
        + bs_ref[...]
        + scale * jnp.dot(summed, wnT_ref[...], preferred_element_type=jnp.float32)
        + bn_ref[...]
    )


def _tc_epilogue(parts, deg, feat_pad, wsT, wnT, bs, bn):
    return pl.pallas_call(
        _tc_epilogue_body,
        grid=(N_OUT // BN,),
        in_specs=[
            pl.BlockSpec((NC, BN, D), lambda i: (0, i, 0)),
            pl.BlockSpec((NC, BN, 1), lambda i: (0, i, 0)),
            pl.BlockSpec((BN, D), lambda i: (i, 0)),
            pl.BlockSpec((D, D), lambda i: (0, 0)),
            pl.BlockSpec((D, D), lambda i: (0, 0)),
            pl.BlockSpec((1, D), lambda i: (0, 0)),
            pl.BlockSpec((1, D), lambda i: (0, 0)),
        ],
        out_specs=pl.BlockSpec((BN, D), lambda i: (i, 0)),
        out_shape=jax.ShapeDtypeStruct((N_OUT, D), jnp.float32),
    )(parts, deg, feat_pad, wsT, wnT, bs, bn)


def kernel(feat, edge_index, node_type, W_self, b_self, W_neigh, b_neigh):
    del node_type
    E = edge_index.shape[1]
    src = edge_index[0].astype(jnp.int32)
    dst = edge_index[1].astype(jnp.int32)
    ppt = EPT - E // NW
    src_p = jnp.concatenate(
        [src.reshape(NW, E // NW), jnp.zeros((NW, ppt), jnp.int32)], axis=1)
    padd = DST_PAD + (jnp.arange(ppt, dtype=jnp.int32) % 16)
    dst_p = jnp.concatenate(
        [dst.reshape(NW, E // NW), jnp.broadcast_to(padd, (NW, ppt))], axis=1)
    src3 = src_p.reshape(NW, H, CHH, C)
    dst3 = dst_p.reshape(NW, H, CHH, C)

    parts = _sc_scatter(feat, src3, dst3)

    deg = parts[:, DEG_OFF:DEG_OFF + DR, :].reshape(NC, DR * D, 1)
    out = _tc_epilogue(parts, deg, feat, W_self.T, W_neigh.T,
                       b_self[None, :], b_neigh[None, :])
    return out[:N]

# --- scband reference (transcript-rebuilt; emitter-appended) ---
"""Pipeline reference for scband-sageconv-4776003633674 (READ-ONLY COPY).

The authoritative reference and input builder live on the scoring server;
editing this copy changes nothing except your own understanding.
"""

import jax, jax.numpy as jnp
import numpy as np

N = 10000
E = 320000
D_IN = 128
D_OUT = 128
CELL_W = 1.0
GENE_W = 1.0


def setup_inputs(seed: int = 0) -> dict:
    key = jax.random.key(seed)
    ks = jax.random.split(key, 6)
    feat = jax.random.normal(ks[0], (N, D_IN), dtype=jnp.float32)
    edge_index = jax.random.randint(ks[1], (2, E), 0, N, dtype=jnp.int64)
    node_type = jax.random.randint(ks[2], (N,), 0, 2).astype(jnp.bool_)
    # learned parameters (xavier-ish init)
    W_self = jax.random.normal(ks[3], (D_OUT, D_IN), dtype=jnp.float32) * 0.05
    b_self = jnp.zeros((D_OUT,), dtype=jnp.float32)
    W_neigh = jax.random.normal(ks[4], (D_OUT, D_IN), dtype=jnp.float32) * 0.05
    b_neigh = jnp.zeros((D_OUT,), dtype=jnp.float32)
    return {"feat": feat, "edge_index": edge_index, "node_type": node_type,
            "W_self": W_self, "b_self": b_self, "W_neigh": W_neigh, "b_neigh": b_neigh}


def reference(feat, edge_index, node_type, W_self, b_self, W_neigh, b_neigh):
    # SAGEConv with aggregator_type='mean', feat_drop=0 (identity at eval),
    # learned_w=False (cell_w/gene_w are fixed buffers = 1.0), no activation/norm.
    src = edge_index[0]
    dst = edge_index[1]
    h_self = feat
    # update_all(copy_src('h','m'), mean('m','neigh')):
    m = jnp.take(feat, src, axis=0)                      # gather source features per edge
    summed = jax.ops.segment_sum(m, dst, num_segments=N)  # scatter-add to destination nodes
    deg = jax.ops.segment_sum(jnp.ones((E,), dtype=jnp.float32), dst, num_segments=N)
    h_neigh = summed / jnp.maximum(deg, 1.0)[:, None]
    # self_w = where(type==True, cell_w, gene_w)
    self_w = jnp.where(node_type, CELL_W, GENE_W)[:, None]
    rst = self_w * (h_self @ W_self.T + b_self) + (h_neigh @ W_neigh.T + b_neigh)
    return rst

if __name__ == "__main__":
    import jax
    _d = setup_inputs()
    print(jax.jit(kernel)(*tuple(_d.values())))

</pallas_src>

<mosaic_0001>
#map = affine_map<(d0, d1) -> (0, 0)>
#map1 = affine_map<(d0, d1) -> (0, 0, 0, 0)>
#map2 = affine_map<(d0, d1) -> (0, 0, 0)>
module attributes {stable_mosaic.version = 14 : i64} {
  func.func @_sc_scatter_body(%arg0: i32, %arg1: i32, %arg2: memref<10000x128xf32, #tpu.memory_space<hbm>>, %arg3: memref<32x16x20x32xi32, #tpu.memory_space<hbm>>, %arg4: memref<32x16x20x32xi32, #tpu.memory_space<hbm>>, %arg5: memref<2x10112x128xf32, #tpu.memory_space<hbm>>, %arg6: memref<10112x128xf32, #tpu.memory_space<vmem_shared>>, %arg7: memref<20x32xi32, #tpu.memory_space<vmem>>, %arg8: memref<20x32xi32, #tpu.memory_space<vmem>>, %arg9: memref<80x128xf32, #tpu.memory_space<vmem>>, %arg10: memref<8x32x128xf32, #tpu.memory_space<vmem>>, %arg11: memref<!tpu.dma_semaphore, #tpu.memory_space<semaphore_mem>>, %arg12: memref<!tpu.dma_semaphore, #tpu.memory_space<semaphore_mem>>, %arg13: memref<!tpu.dma_semaphore, #tpu.memory_space<semaphore_mem>>, %arg14: memref<!tpu.dma_semaphore, #tpu.memory_space<semaphore_mem>>, %arg15: memref<!tpu.dma_semaphore, #tpu.memory_space<semaphore_mem>>, %arg16: memref<!tpu.dma_semaphore, #tpu.memory_space<semaphore_mem>>, %arg17: memref<!tpu.dma_semaphore, #tpu.memory_space<semaphore_mem>>, %arg18: memref<!tpu.dma_semaphore, #tpu.memory_space<semaphore_mem>>, %arg19: memref<!tpu.dma_semaphore, #tpu.memory_space<semaphore_mem>>, %arg20: memref<!tpu.dma_semaphore, #tpu.memory_space<semaphore_mem>>, %arg21: memref<!tpu.dma_semaphore, #tpu.memory_space<semaphore_mem>>, %arg22: memref<!tpu.dma_semaphore, #tpu.memory_space<semaphore_mem>>, %arg23: memref<!tpu.dma_semaphore, #tpu.memory_space<semaphore_mem>>, %arg24: memref<!tpu.dma_semaphore, #tpu.memory_space<semaphore_mem>>, %arg25: memref<!tpu.dma_semaphore, #tpu.memory_space<semaphore_mem>>, %arg26: memref<!tpu.dma_semaphore, #tpu.memory_space<semaphore_mem>>) attributes {dimension_semantics = [#tpu.dimension_semantics<core_parallel>, #tpu.dimension_semantics<subcore_parallel>], iteration_bounds = array<i64: 2, 16>, scalar_prefetch = 0 : i64, scratch_operands = 21 : i64, tpu.core_type = #tpu.core_type<sc_vector_subcore>, window_params = [{transform_indices = #map}, {transform_indices = #map1}, {transform_indices = #map1}, {transform_indices = #map2}]} {
    %mul3A = arith.constant 16 : i32
    %mul3A_0 = arith.muli %arg0, %mul3A : i32
    %add3A = arith.addi %mul3A_0, %arg1 : i32
    %broadcast_in_dim3A = arith.constant 0.000000e+00 : f32
    %broadcast_in_dim3A_1 = vector.broadcast %broadcast_in_dim3A : f32 to vector<16xf32>
    %scan3A = arith.constant 0 : i32
    %scan3A_2 = arith.constant 0 : i32
    %scan3A_3 = arith.constant 32 : i32
    %scan3A_4 = arith.addi %scan3A_2, %scan3A_3 : i32
    %scan3A_5 = arith.constant 1 : i32
    %scan3A_6 = scf.for %scan3A_613 = %scan3A_2 to %scan3A_4 step %scan3A_5 iter_args(%scan3A_614 = %scan3A) -> (i32)  : i32 {
      %swap3A = arith.constant 0 : i32
      %swap3A_615 = arith.index_cast %swap3A : i32 to index
      %swap3A_616 = arith.index_cast %scan3A_613 : i32 to index
      %swap3A_617 = arith.constant 0 : index
      %swap3A_618 = tpu.vector_load %arg10[%swap3A_615, %swap3A_616, %swap3A_617] {strides = array<i32>} : memref<8x32x128xf32, #tpu.memory_space<vmem>>, vector<16xf32>,
      tpu.vector_store %arg10[%swap3A_615, %swap3A_616, %swap3A_617], %broadcast_in_dim3A_1 {strides = array<i32>} : memref<8x32x128xf32, #tpu.memory_space<vmem>>, vector<16xf32>,
      %swap3A_619 = arith.constant 0 : i32
      %swap3A_620 = arith.index_cast %swap3A_619 : i32 to index
      %swap3A_621 = arith.index_cast %scan3A_613 : i32 to index
      %swap3A_622 = arith.constant 16 : index
      %swap3A_623 = tpu.vector_load %arg10[%swap3A_620, %swap3A_621, %swap3A_622] {strides = array<i32>} : memref<8x32x128xf32, #tpu.memory_space<vmem>>, vector<16xf32>,
      tpu.vector_store %arg10[%swap3A_620, %swap3A_621, %swap3A_622], %broadcast_in_dim3A_1 {strides = array<i32>} : memref<8x32x128xf32, #tpu.memory_space<vmem>>, vector<16xf32>,
      %swap3A_624 = arith.constant 0 : i32
      %swap3A_625 = arith.index_cast %swap3A_624 : i32 to index
      %swap3A_626 = arith.index_cast %scan3A_613 : i32 to index
      %swap3A_627 = arith.constant 32 : index
      %swap3A_628 = tpu.vector_load %arg10[%swap3A_625, %swap3A_626, %swap3A_627] {strides = array<i32>} : memref<8x32x128xf32, #tpu.memory_space<vmem>>, vector<16xf32>,
      tpu.vector_store %arg10[%swap3A_625, %swap3A_626, %swap3A_627], %broadcast_in_dim3A_1 {strides = array<i32>} : memref<8x32x128xf32, #tpu.memory_space<vmem>>, vector<16xf32>,
      %swap3A_629 = arith.constant 0 : i32
      %swap3A_630 = arith.index_cast %swap3A_629 : i32 to index
      %swap3A_631 = arith.index_cast %scan3A_613 : i32 to index
      %swap3A_632 = arith.constant 48 : index
      %swap3A_633 = tpu.vector_load %arg10[%swap3A_630, %swap3A_631, %swap3A_632] {strides = array<i32>} : memref<8x32x128xf32, #tpu.memory_space<vmem>>, vector<16xf32>,
      tpu.vector_store %arg10[%swap3A_630, %swap3A_631, %swap3A_632], %broadcast_in_dim3A_1 {strides = array<i32>} : memref<8x32x128xf32, #tpu.memory_space<vmem>>, vector<16xf32>,
      %swap3A_634 = arith.constant 0 : i32
      %swap3A_635 = arith.index_cast %swap3A_634 : i32 to index
      %swap3A_636 = arith.index_cast %scan3A_613 : i32 to index
      %swap3A_637 = arith.constant 64 : index
      %swap3A_638 = tpu.vector_load %arg10[%swap3A_635, %swap3A_636, %swap3A_637] {strides = array<i32>} : memref<8x32x128xf32, #tpu.memory_space<vmem>>, vector<16xf32>,
      tpu.vector_store %arg10[%swap3A_635, %swap3A_636, %swap3A_637], %broadcast_in_dim3A_1 {strides = array<i32>} : memref<8x32x128xf32, #tpu.memory_space<vmem>>, vector<16xf32>,
      %swap3A_639 = arith.constant 0 : i32
      %swap3A_640 = arith.index_cast %swap3A_639 : i32 to index
      %swap3A_641 = arith.index_cast %scan3A_613 : i32 to index
      %swap3A_642 = arith.constant 80 : index
      %swap3A_643 = tpu.vector_load %arg10[%swap3A_640, %swap3A_641, %swap3A_642] {strides = array<i32>} : memref<8x32x128xf32, #tpu.memory_space<vmem>>, vector<16xf32>,
      tpu.vector_store %arg10[%swap3A_640, %swap3A_641, %swap3A_642], %broadcast_in_dim3A_1 {strides = array<i32>} : memref<8x32x128xf32, #tpu.memory_space<vmem>>, vector<16xf32>,
      %swap3A_644 = arith.constant 0 : i32
      %swap3A_645 = arith.index_cast %swap3A_644 : i32 to index
      %swap3A_646 = arith.index_cast %scan3A_613 : i32 to index
      %swap3A_647 = arith.constant 96 : index
      %swap3A_648 = tpu.vector_load %arg10[%swap3A_645, %swap3A_646, %swap3A_647] {strides = array<i32>} : memref<8x32x128xf32, #tpu.memory_space<vmem>>, vector<16xf32>,
      tpu.vector_store %arg10[%swap3A_645, %swap3A_646, %swap3A_647], %broadcast_in_dim3A_1 {strides = array<i32>} : memref<8x32x128xf32, #tpu.memory_space<vmem>>, vector<16xf32>,
      %swap3A_649 = arith.constant 0 : i32
      %swap3A_650 = arith.index_cast %swap3A_649 : i32 to index
      %swap3A_651 = arith.index_cast %scan3A_613 : i32 to index
      %swap3A_652 = arith.constant 112 : index
      %swap3A_653 = tpu.vector_load %arg10[%swap3A_650, %swap3A_651, %swap3A_652] {strides = array<i32>} : memref<8x32x128xf32, #tpu.memory_space<vmem>>, vector<16xf32>,
      tpu.vector_store %arg10[%swap3A_650, %swap3A_651, %swap3A_652], %broadcast_in_dim3A_1 {strides = array<i32>} : memref<8x32x128xf32, #tpu.memory_space<vmem>>, vector<16xf32>,
      %scan3A_654 = arith.constant 0 : i32
      scf.yield %scan3A_654 : i32
    }
    %scan3A_7 = arith.constant 32 : i32
    %scan3A_8 = arith.constant 0 : i32
    %scan3A_9 = arith.constant 0 : i32
    %scan3A_10 = arith.constant 80 : i32
    %scan3A_11 = arith.addi %scan3A_9, %scan3A_10 : i32
    %scan3A_12 = arith.constant 1 : i32
    %scan3A_13 = scf.for %scan3A_613 = %scan3A_9 to %scan3A_11 step %scan3A_12 iter_args(%scan3A_614 = %scan3A_8) -> (i32)  : i32 {
      %swap3A = arith.index_cast %scan3A_613 : i32 to index
      %swap3A_615 = arith.constant 0 : index
      %swap3A_616 = tpu.vector_load %arg9[%swap3A, %swap3A_615] {strides = array<i32>} : memref<80x128xf32, #tpu.memory_space<vmem>>, vector<16xf32>,
      tpu.vector_store %arg9[%swap3A, %swap3A_615], %broadcast_in_dim3A_1 {strides = array<i32>} : memref<80x128xf32, #tpu.memory_space<vmem>>, vector<16xf32>,
      %swap3A_617 = arith.index_cast %scan3A_613 : i32 to index
      %swap3A_618 = arith.constant 16 : index
      %swap3A_619 = tpu.vector_load %arg9[%swap3A_617, %swap3A_618] {strides = array<i32>} : memref<80x128xf32, #tpu.memory_space<vmem>>, vector<16xf32>,
      tpu.vector_store %arg9[%swap3A_617, %swap3A_618], %broadcast_in_dim3A_1 {strides = array<i32>} : memref<80x128xf32, #tpu.memory_space<vmem>>, vector<16xf32>,
      %swap3A_620 = arith.index_cast %scan3A_613 : i32 to index
      %swap3A_621 = arith.constant 32 : index
      %swap3A_622 = tpu.vector_load %arg9[%swap3A_620, %swap3A_621] {strides = array<i32>} : memref<80x128xf32, #tpu.memory_space<vmem>>, vector<16xf32>,
      tpu.vector_store %arg9[%swap3A_620, %swap3A_621], %broadcast_in_dim3A_1 {strides = array<i32>} : memref<80x128xf32, #tpu.memory_space<vmem>>, vector<16xf32>,
      %swap3A_623 = arith.index_cast %scan3A_613 : i32 to index
      %swap3A_624 = arith.constant 48 : index
      %swap3A_625 = tpu.vector_load %arg9[%swap3A_623, %swap3A_624] {strides = array<i32>} : memref<80x128xf32, #tpu.memory_space<vmem>>, vector<16xf32>,
      tpu.vector_store %arg9[%swap3A_623, %swap3A_624], %broadcast_in_dim3A_1 {strides = array<i32>} : memref<80x128xf32, #tpu.memory_space<vmem>>, vector<16xf32>,
      %swap3A_626 = arith.index_cast %scan3A_613 : i32 to index
      %swap3A_627 = arith.constant 64 : index
      %swap3A_628 = tpu.vector_load %arg9[%swap3A_626, %swap3A_627] {strides = array<i32>} : memref<80x128xf32, #tpu.memory_space<vmem>>, vector<16xf32>,
      tpu.vector_store %arg9[%swap3A_626, %swap3A_627], %broadcast_in_dim3A_1 {strides = array<i32>} : memref<80x128xf32, #tpu.memory_space<vmem>>, vector<16xf32>,
      %swap3A_629 = arith.index_cast %scan3A_613 : i32 to index
      %swap3A_630 = arith.constant 80 : index
      %swap3A_631 = tpu.vector_load %arg9[%swap3A_629, %swap3A_630] {strides = array<i32>} : memref<80x128xf32, #tpu.memory_space<vmem>>, vector<16xf32>,
      tpu.vector_store %arg9[%swap3A_629, %swap3A_630], %broadcast_in_dim3A_1 {strides = array<i32>} : memref<80x128xf32, #tpu.memory_space<vmem>>, vector<16xf32>,
      %swap3A_632 = arith.index_cast %scan3A_613 : i32 to index
      %swap3A_633 = arith.constant 96 : index
      %swap3A_634 = tpu.vector_load %arg9[%swap3A_632, %swap3A_633] {strides = array<i32>} : memref<80x128xf32, #tpu.memory_space<vmem>>, vector<16xf32>,
      tpu.vector_store %arg9[%swap3A_632, %swap3A_633], %broadcast_in_dim3A_1 {strides = array<i32>} : memref<80x128xf32, #tpu.memory_space<vmem>>, vector<16xf32>,
      %swap3A_635 = arith.index_cast %scan3A_613 : i32 to index
      %swap3A_636 = arith.constant 112 : index
      %swap3A_637 = tpu.vector_load %arg9[%swap3A_635, %swap3A_636] {strides = array<i32>} : memref<80x128xf32, #tpu.memory_space<vmem>>, vector<16xf32>,
      tpu.vector_store %arg9[%swap3A_635, %swap3A_636], %broadcast_in_dim3A_1 {strides = array<i32>} : memref<80x128xf32, #tpu.memory_space<vmem>>, vector<16xf32>,
      %scan3A_638 = arith.constant 0 : i32
      scf.yield %scan3A_638 : i32
    }
    %scan3A_14 = arith.constant 80 : i32
    %mul3A_15 = arith.constant 632 : i32
    %mul3A_16 = arith.muli %arg1, %mul3A_15 : i32
    %add3A_17 = arith.constant 0 : i32
    %add3A_18 = arith.addi %mul3A_16, %add3A_17 : i32
    %dma_start3A = arith.constant 0 : i32
    %dma_start3A_19 = arith.constant 0 : i32
    %dma_start3A_20 = arith.constant 0 : i32
    %dma_start3A_21 = tpu.memref_slice %arg10[%dma_start3A, %dma_start3A_19, %dma_start3A_20] : memref<8x32x128xf32, #tpu.memory_space<vmem>> -> memref<1x32x128xf32, #tpu.memory_space<vmem>>
    %dma_start3A_22 = tpu.memref_squeeze %dma_start3A_21 : memref<1x32x128xf32, #tpu.memory_space<vmem>> -> memref<32x128xf32, #tpu.memory_space<vmem>>
    %dma_start3A_23 = arith.constant 0 : i32
    %dma_start3A_24 = tpu.memref_slice %arg6[%add3A_18, %dma_start3A_23] : memref<10112x128xf32, #tpu.memory_space<vmem_shared>> -> memref<32x128xf32, #tpu.memory_space<vmem_shared>>
    %dma_start3A_25 = arith.constant 0 : i32
    %dma_start3A_26 = tpu.memref_slice %arg6[%add3A_18, %dma_start3A_25] : memref<10112x128xf32, #tpu.memory_space<vmem_shared>> -> memref<32x128xf32, #tpu.memory_space<vmem_shared>>
    %dma_start3A_27 = arith.constant 0 : i32
    %dma_start3A_28 = arith.constant 0 : i32
    %dma_start3A_29 = tpu.memref_slice %arg10[%dma_start3A, %dma_start3A_27, %dma_start3A_28] : memref<8x32x128xf32, #tpu.memory_space<vmem>> -> memref<1x32x128xf32, #tpu.memory_space<vmem>>
    %dma_start3A_30 = tpu.memref_squeeze %dma_start3A_29 : memref<1x32x128xf32, #tpu.memory_space<vmem>> -> memref<32x128xf32, #tpu.memory_space<vmem>>
    tpu.enqueue_dma source(%dma_start3A_30 : memref<32x128xf32, #tpu.memory_space<vmem>>) target(%dma_start3A_26 : memref<32x128xf32, #tpu.memory_space<vmem_shared>>) target_semaphore(%arg11 : memref<!tpu.dma_semaphore, #tpu.memory_space<semaphore_mem>>)
    %add3A_31 = arith.constant 32 : i32
    %add3A_32 = arith.addi %mul3A_16, %add3A_31 : i32
    %dma_start3A_33 = arith.constant 0 : i32
    %dma_start3A_34 = arith.constant 0 : i32
    %dma_start3A_35 = arith.constant 0 : i32
    %dma_start3A_36 = tpu.memref_slice %arg10[%dma_start3A_33, %dma_start3A_34, %dma_start3A_35] : memref<8x32x128xf32, #tpu.memory_space<vmem>> -> memref<1x32x128xf32, #tpu.memory_space<vmem>>
    %dma_start3A_37 = tpu.memref_squeeze %dma_start3A_36 : memref<1x32x128xf32, #tpu.memory_space<vmem>> -> memref<32x128xf32, #tpu.memory_space<vmem>>
    %dma_start3A_38 = arith.constant 0 : i32
    %dma_start3A_39 = tpu.memref_slice %arg6[%add3A_32, %dma_start3A_38] : memref<10112x128xf32, #tpu.memory_space<vmem_shared>> -> memref<32x128xf32, #tpu.memory_space<vmem_shared>>
    %dma_start3A_40 = arith.constant 0 : i32
    %dma_start3A_41 = tpu.memref_slice %arg6[%add3A_32, %dma_start3A_40] : memref<10112x128xf32, #tpu.memory_space<vmem_shared>> -> memref<32x128xf32, #tpu.memory_space<vmem_shared>>
    %dma_start3A_42 = arith.constant 0 : i32
    %dma_start3A_43 = arith.constant 0 : i32
    %dma_start3A_44 = tpu.memref_slice %arg10[%dma_start3A_33, %dma_start3A_42, %dma_start3A_43] : memref<8x32x128xf32, #tpu.memory_space<vmem>> -> memref<1x32x128xf32, #tpu.memory_space<vmem>>
    %dma_start3A_45 = tpu.memref_squeeze %dma_start3A_44 : memref<1x32x128xf32, #tpu.memory_space<vmem>> -> memref<32x128xf32, #tpu.memory_space<vmem>>
    tpu.enqueue_dma source(%dma_start3A_45 : memref<32x128xf32, #tpu.memory_space<vmem>>) target(%dma_start3A_41 : memref<32x128xf32, #tpu.memory_space<vmem_shared>>) target_semaphore(%arg11 : memref<!tpu.dma_semaphore, #tpu.memory_space<semaphore_mem>>)
    %add3A_46 = arith.constant 64 : i32
    %add3A_47 = arith.addi %mul3A_16, %add3A_46 : i32
    %dma_start3A_48 = arith.constant 0 : i32
    %dma_start3A_49 = arith.constant 0 : i32
    %dma_start3A_50 = arith.constant 0 : i32
    %dma_start3A_51 = tpu.memref_slice %arg10[%dma_start3A_48, %dma_start3A_49, %dma_start3A_50] : memref<8x32x128xf32, #tpu.memory_space<vmem>> -> memref<1x32x128xf32, #tpu.memory_space<vmem>>
    %dma_start3A_52 = tpu.memref_squeeze %dma_start3A_51 : memref<1x32x128xf32, #tpu.memory_space<vmem>> -> memref<32x128xf32, #tpu.memory_space<vmem>>
    %dma_start3A_53 = arith.constant 0 : i32
    %dma_start3A_54 = tpu.memref_slice %arg6[%add3A_47, %dma_start3A_53] : memref<10112x128xf32, #tpu.memory_space<vmem_shared>> -> memref<32x128xf32, #tpu.memory_space<vmem_shared>>
    %dma_start3A_55 = arith.constant 0 : i32
    %dma_start3A_56 = tpu.memref_slice %arg6[%add3A_47, %dma_start3A_55] : memref<10112x128xf32, #tpu.memory_space<vmem_shared>> -> memref<32x128xf32, #tpu.memory_space<vmem_shared>>
    %dma_start3A_57 = arith.constant 0 : i32
    %dma_start3A_58 = arith.constant 0 : i32
    %dma_start3A_59 = tpu.memref_slice %arg10[%dma_start3A_48, %dma_start3A_57, %dma_start3A_58] : memref<8x32x128xf32, #tpu.memory_space<vmem>> -> memref<1x32x128xf32, #tpu.memory_space<vmem>>
    %dma_start3A_60 = tpu.memref_squeeze %dma_start3A_59 : memref<1x32x128xf32, #tpu.memory_space<vmem>> -> memref<32x128xf32, #tpu.memory_space<vmem>>
    tpu.enqueue_dma source(%dma_start3A_60 : memref<32x128xf32, #tpu.memory_space<vmem>>) target(%dma_start3A_56 : memref<32x128xf32, #tpu.memory_space<vmem_shared>>) target_semaphore(%arg11 : memref<!tpu.dma_semaphore, #tpu.memory_space<semaphore_mem>>)
    %add3A_61 = arith.constant 96 : i32
    %add3A_62 = arith.addi %mul3A_16, %add3A_61 : i32
    %dma_start3A_63 = arith.constant 0 : i32
    %dma_start3A_64 = arith.constant 0 : i32
    %dma_start3A_65 = arith.constant 0 : i32
    %dma_start3A_66 = tpu.memref_slice %arg10[%dma_start3A_63, %dma_start3A_64, %dma_start3A_65] : memref<8x32x128xf32, #tpu.memory_space<vmem>> -> memref<1x32x128xf32, #tpu.memory_space<vmem>>
    %dma_start3A_67 = tpu.memref_squeeze %dma_start3A_66 : memref<1x32x128xf32, #tpu.memory_space<vmem>> -> memref<32x128xf32, #tpu.memory_space<vmem>>
    %dma_start3A_68 = arith.constant 0 : i32
    %dma_start3A_69 = tpu.memref_slice %arg6[%add3A_62, %dma_start3A_68] : memref<10112x128xf32, #tpu.memory_space<vmem_shared>> -> memref<32x128xf32, #tpu.memory_space<vmem_shared>>
    %dma_start3A_70 = arith.constant 0 : i32
    %dma_start3A_71 = tpu.memref_slice %arg6[%add3A_62, %dma_start3A_70] : memref<10112x128xf32, #tpu.memory_space<vmem_shared>> -> memref<32x128xf32, #tpu.memory_space<vmem_shared>>
    %dma_start3A_72 = arith.constant 0 : i32
    %dma_start3A_73 = arith.constant 0 : i32
    %dma_start3A_74 = tpu.memref_slice %arg10[%dma_start3A_63, %dma_start3A_72, %dma_start3A_73] : memref<8x32x128xf32, #tpu.memory_space<vmem>> -> memref<1x32x128xf32, #tpu.memory_space<vmem>>
    %dma_start3A_75 = tpu.memref_squeeze %dma_start3A_74 : memref<1x32x128xf32, #tpu.memory_space<vmem>> -> memref<32x128xf32, #tpu.memory_space<vmem>>
    tpu.enqueue_dma source(%dma_start3A_75 : memref<32x128xf32, #tpu.memory_space<vmem>>) target(%dma_start3A_71 : memref<32x128xf32, #tpu.memory_space<vmem_shared>>) target_semaphore(%arg11 : memref<!tpu.dma_semaphore, #tpu.memory_space<semaphore_mem>>)
    %add3A_76 = arith.constant 128 : i32
    %add3A_77 = arith.addi %mul3A_16, %add3A_76 : i32
    %dma_start3A_78 = arith.constant 0 : i32
    %dma_start3A_79 = arith.constant 0 : i32
    %dma_start3A_80 = arith.constant 0 : i32
    %dma_start3A_81 = tpu.memref_slice %arg10[%dma_start3A_78, %dma_start3A_79, %dma_start3A_80] : memref<8x32x128xf32, #tpu.memory_space<vmem>> -> memref<1x32x128xf32, #tpu.memory_space<vmem>>
    %dma_start3A_82 = tpu.memref_squeeze %dma_start3A_81 : memref<1x32x128xf32, #tpu.memory_space<vmem>> -> memref<32x128xf32, #tpu.memory_space<vmem>>
    %dma_start3A_83 = arith.constant 0 : i32
    %dma_start3A_84 = tpu.memref_slice %arg6[%add3A_77, %dma_start3A_83] : memref<10112x128xf32, #tpu.memory_space<vmem_shared>> -> memref<32x128xf32, #tpu.memory_space<vmem_shared>>
    %dma_start3A_85 = arith.constant 0 : i32
    %dma_start3A_86 = tpu.memref_slice %arg6[%add3A_77, %dma_start3A_85] : memref<10112x128xf32, #tpu.memory_space<vmem_shared>> -> memref<32x128xf32, #tpu.memory_space<vmem_shared>>
    %dma_start3A_87 = arith.constant 0 : i32
    %dma_start3A_88 = arith.constant 0 : i32
    %dma_start3A_89 = tpu.memref_slice %arg10[%dma_start3A_78, %dma_start3A_87, %dma_start3A_88] : memref<8x32x128xf32, #tpu.memory_space<vmem>> -> memref<1x32x128xf32, #tpu.memory_space<vmem>>
    %dma_start3A_90 = tpu.memref_squeeze %dma_start3A_89 : memref<1x32x128xf32, #tpu.memory_space<vmem>> -> memref<32x128xf32, #tpu.memory_space<vmem>>
    tpu.enqueue_dma source(%dma_start3A_90 : memref<32x128xf32, #tpu.memory_space<vmem>>) target(%dma_start3A_86 : memref<32x128xf32, #tpu.memory_space<vmem_shared>>) target_semaphore(%arg11 : memref<!tpu.dma_semaphore, #tpu.memory_space<semaphore_mem>>)
    %add3A_91 = arith.constant 160 : i32
    %add3A_92 = arith.addi %mul3A_16, %add3A_91 : i32
    %dma_start3A_93 = arith.constant 0 : i32
    %dma_start3A_94 = arith.constant 0 : i32
    %dma_start3A_95 = arith.constant 0 : i32
    %dma_start3A_96 = tpu.memref_slice %arg10[%dma_start3A_93, %dma_start3A_94, %dma_start3A_95] : memref<8x32x128xf32, #tpu.memory_space<vmem>> -> memref<1x32x128xf32, #tpu.memory_space<vmem>>
    %dma_start3A_97 = tpu.memref_squeeze %dma_start3A_96 : memref<1x32x128xf32, #tpu.memory_space<vmem>> -> memref<32x128xf32, #tpu.memory_space<vmem>>
    %dma_start3A_98 = arith.constant 0 : i32
    %dma_start3A_99 = tpu.memref_slice %arg6[%add3A_92, %dma_start3A_98] : memref<10112x128xf32, #tpu.memory_space<vmem_shared>> -> memref<32x128xf32, #tpu.memory_space<vmem_shared>>
    %dma_start3A_100 = arith.constant 0 : i32
    %dma_start3A_101 = tpu.memref_slice %arg6[%add3A_92, %dma_start3A_100] : memref<10112x128xf32, #tpu.memory_space<vmem_shared>> -> memref<32x128xf32, #tpu.memory_space<vmem_shared>>
    %dma_start3A_102 = arith.constant 0 : i32
    %dma_start3A_103 = arith.constant 0 : i32
    %dma_start3A_104 = tpu.memref_slice %arg10[%dma_start3A_93, %dma_start3A_102, %dma_start3A_103] : memref<8x32x128xf32, #tpu.memory_space<vmem>> -> memref<1x32x128xf32, #tpu.memory_space<vmem>>
    %dma_start3A_105 = tpu.memref_squeeze %dma_start3A_104 : memref<1x32x128xf32, #tpu.memory_space<vmem>> -> memref<32x128xf32, #tpu.memory_space<vmem>>
    tpu.enqueue_dma source(%dma_start3A_105 : memref<32x128xf32, #tpu.memory_space<vmem>>) target(%dma_start3A_101 : memref<32x128xf32, #tpu.memory_space<vmem_shared>>) target_semaphore(%arg11 : memref<!tpu.dma_semaphore, #tpu.memory_space<semaphore_mem>>)
    %add3A_106 = arith.constant 192 : i32
    %add3A_107 = arith.addi %mul3A_16, %add3A_106 : i32
    %dma_start3A_108 = arith.constant 0 : i32
    %dma_start3A_109 = arith.constant 0 : i32
    %dma_start3A_110 = arith.constant 0 : i32
    %dma_start3A_111 = tpu.memref_slice %arg10[%dma_start3A_108, %dma_start3A_109, %dma_start3A_110] : memref<8x32x128xf32, #tpu.memory_space<vmem>> -> memref<1x32x128xf32, #tpu.memory_space<vmem>>
    %dma_start3A_112 = tpu.memref_squeeze %dma_start3A_111 : memref<1x32x128xf32, #tpu.memory_space<vmem>> -> memref<32x128xf32, #tpu.memory_space<vmem>>
    %dma_start3A_113 = arith.constant 0 : i32
    %dma_start3A_114 = tpu.memref_slice %arg6[%add3A_107, %dma_start3A_113] : memref<10112x128xf32, #tpu.memory_space<vmem_shared>> -> memref<32x128xf32, #tpu.memory_space<vmem_shared>>
    %dma_start3A_115 = arith.constant 0 : i32
    %dma_start3A_116 = tpu.memref_slice %arg6[%add3A_107, %dma_start3A_115] : memref<10112x128xf32, #tpu.memory_space<vmem_shared>> -> memref<32x128xf32, #tpu.memory_space<vmem_shared>>
    %dma_start3A_117 = arith.constant 0 : i32
    %dma_start3A_118 = arith.constant 0 : i32
    %dma_start3A_119 = tpu.memref_slice %arg10[%dma_start3A_108, %dma_start3A_117, %dma_start3A_118] : memref<8x32x128xf32, #tpu.memory_space<vmem>> -> memref<1x32x128xf32, #tpu.memory_space<vmem>>
    %dma_start3A_120 = tpu.memref_squeeze %dma_start3A_119 : memref<1x32x128xf32, #tpu.memory_space<vmem>> -> memref<32x128xf32, #tpu.memory_space<vmem>>
    tpu.enqueue_dma source(%dma_start3A_120 : memref<32x128xf32, #tpu.memory_space<vmem>>) target(%dma_start3A_116 : memref<32x128xf32, #tpu.memory_space<vmem_shared>>) target_semaphore(%arg11 : memref<!tpu.dma_semaphore, #tpu.memory_space<semaphore_mem>>)
    %add3A_121 = arith.constant 224 : i32
    %add3A_122 = arith.addi %mul3A_16, %add3A_121 : i32
    %dma_start3A_123 = arith.constant 0 : i32
    %dma_start3A_124 = arith.constant 0 : i32
    %dma_start3A_125 = arith.constant 0 : i32
    %dma_start3A_126 = tpu.memref_slice %arg10[%dma_start3A_123, %dma_start3A_124, %dma_start3A_125] : memref<8x32x128xf32, #tpu.memory_space<vmem>> -> memref<1x32x128xf32, #tpu.memory_space<vmem>>
    %dma_start3A_127 = tpu.memref_squeeze %dma_start3A_126 : memref<1x32x128xf32, #tpu.memory_space<vmem>> -> memref<32x128xf32, #tpu.memory_space<vmem>>
    %dma_start3A_128 = arith.constant 0 : i32
    %dma_start3A_129 = tpu.memref_slice %arg6[%add3A_122, %dma_start3A_128] : memref<10112x128xf32, #tpu.memory_space<vmem_shared>> -> memref<32x128xf32, #tpu.memory_space<vmem_shared>>
    %dma_start3A_130 = arith.constant 0 : i32
    %dma_start3A_131 = tpu.memref_slice %arg6[%add3A_122, %dma_start3A_130] : memref<10112x128xf32, #tpu.memory_space<vmem_shared>> -> memref<32x128xf32, #tpu.memory_space<vmem_shared>>
    %dma_start3A_132 = arith.constant 0 : i32
    %dma_start3A_133 = arith.constant 0 : i32
    %dma_start3A_134 = tpu.memref_slice %arg10[%dma_start3A_123, %dma_start3A_132, %dma_start3A_133] : memref<8x32x128xf32, #tpu.memory_space<vmem>> -> memref<1x32x128xf32, #tpu.memory_space<vmem>>
    %dma_start3A_135 = tpu.memref_squeeze %dma_start3A_134 : memref<1x32x128xf32, #tpu.memory_space<vmem>> -> memref<32x128xf32, #tpu.memory_space<vmem>>
    tpu.enqueue_dma source(%dma_start3A_135 : memref<32x128xf32, #tpu.memory_space<vmem>>) target(%dma_start3A_131 : memref<32x128xf32, #tpu.memory_space<vmem_shared>>) target_semaphore(%arg11 : memref<!tpu.dma_semaphore, #tpu.memory_space<semaphore_mem>>)
    %add3A_136 = arith.constant 256 : i32
    %add3A_137 = arith.addi %mul3A_16, %add3A_136 : i32
    %dma_start3A_138 = arith.constant 0 : i32
    %dma_start3A_139 = arith.constant 0 : i32
    %dma_start3A_140 = arith.constant 0 : i32
    %dma_start3A_141 = tpu.memref_slice %arg10[%dma_start3A_138, %dma_start3A_139, %dma_start3A_140] : memref<8x32x128xf32, #tpu.memory_space<vmem>> -> memref<1x32x128xf32, #tpu.memory_space<vmem>>
    %dma_start3A_142 = tpu.memref_squeeze %dma_start3A_141 : memref<1x32x128xf32, #tpu.memory_space<vmem>> -> memref<32x128xf32, #tpu.memory_space<vmem>>
    %dma_start3A_143 = arith.constant 0 : i32
    %dma_start3A_144 = tpu.memref_slice %arg6[%add3A_137, %dma_start3A_143] : memref<10112x128xf32, #tpu.memory_space<vmem_shared>> -> memref<32x128xf32, #tpu.memory_space<vmem_shared>>
    %dma_start3A_145 = arith.constant 0 : i32
    %dma_start3A_146 = tpu.memref_slice %arg6[%add3A_137, %dma_start3A_145] : memref<10112x128xf32, #tpu.memory_space<vmem_shared>> -> memref<32x128xf32, #tpu.memory_space<vmem_shared>>
    %dma_start3A_147 = arith.constant 0 : i32
    %dma_start3A_148 = arith.constant 0 : i32
    %dma_start3A_149 = tpu.memref_slice %arg10[%dma_start3A_138, %dma_start3A_147, %dma_start3A_148] : memref<8x32x128xf32, #tpu.memory_space<vmem>> -> memref<1x32x128xf32, #tpu.memory_space<vmem>>
    %dma_start3A_150 = tpu.memref_squeeze %dma_start3A_149 : memref<1x32x128xf32, #tpu.memory_space<vmem>> -> memref<32x128xf32, #tpu.memory_space<vmem>>
    tpu.enqueue_dma source(%dma_start3A_150 : memref<32x128xf32, #tpu.memory_space<vmem>>) target(%dma_start3A_146 : memref<32x128xf32, #tpu.memory_space<vmem_shared>>) target_semaphore(%arg11 : memref<!tpu.dma_semaphore, #tpu.memory_space<semaphore_mem>>)
    %add3A_151 = arith.constant 288 : i32
    %add3A_152 = arith.addi %mul3A_16, %add3A_151 : i32
    %dma_start3A_153 = arith.constant 0 : i32
    %dma_start3A_154 = arith.constant 0 : i32
    %dma_start3A_155 = arith.constant 0 : i32
    %dma_start3A_156 = tpu.memref_slice %arg10[%dma_start3A_153, %dma_start3A_154, %dma_start3A_155] : memref<8x32x128xf32, #tpu.memory_space<vmem>> -> memref<1x32x128xf32, #tpu.memory_space<vmem>>
    %dma_start3A_157 = tpu.memref_squeeze %dma_start3A_156 : memref<1x32x128xf32, #tpu.memory_space<vmem>> -> memref<32x128xf32, #tpu.memory_space<vmem>>
    %dma_start3A_158 = arith.constant 0 : i32
    %dma_start3A_159 = tpu.memref_slice %arg6[%add3A_152, %dma_start3A_158] : memref<10112x128xf32, #tpu.memory_space<vmem_shared>> -> memref<32x128xf32, #tpu.memory_space<vmem_shared>>
    %dma_start3A_160 = arith.constant 0 : i32
    %dma_start3A_161 = tpu.memref_slice %arg6[%add3A_152, %dma_start3A_160] : memref<10112x128xf32, #tpu.memory_space<vmem_shared>> -> memref<32x128xf32, #tpu.memory_space<vmem_shared>>
    %dma_start3A_162 = arith.constant 0 : i32
    %dma_start3A_163 = arith.constant 0 : i32
    %dma_start3A_164 = tpu.memref_slice %arg10[%dma_start3A_153, %dma_start3A_162, %dma_start3A_163] : memref<8x32x128xf32, #tpu.memory_space<vmem>> -> memref<1x32x128xf32, #tpu.memory_space<vmem>>
    %dma_start3A_165 = tpu.memref_squeeze %dma_start3A_164 : memref<1x32x128xf32, #tpu.memory_space<vmem>> -> memref<32x128xf32, #tpu.memory_space<vmem>>
    tpu.enqueue_dma source(%dma_start3A_165 : memref<32x128xf32, #tpu.memory_space<vmem>>) target(%dma_start3A_161 : memref<32x128xf32, #tpu.memory_space<vmem_shared>>) target_semaphore(%arg11 : memref<!tpu.dma_semaphore, #tpu.memory_space<semaphore_mem>>)
    %add3A_166 = arith.constant 320 : i32
    %add3A_167 = arith.addi %mul3A_16, %add3A_166 : i32
    %dma_start3A_168 = arith.constant 0 : i32
    %dma_start3A_169 = arith.constant 0 : i32
    %dma_start3A_170 = arith.constant 0 : i32
    %dma_start3A_171 = tpu.memref_slice %arg10[%dma_start3A_168, %dma_start3A_169, %dma_start3A_170] : memref<8x32x128xf32, #tpu.memory_space<vmem>> -> memref<1x32x128xf32, #tpu.memory_space<vmem>>
    %dma_start3A_172 = tpu.memref_squeeze %dma_start3A_171 : memref<1x32x128xf32, #tpu.memory_space<vmem>> -> memref<32x128xf32, #tpu.memory_space<vmem>>
    %dma_start3A_173 = arith.constant 0 : i32
    %dma_start3A_174 = tpu.memref_slice %arg6[%add3A_167, %dma_start3A_173] : memref<10112x128xf32, #tpu.memory_space<vmem_shared>> -> memref<32x128xf32, #tpu.memory_space<vmem_shared>>
    %dma_start3A_175 = arith.constant 0 : i32
    %dma_start3A_176 = tpu.memref_slice %arg6[%add3A_167, %dma_start3A_175] : memref<10112x128xf32, #tpu.memory_space<vmem_shared>> -> memref<32x128xf32, #tpu.memory_space<vmem_shared>>
    %dma_start3A_177 = arith.constant 0 : i32
    %dma_start3A_178 = arith.constant 0 : i32
    %dma_start3A_179 = tpu.memref_slice %arg10[%dma_start3A_168, %dma_start3A_177, %dma_start3A_178] : memref<8x32x128xf32, #tpu.memory_space<vmem>> -> memref<1x32x128xf32, #tpu.memory_space<vmem>>
    %dma_start3A_180 = tpu.memref_squeeze %dma_start3A_179 : memref<1x32x128xf32, #tpu.memory_space<vmem>> -> memref<32x128xf32, #tpu.memory_space<vmem>>
    tpu.enqueue_dma source(%dma_start3A_180 : memref<32x128xf32, #tpu.memory_space<vmem>>) target(%dma_start3A_176 : memref<32x128xf32, #tpu.memory_space<vmem_shared>>) target_semaphore(%arg11 : memref<!tpu.dma_semaphore, #tpu.memory_space<semaphore_mem>>)
    %add3A_181 = arith.constant 352 : i32
    %add3A_182 = arith.addi %mul3A_16, %add3A_181 : i32
    %dma_start3A_183 = arith.constant 0 : i32
    %dma_start3A_184 = arith.constant 0 : i32
    %dma_start3A_185 = arith.constant 0 : i32
    %dma_start3A_186 = tpu.memref_slice %arg10[%dma_start3A_183, %dma_start3A_184, %dma_start3A_185] : memref<8x32x128xf32, #tpu.memory_space<vmem>> -> memref<1x32x128xf32, #tpu.memory_space<vmem>>
    %dma_start3A_187 = tpu.memref_squeeze %dma_start3A_186 : memref<1x32x128xf32, #tpu.memory_space<vmem>> -> memref<32x128xf32, #tpu.memory_space<vmem>>
    %dma_start3A_188 = arith.constant 0 : i32
    %dma_start3A_189 = tpu.memref_slice %arg6[%add3A_182, %dma_start3A_188] : memref<10112x128xf32, #tpu.memory_space<vmem_shared>> -> memref<32x128xf32, #tpu.memory_space<vmem_shared>>
    %dma_start3A_190 = arith.constant 0 : i32
    %dma_start3A_191 = tpu.memref_slice %arg6[%add3A_182, %dma_start3A_190] : memref<10112x128xf32, #tpu.memory_space<vmem_shared>> -> memref<32x128xf32, #tpu.memory_space<vmem_shared>>
    %dma_start3A_192 = arith.constant 0 : i32
    %dma_start3A_193 = arith.constant 0 : i32
    %dma_start3A_194 = tpu.memref_slice %arg10[%dma_start3A_183, %dma_start3A_192, %dma_start3A_193] : memref<8x32x128xf32, #tpu.memory_space<vmem>> -> memref<1x32x128xf32, #tpu.memory_space<vmem>>
    %dma_start3A_195 = tpu.memref_squeeze %dma_start3A_194 : memref<1x32x128xf32, #tpu.memory_space<vmem>> -> memref<32x128xf32, #tpu.memory_space<vmem>>
    tpu.enqueue_dma source(%dma_start3A_195 : memref<32x128xf32, #tpu.memory_space<vmem>>) target(%dma_start3A_191 : memref<32x128xf32, #tpu.memory_space<vmem_shared>>) target_semaphore(%arg11 : memref<!tpu.dma_semaphore, #tpu.memory_space<semaphore_mem>>)
    %add3A_196 = arith.constant 384 : i32
    %add3A_197 = arith.addi %mul3A_16, %add3A_196 : i32
    %dma_start3A_198 = arith.constant 0 : i32
    %dma_start3A_199 = arith.constant 0 : i32
    %dma_start3A_200 = arith.constant 0 : i32
    %dma_start3A_201 = tpu.memref_slice %arg10[%dma_start3A_198, %dma_start3A_199, %dma_start3A_200] : memref<8x32x128xf32, #tpu.memory_space<vmem>> -> memref<1x32x128xf32, #tpu.memory_space<vmem>>
    %dma_start3A_202 = tpu.memref_squeeze %dma_start3A_201 : memref<1x32x128xf32, #tpu.memory_space<vmem>> -> memref<32x128xf32, #tpu.memory_space<vmem>>
    %dma_start3A_203 = arith.constant 0 : i32
    %dma_start3A_204 = tpu.memref_slice %arg6[%add3A_197, %dma_start3A_203] : memref<10112x128xf32, #tpu.memory_space<vmem_shared>> -> memref<32x128xf32, #tpu.memory_space<vmem_shared>>
    %dma_start3A_205 = arith.constant 0 : i32
    %dma_start3A_206 = tpu.memref_slice %arg6[%add3A_197, %dma_start3A_205] : memref<10112x128xf32, #tpu.memory_space<vmem_shared>> -> memref<32x128xf32, #tpu.memory_space<vmem_shared>>
    %dma_start3A_207 = arith.constant 0 : i32
    %dma_start3A_208 = arith.constant 0 : i32
    %dma_start3A_209 = tpu.memref_slice %arg10[%dma_start3A_198, %dma_start3A_207, %dma_start3A_208] : memref<8x32x128xf32, #tpu.memory_space<vmem>> -> memref<1x32x128xf32, #tpu.memory_space<vmem>>
    %dma_start3A_210 = tpu.memref_squeeze %dma_start3A_209 : memref<1x32x128xf32, #tpu.memory_space<vmem>> -> memref<32x128xf32, #tpu.memory_space<vmem>>
    tpu.enqueue_dma source(%dma_start3A_210 : memref<32x128xf32, #tpu.memory_space<vmem>>) target(%dma_start3A_206 : memref<32x128xf32, #tpu.memory_space<vmem_shared>>) target_semaphore(%arg11 : memref<!tpu.dma_semaphore, #tpu.memory_space<semaphore_mem>>)
    %add3A_211 = arith.constant 416 : i32
    %add3A_212 = arith.addi %mul3A_16, %add3A_211 : i32
    %dma_start3A_213 = arith.constant 0 : i32
    %dma_start3A_214 = arith.constant 0 : i32
    %dma_start3A_215 = arith.constant 0 : i32
    %dma_start3A_216 = tpu.memref_slice %arg10[%dma_start3A_213, %dma_start3A_214, %dma_start3A_215] : memref<8x32x128xf32, #tpu.memory_space<vmem>> -> memref<1x32x128xf32, #tpu.memory_space<vmem>>
    %dma_start3A_217 = tpu.memref_squeeze %dma_start3A_216 : memref<1x32x128xf32, #tpu.memory_space<vmem>> -> memref<32x128xf32, #tpu.memory_space<vmem>>
    %dma_start3A_218 = arith.constant 0 : i32
    %dma_start3A_219 = tpu.memref_slice %arg6[%add3A_212, %dma_start3A_218] : memref<10112x128xf32, #tpu.memory_space<vmem_shared>> -> memref<32x128xf32, #tpu.memory_space<vmem_shared>>
    %dma_start3A_220 = arith.constant 0 : i32
    %dma_start3A_221 = tpu.memref_slice %arg6[%add3A_212, %dma_start3A_220] : memref<10112x128xf32, #tpu.memory_space<vmem_shared>> -> memref<32x128xf32, #tpu.memory_space<vmem_shared>>
    %dma_start3A_222 = arith.constant 0 : i32
    %dma_start3A_223 = arith.constant 0 : i32
    %dma_start3A_224 = tpu.memref_slice %arg10[%dma_start3A_213, %dma_start3A_222, %dma_start3A_223] : memref<8x32x128xf32, #tpu.memory_space<vmem>> -> memref<1x32x128xf32, #tpu.memory_space<vmem>>
    %dma_start3A_225 = tpu.memref_squeeze %dma_start3A_224 : memref<1x32x128xf32, #tpu.memory_space<vmem>> -> memref<32x128xf32, #tpu.memory_space<vmem>>
    tpu.enqueue_dma source(%dma_start3A_225 : memref<32x128xf32, #tpu.memory_space<vmem>>) target(%dma_start3A_221 : memref<32x128xf32, #tpu.memory_space<vmem_shared>>) target_semaphore(%arg11 : memref<!tpu.dma_semaphore, #tpu.memory_space<semaphore_mem>>)
    %add3A_226 = arith.constant 448 : i32
    %add3A_227 = arith.addi %mul3A_16, %add3A_226 : i32
    %dma_start3A_228 = arith.constant 0 : i32
    %dma_start3A_229 = arith.constant 0 : i32
    %dma_start3A_230 = arith.constant 0 : i32
    %dma_start3A_231 = tpu.memref_slice %arg10[%dma_start3A_228, %dma_start3A_229, %dma_start3A_230] : memref<8x32x128xf32, #tpu.memory_space<vmem>> -> memref<1x32x128xf32, #tpu.memory_space<vmem>>
    %dma_start3A_232 = tpu.memref_squeeze %dma_start3A_231 : memref<1x32x128xf32, #tpu.memory_space<vmem>> -> memref<32x128xf32, #tpu.memory_space<vmem>>
    %dma_start3A_233 = arith.constant 0 : i32
    %dma_start3A_234 = tpu.memref_slice %arg6[%add3A_227, %dma_start3A_233] : memref<10112x128xf32, #tpu.memory_space<vmem_shared>> -> memref<32x128xf32, #tpu.memory_space<vmem_shared>>
    %dma_start3A_235 = arith.constant 0 : i32
    %dma_start3A_236 = tpu.memref_slice %arg6[%add3A_227, %dma_start3A_235] : memref<10112x128xf32, #tpu.memory_space<vmem_shared>> -> memref<32x128xf32, #tpu.memory_space<vmem_shared>>
    %dma_start3A_237 = arith.constant 0 : i32
    %dma_start3A_238 = arith.constant 0 : i32
    %dma_start3A_239 = tpu.memref_slice %arg10[%dma_start3A_228, %dma_start3A_237, %dma_start3A_238] : memref<8x32x128xf32, #tpu.memory_space<vmem>> -> memref<1x32x128xf32, #tpu.memory_space<vmem>>
    %dma_start3A_240 = tpu.memref_squeeze %dma_start3A_239 : memref<1x32x128xf32, #tpu.memory_space<vmem>> -> memref<32x128xf32, #tpu.memory_space<vmem>>
    tpu.enqueue_dma source(%dma_start3A_240 : memref<32x128xf32, #tpu.memory_space<vmem>>) target(%dma_start3A_236 : memref<32x128xf32, #tpu.memory_space<vmem_shared>>) target_semaphore(%arg11 : memref<!tpu.dma_semaphore, #tpu.memory_space<semaphore_mem>>)
    %add3A_241 = arith.constant 480 : i32
    %add3A_242 = arith.addi %mul3A_16, %add3A_241 : i32
    %dma_start3A_243 = arith.constant 0 : i32
    %dma_start3A_244 = arith.constant 0 : i32
    %dma_start3A_245 = arith.constant 0 : i32
    %dma_start3A_246 = tpu.memref_slice %arg10[%dma_start3A_243, %dma_start3A_244, %dma_start3A_245] : memref<8x32x128xf32, #tpu.memory_space<vmem>> -> memref<1x32x128xf32, #tpu.memory_space<vmem>>
    %dma_start3A_247 = tpu.memref_squeeze %dma_start3A_246 : memref<1x32x128xf32, #tpu.memory_space<vmem>> -> memref<32x128xf32, #tpu.memory_space<vmem>>
    %dma_start3A_248 = arith.constant 0 : i32
    %dma_start3A_249 = tpu.memref_slice %arg6[%add3A_242, %dma_start3A_248] : memref<10112x128xf32, #tpu.memory_space<vmem_shared>> -> memref<32x128xf32, #tpu.memory_space<vmem_shared>>
    %dma_start3A_250 = arith.constant 0 : i32
    %dma_start3A_251 = tpu.memref_slice %arg6[%add3A_242, %dma_start3A_250] : memref<10112x128xf32, #tpu.memory_space<vmem_shared>> -> memref<32x128xf32, #tpu.memory_space<vmem_shared>>
    %dma_start3A_252 = arith.constant 0 : i32
    %dma_start3A_253 = arith.constant 0 : i32
    %dma_start3A_254 = tpu.memref_slice %arg10[%dma_start3A_243, %dma_start3A_252, %dma_start3A_253] : memref<8x32x128xf32, #tpu.memory_space<vmem>> -> memref<1x32x128xf32, #tpu.memory_space<vmem>>
    %dma_start3A_255 = tpu.memref_squeeze %dma_start3A_254 : memref<1x32x128xf32, #tpu.memory_space<vmem>> -> memref<32x128xf32, #tpu.memory_space<vmem>>
    tpu.enqueue_dma source(%dma_start3A_255 : memref<32x128xf32, #tpu.memory_space<vmem>>) target(%dma_start3A_251 : memref<32x128xf32, #tpu.memory_space<vmem_shared>>) target_semaphore(%arg11 : memref<!tpu.dma_semaphore, #tpu.memory_space<semaphore_mem>>)
    %add3A_256 = arith.constant 512 : i32
    %add3A_257 = arith.addi %mul3A_16, %add3A_256 : i32
    %dma_start3A_258 = arith.constant 0 : i32
    %dma_start3A_259 = arith.constant 0 : i32
    %dma_start3A_260 = arith.constant 0 : i32
    %dma_start3A_261 = tpu.memref_slice %arg10[%dma_start3A_258, %dma_start3A_259, %dma_start3A_260] : memref<8x32x128xf32, #tpu.memory_space<vmem>> -> memref<1x32x128xf32, #tpu.memory_space<vmem>>
    %dma_start3A_262 = tpu.memref_squeeze %dma_start3A_261 : memref<1x32x128xf32, #tpu.memory_space<vmem>> -> memref<32x128xf32, #tpu.memory_space<vmem>>
    %dma_start3A_263 = arith.constant 0 : i32
    %dma_start3A_264 = tpu.memref_slice %arg6[%add3A_257, %dma_start3A_263] : memref<10112x128xf32, #tpu.memory_space<vmem_shared>> -> memref<32x128xf32, #tpu.memory_space<vmem_shared>>
    %dma_start3A_265 = arith.constant 0 : i32
    %dma_start3A_266 = tpu.memref_slice %arg6[%add3A_257, %dma_start3A_265] : memref<10112x128xf32, #tpu.memory_space<vmem_shared>> -> memref<32x128xf32, #tpu.memory_space<vmem_shared>>
    %dma_start3A_267 = arith.constant 0 : i32
    %dma_start3A_268 = arith.constant 0 : i32
    %dma_start3A_269 = tpu.memref_slice %arg10[%dma_start3A_258, %dma_start3A_267, %dma_start3A_268] : memref<8x32x128xf32, #tpu.memory_space<vmem>> -> memref<1x32x128xf32, #tpu.memory_space<vmem>>
    %dma_start3A_270 = tpu.memref_squeeze %dma_start3A_269 : memref<1x32x128xf32, #tpu.memory_space<vmem>> -> memref<32x128xf32, #tpu.memory_space<vmem>>
    tpu.enqueue_dma source(%dma_start3A_270 : memref<32x128xf32, #tpu.memory_space<vmem>>) target(%dma_start3A_266 : memref<32x128xf32, #tpu.memory_space<vmem_shared>>) target_semaphore(%arg11 : memref<!tpu.dma_semaphore, #tpu.memory_space<semaphore_mem>>)
    %add3A_271 = arith.constant 544 : i32
    %add3A_272 = arith.addi %mul3A_16, %add3A_271 : i32
    %dma_start3A_273 = arith.constant 0 : i32
    %dma_start3A_274 = arith.constant 0 : i32
    %dma_start3A_275 = arith.constant 0 : i32
    %dma_start3A_276 = tpu.memref_slice %arg10[%dma_start3A_273, %dma_start3A_274, %dma_start3A_275] : memref<8x32x128xf32, #tpu.memory_space<vmem>> -> memref<1x32x128xf32, #tpu.memory_space<vmem>>
    %dma_start3A_277 = tpu.memref_squeeze %dma_start3A_276 : memref<1x32x128xf32, #tpu.memory_space<vmem>> -> memref<32x128xf32, #tpu.memory_space<vmem>>
    %dma_start3A_278 = arith.constant 0 : i32
    %dma_start3A_279 = tpu.memref_slice %arg6[%add3A_272, %dma_start3A_278] : memref<10112x128xf32, #tpu.memory_space<vmem_shared>> -> memref<32x128xf32, #tpu.memory_space<vmem_shared>>
    %dma_start3A_280 = arith.constant 0 : i32
    %dma_start3A_281 = tpu.memref_slice %arg6[%add3A_272, %dma_start3A_280] : memref<10112x128xf32, #tpu.memory_space<vmem_shared>> -> memref<32x128xf32, #tpu.memory_space<vmem_shared>>
    %dma_start3A_282 = arith.constant 0 : i32
    %dma_start3A_283 = arith.constant 0 : i32
    %dma_start3A_284 = tpu.memref_slice %arg10[%dma_start3A_273, %dma_start3A_282, %dma_start3A_283] : memref<8x32x128xf32, #tpu.memory_space<vmem>> -> memref<1x32x128xf32, #tpu.memory_space<vmem>>
    %dma_start3A_285 = tpu.memref_squeeze %dma_start3A_284 : memref<1x32x128xf32, #tpu.memory_space<vmem>> -> memref<32x128xf32, #tpu.memory_space<vmem>>
    tpu.enqueue_dma source(%dma_start3A_285 : memref<32x128xf32, #tpu.memory_space<vmem>>) target(%dma_start3A_281 : memref<32x128xf32, #tpu.memory_space<vmem_shared>>) target_semaphore(%arg11 : memref<!tpu.dma_semaphore, #tpu.memory_space<semaphore_mem>>)
    %add3A_286 = arith.constant 576 : i32
    %add3A_287 = arith.addi %mul3A_16, %add3A_286 : i32
    %dma_start3A_288 = arith.constant 0 : i32
    %dma_start3A_289 = arith.constant 0 : i32
    %dma_start3A_290 = arith.constant 0 : i32
    %dma_start3A_291 = tpu.memref_slice %arg10[%dma_start3A_288, %dma_start3A_289, %dma_start3A_290] : memref<8x32x128xf32, #tpu.memory_space<vmem>> -> memref<1x32x128xf32, #tpu.memory_space<vmem>>
    %dma_start3A_292 = tpu.memref_squeeze %dma_start3A_291 : memref<1x32x128xf32, #tpu.memory_space<vmem>> -> memref<32x128xf32, #tpu.memory_space<vmem>>
    %dma_start3A_293 = arith.constant 0 : i32
    %dma_start3A_294 = tpu.memref_slice %arg6[%add3A_287, %dma_start3A_293] : memref<10112x128xf32, #tpu.memory_space<vmem_shared>> -> memref<32x128xf32, #tpu.memory_space<vmem_shared>>
    %dma_start3A_295 = arith.constant 0 : i32
    %dma_start3A_296 = tpu.memref_slice %arg6[%add3A_287, %dma_start3A_295] : memref<10112x128xf32, #tpu.memory_space<vmem_shared>> -> memref<32x128xf32, #tpu.memory_space<vmem_shared>>
    %dma_start3A_297 = arith.constant 0 : i32
    %dma_start3A_298 = arith.constant 0 : i32
    %dma_start3A_299 = tpu.memref_slice %arg10[%dma_start3A_288, %dma_start3A_297, %dma_start3A_298] : memref<8x32x128xf32, #tpu.memory_space<vmem>> -> memref<1x32x128xf32, #tpu.memory_space<vmem>>
    %dma_start3A_300 = tpu.memref_squeeze %dma_start3A_299 : memref<1x32x128xf32, #tpu.memory_space<vmem>> -> memref<32x128xf32, #tpu.memory_space<vmem>>
    tpu.enqueue_dma source(%dma_start3A_300 : memref<32x128xf32, #tpu.memory_space<vmem>>) target(%dma_start3A_296 : memref<32x128xf32, #tpu.memory_space<vmem_shared>>) target_semaphore(%arg11 : memref<!tpu.dma_semaphore, #tpu.memory_space<semaphore_mem>>)
    %add3A_301 = arith.constant 632 : i32
    %add3A_302 = arith.addi %mul3A_16, %add3A_301 : i32
    %sub3A = arith.constant 24 : i32
    %sub3A_303 = arith.subi %add3A_302, %sub3A : i32
    %run_scoped3A = arith.constant 0 : i32
    "tpu.region"() ({
      %run_scoped3A_613 = tpu.sem_alloc : memref<!tpu.dma_semaphore, #tpu.memory_space<semaphore_mem>>
      %dma_start3A_614 = arith.constant 0 : i32
      %dma_start3A_615 = arith.constant 0 : i32
      %dma_start3A_616 = tpu.memref_slice %arg10[%run_scoped3A, %dma_start3A_614, %dma_start3A_615] : memref<8x32x128xf32, #tpu.memory_space<vmem>> -> memref<1x24x128xf32, #tpu.memory_space<vmem>>
      %dma_start3A_617 = tpu.memref_squeeze %dma_start3A_616 : memref<1x24x128xf32, #tpu.memory_space<vmem>> -> memref<24x128xf32, #tpu.memory_space<vmem>>
      %dma_start3A_618 = arith.constant 0 : i32
      %dma_start3A_619 = tpu.memref_slice %arg6[%sub3A_303, %dma_start3A_618] : memref<10112x128xf32, #tpu.memory_space<vmem_shared>> -> memref<24x128xf32, #tpu.memory_space<vmem_shared>>
      %dma_start3A_620 = arith.constant 0 : i32
      %dma_start3A_621 = tpu.memref_slice %arg6[%sub3A_303, %dma_start3A_620] : memref<10112x128xf32, #tpu.memory_space<vmem_shared>> -> memref<24x128xf32, #tpu.memory_space<vmem_shared>>
      %dma_start3A_622 = arith.constant 0 : i32
      %dma_start3A_623 = arith.constant 0 : i32
      %dma_start3A_624 = tpu.memref_slice %arg10[%run_scoped3A, %dma_start3A_622, %dma_start3A_623] : memref<8x32x128xf32, #tpu.memory_space<vmem>> -> memref<1x24x128xf32, #tpu.memory_space<vmem>>
      %dma_start3A_625 = tpu.memref_squeeze %dma_start3A_624 : memref<1x24x128xf32, #tpu.memory_space<vmem>> -> memref<24x128xf32, #tpu.memory_space<vmem>>
      tpu.enqueue_dma source(%dma_start3A_625 : memref<24x128xf32, #tpu.memory_space<vmem>>) target(%dma_start3A_621 : memref<24x128xf32, #tpu.memory_space<vmem_shared>>) target_semaphore(%run_scoped3A_613 : memref<!tpu.dma_semaphore, #tpu.memory_space<semaphore_mem>>)
      %dma_wait3A_626 = arith.constant 0 : i32
      %dma_wait3A_627 = arith.constant 0 : i32
      %dma_wait3A_628 = tpu.memref_slice %arg10[%run_scoped3A, %dma_wait3A_626, %dma_wait3A_627] : memref<8x32x128xf32, #tpu.memory_space<vmem>> -> memref<1x24x128xf32, #tpu.memory_space<vmem>>
      %dma_wait3A_629 = tpu.memref_squeeze %dma_wait3A_628 : memref<1x24x128xf32, #tpu.memory_space<vmem>> -> memref<24x128xf32, #tpu.memory_space<vmem>>
      %dma_wait3A_630 = arith.constant 0 : i32
      %dma_wait3A_631 = tpu.memref_slice %arg6[%sub3A_303, %dma_wait3A_630] : memref<10112x128xf32, #tpu.memory_space<vmem_shared>> -> memref<24x128xf32, #tpu.memory_space<vmem_shared>>
      %dma_wait3A_632 = arith.constant 0 : i32
      %dma_wait3A_633 = tpu.memref_slice %arg6[%sub3A_303, %dma_wait3A_632] : memref<10112x128xf32, #tpu.memory_space<vmem_shared>> -> memref<24x128xf32, #tpu.memory_space<vmem_shared>>
      %dma_wait3A_634 = arith.constant 0 : i32
      %dma_wait3A_635 = arith.constant 0 : i32
      %dma_wait3A_636 = tpu.memref_slice %arg10[%run_scoped3A, %dma_wait3A_634, %dma_wait3A_635] : memref<8x32x128xf32, #tpu.memory_space<vmem>> -> memref<1x24x128xf32, #tpu.memory_space<vmem>>
      %dma_wait3A_637 = tpu.memref_squeeze %dma_wait3A_636 : memref<1x24x128xf32, #tpu.memory_space<vmem>> -> memref<24x128xf32, #tpu.memory_space<vmem>>
      tpu.wait_dma2 semaphore(%run_scoped3A_613 : memref<!tpu.dma_semaphore, #tpu.memory_space<semaphore_mem>>) src(%dma_wait3A_637 : memref<24x128xf32, #tpu.memory_space<vmem>>) dst(%dma_wait3A_633 : memref<24x128xf32, #tpu.memory_space<vmem_shared>>)
      tpu.yield
    }) : () -> ()
    %add3A_304 = arith.constant 0 : i32
    %add3A_305 = arith.addi %mul3A_16, %add3A_304 : i32
    %dma_wait3A = arith.constant 0 : i32
    %dma_wait3A_306 = arith.constant 0 : i32
    %dma_wait3A_307 = arith.constant 0 : i32
    %dma_wait3A_308 = tpu.memref_slice %arg10[%dma_wait3A, %dma_wait3A_306, %dma_wait3A_307] : memref<8x32x128xf32, #tpu.memory_space<vmem>> -> memref<1x32x128xf32, #tpu.memory_space<vmem>>
    %dma_wait3A_309 = tpu.memref_squeeze %dma_wait3A_308 : memref<1x32x128xf32, #tpu.memory_space<vmem>> -> memref<32x128xf32, #tpu.memory_space<vmem>>
    %dma_wait3A_310 = arith.constant 0 : i32
    %dma_wait3A_311 = tpu.memref_slice %arg6[%add3A_305, %dma_wait3A_310] : memref<10112x128xf32, #tpu.memory_space<vmem_shared>> -> memref<32x128xf32, #tpu.memory_space<vmem_shared>>
    %dma_wait3A_312 = arith.constant 0 : i32
    %dma_wait3A_313 = tpu.memref_slice %arg6[%add3A_305, %dma_wait3A_312] : memref<10112x128xf32, #tpu.memory_space<vmem_shared>> -> memref<32x128xf32, #tpu.memory_space<vmem_shared>>
    %dma_wait3A_314 = arith.constant 0 : i32
    %dma_wait3A_315 = arith.constant 0 : i32
    %dma_wait3A_316 = tpu.memref_slice %arg10[%dma_wait3A, %dma_wait3A_314, %dma_wait3A_315] : memref<8x32x128xf32, #tpu.memory_space<vmem>> -> memref<1x32x128xf32, #tpu.memory_space<vmem>>
    %dma_wait3A_317 = tpu.memref_squeeze %dma_wait3A_316 : memref<1x32x128xf32, #tpu.memory_space<vmem>> -> memref<32x128xf32, #tpu.memory_space<vmem>>
    tpu.wait_dma2 semaphore(%arg11 : memref<!tpu.dma_semaphore, #tpu.memory_space<semaphore_mem>>) src(%dma_wait3A_317 : memref<32x128xf32, #tpu.memory_space<vmem>>) dst(%dma_wait3A_313 : memref<32x128xf32, #tpu.memory_space<vmem_shared>>)
    %add3A_318 = arith.constant 32 : i32
    %add3A_319 = arith.addi %mul3A_16, %add3A_318 : i32
    %dma_wait3A_320 = arith.constant 0 : i32
    %dma_wait3A_321 = arith.constant 0 : i32
    %dma_wait3A_322 = arith.constant 0 : i32
    %dma_wait3A_323 = tpu.memref_slice %arg10[%dma_wait3A_320, %dma_wait3A_321, %dma_wait3A_322] : memref<8x32x128xf32, #tpu.memory_space<vmem>> -> memref<1x32x128xf32, #tpu.memory_space<vmem>>
    %dma_wait3A_324 = tpu.memref_squeeze %dma_wait3A_323 : memref<1x32x128xf32, #tpu.memory_space<vmem>> -> memref<32x128xf32, #tpu.memory_space<vmem>>
    %dma_wait3A_325 = arith.constant 0 : i32
    %dma_wait3A_326 = tpu.memref_slice %arg6[%add3A_319, %dma_wait3A_325] : memref<10112x128xf32, #tpu.memory_space<vmem_shared>> -> memref<32x128xf32, #tpu.memory_space<vmem_shared>>
    %dma_wait3A_327 = arith.constant 0 : i32
    %dma_wait3A_328 = tpu.memref_slice %arg6[%add3A_319, %dma_wait3A_327] : memref<10112x128xf32, #tpu.memory_space<vmem_shared>> -> memref<32x128xf32, #tpu.memory_space<vmem_shared>>
    %dma_wait3A_329 = arith.constant 0 : i32
    %dma_wait3A_330 = arith.constant 0 : i32
    %dma_wait3A_331 = tpu.memref_slice %arg10[%dma_wait3A_320, %dma_wait3A_329, %dma_wait3A_330] : memref<8x32x128xf32, #tpu.memory_space<vmem>> -> memref<1x32x128xf32, #tpu.memory_space<vmem>>
    %dma_wait3A_332 = tpu.memref_squeeze %dma_wait3A_331 : memref<1x32x128xf32, #tpu.memory_space<vmem>> -> memref<32x128xf32, #tpu.memory_space<vmem>>
    tpu.wait_dma2 semaphore(%arg11 : memref<!tpu.dma_semaphore, #tpu.memory_space<semaphore_mem>>) src(%dma_wait3A_332 : memref<32x128xf32, #tpu.memory_space<vmem>>) dst(%dma_wait3A_328 : memref<32x128xf32, #tpu.memory_space<vmem_shared>>)
    %add3A_333 = arith.constant 64 : i32
    %add3A_334 = arith.addi %mul3A_16, %add3A_333 : i32
    %dma_wait3A_335 = arith.constant 0 : i32
    %dma_wait3A_336 = arith.constant 0 : i32
    %dma_wait3A_337 = arith.constant 0 : i32
    %dma_wait3A_338 = tpu.memref_slice %arg10[%dma_wait3A_335, %dma_wait3A_336, %dma_wait3A_337] : memref<8x32x128xf32, #tpu.memory_space<vmem>> -> memref<1x32x128xf32, #tpu.memory_space<vmem>>
    %dma_wait3A_339 = tpu.memref_squeeze %dma_wait3A_338 : memref<1x32x128xf32, #tpu.memory_space<vmem>> -> memref<32x128xf32, #tpu.memory_space<vmem>>
    %dma_wait3A_340 = arith.constant 0 : i32
    %dma_wait3A_341 = tpu.memref_slice %arg6[%add3A_334, %dma_wait3A_340] : memref<10112x128xf32, #tpu.memory_space<vmem_shared>> -> memref<32x128xf32, #tpu.memory_space<vmem_shared>>
    %dma_wait3A_342 = arith.constant 0 : i32
    %dma_wait3A_343 = tpu.memref_slice %arg6[%add3A_334, %dma_wait3A_342] : memref<10112x128xf32, #tpu.memory_space<vmem_shared>> -> memref<32x128xf32, #tpu.memory_space<vmem_shared>>
    %dma_wait3A_344 = arith.constant 0 : i32
    %dma_wait3A_345 = arith.constant 0 : i32
    %dma_wait3A_346 = tpu.memref_slice %arg10[%dma_wait3A_335, %dma_wait3A_344, %dma_wait3A_345] : memref<8x32x128xf32, #tpu.memory_space<vmem>> -> memref<1x32x128xf32, #tpu.memory_space<vmem>>
    %dma_wait3A_347 = tpu.memref_squeeze %dma_wait3A_346 : memref<1x32x128xf32, #tpu.memory_space<vmem>> -> memref<32x128xf32, #tpu.memory_space<vmem>>
    tpu.wait_dma2 semaphore(%arg11 : memref<!tpu.dma_semaphore, #tpu.memory_space<semaphore_mem>>) src(%dma_wait3A_347 : memref<32x128xf32, #tpu.memory_space<vmem>>) dst(%dma_wait3A_343 : memref<32x128xf32, #tpu.memory_space<vmem_shared>>)
    %add3A_348 = arith.constant 96 : i32
    %add3A_349 = arith.addi %mul3A_16, %add3A_348 : i32
    %dma_wait3A_350 = arith.constant 0 : i32
    %dma_wait3A_351 = arith.constant 0 : i32
    %dma_wait3A_352 = arith.constant 0 : i32
    %dma_wait3A_353 = tpu.memref_slice %arg10[%dma_wait3A_350, %dma_wait3A_351, %dma_wait3A_352] : memref<8x32x128xf32, #tpu.memory_space<vmem>> -> memref<1x32x128xf32, #tpu.memory_space<vmem>>
    %dma_wait3A_354 = tpu.memref_squeeze %dma_wait3A_353 : memref<1x32x128xf32, #tpu.memory_space<vmem>> -> memref<32x128xf32, #tpu.memory_space<vmem>>
    %dma_wait3A_355 = arith.constant 0 : i32
    %dma_wait3A_356 = tpu.memref_slice %arg6[%add3A_349, %dma_wait3A_355] : memref<10112x128xf32, #tpu.memory_space<vmem_shared>> -> memref<32x128xf32, #tpu.memory_space<vmem_shared>>
    %dma_wait3A_357 = arith.constant 0 : i32
    %dma_wait3A_358 = tpu.memref_slice %arg6[%add3A_349, %dma_wait3A_357] : memref<10112x128xf32, #tpu.memory_space<vmem_shared>> -> memref<32x128xf32, #tpu.memory_space<vmem_shared>>
    %dma_wait3A_359 = arith.constant 0 : i32
    %dma_wait3A_360 = arith.constant 0 : i32
    %dma_wait3A_361 = tpu.memref_slice %arg10[%dma_wait3A_350, %dma_wait3A_359, %dma_wait3A_360] : memref<8x32x128xf32, #tpu.memory_space<vmem>> -> memref<1x32x128xf32, #tpu.memory_space<vmem>>
    %dma_wait3A_362 = tpu.memref_squeeze %dma_wait3A_361 : memref<1x32x128xf32, #tpu.memory_space<vmem>> -> memref<32x128xf32, #tpu.memory_space<vmem>>
    tpu.wait_dma2 semaphore(%arg11 : memref<!tpu.dma_semaphore, #tpu.memory_space<semaphore_mem>>) src(%dma_wait3A_362 : memref<32x128xf32, #tpu.memory_space<vmem>>) dst(%dma_wait3A_358 : memref<32x128xf32, #tpu.memory_space<vmem_shared>>)
    %add3A_363 = arith.constant 128 : i32
    %add3A_364 = arith.addi %mul3A_16, %add3A_363 : i32
    %dma_wait3A_365 = arith.constant 0 : i32
    %dma_wait3A_366 = arith.constant 0 : i32
    %dma_wait3A_367 = arith.constant 0 : i32
    %dma_wait3A_368 = tpu.memref_slice %arg10[%dma_wait3A_365, %dma_wait3A_366, %dma_wait3A_367] : memref<8x32x128xf32, #tpu.memory_space<vmem>> -> memref<1x32x128xf32, #tpu.memory_space<vmem>>
    %dma_wait3A_369 = tpu.memref_squeeze %dma_wait3A_368 : memref<1x32x128xf32, #tpu.memory_space<vmem>> -> memref<32x128xf32, #tpu.memory_space<vmem>>
    %dma_wait3A_370 = arith.constant 0 : i32
    %dma_wait3A_371 = tpu.memref_slice %arg6[%add3A_364, %dma_wait3A_370] : memref<10112x128xf32, #tpu.memory_space<vmem_shared>> -> memref<32x128xf32, #tpu.memory_space<vmem_shared>>
    %dma_wait3A_372 = arith.constant 0 : i32
    %dma_wait3A_373 = tpu.memref_slice %arg6[%add3A_364, %dma_wait3A_372] : memref<10112x128xf32, #tpu.memory_space<vmem_shared>> -> memref<32x128xf32, #tpu.memory_space<vmem_shared>>
    %dma_wait3A_374 = arith.constant 0 : i32
    %dma_wait3A_375 = arith.constant 0 : i32
    %dma_wait3A_376 = tpu.memref_slice %arg10[%dma_wait3A_365, %dma_wait3A_374, %dma_wait3A_375] : memref<8x32x128xf32, #tpu.memory_space<vmem>> -> memref<1x32x128xf32, #tpu.memory_space<vmem>>
    %dma_wait3A_377 = tpu.memref_squeeze %dma_wait3A_376 : memref<1x32x128xf32, #tpu.memory_space<vmem>> -> memref<32x128xf32, #tpu.memory_space<vmem>>
    tpu.wait_dma2 semaphore(%arg11 : memref<!tpu.dma_semaphore, #tpu.memory_space<semaphore_mem>>) src(%dma_wait3A_377 : memref<32x128xf32, #tpu.memory_space<vmem>>) dst(%dma_wait3A_373 : memref<32x128xf32, #tpu.memory_space<vmem_shared>>)
    %add3A_378 = arith.constant 160 : i32
    %add3A_379 = arith.addi %mul3A_16, %add3A_378 : i32
    %dma_wait3A_380 = arith.constant 0 : i32
    %dma_wait3A_381 = arith.constant 0 : i32
    %dma_wait3A_382 = arith.constant 0 : i32
    %dma_wait3A_383 = tpu.memref_slice %arg10[%dma_wait3A_380, %dma_wait3A_381, %dma_wait3A_382] : memref<8x32x128xf32, #tpu.memory_space<vmem>> -> memref<1x32x128xf32, #tpu.memory_space<vmem>>
    %dma_wait3A_384 = tpu.memref_squeeze %dma_wait3A_383 : memref<1x32x128xf32, #tpu.memory_space<vmem>> -> memref<32x128xf32, #tpu.memory_space<vmem>>
    %dma_wait3A_385 = arith.constant 0 : i32
    %dma_wait3A_386 = tpu.memref_slice %arg6[%add3A_379, %dma_wait3A_385] : memref<10112x128xf32, #tpu.memory_space<vmem_shared>> -> memref<32x128xf32, #tpu.memory_space<vmem_shared>>
    %dma_wait3A_387 = arith.constant 0 : i32
    %dma_wait3A_388 = tpu.memref_slice %arg6[%add3A_379, %dma_wait3A_387] : memref<10112x128xf32, #tpu.memory_space<vmem_shared>> -> memref<32x128xf32, #tpu.memory_space<vmem_shared>>
    %dma_wait3A_389 = arith.constant 0 : i32
    %dma_wait3A_390 = arith.constant 0 : i32
    %dma_wait3A_391 = tpu.memref_slice %arg10[%dma_wait3A_380, %dma_wait3A_389, %dma_wait3A_390] : memref<8x32x128xf32, #tpu.memory_space<vmem>> -> memref<1x32x128xf32, #tpu.memory_space<vmem>>
    %dma_wait3A_392 = tpu.memref_squeeze %dma_wait3A_391 : memref<1x32x128xf32, #tpu.memory_space<vmem>> -> memref<32x128xf32, #tpu.memory_space<vmem>>
    tpu.wait_dma2 semaphore(%arg11 : memref<!tpu.dma_semaphore, #tpu.memory_space<semaphore_mem>>) src(%dma_wait3A_392 : memref<32x128xf32, #tpu.memory_space<vmem>>) dst(%dma_wait3A_388 : memref<32x128xf32, #tpu.memory_space<vmem_shared>>)
    %add3A_393 = arith.constant 192 : i32
    %add3A_394 = arith.addi %mul3A_16, %add3A_393 : i32
    %dma_wait3A_395 = arith.constant 0 : i32
    %dma_wait3A_396 = arith.constant 0 : i32
    %dma_wait3A_397 = arith.constant 0 : i32
    %dma_wait3A_398 = tpu.memref_slice %arg10[%dma_wait3A_395, %dma_wait3A_396, %dma_wait3A_397] : memref<8x32x128xf32, #tpu.memory_space<vmem>> -> memref<1x32x128xf32, #tpu.memory_space<vmem>>
    %dma_wait3A_399 = tpu.memref_squeeze %dma_wait3A_398 : memref<1x32x128xf32, #tpu.memory_space<vmem>> -> memref<32x128xf32, #tpu.memory_space<vmem>>
    %dma_wait3A_400 = arith.constant 0 : i32
    %dma_wait3A_401 = tpu.memref_slice %arg6[%add3A_394, %dma_wait3A_400] : memref<10112x128xf32, #tpu.memory_space<vmem_shared>> -> memref<32x128xf32, #tpu.memory_space<vmem_shared>>
    %dma_wait3A_402 = arith.constant 0 : i32
    %dma_wait3A_403 = tpu.memref_slice %arg6[%add3A_394, %dma_wait3A_402] : memref<10112x128xf32, #tpu.memory_space<vmem_shared>> -> memref<32x128xf32, #tpu.memory_space<vmem_shared>>
    %dma_wait3A_404 = arith.constant 0 : i32
    %dma_wait3A_405 = arith.constant 0 : i32
    %dma_wait3A_406 = tpu.memref_slice %arg10[%dma_wait3A_395, %dma_wait3A_404, %dma_wait3A_405] : memref<8x32x128xf32, #tpu.memory_space<vmem>> -> memref<1x32x128xf32, #tpu.memory_space<vmem>>
    %dma_wait3A_407 = tpu.memref_squeeze %dma_wait3A_406 : memref<1x32x128xf32, #tpu.memory_space<vmem>> -> memref<32x128xf32, #tpu.memory_space<vmem>>
    tpu.wait_dma2 semaphore(%arg11 : memref<!tpu.dma_semaphore, #tpu.memory_space<semaphore_mem>>) src(%dma_wait3A_407 : memref<32x128xf32, #tpu.memory_space<vmem>>) dst(%dma_wait3A_403 : memref<32x128xf32, #tpu.memory_space<vmem_shared>>)
    %add3A_408 = arith.constant 224 : i32
    %add3A_409 = arith.addi %mul3A_16, %add3A_408 : i32
    %dma_wait3A_410 = arith.constant 0 : i32
    %dma_wait3A_411 = arith.constant 0 : i32
    %dma_wait3A_412 = arith.constant 0 : i32
    %dma_wait3A_413 = tpu.memref_slice %arg10[%dma_wait3A_410, %dma_wait3A_411, %dma_wait3A_412] : memref<8x32x128xf32, #tpu.memory_space<vmem>> -> memref<1x32x128xf32, #tpu.memory_space<vmem>>
    %dma_wait3A_414 = tpu.memref_squeeze %dma_wait3A_413 : memref<1x32x128xf32, #tpu.memory_space<vmem>> -> memref<32x128xf32, #tpu.memory_space<vmem>>
    %dma_wait3A_415 = arith.constant 0 : i32
    %dma_wait3A_416 = tpu.memref_slice %arg6[%add3A_409, %dma_wait3A_415] : memref<10112x128xf32, #tpu.memory_space<vmem_shared>> -> memref<32x128xf32, #tpu.memory_space<vmem_shared>>
    %dma_wait3A_417 = arith.constant 0 : i32
    %dma_wait3A_418 = tpu.memref_slice %arg6[%add3A_409, %dma_wait3A_417] : memref<10112x128xf32, #tpu.memory_space<vmem_shared>> -> memref<32x128xf32, #tpu.memory_space<vmem_shared>>
    %dma_wait3A_419 = arith.constant 0 : i32
    %dma_wait3A_420 = arith.constant 0 : i32
    %dma_wait3A_421 = tpu.memref_slice %arg10[%dma_wait3A_410, %dma_wait3A_419, %dma_wait3A_420] : memref<8x32x128xf32, #tpu.memory_space<vmem>> -> memref<1x32x128xf32, #tpu.memory_space<vmem>>
    %dma_wait3A_422 = tpu.memref_squeeze %dma_wait3A_421 : memref<1x32x128xf32, #tpu.memory_space<vmem>> -> memref<32x128xf32, #tpu.memory_space<vmem>>
    tpu.wait_dma2 semaphore(%arg11 : memref<!tpu.dma_semaphore, #tpu.memory_space<semaphore_mem>>) src(%dma_wait3A_422 : memref<32x128xf32, #tpu.memory_space<vmem>>) dst(%dma_wait3A_418 : memref<32x128xf32, #tpu.memory_space<vmem_shared>>)
    %add3A_423 = arith.constant 256 : i32
    %add3A_424 = arith.addi %mul3A_16, %add3A_423 : i32
    %dma_wait3A_425 = arith.constant 0 : i32
    %dma_wait3A_426 = arith.constant 0 : i32
    %dma_wait3A_427 = arith.constant 0 : i32
    %dma_wait3A_428 = tpu.memref_slice %arg10[%dma_wait3A_425, %dma_wait3A_426, %dma_wait3A_427] : memref<8x32x128xf32, #tpu.memory_space<vmem>> -> memref<1x32x128xf32, #tpu.memory_space<vmem>>
    %dma_wait3A_429 = tpu.memref_squeeze %dma_wait3A_428 : memref<1x32x128xf32, #tpu.memory_space<vmem>> -> memref<32x128xf32, #tpu.memory_space<vmem>>
    %dma_wait3A_430 = arith.constant 0 : i32
    %dma_wait3A_431 = tpu.memref_slice %arg6[%add3A_424, %dma_wait3A_430] : memref<10112x128xf32, #tpu.memory_space<vmem_shared>> -> memref<32x128xf32, #tpu.memory_space<vmem_shared>>
    %dma_wait3A_432 = arith.constant 0 : i32
    %dma_wait3A_433 = tpu.memref_slice %arg6[%add3A_424, %dma_wait3A_432] : memref<10112x128xf32, #tpu.memory_space<vmem_shared>> -> memref<32x128xf32, #tpu.memory_space<vmem_shared>>
    %dma_wait3A_434 = arith.constant 0 : i32
    %dma_wait3A_435 = arith.constant 0 : i32
    %dma_wait3A_436 = tpu.memref_slice %arg10[%dma_wait3A_425, %dma_wait3A_434, %dma_wait3A_435] : memref<8x32x128xf32, #tpu.memory_space<vmem>> -> memref<1x32x128xf32, #tpu.memory_space<vmem>>
    %dma_wait3A_437 = tpu.memref_squeeze %dma_wait3A_436 : memref<1x32x128xf32, #tpu.memory_space<vmem>> -> memref<32x128xf32, #tpu.memory_space<vmem>>
    tpu.wait_dma2 semaphore(%arg11 : memref<!tpu.dma_semaphore, #tpu.memory_space<semaphore_mem>>) src(%dma_wait3A_437 : memref<32x128xf32, #tpu.memory_space<vmem>>) dst(%dma_wait3A_433 : memref<32x128xf32, #tpu.memory_space<vmem_shared>>)
    %add3A_438 = arith.constant 288 : i32
    %add3A_439 = arith.addi %mul3A_16, %add3A_438 : i32
    %dma_wait3A_440 = arith.constant 0 : i32
    %dma_wait3A_441 = arith.constant 0 : i32
    %dma_wait3A_442 = arith.constant 0 : i32
    %dma_wait3A_443 = tpu.memref_slice %arg10[%dma_wait3A_440, %dma_wait3A_441, %dma_wait3A_442] : memref<8x32x128xf32, #tpu.memory_space<vmem>> -> memref<1x32x128xf32, #tpu.memory_space<vmem>>
    %dma_wait3A_444 = tpu.memref_squeeze %dma_wait3A_443 : memref<1x32x128xf32, #tpu.memory_space<vmem>> -> memref<32x128xf32, #tpu.memory_space<vmem>>
    %dma_wait3A_445 = arith.constant 0 : i32
    %dma_wait3A_446 = tpu.memref_slice %arg6[%add3A_439, %dma_wait3A_445] : memref<10112x128xf32, #tpu.memory_space<vmem_shared>> -> memref<32x128xf32, #tpu.memory_space<vmem_shared>>
    %dma_wait3A_447 = arith.constant 0 : i32
    %dma_wait3A_448 = tpu.memref_slice %arg6[%add3A_439, %dma_wait3A_447] : memref<10112x128xf32, #tpu.memory_space<vmem_shared>> -> memref<32x128xf32, #tpu.memory_space<vmem_shared>>
    %dma_wait3A_449 = arith.constant 0 : i32
    %dma_wait3A_450 = arith.constant 0 : i32
    %dma_wait3A_451 = tpu.memref_slice %arg10[%dma_wait3A_440, %dma_wait3A_449, %dma_wait3A_450] : memref<8x32x128xf32, #tpu.memory_space<vmem>> -> memref<1x32x128xf32, #tpu.memory_space<vmem>>
    %dma_wait3A_452 = tpu.memref_squeeze %dma_wait3A_451 : memref<1x32x128xf32, #tpu.memory_space<vmem>> -> memref<32x128xf32, #tpu.memory_space<vmem>>
    tpu.wait_dma2 semaphore(%arg11 : memref<!tpu.dma_semaphore, #tpu.memory_space<semaphore_mem>>) src(%dma_wait3A_452 : memref<32x128xf32, #tpu.memory_space<vmem>>) dst(%dma_wait3A_448 : memref<32x128xf32, #tpu.memory_space<vmem_shared>>)
    %add3A_453 = arith.constant 320 : i32
    %add3A_454 = arith.addi %mul3A_16, %add3A_453 : i32
    %dma_wait3A_455 = arith.constant 0 : i32
    %dma_wait3A_456 = arith.constant 0 : i32
    %dma_wait3A_457 = arith.constant 0 : i32
    %dma_wait3A_458 = tpu.memref_slice %arg10[%dma_wait3A_455, %dma_wait3A_456, %dma_wait3A_457] : memref<8x32x128xf32, #tpu.memory_space<vmem>> -> memref<1x32x128xf32, #tpu.memory_space<vmem>>
    %dma_wait3A_459 = tpu.memref_squeeze %dma_wait3A_458 : memref<1x32x128xf32, #tpu.memory_space<vmem>> -> memref<32x128xf32, #tpu.memory_space<vmem>>
    %dma_wait3A_460 = arith.constant 0 : i32
    %dma_wait3A_461 = tpu.memref_slice %arg6[%add3A_454, %dma_wait3A_460] : memref<10112x128xf32, #tpu.memory_space<vmem_shared>> -> memref<32x128xf32, #tpu.memory_space<vmem_shared>>
    %dma_wait3A_462 = arith.constant 0 : i32
    %dma_wait3A_463 = tpu.memref_slice %arg6[%add3A_454, %dma_wait3A_462] : memref<10112x128xf32, #tpu.memory_space<vmem_shared>> -> memref<32x128xf32, #tpu.memory_space<vmem_shared>>
    %dma_wait3A_464 = arith.constant 0 : i32
    %dma_wait3A_465 = arith.constant 0 : i32
    %dma_wait3A_466 = tpu.memref_slice %arg10[%dma_wait3A_455, %dma_wait3A_464, %dma_wait3A_465] : memref<8x32x128xf32, #tpu.memory_space<vmem>> -> memref<1x32x128xf32, #tpu.memory_space<vmem>>
    %dma_wait3A_467 = tpu.memref_squeeze %dma_wait3A_466 : memref<1x32x128xf32, #tpu.memory_space<vmem>> -> memref<32x128xf32, #tpu.memory_space<vmem>>
    tpu.wait_dma2 semaphore(%arg11 : memref<!tpu.dma_semaphore, #tpu.memory_space<semaphore_mem>>) src(%dma_wait3A_467 : memref<32x128xf32, #tpu.memory_space<vmem>>) dst(%dma_wait3A_463 : memref<32x128xf32, #tpu.memory_space<vmem_shared>>)
    %add3A_468 = arith.constant 352 : i32
    %add3A_469 = arith.addi %mul3A_16, %add3A_468 : i32
    %dma_wait3A_470 = arith.constant 0 : i32
    %dma_wait3A_471 = arith.constant 0 : i32
    %dma_wait3A_472 = arith.constant 0 : i32
    %dma_wait3A_473 = tpu.memref_slice %arg10[%dma_wait3A_470, %dma_wait3A_471, %dma_wait3A_472] : memref<8x32x128xf32, #tpu.memory_space<vmem>> -> memref<1x32x128xf32, #tpu.memory_space<vmem>>
    %dma_wait3A_474 = tpu.memref_squeeze %dma_wait3A_473 : memref<1x32x128xf32, #tpu.memory_space<vmem>> -> memref<32x128xf32, #tpu.memory_space<vmem>>
    %dma_wait3A_475 = arith.constant 0 : i32
    %dma_wait3A_476 = tpu.memref_slice %arg6[%add3A_469, %dma_wait3A_475] : memref<10112x128xf32, #tpu.memory_space<vmem_shared>> -> memref<32x128xf32, #tpu.memory_space<vmem_shared>>
    %dma_wait3A_477 = arith.constant 0 : i32
    %dma_wait3A_478 = tpu.memref_slice %arg6[%add3A_469, %dma_wait3A_477] : memref<10112x128xf32, #tpu.memory_space<vmem_shared>> -> memref<32x128xf32, #tpu.memory_space<vmem_shared>>
    %dma_wait3A_479 = arith.constant 0 : i32
    %dma_wait3A_480 = arith.constant 0 : i32
    %dma_wait3A_481 = tpu.memref_slice %arg10[%dma_wait3A_470, %dma_wait3A_479, %dma_wait3A_480] : memref<8x32x128xf32, #tpu.memory_space<vmem>> -> memref<1x32x128xf32, #tpu.memory_space<vmem>>
    %dma_wait3A_482 = tpu.memref_squeeze %dma_wait3A_481 : memref<1x32x128xf32, #tpu.memory_space<vmem>> -> memref<32x128xf32, #tpu.memory_space<vmem>>
    tpu.wait_dma2 semaphore(%arg11 : memref<!tpu.dma_semaphore, #tpu.memory_space<semaphore_mem>>) src(%dma_wait3A_482 : memref<32x128xf32, #tpu.memory_space<vmem>>) dst(%dma_wait3A_478 : memref<32x128xf32, #tpu.memory_space<vmem_shared>>)
    %add3A_483 = arith.constant 384 : i32
    %add3A_484 = arith.addi %mul3A_16, %add3A_483 : i32
    %dma_wait3A_485 = arith.constant 0 : i32
    %dma_wait3A_486 = arith.constant 0 : i32
    %dma_wait3A_487 = arith.constant 0 : i32
    %dma_wait3A_488 = tpu.memref_slice %arg10[%dma_wait3A_485, %dma_wait3A_486, %dma_wait3A_487] : memref<8x32x128xf32, #tpu.memory_space<vmem>> -> memref<1x32x128xf32, #tpu.memory_space<vmem>>
    %dma_wait3A_489 = tpu.memref_squeeze %dma_wait3A_488 : memref<1x32x128xf32, #tpu.memory_space<vmem>> -> memref<32x128xf32, #tpu.memory_space<vmem>>
    %dma_wait3A_490 = arith.constant 0 : i32
    %dma_wait3A_491 = tpu.memref_slice %arg6[%add3A_484, %dma_wait3A_490] : memref<10112x128xf32, #tpu.memory_space<vmem_shared>> -> memref<32x128xf32, #tpu.memory_space<vmem_shared>>
    %dma_wait3A_492 = arith.constant 0 : i32
    %dma_wait3A_493 = tpu.memref_slice %arg6[%add3A_484, %dma_wait3A_492] : memref<10112x128xf32, #tpu.memory_space<vmem_shared>> -> memref<32x128xf32, #tpu.memory_space<vmem_shared>>
    %dma_wait3A_494 = arith.constant 0 : i32
    %dma_wait3A_495 = arith.constant 0 : i32
    %dma_wait3A_496 = tpu.memref_slice %arg10[%dma_wait3A_485, %dma_wait3A_494, %dma_wait3A_495] : memref<8x32x128xf32, #tpu.memory_space<vmem>> -> memref<1x32x128xf32, #tpu.memory_space<vmem>>
    %dma_wait3A_497 = tpu.memref_squeeze %dma_wait3A_496 : memref<1x32x128xf32, #tpu.memory_space<vmem>> -> memref<32x128xf32, #tpu.memory_space<vmem>>
    tpu.wait_dma2 semaphore(%arg11 : memref<!tpu.dma_semaphore, #tpu.memory_space<semaphore_mem>>) src(%dma_wait3A_497 : memref<32x128xf32, #tpu.memory_space<vmem>>) dst(%dma_wait3A_493 : memref<32x128xf32, #tpu.memory_space<vmem_shared>>)
    %add3A_498 = arith.constant 416 : i32
    %add3A_499 = arith.addi %mul3A_16, %add3A_498 : i32
    %dma_wait3A_500 = arith.constant 0 : i32
    %dma_wait3A_501 = arith.constant 0 : i32
    %dma_wait3A_502 = arith.constant 0 : i32
    %dma_wait3A_503 = tpu.memref_slice %arg10[%dma_wait3A_500, %dma_wait3A_501, %dma_wait3A_502] : memref<8x32x128xf32, #tpu.memory_space<vmem>> -> memref<1x32x128xf32, #tpu.memory_space<vmem>>
    %dma_wait3A_504 = tpu.memref_squeeze %dma_wait3A_503 : memref<1x32x128xf32, #tpu.memory_space<vmem>> -> memref<32x128xf32, #tpu.memory_space<vmem>>
    %dma_wait3A_505 = arith.constant 0 : i32
    %dma_wait3A_506 = tpu.memref_slice %arg6[%add3A_499, %dma_wait3A_505] : memref<10112x128xf32, #tpu.memory_space<vmem_shared>> -> memref<32x128xf32, #tpu.memory_space<vmem_shared>>
    %dma_wait3A_507 = arith.constant 0 : i32
    %dma_wait3A_508 = tpu.memref_slice %arg6[%add3A_499, %dma_wait3A_507] : memref<10112x128xf32, #tpu.memory_space<vmem_shared>> -> memref<32x128xf32, #tpu.memory_space<vmem_shared>>
    %dma_wait3A_509 = arith.constant 0 : i32
    %dma_wait3A_510 = arith.constant 0 : i32
    %dma_wait3A_511 = tpu.memref_slice %arg10[%dma_wait3A_500, %dma_wait3A_509, %dma_wait3A_510] : memref<8x32x128xf32, #tpu.memory_space<vmem>> -> memref<1x32x128xf32, #tpu.memory_space<vmem>>
    %dma_wait3A_512 = tpu.memref_squeeze %dma_wait3A_511 : memref<1x32x128xf32, #tpu.memory_space<vmem>> -> memref<32x128xf32, #tpu.memory_space<vmem>>
    tpu.wait_dma2 semaphore(%arg11 : memref<!tpu.dma_semaphore, #tpu.memory_space<semaphore_mem>>) src(%dma_wait3A_512 : memref<32x128xf32, #tpu.memory_space<vmem>>) dst(%dma_wait3A_508 : memref<32x128xf32, #tpu.memory_space<vmem_shared>>)
    %add3A_513 = arith.constant 448 : i32
    %add3A_514 = arith.addi %mul3A_16, %add3A_513 : i32
    %dma_wait3A_515 = arith.constant 0 : i32
    %dma_wait3A_516 = arith.constant 0 : i32
    %dma_wait3A_517 = arith.constant 0 : i32
    %dma_wait3A_518 = tpu.memref_slice %arg10[%dma_wait3A_515, %dma_wait3A_516, %dma_wait3A_517] : memref<8x32x128xf32, #tpu.memory_space<vmem>> -> memref<1x32x128xf32, #tpu.memory_space<vmem>>
    %dma_wait3A_519 = tpu.memref_squeeze %dma_wait3A_518 : memref<1x32x128xf32, #tpu.memory_space<vmem>> -> memref<32x128xf32, #tpu.memory_space<vmem>>
    %dma_wait3A_520 = arith.constant 0 : i32
    %dma_wait3A_521 = tpu.memref_slice %arg6[%add3A_514, %dma_wait3A_520] : memref<10112x128xf32, #tpu.memory_space<vmem_shared>> -> memref<32x128xf32, #tpu.memory_space<vmem_shared>>
    %dma_wait3A_522 = arith.constant 0 : i32
    %dma_wait3A_523 = tpu.memref_slice %arg6[%add3A_514, %dma_wait3A_522] : memref<10112x128xf32, #tpu.memory_space<vmem_shared>> -> memref<32x128xf32, #tpu.memory_space<vmem_shared>>
    %dma_wait3A_524 = arith.constant 0 : i32
    %dma_wait3A_525 = arith.constant 0 : i32
    %dma_wait3A_526 = tpu.memref_slice %arg10[%dma_wait3A_515, %dma_wait3A_524, %dma_wait3A_525] : memref<8x32x128xf32, #tpu.memory_space<vmem>> -> memref<1x32x128xf32, #tpu.memory_space<vmem>>
    %dma_wait3A_527 = tpu.memref_squeeze %dma_wait3A_526 : memref<1x32x128xf32, #tpu.memory_space<vmem>> -> memref<32x128xf32, #tpu.memory_space<vmem>>
    tpu.wait_dma2 semaphore(%arg11 : memref<!tpu.dma_semaphore, #tpu.memory_space<semaphore_mem>>) src(%dma_wait3A_527 : memref<32x128xf32, #tpu.memory_space<vmem>>) dst(%dma_wait3A_523 : memref<32x128xf32, #tpu.memory_space<vmem_shared>>)
    %add3A_528 = arith.constant 480 : i32
    %add3A_529 = arith.addi %mul3A_16, %add3A_528 : i32
    %dma_wait3A_530 = arith.constant 0 : i32
    %dma_wait3A_531 = arith.constant 0 : i32
    %dma_wait3A_532 = arith.constant 0 : i32
    %dma_wait3A_533 = tpu.memref_slice %arg10[%dma_wait3A_530, %dma_wait3A_531, %dma_wait3A_532] : memref<8x32x128xf32, #tpu.memory_space<vmem>> -> memref<1x32x128xf32, #tpu.memory_space<vmem>>
    %dma_wait3A_534 = tpu.memref_squeeze %dma_wait3A_533 : memref<1x32x128xf32, #tpu.memory_space<vmem>> -> memref<32x128xf32, #tpu.memory_space<vmem>>
    %dma_wait3A_535 = arith.constant 0 : i32
    %dma_wait3A_536 = tpu.memref_slice %arg6[%add3A_529, %dma_wait3A_535] : memref<10112x128xf32, #tpu.memory_space<vmem_shared>> -> memref<32x128xf32, #tpu.memory_space<vmem_shared>>
    %dma_wait3A_537 = arith.constant 0 : i32
    %dma_wait3A_538 = tpu.memref_slice %arg6[%add3A_529, %dma_wait3A_537] : memref<10112x128xf32, #tpu.memory_space<vmem_shared>> -> memref<32x128xf32, #tpu.memory_space<vmem_shared>>
    %dma_wait3A_539 = arith.constant 0 : i32
    %dma_wait3A_540 = arith.constant 0 : i32
    %dma_wait3A_541 = tpu.memref_slice %arg10[%dma_wait3A_530, %dma_wait3A_539, %dma_wait3A_540] : memref<8x32x128xf32, #tpu.memory_space<vmem>> -> memref<1x32x128xf32, #tpu.memory_space<vmem>>
    %dma_wait3A_542 = tpu.memref_squeeze %dma_wait3A_541 : memref<1x32x128xf32, #tpu.memory_space<vmem>> -> memref<32x128xf32, #tpu.memory_space<vmem>>
    tpu.wait_dma2 semaphore(%arg11 : memref<!tpu.dma_semaphore, #tpu.memory_space<semaphore_mem>>) src(%dma_wait3A_542 : memref<32x128xf32, #tpu.memory_space<vmem>>) dst(%dma_wait3A_538 : memref<32x128xf32, #tpu.memory_space<vmem_shared>>)
    %add3A_543 = arith.constant 512 : i32
    %add3A_544 = arith.addi %mul3A_16, %add3A_543 : i32
    %dma_wait3A_545 = arith.constant 0 : i32
    %dma_wait3A_546 = arith.constant 0 : i32
    %dma_wait3A_547 = arith.constant 0 : i32
    %dma_wait3A_548 = tpu.memref_slice %arg10[%dma_wait3A_545, %dma_wait3A_546, %dma_wait3A_547] : memref<8x32x128xf32, #tpu.memory_space<vmem>> -> memref<1x32x128xf32, #tpu.memory_space<vmem>>
    %dma_wait3A_549 = tpu.memref_squeeze %dma_wait3A_548 : memref<1x32x128xf32, #tpu.memory_space<vmem>> -> memref<32x128xf32, #tpu.memory_space<vmem>>
    %dma_wait3A_550 = arith.constant 0 : i32
    %dma_wait3A_551 = tpu.memref_slice %arg6[%add3A_544, %dma_wait3A_550] : memref<10112x128xf32, #tpu.memory_space<vmem_shared>> -> memref<32x128xf32, #tpu.memory_space<vmem_shared>>
    %dma_wait3A_552 = arith.constant 0 : i32
    %dma_wait3A_553 = tpu.memref_slice %arg6[%add3A_544, %dma_wait3A_552] : memref<10112x128xf32, #tpu.memory_space<vmem_shared>> -> memref<32x128xf32, #tpu.memory_space<vmem_shared>>
    %dma_wait3A_554 = arith.constant 0 : i32
    %dma_wait3A_555 = arith.constant 0 : i32
    %dma_wait3A_556 = tpu.memref_slice %arg10[%dma_wait3A_545, %dma_wait3A_554, %dma_wait3A_555] : memref<8x32x128xf32, #tpu.memory_space<vmem>> -> memref<1x32x128xf32, #tpu.memory_space<vmem>>
    %dma_wait3A_557 = tpu.memref_squeeze %dma_wait3A_556 : memref<1x32x128xf32, #tpu.memory_space<vmem>> -> memref<32x128xf32, #tpu.memory_space<vmem>>
    tpu.wait_dma2 semaphore(%arg11 : memref<!tpu.dma_semaphore, #tpu.memory_space<semaphore_mem>>) src(%dma_wait3A_557 : memref<32x128xf32, #tpu.memory_space<vmem>>) dst(%dma_wait3A_553 : memref<32x128xf32, #tpu.memory_space<vmem_shared>>)
    %add3A_558 = arith.constant 544 : i32
    %add3A_559 = arith.addi %mul3A_16, %add3A_558 : i32
    %dma_wait3A_560 = arith.constant 0 : i32
    %dma_wait3A_561 = arith.constant 0 : i32
    %dma_wait3A_562 = arith.constant 0 : i32
    %dma_wait3A_563 = tpu.memref_slice %arg10[%dma_wait3A_560, %dma_wait3A_561, %dma_wait3A_562] : memref<8x32x128xf32, #tpu.memory_space<vmem>> -> memref<1x32x128xf32, #tpu.memory_space<vmem>>
    %dma_wait3A_564 = tpu.memref_squeeze %dma_wait3A_563 : memref<1x32x128xf32, #tpu.memory_space<vmem>> -> memref<32x128xf32, #tpu.memory_space<vmem>>
    %dma_wait3A_565 = arith.constant 0 : i32
    %dma_wait3A_566 = tpu.memref_slice %arg6[%add3A_559, %dma_wait3A_565] : memref<10112x128xf32, #tpu.memory_space<vmem_shared>> -> memref<32x128xf32, #tpu.memory_space<vmem_shared>>
    %dma_wait3A_567 = arith.constant 0 : i32
    %dma_wait3A_568 = tpu.memref_slice %arg6[%add3A_559, %dma_wait3A_567] : memref<10112x128xf32, #tpu.memory_space<vmem_shared>> -> memref<32x128xf32, #tpu.memory_space<vmem_shared>>
    %dma_wait3A_569 = arith.constant 0 : i32
    %dma_wait3A_570 = arith.constant 0 : i32
    %dma_wait3A_571 = tpu.memref_slice %arg10[%dma_wait3A_560, %dma_wait3A_569, %dma_wait3A_570] : memref<8x32x128xf32, #tpu.memory_space<vmem>> -> memref<1x32x128xf32, #tpu.memory_space<vmem>>
    %dma_wait3A_572 = tpu.memref_squeeze %dma_wait3A_571 : memref<1x32x128xf32, #tpu.memory_space<vmem>> -> memref<32x128xf32, #tpu.memory_space<vmem>>
    tpu.wait_dma2 semaphore(%arg11 : memref<!tpu.dma_semaphore, #tpu.memory_space<semaphore_mem>>) src(%dma_wait3A_572 : memref<32x128xf32, #tpu.memory_space<vmem>>) dst(%dma_wait3A_568 : memref<32x128xf32, #tpu.memory_space<vmem_shared>>)
    %add3A_573 = arith.constant 576 : i32
    %add3A_574 = arith.addi %mul3A_16, %add3A_573 : i32
    %dma_wait3A_575 = arith.constant 0 : i32
    %dma_wait3A_576 = arith.constant 0 : i32
    %dma_wait3A_577 = arith.constant 0 : i32
    %dma_wait3A_578 = tpu.memref_slice %arg10[%dma_wait3A_575, %dma_wait3A_576, %dma_wait3A_577] : memref<8x32x128xf32, #tpu.memory_space<vmem>> -> memref<1x32x128xf32, #tpu.memory_space<vmem>>
    %dma_wait3A_579 = tpu.memref_squeeze %dma_wait3A_578 : memref<1x32x128xf32, #tpu.memory_space<vmem>> -> memref<32x128xf32, #tpu.memory_space<vmem>>
    %dma_wait3A_580 = arith.constant 0 : i32
    %dma_wait3A_581 = tpu.memref_slice %arg6[%add3A_574, %dma_wait3A_580] : memref<10112x128xf32, #tpu.memory_space<vmem_shared>> -> memref<32x128xf32, #tpu.memory_space<vmem_shared>>
    %dma_wait3A_582 = arith.constant 0 : i32
    %dma_wait3A_583 = tpu.memref_slice %arg6[%add3A_574, %dma_wait3A_582] : memref<10112x128xf32, #tpu.memory_space<vmem_shared>> -> memref<32x128xf32, #tpu.memory_space<vmem_shared>>
    %dma_wait3A_584 = arith.constant 0 : i32
    %dma_wait3A_585 = arith.constant 0 : i32
    %dma_wait3A_586 = tpu.memref_slice %arg10[%dma_wait3A_575, %dma_wait3A_584, %dma_wait3A_585] : memref<8x32x128xf32, #tpu.memory_space<vmem>> -> memref<1x32x128xf32, #tpu.memory_space<vmem>>
    %dma_wait3A_587 = tpu.memref_squeeze %dma_wait3A_586 : memref<1x32x128xf32, #tpu.memory_space<vmem>> -> memref<32x128xf32, #tpu.memory_space<vmem>>
    tpu.wait_dma2 semaphore(%arg11 : memref<!tpu.dma_semaphore, #tpu.memory_space<semaphore_mem>>) src(%dma_wait3A_587 : memref<32x128xf32, #tpu.memory_space<vmem>>) dst(%dma_wait3A_583 : memref<32x128xf32, #tpu.memory_space<vmem_shared>>)
    %barrier3A = arith.constant 0 : index
    tpu.barrier barrier_id(%barrier3A)
    %broadcast_in_dim3A_588 = arith.constant 1.000000e+00 : f32
    %broadcast_in_dim3A_589 = vector.broadcast %broadcast_in_dim3A_588 : f32 to vector<16xf32>
    %scan3A_590 = arith.constant 0 : i32
    %scan3A_591 = arith.constant 0 : i32
    %scan3A_592 = arith.constant 16 : i32
    %scan3A_593 = arith.addi %scan3A_591, %scan3A_592 : i32
    %scan3A_594 = arith.constant 1 : i32
    %scan3A_595 = scf.for %scan3A_613 = %scan3A_591 to %scan3A_593 step %scan3A_594 iter_args(%scan3A_614 = %scan3A_590) -> (i32)  : i32 {
      %dma_start3A_615 = arith.constant 0 : i32
      %dma_start3A_616 = arith.constant 0 : i32
      %dma_start3A_617 = tpu.memref_slice %arg3[%add3A, %scan3A_613, %dma_start3A_615, %dma_start3A_616] : memref<32x16x20x32xi32, #tpu.memory_space<hbm>> -> memref<1x1x20x32xi32, #tpu.memory_space<hbm>>
      %dma_start3A_618 = tpu.memref_squeeze %dma_start3A_617 : memref<1x1x20x32xi32, #tpu.memory_space<hbm>> -> memref<20x32xi32, #tpu.memory_space<hbm>>
      %dma_start3A_619 = arith.constant 0 : i32
      %dma_start3A_620 = arith.constant 0 : i32
      %dma_start3A_621 = tpu.memref_slice %arg3[%add3A, %scan3A_613, %dma_start3A_619, %dma_start3A_620] : memref<32x16x20x32xi32, #tpu.memory_space<hbm>> -> memref<1x1x20x32xi32, #tpu.memory_space<hbm>>
      %dma_start3A_622 = tpu.memref_squeeze %dma_start3A_621 : memref<1x1x20x32xi32, #tpu.memory_space<hbm>> -> memref<20x32xi32, #tpu.memory_space<hbm>>
      tpu.enqueue_dma source(%dma_start3A_622 : memref<20x32xi32, #tpu.memory_space<hbm>>) target(%arg7 : memref<20x32xi32, #tpu.memory_space<vmem>>) target_semaphore(%arg11 : memref<!tpu.dma_semaphore, #tpu.memory_space<semaphore_mem>>)
      %dma_start3A_623 = arith.constant 0 : i32
      %dma_start3A_624 = arith.constant 0 : i32
      %dma_start3A_625 = tpu.memref_slice %arg4[%add3A, %scan3A_613, %dma_start3A_623, %dma_start3A_624] : memref<32x16x20x32xi32, #tpu.memory_space<hbm>> -> memref<1x1x20x32xi32, #tpu.memory_space<hbm>>
      %dma_start3A_626 = tpu.memref_squeeze %dma_start3A_625 : memref<1x1x20x32xi32, #tpu.memory_space<hbm>> -> memref<20x32xi32, #tpu.memory_space<hbm>>
      %dma_start3A_627 = arith.constant 0 : i32
      %dma_start3A_628 = arith.constant 0 : i32
      %dma_start3A_629 = tpu.memref_slice %arg4[%add3A, %scan3A_613, %dma_start3A_627, %dma_start3A_628] : memref<32x16x20x32xi32, #tpu.memory_space<hbm>> -> memref<1x1x20x32xi32, #tpu.memory_space<hbm>>
      %dma_start3A_630 = tpu.memref_squeeze %dma_start3A_629 : memref<1x1x20x32xi32, #tpu.memory_space<hbm>> -> memref<20x32xi32, #tpu.memory_space<hbm>>
      tpu.enqueue_dma source(%dma_start3A_630 : memref<20x32xi32, #tpu.memory_space<hbm>>) target(%arg8 : memref<20x32xi32, #tpu.memory_space<vmem>>) target_semaphore(%arg12 : memref<!tpu.dma_semaphore, #tpu.memory_space<semaphore_mem>>)
      %dma_wait3A_631 = arith.constant 0 : i32
      %dma_wait3A_632 = arith.constant 0 : i32
      %dma_wait3A_633 = tpu.memref_slice %arg3[%add3A, %scan3A_613, %dma_wait3A_631, %dma_wait3A_632] : memref<32x16x20x32xi32, #tpu.memory_space<hbm>> -> memref<1x1x20x32xi32, #tpu.memory_space<hbm>>
      %dma_wait3A_634 = tpu.memref_squeeze %dma_wait3A_633 : memref<1x1x20x32xi32, #tpu.memory_space<hbm>> -> memref<20x32xi32, #tpu.memory_space<hbm>>
      %dma_wait3A_635 = arith.constant 0 : i32
      %dma_wait3A_636 = arith.constant 0 : i32
      %dma_wait3A_637 = tpu.memref_slice %arg3[%add3A, %scan3A_613, %dma_wait3A_635, %dma_wait3A_636] : memref<32x16x20x32xi32, #tpu.memory_space<hbm>> -> memref<1x1x20x32xi32, #tpu.memory_space<hbm>>
      %dma_wait3A_638 = tpu.memref_squeeze %dma_wait3A_637 : memref<1x1x20x32xi32, #tpu.memory_space<hbm>> -> memref<20x32xi32, #tpu.memory_space<hbm>>
      tpu.wait_dma2 semaphore(%arg11 : memref<!tpu.dma_semaphore, #tpu.memory_space<semaphore_mem>>) src(%dma_wait3A_638 : memref<20x32xi32, #tpu.memory_space<hbm>>) dst(%arg7 : memref<20x32xi32, #tpu.memory_space<vmem>>)
      %dma_wait3A_639 = arith.constant 0 : i32
      %dma_wait3A_640 = arith.constant 0 : i32
      %dma_wait3A_641 = tpu.memref_slice %arg4[%add3A, %scan3A_613, %dma_wait3A_639, %dma_wait3A_640] : memref<32x16x20x32xi32, #tpu.memory_space<hbm>> -> memref<1x1x20x32xi32, #tpu.memory_space<hbm>>
      %dma_wait3A_642 = tpu.memref_squeeze %dma_wait3A_641 : memref<1x1x20x32xi32, #tpu.memory_space<hbm>> -> memref<20x32xi32, #tpu.memory_space<hbm>>
      %dma_wait3A_643 = arith.constant 0 : i32
      %dma_wait3A_644 = arith.constant 0 : i32
      %dma_wait3A_645 = tpu.memref_slice %arg4[%add3A, %scan3A_613, %dma_wait3A_643, %dma_wait3A_644] : memref<32x16x20x32xi32, #tpu.memory_space<hbm>> -> memref<1x1x20x32xi32, #tpu.memory_space<hbm>>
      %dma_wait3A_646 = tpu.memref_squeeze %dma_wait3A_645 : memref<1x1x20x32xi32, #tpu.memory_space<hbm>> -> memref<20x32xi32, #tpu.memory_space<hbm>>
      tpu.wait_dma2 semaphore(%arg12 : memref<!tpu.dma_semaphore, #tpu.memory_space<semaphore_mem>>) src(%dma_wait3A_646 : memref<20x32xi32, #tpu.memory_space<hbm>>) dst(%arg8 : memref<20x32xi32, #tpu.memory_space<vmem>>)
      %dma_start3A_647 = arith.constant 0 : i32
      %dma_start3A_648 = arith.constant 0 : i32
      %dma_start3A_649 = arith.constant 0 : i32
      %dma_start3A_650 = arith.constant 0 : i32
      %dma_start3A_651 = tpu.memref_slice %arg10[%dma_start3A_648, %dma_start3A_649, %dma_start3A_650] : memref<8x32x128xf32, #tpu.memory_space<vmem>> -> memref<1x32x128xf32, #tpu.memory_space<vmem>>
      %dma_start3A_652 = tpu.memref_squeeze %dma_start3A_651 : memref<1x32x128xf32, #tpu.memory_space<vmem>> -> memref<32x128xf32, #tpu.memory_space<vmem>>
      %dma_start3A_653 = arith.constant 0 : i32
      %dma_start3A_654 = tpu.memref_slice %arg7[%dma_start3A_647, %dma_start3A_653] : memref<20x32xi32, #tpu.memory_space<vmem>> -> memref<1x32xi32, #tpu.memory_space<vmem>>
      %dma_start3A_655 = tpu.memref_squeeze %dma_start3A_654 : memref<1x32xi32, #tpu.memory_space<vmem>> -> memref<32xi32, #tpu.memory_space<vmem>>
      %dma_start3A_656 = arith.constant 0 : i32
      %dma_start3A_657 = arith.constant 0 : i32
      %dma_start3A_658 = tpu.memref_slice %arg2[%dma_start3A_656, %dma_start3A_657] : memref<10000x128xf32, #tpu.memory_space<hbm>> -> memref<10000x128xf32, #tpu.memory_space<hbm>>
      tpu.enqueue_indirect_dma source(%dma_start3A_658 : memref<10000x128xf32, #tpu.memory_space<hbm>>) target(%dma_start3A_652 : memref<32x128xf32, #tpu.memory_space<vmem>>) offsets(%dma_start3A_655 : memref<32xi32, #tpu.memory_space<vmem>>) semaphore(%arg11 : memref<!tpu.dma_semaphore, #tpu.memory_space<semaphore_mem>>)
      %dma_start3A_659 = arith.constant 1 : i32
      %dma_start3A_660 = arith.constant 1 : i32
      %dma_start3A_661 = arith.constant 0 : i32
      %dma_start3A_662 = arith.constant 0 : i32
      %dma_start3A_663 = tpu.memref_slice %arg10[%dma_start3A_660, %dma_start3A_661, %dma_start3A_662] : memref<8x32x128xf32, #tpu.memory_space<vmem>> -> memref<1x32x128xf32, #tpu.memory_space<vmem>>
      %dma_start3A_664 = tpu.memref_squeeze %dma_start3A_663 : memref<1x32x128xf32, #tpu.memory_space<vmem>> -> memref<32x128xf32, #tpu.memory_space<vmem>>
      %dma_start3A_665 = arith.constant 0 : i32
      %dma_start3A_666 = tpu.memref_slice %arg7[%dma_start3A_659, %dma_start3A_665] : memref<20x32xi32, #tpu.memory_space<vmem>> -> memref<1x32xi32, #tpu.memory_space<vmem>>
      %dma_start3A_667 = tpu.memref_squeeze %dma_start3A_666 : memref<1x32xi32, #tpu.memory_space<vmem>> -> memref<32xi32, #tpu.memory_space<vmem>>
      %dma_start3A_668 = arith.constant 0 : i32
      %dma_start3A_669 = arith.constant 0 : i32
      %dma_start3A_670 = tpu.memref_slice %arg2[%dma_start3A_668, %dma_start3A_669] : memref<10000x128xf32, #tpu.memory_space<hbm>> -> memref<10000x128xf32, #tpu.memory_space<hbm>>
      tpu.enqueue_indirect_dma source(%dma_start3A_670 : memref<10000x128xf32, #tpu.memory_space<hbm>>) target(%dma_start3A_664 : memref<32x128xf32, #tpu.memory_space<vmem>>) offsets(%dma_start3A_667 : memref<32xi32, #tpu.memory_space<vmem>>) semaphore(%arg12 : memref<!tpu.dma_semaphore, #tpu.memory_space<semaphore_mem>>)
      %dma_start3A_671 = arith.constant 2 : i32
      %dma_start3A_672 = arith.constant 2 : i32
      %dma_start3A_673 = arith.constant 0 : i32
      %dma_start3A_674 = arith.constant 0 : i32
      %dma_start3A_675 = tpu.memref_slice %arg10[%dma_start3A_672, %dma_start3A_673, %dma_start3A_674] : memref<8x32x128xf32, #tpu.memory_space<vmem>> -> memref<1x32x128xf32, #tpu.memory_space<vmem>>
      %dma_start3A_676 = tpu.memref_squeeze %dma_start3A_675 : memref<1x32x128xf32, #tpu.memory_space<vmem>> -> memref<32x128xf32, #tpu.memory_space<vmem>>
      %dma_start3A_677 = arith.constant 0 : i32
      %dma_start3A_678 = tpu.memref_slice %arg7[%dma_start3A_671, %dma_start3A_677] : memref<20x32xi32, #tpu.memory_space<vmem>> -> memref<1x32xi32, #tpu.memory_space<vmem>>
      %dma_start3A_679 = tpu.memref_squeeze %dma_start3A_678 : memref<1x32xi32, #tpu.memory_space<vmem>> -> memref<32xi32, #tpu.memory_space<vmem>>
      %dma_start3A_680 = arith.constant 0 : i32
      %dma_start3A_681 = arith.constant 0 : i32
      %dma_start3A_682 = tpu.memref_slice %arg2[%dma_start3A_680, %dma_start3A_681] : memref<10000x128xf32, #tpu.memory_space<hbm>> -> memref<10000x128xf32, #tpu.memory_space<hbm>>
      tpu.enqueue_indirect_dma source(%dma_start3A_682 : memref<10000x128xf32, #tpu.memory_space<hbm>>) target(%dma_start3A_676 : memref<32x128xf32, #tpu.memory_space<vmem>>) offsets(%dma_start3A_679 : memref<32xi32, #tpu.memory_space<vmem>>) semaphore(%arg13 : memref<!tpu.dma_semaphore, #tpu.memory_space<semaphore_mem>>)
      %dma_start3A_683 = arith.constant 3 : i32
      %dma_start3A_684 = arith.constant 3 : i32
      %dma_start3A_685 = arith.constant 0 : i32
      %dma_start3A_686 = arith.constant 0 : i32
      %dma_start3A_687 = tpu.memref_slice %arg10[%dma_start3A_684, %dma_start3A_685, %dma_start3A_686] : memref<8x32x128xf32, #tpu.memory_space<vmem>> -> memref<1x32x128xf32, #tpu.memory_space<vmem>>
      %dma_start3A_688 = tpu.memref_squeeze %dma_start3A_687 : memref<1x32x128xf32, #tpu.memory_space<vmem>> -> memref<32x128xf32, #tpu.memory_space<vmem>>
      %dma_start3A_689 = arith.constant 0 : i32
      %dma_start3A_690 = tpu.memref_slice %arg7[%dma_start3A_683, %dma_start3A_689] : memref<20x32xi32, #tpu.memory_space<vmem>> -> memref<1x32xi32, #tpu.memory_space<vmem>>
      %dma_start3A_691 = tpu.memref_squeeze %dma_start3A_690 : memref<1x32xi32, #tpu.memory_space<vmem>> -> memref<32xi32, #tpu.memory_space<vmem>>
      %dma_start3A_692 = arith.constant 0 : i32
      %dma_start3A_693 = arith.constant 0 : i32
      %dma_start3A_694 = tpu.memref_slice %arg2[%dma_start3A_692, %dma_start3A_693] : memref<10000x128xf32, #tpu.memory_space<hbm>> -> memref<10000x128xf32, #tpu.memory_space<hbm>>
      tpu.enqueue_indirect_dma source(%dma_start3A_694 : memref<10000x128xf32, #tpu.memory_space<hbm>>) target(%dma_start3A_688 : memref<32x128xf32, #tpu.memory_space<vmem>>) offsets(%dma_start3A_691 : memref<32xi32, #tpu.memory_space<vmem>>) semaphore(%arg14 : memref<!tpu.dma_semaphore, #tpu.memory_space<semaphore_mem>>)
      %dma_start3A_695 = arith.constant 4 : i32
      %dma_start3A_696 = arith.constant 4 : i32
      %dma_start3A_697 = arith.constant 0 : i32
      %dma_start3A_698 = arith.constant 0 : i32
      %dma_start3A_699 = tpu.memref_slice %arg10[%dma_start3A_696, %dma_start3A_697, %dma_start3A_698] : memref<8x32x128xf32, #tpu.memory_space<vmem>> -> memref<1x32x128xf32, #tpu.memory_space<vmem>>
      %dma_start3A_700 = tpu.memref_squeeze %dma_start3A_699 : memref<1x32x128xf32, #tpu.memory_space<vmem>> -> memref<32x128xf32, #tpu.memory_space<vmem>>
      %dma_start3A_701 = arith.constant 0 : i32
      %dma_start3A_702 = tpu.memref_slice %arg7[%dma_start3A_695, %dma_start3A_701] : memref<20x32xi32, #tpu.memory_space<vmem>> -> memref<1x32xi32, #tpu.memory_space<vmem>>
      %dma_start3A_703 = tpu.memref_squeeze %dma_start3A_702 : memref<1x32xi32, #tpu.memory_space<vmem>> -> memref<32xi32, #tpu.memory_space<vmem>>
      %dma_start3A_704 = arith.constant 0 : i32
      %dma_start3A_705 = arith.constant 0 : i32
      %dma_start3A_706 = tpu.memref_slice %arg2[%dma_start3A_704, %dma_start3A_705] : memref<10000x128xf32, #tpu.memory_space<hbm>> -> memref<10000x128xf32, #tpu.memory_space<hbm>>
      tpu.enqueue_indirect_dma source(%dma_start3A_706 : memref<10000x128xf32, #tpu.memory_space<hbm>>) target(%dma_start3A_700 : memref<32x128xf32, #tpu.memory_space<vmem>>) offsets(%dma_start3A_703 : memref<32xi32, #tpu.memory_space<vmem>>) semaphore(%arg15 : memref<!tpu.dma_semaphore, #tpu.memory_space<semaphore_mem>>)
      %dma_start3A_707 = arith.constant 5 : i32
      %dma_start3A_708 = arith.constant 5 : i32
      %dma_start3A_709 = arith.constant 0 : i32
      %dma_start3A_710 = arith.constant 0 : i32
      %dma_start3A_711 = tpu.memref_slice %arg10[%dma_start3A_708, %dma_start3A_709, %dma_start3A_710] : memref<8x32x128xf32, #tpu.memory_space<vmem>> -> memref<1x32x128xf32, #tpu.memory_space<vmem>>
      %dma_start3A_712 = tpu.memref_squeeze %dma_start3A_711 : memref<1x32x128xf32, #tpu.memory_space<vmem>> -> memref<32x128xf32, #tpu.memory_space<vmem>>
      %dma_start3A_713 = arith.constant 0 : i32
      %dma_start3A_714 = tpu.memref_slice %arg7[%dma_start3A_707, %dma_start3A_713] : memref<20x32xi32, #tpu.memory_space<vmem>> -> memref<1x32xi32, #tpu.memory_space<vmem>>
      %dma_start3A_715 = tpu.memref_squeeze %dma_start3A_714 : memref<1x32xi32, #tpu.memory_space<vmem>> -> memref<32xi32, #tpu.memory_space<vmem>>
      %dma_start3A_716 = arith.constant 0 : i32
      %dma_start3A_717 = arith.constant 0 : i32
      %dma_start3A_718 = tpu.memref_slice %arg2[%dma_start3A_716, %dma_start3A_717] : memref<10000x128xf32, #tpu.memory_space<hbm>> -> memref<10000x128xf32, #tpu.memory_space<hbm>>
      tpu.enqueue_indirect_dma source(%dma_start3A_718 : memref<10000x128xf32, #tpu.memory_space<hbm>>) target(%dma_start3A_712 : memref<32x128xf32, #tpu.memory_space<vmem>>) offsets(%dma_start3A_715 : memref<32xi32, #tpu.memory_space<vmem>>) semaphore(%arg16 : memref<!tpu.dma_semaphore, #tpu.memory_space<semaphore_mem>>)
      %dma_wait3A_719 = arith.constant 0 : i32
      %dma_wait3A_720 = arith.constant 0 : i32
      %dma_wait3A_721 = arith.constant 0 : i32
      %dma_wait3A_722 = arith.constant 0 : i32
      %dma_wait3A_723 = tpu.memref_slice %arg10[%dma_wait3A_720, %dma_wait3A_721, %dma_wait3A_722] : memref<8x32x128xf32, #tpu.memory_space<vmem>> -> memref<1x32x128xf32, #tpu.memory_space<vmem>>
      %dma_wait3A_724 = tpu.memref_squeeze %dma_wait3A_723 : memref<1x32x128xf32, #tpu.memory_space<vmem>> -> memref<32x128xf32, #tpu.memory_space<vmem>>
      %dma_wait3A_725 = arith.constant 0 : i32
      %dma_wait3A_726 = tpu.memref_slice %arg7[%dma_wait3A_719, %dma_wait3A_725] : memref<20x32xi32, #tpu.memory_space<vmem>> -> memref<1x32xi32, #tpu.memory_space<vmem>>
      %dma_wait3A_727 = tpu.memref_squeeze %dma_wait3A_726 : memref<1x32xi32, #tpu.memory_space<vmem>> -> memref<32xi32, #tpu.memory_space<vmem>>
      %dma_wait3A_728 = arith.constant 0 : i32
      %dma_wait3A_729 = arith.constant 0 : i32
      %dma_wait3A_730 = tpu.memref_slice %arg2[%dma_wait3A_728, %dma_wait3A_729] : memref<10000x128xf32, #tpu.memory_space<hbm>> -> memref<10000x128xf32, #tpu.memory_space<hbm>>
      tpu.wait_indirect_dma semaphore(%arg11 : memref<!tpu.dma_semaphore, #tpu.memory_space<semaphore_mem>>) src(%dma_wait3A_730 : memref<10000x128xf32, #tpu.memory_space<hbm>>) dst(%dma_wait3A_724 : memref<32x128xf32, #tpu.memory_space<vmem>>)
      %dma_start3A_731 = arith.constant 0 : i32
      %dma_start3A_732 = arith.constant 0 : i32
      %dma_start3A_733 = arith.constant 0 : i32
      %dma_start3A_734 = arith.constant 0 : i32
      %dma_start3A_735 = tpu.memref_slice %arg10[%dma_start3A_731, %dma_start3A_733, %dma_start3A_734] : memref<8x32x128xf32, #tpu.memory_space<vmem>> -> memref<1x32x128xf32, #tpu.memory_space<vmem>>
      %dma_start3A_736 = tpu.memref_squeeze %dma_start3A_735 : memref<1x32x128xf32, #tpu.memory_space<vmem>> -> memref<32x128xf32, #tpu.memory_space<vmem>>
      %dma_start3A_737 = arith.constant 0 : i32
      %dma_start3A_738 = tpu.memref_slice %arg8[%dma_start3A_732, %dma_start3A_737] : memref<20x32xi32, #tpu.memory_space<vmem>> -> memref<1x32xi32, #tpu.memory_space<vmem>>
      %dma_start3A_739 = tpu.memref_squeeze %dma_start3A_738 : memref<1x32xi32, #tpu.memory_space<vmem>> -> memref<32xi32, #tpu.memory_space<vmem>>
      %dma_start3A_740 = arith.constant 0 : i32
      %dma_start3A_741 = arith.constant 0 : i32
      %dma_start3A_742 = tpu.memref_slice %arg6[%dma_start3A_740, %dma_start3A_741] : memref<10112x128xf32, #tpu.memory_space<vmem_shared>> -> memref<10112x128xf32, #tpu.memory_space<vmem_shared>>
      tpu.enqueue_indirect_dma source(%dma_start3A_736 : memref<32x128xf32, #tpu.memory_space<vmem>>) target(%dma_start3A_742 : memref<10112x128xf32, #tpu.memory_space<vmem_shared>>) offsets(%dma_start3A_739 : memref<32xi32, #tpu.memory_space<vmem>>) semaphore(%arg19 : memref<!tpu.dma_semaphore, #tpu.memory_space<semaphore_mem>>) {add = true}
      %get3A = arith.constant 0 : i32
      %get3A_743 = arith.index_cast %get3A : i32 to index
      %get3A_744 = arith.constant 0 : index
      %get3A_745 = tpu.vector_load %arg8[%get3A_743, %get3A_744] {strides = array<i32>} : memref<20x32xi32, #tpu.memory_space<vmem>>, vector<16xi32>,
      %shift_right_logical3A = arith.constant 7 : i32
      %shift_right_logical3A_746 = vector.broadcast %shift_right_logical3A : i32 to vector<16xi32>
      %shift_right_logical3A_747 = arith.shrui %get3A_745, %shift_right_logical3A_746 : vector<16xi32>
      %and3A = arith.constant 127 : i32
      %and3A_748 = vector.broadcast %and3A : i32 to vector<16xi32>
      %and3A_749 = arith.andi %get3A_745, %and3A_748 : vector<16xi32>
      tpu.vector_store_idx %arg9[%shift_right_logical3A_747, %and3A_749], %broadcast_in_dim3A_589 {add = true} : memref<80x128xf32, #tpu.memory_space<vmem>>[vector<16xi32>, vector<16xi32>], vector<16xf32>,
      %get3A_750 = arith.constant 0 : i32
      %get3A_751 = arith.index_cast %get3A_750 : i32 to index
      %get3A_752 = arith.constant 16 : index
      %get3A_753 = tpu.vector_load %arg8[%get3A_751, %get3A_752] {strides = array<i32>} : memref<20x32xi32, #tpu.memory_space<vmem>>, vector<16xi32>,
      %shift_right_logical3A_754 = arith.constant 7 : i32
      %shift_right_logical3A_755 = vector.broadcast %shift_right_logical3A_754 : i32 to vector<16xi32>
      %shift_right_logical3A_756 = arith.shrui %get3A_753, %shift_right_logical3A_755 : vector<16xi32>
      %and3A_757 = arith.constant 127 : i32
      %and3A_758 = vector.broadcast %and3A_757 : i32 to vector<16xi32>
      %and3A_759 = arith.andi %get3A_753, %and3A_758 : vector<16xi32>
      tpu.vector_store_idx %arg9[%shift_right_logical3A_756, %and3A_759], %broadcast_in_dim3A_589 {add = true} : memref<80x128xf32, #tpu.memory_space<vmem>>[vector<16xi32>, vector<16xi32>], vector<16xf32>,
      %dma_start3A_760 = arith.constant 6 : i32
      %dma_start3A_761 = arith.constant 6 : i32
      %dma_start3A_762 = arith.constant 0 : i32
      %dma_start3A_763 = arith.constant 0 : i32
      %dma_start3A_764 = tpu.memref_slice %arg10[%dma_start3A_761, %dma_start3A_762, %dma_start3A_763] : memref<8x32x128xf32, #tpu.memory_space<vmem>> -> memref<1x32x128xf32, #tpu.memory_space<vmem>>
      %dma_start3A_765 = tpu.memref_squeeze %dma_start3A_764 : memref<1x32x128xf32, #tpu.memory_space<vmem>> -> memref<32x128xf32, #tpu.memory_space<vmem>>
      %dma_start3A_766 = arith.constant 0 : i32
      %dma_start3A_767 = tpu.memref_slice %arg7[%dma_start3A_760, %dma_start3A_766] : memref<20x32xi32, #tpu.memory_space<vmem>> -> memref<1x32xi32, #tpu.memory_space<vmem>>
      %dma_start3A_768 = tpu.memref_squeeze %dma_start3A_767 : memref<1x32xi32, #tpu.memory_space<vmem>> -> memref<32xi32, #tpu.memory_space<vmem>>
      %dma_start3A_769 = arith.constant 0 : i32
      %dma_start3A_770 = arith.constant 0 : i32
      %dma_start3A_771 = tpu.memref_slice %arg2[%dma_start3A_769, %dma_start3A_770] : memref<10000x128xf32, #tpu.memory_space<hbm>> -> memref<10000x128xf32, #tpu.memory_space<hbm>>
      tpu.enqueue_indirect_dma source(%dma_start3A_771 : memref<10000x128xf32, #tpu.memory_space<hbm>>) target(%dma_start3A_765 : memref<32x128xf32, #tpu.memory_space<vmem>>) offsets(%dma_start3A_768 : memref<32xi32, #tpu.memory_space<vmem>>) semaphore(%arg17 : memref<!tpu.dma_semaphore, #tpu.memory_space<semaphore_mem>>)
      %dma_wait3A_772 = arith.constant 1 : i32
      %dma_wait3A_773 = arith.constant 1 : i32
      %dma_wait3A_774 = arith.constant 0 : i32
      %dma_wait3A_775 = arith.constant 0 : i32
      %dma_wait3A_776 = tpu.memref_slice %arg10[%dma_wait3A_773, %dma_wait3A_774, %dma_wait3A_775] : memref<8x32x128xf32, #tpu.memory_space<vmem>> -> memref<1x32x128xf32, #tpu.memory_space<vmem>>
      %dma_wait3A_777 = tpu.memref_squeeze %dma_wait3A_776 : memref<1x32x128xf32, #tpu.memory_space<vmem>> -> memref<32x128xf32, #tpu.memory_space<vmem>>
      %dma_wait3A_778 = arith.constant 0 : i32
      %dma_wait3A_779 = tpu.memref_slice %arg7[%dma_wait3A_772, %dma_wait3A_778] : memref<20x32xi32, #tpu.memory_space<vmem>> -> memref<1x32xi32, #tpu.memory_space<vmem>>
      %dma_wait3A_780 = tpu.memref_squeeze %dma_wait3A_779 : memref<1x32xi32, #tpu.memory_space<vmem>> -> memref<32xi32, #tpu.memory_space<vmem>>
      %dma_wait3A_781 = arith.constant 0 : i32
      %dma_wait3A_782 = arith.constant 0 : i32
      %dma_wait3A_783 = tpu.memref_slice %arg2[%dma_wait3A_781, %dma_wait3A_782] : memref<10000x128xf32, #tpu.memory_space<hbm>> -> memref<10000x128xf32, #tpu.memory_space<hbm>>
      tpu.wait_indirect_dma semaphore(%arg12 : memref<!tpu.dma_semaphore, #tpu.memory_space<semaphore_mem>>) src(%dma_wait3A_783 : memref<10000x128xf32, #tpu.memory_space<hbm>>) dst(%dma_wait3A_777 : memref<32x128xf32, #tpu.memory_space<vmem>>)
      %dma_start3A_784 = arith.constant 1 : i32
      %dma_start3A_785 = arith.constant 1 : i32
      %dma_start3A_786 = arith.constant 0 : i32
      %dma_start3A_787 = arith.constant 0 : i32
      %dma_start3A_788 = tpu.memref_slice %arg10[%dma_start3A_784, %dma_start3A_786, %dma_start3A_787] : memref<8x32x128xf32, #tpu.memory_space<vmem>> -> memref<1x32x128xf32, #tpu.memory_space<vmem>>
      %dma_start3A_789 = tpu.memref_squeeze %dma_start3A_788 : memref<1x32x128xf32, #tpu.memory_space<vmem>> -> memref<32x128xf32, #tpu.memory_space<vmem>>
      %dma_start3A_790 = arith.constant 0 : i32
      %dma_start3A_791 = tpu.memref_slice %arg8[%dma_start3A_785, %dma_start3A_790] : memref<20x32xi32, #tpu.memory_space<vmem>> -> memref<1x32xi32, #tpu.memory_space<vmem>>
      %dma_start3A_792 = tpu.memref_squeeze %dma_start3A_791 : memref<1x32xi32, #tpu.memory_space<vmem>> -> memref<32xi32, #tpu.memory_space<vmem>>
      %dma_start3A_793 = arith.constant 0 : i32
      %dma_start3A_794 = arith.constant 0 : i32
      %dma_start3A_795 = tpu.memref_slice %arg6[%dma_start3A_793, %dma_start3A_794] : memref<10112x128xf32, #tpu.memory_space<vmem_shared>> -> memref<10112x128xf32, #tpu.memory_space<vmem_shared>>
      tpu.enqueue_indirect_dma source(%dma_start3A_789 : memref<32x128xf32, #tpu.memory_space<vmem>>) target(%dma_start3A_795 : memref<10112x128xf32, #tpu.memory_space<vmem_shared>>) offsets(%dma_start3A_792 : memref<32xi32, #tpu.memory_space<vmem>>) semaphore(%arg20 : memref<!tpu.dma_semaphore, #tpu.memory_space<semaphore_mem>>) {add = true}
      %get3A_796 = arith.constant 1 : i32
      %get3A_797 = arith.index_cast %get3A_796 : i32 to index
      %get3A_798 = arith.constant 0 : index
      %get3A_799 = tpu.vector_load %arg8[%get3A_797, %get3A_798] {strides = array<i32>} : memref<20x32xi32, #tpu.memory_space<vmem>>, vector<16xi32>,
      %shift_right_logical3A_800 = arith.constant 7 : i32
      %shift_right_logical3A_801 = vector.broadcast %shift_right_logical3A_800 : i32 to vector<16xi32>
      %shift_right_logical3A_802 = arith.shrui %get3A_799, %shift_right_logical3A_801 : vector<16xi32>
      %and3A_803 = arith.constant 127 : i32
      %and3A_804 = vector.broadcast %and3A_803 : i32 to vector<16xi32>
      %and3A_805 = arith.andi %get3A_799, %and3A_804 : vector<16xi32>
      tpu.vector_store_idx %arg9[%shift_right_logical3A_802, %and3A_805], %broadcast_in_dim3A_589 {add = true} : memref<80x128xf32, #tpu.memory_space<vmem>>[vector<16xi32>, vector<16xi32>], vector<16xf32>,
      %get3A_806 = arith.constant 1 : i32
      %get3A_807 = arith.index_cast %get3A_806 : i32 to index
      %get3A_808 = arith.constant 16 : index
      %get3A_809 = tpu.vector_load %arg8[%get3A_807, %get3A_808] {strides = array<i32>} : memref<20x32xi32, #tpu.memory_space<vmem>>, vector<16xi32>,
      %shift_right_logical3A_810 = arith.constant 7 : i32
      %shift_right_logical3A_811 = vector.broadcast %shift_right_logical3A_810 : i32 to vector<16xi32>
      %shift_right_logical3A_812 = arith.shrui %get3A_809, %shift_right_logical3A_811 : vector<16xi32>
      %and3A_813 = arith.constant 127 : i32
      %and3A_814 = vector.broadcast %and3A_813 : i32 to vector<16xi32>
      %and3A_815 = arith.andi %get3A_809, %and3A_814 : vector<16xi32>
      tpu.vector_store_idx %arg9[%shift_right_logical3A_812, %and3A_815], %broadcast_in_dim3A_589 {add = true} : memref<80x128xf32, #tpu.memory_space<vmem>>[vector<16xi32>, vector<16xi32>], vector<16xf32>,
      %dma_start3A_816 = arith.constant 7 : i32
      %dma_start3A_817 = arith.constant 7 : i32
      %dma_start3A_818 = arith.constant 0 : i32
      %dma_start3A_819 = arith.constant 0 : i32
      %dma_start3A_820 = tpu.memref_slice %arg10[%dma_start3A_817, %dma_start3A_818, %dma_start3A_819] : memref<8x32x128xf32, #tpu.memory_space<vmem>> -> memref<1x32x128xf32, #tpu.memory_space<vmem>>
      %dma_start3A_821 = tpu.memref_squeeze %dma_start3A_820 : memref<1x32x128xf32, #tpu.memory_space<vmem>> -> memref<32x128xf32, #tpu.memory_space<vmem>>
      %dma_start3A_822 = arith.constant 0 : i32
      %dma_start3A_823 = tpu.memref_slice %arg7[%dma_start3A_816, %dma_start3A_822] : memref<20x32xi32, #tpu.memory_space<vmem>> -> memref<1x32xi32, #tpu.memory_space<vmem>>
      %dma_start3A_824 = tpu.memref_squeeze %dma_start3A_823 : memref<1x32xi32, #tpu.memory_space<vmem>> -> memref<32xi32, #tpu.memory_space<vmem>>
      %dma_start3A_825 = arith.constant 0 : i32
      %dma_start3A_826 = arith.constant 0 : i32
      %dma_start3A_827 = tpu.memref_slice %arg2[%dma_start3A_825, %dma_start3A_826] : memref<10000x128xf32, #tpu.memory_space<hbm>> -> memref<10000x128xf32, #tpu.memory_space<hbm>>
      tpu.enqueue_indirect_dma source(%dma_start3A_827 : memref<10000x128xf32, #tpu.memory_space<hbm>>) target(%dma_start3A_821 : memref<32x128xf32, #tpu.memory_space<vmem>>) offsets(%dma_start3A_824 : memref<32xi32, #tpu.memory_space<vmem>>) semaphore(%arg18 : memref<!tpu.dma_semaphore, #tpu.memory_space<semaphore_mem>>)
      %dma_wait3A_828 = arith.constant 2 : i32
      %dma_wait3A_829 = arith.constant 2 : i32
      %dma_wait3A_830 = arith.constant 0 : i32
      %dma_wait3A_831 = arith.constant 0 : i32
      %dma_wait3A_832 = tpu.memref_slice %arg10[%dma_wait3A_829, %dma_wait3A_830, %dma_wait3A_831] : memref<8x32x128xf32, #tpu.memory_space<vmem>> -> memref<1x32x128xf32, #tpu.memory_space<vmem>>
      %dma_wait3A_833 = tpu.memref_squeeze %dma_wait3A_832 : memref<1x32x128xf32, #tpu.memory_space<vmem>> -> memref<32x128xf32, #tpu.memory_space<vmem>>
      %dma_wait3A_834 = arith.constant 0 : i32
      %dma_wait3A_835 = tpu.memref_slice %arg7[%dma_wait3A_828, %dma_wait3A_834] : memref<20x32xi32, #tpu.memory_space<vmem>> -> memref<1x32xi32, #tpu.memory_space<vmem>>
      %dma_wait3A_836 = tpu.memref_squeeze %dma_wait3A_835 : memref<1x32xi32, #tpu.memory_space<vmem>> -> memref<32xi32, #tpu.memory_space<vmem>>
      %dma_wait3A_837 = arith.constant 0 : i32
      %dma_wait3A_838 = arith.constant 0 : i32
      %dma_wait3A_839 = tpu.memref_slice %arg2[%dma_wait3A_837, %dma_wait3A_838] : memref<10000x128xf32, #tpu.memory_space<hbm>> -> memref<10000x128xf32, #tpu.memory_space<hbm>>
      tpu.wait_indirect_dma semaphore(%arg13 : memref<!tpu.dma_semaphore, #tpu.memory_space<semaphore_mem>>) src(%dma_wait3A_839 : memref<10000x128xf32, #tpu.memory_space<hbm>>) dst(%dma_wait3A_833 : memref<32x128xf32, #tpu.memory_space<vmem>>)
      %dma_start3A_840 = arith.constant 2 : i32
      %dma_start3A_841 = arith.constant 2 : i32
      %dma_start3A_842 = arith.constant 0 : i32
      %dma_start3A_843 = arith.constant 0 : i32
      %dma_start3A_844 = tpu.memref_slice %arg10[%dma_start3A_840, %dma_start3A_842, %dma_start3A_843] : memref<8x32x128xf32, #tpu.memory_space<vmem>> -> memref<1x32x128xf32, #tpu.memory_space<vmem>>
      %dma_start3A_845 = tpu.memref_squeeze %dma_start3A_844 : memref<1x32x128xf32, #tpu.memory_space<vmem>> -> memref<32x128xf32, #tpu.memory_space<vmem>>
      %dma_start3A_846 = arith.constant 0 : i32
      %dma_start3A_847 = tpu.memref_slice %arg8[%dma_start3A_841, %dma_start3A_846] : memref<20x32xi32, #tpu.memory_space<vmem>> -> memref<1x32xi32, #tpu.memory_space<vmem>>
      %dma_start3A_848 = tpu.memref_squeeze %dma_start3A_847 : memref<1x32xi32, #tpu.memory_space<vmem>> -> memref<32xi32, #tpu.memory_space<vmem>>
      %dma_start3A_849 = arith.constant 0 : i32
      %dma_start3A_850 = arith.constant 0 : i32
      %dma_start3A_851 = tpu.memref_slice %arg6[%dma_start3A_849, %dma_start3A_850] : memref<10112x128xf32, #tpu.memory_space<vmem_shared>> -> memref<10112x128xf32, #tpu.memory_space<vmem_shared>>
      tpu.enqueue_indirect_dma source(%dma_start3A_845 : memref<32x128xf32, #tpu.memory_space<vmem>>) target(%dma_start3A_851 : memref<10112x128xf32, #tpu.memory_space<vmem_shared>>) offsets(%dma_start3A_848 : memref<32xi32, #tpu.memory_space<vmem>>) semaphore(%arg21 : memref<!tpu.dma_semaphore, #tpu.memory_space<semaphore_mem>>) {add = true}
      %get3A_852 = arith.constant 2 : i32
      %get3A_853 = arith.index_cast %get3A_852 : i32 to index
      %get3A_854 = arith.constant 0 : index
      %get3A_855 = tpu.vector_load %arg8[%get3A_853, %get3A_854] {strides = array<i32>} : memref<20x32xi32, #tpu.memory_space<vmem>>, vector<16xi32>,
      %shift_right_logical3A_856 = arith.constant 7 : i32
      %shift_right_logical3A_857 = vector.broadcast %shift_right_logical3A_856 : i32 to vector<16xi32>
      %shift_right_logical3A_858 = arith.shrui %get3A_855, %shift_right_logical3A_857 : vector<16xi32>
      %and3A_859 = arith.constant 127 : i32
      %and3A_860 = vector.broadcast %and3A_859 : i32 to vector<16xi32>
      %and3A_861 = arith.andi %get3A_855, %and3A_860 : vector<16xi32>
      tpu.vector_store_idx %arg9[%shift_right_logical3A_858, %and3A_861], %broadcast_in_dim3A_589 {add = true} : memref<80x128xf32, #tpu.memory_space<vmem>>[vector<16xi32>, vector<16xi32>], vector<16xf32>,
      %get3A_862 = arith.constant 2 : i32
      %get3A_863 = arith.index_cast %get3A_862 : i32 to index
      %get3A_864 = arith.constant 16 : index
      %get3A_865 = tpu.vector_load %arg8[%get3A_863, %get3A_864] {strides = array<i32>} : memref<20x32xi32, #tpu.memory_space<vmem>>, vector<16xi32>,
      %shift_right_logical3A_866 = arith.constant 7 : i32
      %shift_right_logical3A_867 = vector.broadcast %shift_right_logical3A_866 : i32 to vector<16xi32>
      %shift_right_logical3A_868 = arith.shrui %get3A_865, %shift_right_logical3A_867 : vector<16xi32>
      %and3A_869 = arith.constant 127 : i32
      %and3A_870 = vector.broadcast %and3A_869 : i32 to vector<16xi32>
      %and3A_871 = arith.andi %get3A_865, %and3A_870 : vector<16xi32>
      tpu.vector_store_idx %arg9[%shift_right_logical3A_868, %and3A_871], %broadcast_in_dim3A_589 {add = true} : memref<80x128xf32, #tpu.memory_space<vmem>>[vector<16xi32>, vector<16xi32>], vector<16xf32>,
      %dma_wait3A_872 = arith.constant 0 : i32
      %dma_wait3A_873 = arith.constant 0 : i32
      %dma_wait3A_874 = arith.constant 0 : i32
      %dma_wait3A_875 = arith.constant 0 : i32
      %dma_wait3A_876 = tpu.memref_slice %arg10[%dma_wait3A_872, %dma_wait3A_874, %dma_wait3A_875] : memref<8x32x128xf32, #tpu.memory_space<vmem>> -> memref<1x32x128xf32, #tpu.memory_space<vmem>>
      %dma_wait3A_877 = tpu.memref_squeeze %dma_wait3A_876 : memref<1x32x128xf32, #tpu.memory_space<vmem>> -> memref<32x128xf32, #tpu.memory_space<vmem>>
      %dma_wait3A_878 = arith.constant 0 : i32
      %dma_wait3A_879 = tpu.memref_slice %arg8[%dma_wait3A_873, %dma_wait3A_878] : memref<20x32xi32, #tpu.memory_space<vmem>> -> memref<1x32xi32, #tpu.memory_space<vmem>>
      %dma_wait3A_880 = tpu.memref_squeeze %dma_wait3A_879 : memref<1x32xi32, #tpu.memory_space<vmem>> -> memref<32xi32, #tpu.memory_space<vmem>>
      %dma_wait3A_881 = arith.constant 0 : i32
      %dma_wait3A_882 = arith.constant 0 : i32
      %dma_wait3A_883 = tpu.memref_slice %arg6[%dma_wait3A_881, %dma_wait3A_882] : memref<10112x128xf32, #tpu.memory_space<vmem_shared>> -> memref<10112x128xf32, #tpu.memory_space<vmem_shared>>
      tpu.wait_indirect_dma semaphore(%arg19 : memref<!tpu.dma_semaphore, #tpu.memory_space<semaphore_mem>>) src(%dma_wait3A_877 : memref<32x128xf32, #tpu.memory_space<vmem>>) dst(%dma_wait3A_883 : memref<10112x128xf32, #tpu.memory_space<vmem_shared>>)
      %dma_start3A_884 = arith.constant 8 : i32
      %dma_start3A_885 = arith.constant 0 : i32
      %dma_start3A_886 = arith.constant 0 : i32
      %dma_start3A_887 = arith.constant 0 : i32
      %dma_start3A_888 = tpu.memref_slice %arg10[%dma_start3A_885, %dma_start3A_886, %dma_start3A_887] : memref<8x32x128xf32, #tpu.memory_space<vmem>> -> memref<1x32x128xf32, #tpu.memory_space<vmem>>
      %dma_start3A_889 = tpu.memref_squeeze %dma_start3A_888 : memref<1x32x128xf32, #tpu.memory_space<vmem>> -> memref<32x128xf32, #tpu.memory_space<vmem>>
      %dma_start3A_890 = arith.constant 0 : i32
      %dma_start3A_891 = tpu.memref_slice %arg7[%dma_start3A_884, %dma_start3A_890] : memref<20x32xi32, #tpu.memory_space<vmem>> -> memref<1x32xi32, #tpu.memory_space<vmem>>
      %dma_start3A_892 = tpu.memref_squeeze %dma_start3A_891 : memref<1x32xi32, #tpu.memory_space<vmem>> -> memref<32xi32, #tpu.memory_space<vmem>>
      %dma_start3A_893 = arith.constant 0 : i32
      %dma_start3A_894 = arith.constant 0 : i32
      %dma_start3A_895 = tpu.memref_slice %arg2[%dma_start3A_893, %dma_start3A_894] : memref<10000x128xf32, #tpu.memory_space<hbm>> -> memref<10000x128xf32, #tpu.memory_space<hbm>>
      tpu.enqueue_indirect_dma source(%dma_start3A_895 : memref<10000x128xf32, #tpu.memory_space<hbm>>) target(%dma_start3A_889 : memref<32x128xf32, #tpu.memory_space<vmem>>) offsets(%dma_start3A_892 : memref<32xi32, #tpu.memory_space<vmem>>) semaphore(%arg11 : memref<!tpu.dma_semaphore, #tpu.memory_space<semaphore_mem>>)
      %dma_wait3A_896 = arith.constant 3 : i32
      %dma_wait3A_897 = arith.constant 3 : i32
      %dma_wait3A_898 = arith.constant 0 : i32
      %dma_wait3A_899 = arith.constant 0 : i32
      %dma_wait3A_900 = tpu.memref_slice %arg10[%dma_wait3A_897, %dma_wait3A_898, %dma_wait3A_899] : memref<8x32x128xf32, #tpu.memory_space<vmem>> -> memref<1x32x128xf32, #tpu.memory_space<vmem>>
      %dma_wait3A_901 = tpu.memref_squeeze %dma_wait3A_900 : memref<1x32x128xf32, #tpu.memory_space<vmem>> -> memref<32x128xf32, #tpu.memory_space<vmem>>
      %dma_wait3A_902 = arith.constant 0 : i32
      %dma_wait3A_903 = tpu.memref_slice %arg7[%dma_wait3A_896, %dma_wait3A_902] : memref<20x32xi32, #tpu.memory_space<vmem>> -> memref<1x32xi32, #tpu.memory_space<vmem>>
      %dma_wait3A_904 = tpu.memref_squeeze %dma_wait3A_903 : memref<1x32xi32, #tpu.memory_space<vmem>> -> memref<32xi32, #tpu.memory_space<vmem>>
      %dma_wait3A_905 = arith.constant 0 : i32
      %dma_wait3A_906 = arith.constant 0 : i32
      %dma_wait3A_907 = tpu.memref_slice %arg2[%dma_wait3A_905, %dma_wait3A_906] : memref<10000x128xf32, #tpu.memory_space<hbm>> -> memref<10000x128xf32, #tpu.memory_space<hbm>>
      tpu.wait_indirect_dma semaphore(%arg14 : memref<!tpu.dma_semaphore, #tpu.memory_space<semaphore_mem>>) src(%dma_wait3A_907 : memref<10000x128xf32, #tpu.memory_space<hbm>>) dst(%dma_wait3A_901 : memref<32x128xf32, #tpu.memory_space<vmem>>)
      %dma_start3A_908 = arith.constant 3 : i32
      %dma_start3A_909 = arith.constant 3 : i32
      %dma_start3A_910 = arith.constant 0 : i32
      %dma_start3A_911 = arith.constant 0 : i32
      %dma_start3A_912 = tpu.memref_slice %arg10[%dma_start3A_908, %dma_start3A_910, %dma_start3A_911] : memref<8x32x128xf32, #tpu.memory_space<vmem>> -> memref<1x32x128xf32, #tpu.memory_space<vmem>>
      %dma_start3A_913 = tpu.memref_squeeze %dma_start3A_912 : memref<1x32x128xf32, #tpu.memory_space<vmem>> -> memref<32x128xf32, #tpu.memory_space<vmem>>
      %dma_start3A_914 = arith.constant 0 : i32
      %dma_start3A_915 = tpu.memref_slice %arg8[%dma_start3A_909, %dma_start3A_914] : memref<20x32xi32, #tpu.memory_space<vmem>> -> memref<1x32xi32, #tpu.memory_space<vmem>>
      %dma_start3A_916 = tpu.memref_squeeze %dma_start3A_915 : memref<1x32xi32, #tpu.memory_space<vmem>> -> memref<32xi32, #tpu.memory_space<vmem>>
      %dma_start3A_917 = arith.constant 0 : i32
      %dma_start3A_918 = arith.constant 0 : i32
      %dma_start3A_919 = tpu.memref_slice %arg6[%dma_start3A_917, %dma_start3A_918] : memref<10112x128xf32, #tpu.memory_space<vmem_shared>> -> memref<10112x128xf32, #tpu.memory_space<vmem_shared>>
      tpu.enqueue_indirect_dma source(%dma_start3A_913 : memref<32x128xf32, #tpu.memory_space<vmem>>) target(%dma_start3A_919 : memref<10112x128xf32, #tpu.memory_space<vmem_shared>>) offsets(%dma_start3A_916 : memref<32xi32, #tpu.memory_space<vmem>>) semaphore(%arg22 : memref<!tpu.dma_semaphore, #tpu.memory_space<semaphore_mem>>) {add = true}
      %get3A_920 = arith.constant 3 : i32
      %get3A_921 = arith.index_cast %get3A_920 : i32 to index
      %get3A_922 = arith.constant 0 : index
      %get3A_923 = tpu.vector_load %arg8[%get3A_921, %get3A_922] {strides = array<i32>} : memref<20x32xi32, #tpu.memory_space<vmem>>, vector<16xi32>,
      %shift_right_logical3A_924 = arith.constant 7 : i32
      %shift_right_logical3A_925 = vector.broadcast %shift_right_logical3A_924 : i32 to vector<16xi32>
      %shift_right_logical3A_926 = arith.shrui %get3A_923, %shift_right_logical3A_925 : vector<16xi32>
      %and3A_927 = arith.constant 127 : i32
      %and3A_928 = vector.broadcast %and3A_927 : i32 to vector<16xi32>
      %and3A_929 = arith.andi %get3A_923, %and3A_928 : vector<16xi32>
      tpu.vector_store_idx %arg9[%shift_right_logical3A_926, %and3A_929], %broadcast_in_dim3A_589 {add = true} : memref<80x128xf32, #tpu.memory_space<vmem>>[vector<16xi32>, vector<16xi32>], vector<16xf32>,
      %get3A_930 = arith.constant 3 : i32
      %get3A_931 = arith.index_cast %get3A_930 : i32 to index
      %get3A_932 = arith.constant 16 : index
      %get3A_933 = tpu.vector_load %arg8[%get3A_931, %get3A_932] {strides = array<i32>} : memref<20x32xi32, #tpu.memory_space<vmem>>, vector<16xi32>,
      %shift_right_logical3A_934 = arith.constant 7 : i32
      %shift_right_logical3A_935 = vector.broadcast %shift_right_logical3A_934 : i32 to vector<16xi32>
      %shift_right_logical3A_936 = arith.shrui %get3A_933, %shift_right_logical3A_935 : vector<16xi32>
      %and3A_937 = arith.constant 127 : i32
      %and3A_938 = vector.broadcast %and3A_937 : i32 to vector<16xi32>
      %and3A_939 = arith.andi %get3A_933, %and3A_938 : vector<16xi32>
      tpu.vector_store_idx %arg9[%shift_right_logical3A_936, %and3A_939], %broadcast_in_dim3A_589 {add = true} : memref<80x128xf32, #tpu.memory_space<vmem>>[vector<16xi32>, vector<16xi32>], vector<16xf32>,
      %dma_wait3A_940 = arith.constant 1 : i32
      %dma_wait3A_941 = arith.constant 1 : i32
      %dma_wait3A_942 = arith.constant 0 : i32
      %dma_wait3A_943 = arith.constant 0 : i32
      %dma_wait3A_944 = tpu.memref_slice %arg10[%dma_wait3A_940, %dma_wait3A_942, %dma_wait3A_943] : memref<8x32x128xf32, #tpu.memory_space<vmem>> -> memref<1x32x128xf32, #tpu.memory_space<vmem>>
      %dma_wait3A_945 = tpu.memref_squeeze %dma_wait3A_944 : memref<1x32x128xf32, #tpu.memory_space<vmem>> -> memref<32x128xf32, #tpu.memory_space<vmem>>
      %dma_wait3A_946 = arith.constant 0 : i32
      %dma_wait3A_947 = tpu.memref_slice %arg8[%dma_wait3A_941, %dma_wait3A_946] : memref<20x32xi32, #tpu.memory_space<vmem>> -> memref<1x32xi32, #tpu.memory_space<vmem>>
      %dma_wait3A_948 = tpu.memref_squeeze %dma_wait3A_947 : memref<1x32xi32, #tpu.memory_space<vmem>> -> memref<32xi32, #tpu.memory_space<vmem>>
      %dma_wait3A_949 = arith.constant 0 : i32
      %dma_wait3A_950 = arith.constant 0 : i32
      %dma_wait3A_951 = tpu.memref_slice %arg6[%dma_wait3A_949, %dma_wait3A_950] : memref<10112x128xf32, #tpu.memory_space<vmem_shared>> -> memref<10112x128xf32, #tpu.memory_space<vmem_shared>>
      tpu.wait_indirect_dma semaphore(%arg20 : memref<!tpu.dma_semaphore, #tpu.memory_space<semaphore_mem>>) src(%dma_wait3A_945 : memref<32x128xf32, #tpu.memory_space<vmem>>) dst(%dma_wait3A_951 : memref<10112x128xf32, #tpu.memory_space<vmem_shared>>)
      %dma_start3A_952 = arith.constant 9 : i32
      %dma_start3A_953 = arith.constant 1 : i32
      %dma_start3A_954 = arith.constant 0 : i32
      %dma_start3A_955 = arith.constant 0 : i32
      %dma_start3A_956 = tpu.memref_slice %arg10[%dma_start3A_953, %dma_start3A_954, %dma_start3A_955] : memref<8x32x128xf32, #tpu.memory_space<vmem>> -> memref<1x32x128xf32, #tpu.memory_space<vmem>>
      %dma_start3A_957 = tpu.memref_squeeze %dma_start3A_956 : memref<1x32x128xf32, #tpu.memory_space<vmem>> -> memref<32x128xf32, #tpu.memory_space<vmem>>
      %dma_start3A_958 = arith.constant 0 : i32
      %dma_start3A_959 = tpu.memref_slice %arg7[%dma_start3A_952, %dma_start3A_958] : memref<20x32xi32, #tpu.memory_space<vmem>> -> memref<1x32xi32, #tpu.memory_space<vmem>>
      %dma_start3A_960 = tpu.memref_squeeze %dma_start3A_959 : memref<1x32xi32, #tpu.memory_space<vmem>> -> memref<32xi32, #tpu.memory_space<vmem>>
      %dma_start3A_961 = arith.constant 0 : i32
      %dma_start3A_962 = arith.constant 0 : i32
      %dma_start3A_963 = tpu.memref_slice %arg2[%dma_start3A_961, %dma_start3A_962] : memref<10000x128xf32, #tpu.memory_space<hbm>> -> memref<10000x128xf32, #tpu.memory_space<hbm>>
      tpu.enqueue_indirect_dma source(%dma_start3A_963 : memref<10000x128xf32, #tpu.memory_space<hbm>>) target(%dma_start3A_957 : memref<32x128xf32, #tpu.memory_space<vmem>>) offsets(%dma_start3A_960 : memref<32xi32, #tpu.memory_space<vmem>>) semaphore(%arg12 : memref<!tpu.dma_semaphore, #tpu.memory_space<semaphore_mem>>)
      %dma_wait3A_964 = arith.constant 4 : i32
      %dma_wait3A_965 = arith.constant 4 : i32
      %dma_wait3A_966 = arith.constant 0 : i32
      %dma_wait3A_967 = arith.constant 0 : i32
      %dma_wait3A_968 = tpu.memref_slice %arg10[%dma_wait3A_965, %dma_wait3A_966, %dma_wait3A_967] : memref<8x32x128xf32, #tpu.memory_space<vmem>> -> memref<1x32x128xf32, #tpu.memory_space<vmem>>
      %dma_wait3A_969 = tpu.memref_squeeze %dma_wait3A_968 : memref<1x32x128xf32, #tpu.memory_space<vmem>> -> memref<32x128xf32, #tpu.memory_space<vmem>>
      %dma_wait3A_970 = arith.constant 0 : i32
      %dma_wait3A_971 = tpu.memref_slice %arg7[%dma_wait3A_964, %dma_wait3A_970] : memref<20x32xi32, #tpu.memory_space<vmem>> -> memref<1x32xi32, #tpu.memory_space<vmem>>
      %dma_wait3A_972 = tpu.memref_squeeze %dma_wait3A_971 : memref<1x32xi32, #tpu.memory_space<vmem>> -> memref<32xi32, #tpu.memory_space<vmem>>
      %dma_wait3A_973 = arith.constant 0 : i32
      %dma_wait3A_974 = arith.constant 0 : i32
      %dma_wait3A_975 = tpu.memref_slice %arg2[%dma_wait3A_973, %dma_wait3A_974] : memref<10000x128xf32, #tpu.memory_space<hbm>> -> memref<10000x128xf32, #tpu.memory_space<hbm>>
      tpu.wait_indirect_dma semaphore(%arg15 : memref<!tpu.dma_semaphore, #tpu.memory_space<semaphore_mem>>) src(%dma_wait3A_975 : memref<10000x128xf32, #tpu.memory_space<hbm>>) dst(%dma_wait3A_969 : memref<32x128xf32, #tpu.memory_space<vmem>>)
      %dma_start3A_976 = arith.constant 4 : i32
      %dma_start3A_977 = arith.constant 4 : i32
      %dma_start3A_978 = arith.constant 0 : i32
      %dma_start3A_979 = arith.constant 0 : i32
      %dma_start3A_980 = tpu.memref_slice %arg10[%dma_start3A_976, %dma_start3A_978, %dma_start3A_979] : memref<8x32x128xf32, #tpu.memory_space<vmem>> -> memref<1x32x128xf32, #tpu.memory_space<vmem>>
      %dma_start3A_981 = tpu.memref_squeeze %dma_start3A_980 : memref<1x32x128xf32, #tpu.memory_space<vmem>> -> memref<32x128xf32, #tpu.memory_space<vmem>>
      %dma_start3A_982 = arith.constant 0 : i32
      %dma_start3A_983 = tpu.memref_slice %arg8[%dma_start3A_977, %dma_start3A_982] : memref<20x32xi32, #tpu.memory_space<vmem>> -> memref<1x32xi32, #tpu.memory_space<vmem>>
      %dma_start3A_984 = tpu.memref_squeeze %dma_start3A_983 : memref<1x32xi32, #tpu.memory_space<vmem>> -> memref<32xi32, #tpu.memory_space<vmem>>
      %dma_start3A_985 = arith.constant 0 : i32
      %dma_start3A_986 = arith.constant 0 : i32
      %dma_start3A_987 = tpu.memref_slice %arg6[%dma_start3A_985, %dma_start3A_986] : memref<10112x128xf32, #tpu.memory_space<vmem_shared>> -> memref<10112x128xf32, #tpu.memory_space<vmem_shared>>
      tpu.enqueue_indirect_dma source(%dma_start3A_981 : memref<32x128xf32, #tpu.memory_space<vmem>>) target(%dma_start3A_987 : memref<10112x128xf32, #tpu.memory_space<vmem_shared>>) offsets(%dma_start3A_984 : memref<32xi32, #tpu.memory_space<vmem>>) semaphore(%arg23 : memref<!tpu.dma_semaphore, #tpu.memory_space<semaphore_mem>>) {add = true}
      %get3A_988 = arith.constant 4 : i32
      %get3A_989 = arith.index_cast %get3A_988 : i32 to index
      %get3A_990 = arith.constant 0 : index
      %get3A_991 = tpu.vector_load %arg8[%get3A_989, %get3A_990] {strides = array<i32>} : memref<20x32xi32, #tpu.memory_space<vmem>>, vector<16xi32>,
      %shift_right_logical3A_992 = arith.constant 7 : i32
      %shift_right_logical3A_993 = vector.broadcast %shift_right_logical3A_992 : i32 to vector<16xi32>
      %shift_right_logical3A_994 = arith.shrui %get3A_991, %shift_right_logical3A_993 : vector<16xi32>
      %and3A_995 = arith.constant 127 : i32
      %and3A_996 = vector.broadcast %and3A_995 : i32 to vector<16xi32>
      %and3A_997 = arith.andi %get3A_991, %and3A_996 : vector<16xi32>
      tpu.vector_store_idx %arg9[%shift_right_logical3A_994, %and3A_997], %broadcast_in_dim3A_589 {add = true} : memref<80x128xf32, #tpu.memory_space<vmem>>[vector<16xi32>, vector<16xi32>], vector<16xf32>,
      %get3A_998 = arith.constant 4 : i32
      %get3A_999 = arith.index_cast %get3A_998 : i32 to index
      %get3A_1000 = arith.constant 16 : index
      %get3A_1001 = tpu.vector_load %arg8[%get3A_999, %get3A_1000] {strides = array<i32>} : memref<20x32xi32, #tpu.memory_space<vmem>>, vector<16xi32>,
      %shift_right_logical3A_1002 = arith.constant 7 : i32
      %shift_right_logical3A_1003 = vector.broadcast %shift_right_logical3A_1002 : i32 to vector<16xi32>
      %shift_right_logical3A_1004 = arith.shrui %get3A_1001, %shift_right_logical3A_1003 : vector<16xi32>
      %and3A_1005 = arith.constant 127 : i32
      %and3A_1006 = vector.broadcast %and3A_1005 : i32 to vector<16xi32>
      %and3A_1007 = arith.andi %get3A_1001, %and3A_1006 : vector<16xi32>
      tpu.vector_store_idx %arg9[%shift_right_logical3A_1004, %and3A_1007], %broadcast_in_dim3A_589 {add = true} : memref<80x128xf32, #tpu.memory_space<vmem>>[vector<16xi32>, vector<16xi32>], vector<16xf32>,
      %dma_wait3A_1008 = arith.constant 2 : i32
      %dma_wait3A_1009 = arith.constant 2 : i32
      %dma_wait3A_1010 = arith.constant 0 : i32
      %dma_wait3A_1011 = arith.constant 0 : i32
      %dma_wait3A_1012 = tpu.memref_slice %arg10[%dma_wait3A_1008, %dma_wait3A_1010, %dma_wait3A_1011] : memref<8x32x128xf32, #tpu.memory_space<vmem>> -> memref<1x32x128xf32, #tpu.memory_space<vmem>>
      %dma_wait3A_1013 = tpu.memref_squeeze %dma_wait3A_1012 : memref<1x32x128xf32, #tpu.memory_space<vmem>> -> memref<32x128xf32, #tpu.memory_space<vmem>>
      %dma_wait3A_1014 = arith.constant 0 : i32
      %dma_wait3A_1015 = tpu.memref_slice %arg8[%dma_wait3A_1009, %dma_wait3A_1014] : memref<20x32xi32, #tpu.memory_space<vmem>> -> memref<1x32xi32, #tpu.memory_space<vmem>>
      %dma_wait3A_1016 = tpu.memref_squeeze %dma_wait3A_1015 : memref<1x32xi32, #tpu.memory_space<vmem>> -> memref<32xi32, #tpu.memory_space<vmem>>
      %dma_wait3A_1017 = arith.constant 0 : i32
      %dma_wait3A_1018 = arith.constant 0 : i32
      %dma_wait3A_1019 = tpu.memref_slice %arg6[%dma_wait3A_1017, %dma_wait3A_1018] : memref<10112x128xf32, #tpu.memory_space<vmem_shared>> -> memref<10112x128xf32, #tpu.memory_space<vmem_shared>>
      tpu.wait_indirect_dma semaphore(%arg21 : memref<!tpu.dma_semaphore, #tpu.memory_space<semaphore_mem>>) src(%dma_wait3A_1013 : memref<32x128xf32, #tpu.memory_space<vmem>>) dst(%dma_wait3A_1019 : memref<10112x128xf32, #tpu.memory_space<vmem_shared>>)
      %dma_start3A_1020 = arith.constant 10 : i32
      %dma_start3A_1021 = arith.constant 2 : i32
      %dma_start3A_1022 = arith.constant 0 : i32
      %dma_start3A_1023 = arith.constant 0 : i32
      %dma_start3A_1024 = tpu.memref_slice %arg10[%dma_start3A_1021, %dma_start3A_1022, %dma_start3A_1023] : memref<8x32x128xf32, #tpu.memory_space<vmem>> -> memref<1x32x128xf32, #tpu.memory_space<vmem>>
      %dma_start3A_1025 = tpu.memref_squeeze %dma_start3A_1024 : memref<1x32x128xf32, #tpu.memory_space<vmem>> -> memref<32x128xf32, #tpu.memory_space<vmem>>
      %dma_start3A_1026 = arith.constant 0 : i32
      %dma_start3A_1027 = tpu.memref_slice %arg7[%dma_start3A_1020, %dma_start3A_1026] : memref<20x32xi32, #tpu.memory_space<vmem>> -> memref<1x32xi32, #tpu.memory_space<vmem>>
      %dma_start3A_1028 = tpu.memref_squeeze %dma_start3A_1027 : memref<1x32xi32, #tpu.memory_space<vmem>> -> memref<32xi32, #tpu.memory_space<vmem>>
      %dma_start3A_1029 = arith.constant 0 : i32
      %dma_start3A_1030 = arith.constant 0 : i32
      %dma_start3A_1031 = tpu.memref_slice %arg2[%dma_start3A_1029, %dma_start3A_1030] : memref<10000x128xf32, #tpu.memory_space<hbm>> -> memref<10000x128xf32, #tpu.memory_space<hbm>>
      tpu.enqueue_indirect_dma source(%dma_start3A_1031 : memref<10000x128xf32, #tpu.memory_space<hbm>>) target(%dma_start3A_1025 : memref<32x128xf32, #tpu.memory_space<vmem>>) offsets(%dma_start3A_1028 : memref<32xi32, #tpu.memory_space<vmem>>) semaphore(%arg13 : memref<!tpu.dma_semaphore, #tpu.memory_space<semaphore_mem>>)
      %dma_wait3A_1032 = arith.constant 5 : i32
      %dma_wait3A_1033 = arith.constant 5 : i32
      %dma_wait3A_1034 = arith.constant 0 : i32
      %dma_wait3A_1035 = arith.constant 0 : i32
      %dma_wait3A_1036 = tpu.memref_slice %arg10[%dma_wait3A_1033, %dma_wait3A_1034, %dma_wait3A_1035] : memref<8x32x128xf32, #tpu.memory_space<vmem>> -> memref<1x32x128xf32, #tpu.memory_space<vmem>>
      %dma_wait3A_1037 = tpu.memref_squeeze %dma_wait3A_1036 : memref<1x32x128xf32, #tpu.memory_space<vmem>> -> memref<32x128xf32, #tpu.memory_space<vmem>>
      %dma_wait3A_1038 = arith.constant 0 : i32
      %dma_wait3A_1039 = tpu.memref_slice %arg7[%dma_wait3A_1032, %dma_wait3A_1038] : memref<20x32xi32, #tpu.memory_space<vmem>> -> memref<1x32xi32, #tpu.memory_space<vmem>>
      %dma_wait3A_1040 = tpu.memref_squeeze %dma_wait3A_1039 : memref<1x32xi32, #tpu.memory_space<vmem>> -> memref<32xi32, #tpu.memory_space<vmem>>
      %dma_wait3A_1041 = arith.constant 0 : i32
      %dma_wait3A_1042 = arith.constant 0 : i32
      %dma_wait3A_1043 = tpu.memref_slice %arg2[%dma_wait3A_1041, %dma_wait3A_1042] : memref<10000x128xf32, #tpu.memory_space<hbm>> -> memref<10000x128xf32, #tpu.memory_space<hbm>>
      tpu.wait_indirect_dma semaphore(%arg16 : memref<!tpu.dma_semaphore, #tpu.memory_space<semaphore_mem>>) src(%dma_wait3A_1043 : memref<10000x128xf32, #tpu.memory_space<hbm>>) dst(%dma_wait3A_1037 : memref<32x128xf32, #tpu.memory_space<vmem>>)
      %dma_start3A_1044 = arith.constant 5 : i32
      %dma_start3A_1045 = arith.constant 5 : i32
      %dma_start3A_1046 = arith.constant 0 : i32
      %dma_start3A_1047 = arith.constant 0 : i32
      %dma_start3A_1048 = tpu.memref_slice %arg10[%dma_start3A_1044, %dma_start3A_1046, %dma_start3A_1047] : memref<8x32x128xf32, #tpu.memory_space<vmem>> -> memref<1x32x128xf32, #tpu.memory_space<vmem>>
      %dma_start3A_1049 = tpu.memref_squeeze %dma_start3A_1048 : memref<1x32x128xf32, #tpu.memory_space<vmem>> -> memref<32x128xf32, #tpu.memory_space<vmem>>
      %dma_start3A_1050 = arith.constant 0 : i32
      %dma_start3A_1051 = tpu.memref_slice %arg8[%dma_start3A_1045, %dma_start3A_1050] : memref<20x32xi32, #tpu.memory_space<vmem>> -> memref<1x32xi32, #tpu.memory_space<vmem>>
      %dma_start3A_1052 = tpu.memref_squeeze %dma_start3A_1051 : memref<1x32xi32, #tpu.memory_space<vmem>> -> memref<32xi32, #tpu.memory_space<vmem>>
      %dma_start3A_1053 = arith.constant 0 : i32
      %dma_start3A_1054 = arith.constant 0 : i32
      %dma_start3A_1055 = tpu.memref_slice %arg6[%dma_start3A_1053, %dma_start3A_1054] : memref<10112x128xf32, #tpu.memory_space<vmem_shared>> -> memref<10112x128xf32, #tpu.memory_space<vmem_shared>>
      tpu.enqueue_indirect_dma source(%dma_start3A_1049 : memref<32x128xf32, #tpu.memory_space<vmem>>) target(%dma_start3A_1055 : memref<10112x128xf32, #tpu.memory_space<vmem_shared>>) offsets(%dma_start3A_1052 : memref<32xi32, #tpu.memory_space<vmem>>) semaphore(%arg24 : memref<!tpu.dma_semaphore, #tpu.memory_space<semaphore_mem>>) {add = true}
      %get3A_1056 = arith.constant 5 : i32
      %get3A_1057 = arith.index_cast %get3A_1056 : i32 to index
      %get3A_1058 = arith.constant 0 : index
      %get3A_1059 = tpu.vector_load %arg8[%get3A_1057, %get3A_1058] {strides = array<i32>} : memref<20x32xi32, #tpu.memory_space<vmem>>, vector<16xi32>,
      %shift_right_logical3A_1060 = arith.constant 7 : i32
      %shift_right_logical3A_1061 = vector.broadcast %shift_right_logical3A_1060 : i32 to vector<16xi32>
      %shift_right_logical3A_1062 = arith.shrui %get3A_1059, %shift_right_logical3A_1061 : vector<16xi32>
      %and3A_1063 = arith.constant 127 : i32
      %and3A_1064 = vector.broadcast %and3A_1063 : i32 to vector<16xi32>
      %and3A_1065 = arith.andi %get3A_1059, %and3A_1064 : vector<16xi32>
      tpu.vector_store_idx %arg9[%shift_right_logical3A_1062, %and3A_1065], %broadcast_in_dim3A_589 {add = true} : memref<80x128xf32, #tpu.memory_space<vmem>>[vector<16xi32>, vector<16xi32>], vector<16xf32>,
      %get3A_1066 = arith.constant 5 : i32
      %get3A_1067 = arith.index_cast %get3A_1066 : i32 to index
      %get3A_1068 = arith.constant 16 : index
      %get3A_1069 = tpu.vector_load %arg8[%get3A_1067, %get3A_1068] {strides = array<i32>} : memref<20x32xi32, #tpu.memory_space<vmem>>, vector<16xi32>,
      %shift_right_logical3A_1070 = arith.constant 7 : i32
      %shift_right_logical3A_1071 = vector.broadcast %shift_right_logical3A_1070 : i32 to vector<16xi32>
      %shift_right_logical3A_1072 = arith.shrui %get3A_1069, %shift_right_logical3A_1071 : vector<16xi32>
      %and3A_1073 = arith.constant 127 : i32
      %and3A_1074 = vector.broadcast %and3A_1073 : i32 to vector<16xi32>
      %and3A_1075 = arith.andi %get3A_1069, %and3A_1074 : vector<16xi32>
      tpu.vector_store_idx %arg9[%shift_right_logical3A_1072, %and3A_1075], %broadcast_in_dim3A_589 {add = true} : memref<80x128xf32, #tpu.memory_space<vmem>>[vector<16xi32>, vector<16xi32>], vector<16xf32>,
      %dma_wait3A_1076 = arith.constant 3 : i32
      %dma_wait3A_1077 = arith.constant 3 : i32
      %dma_wait3A_1078 = arith.constant 0 : i32
      %dma_wait3A_1079 = arith.constant 0 : i32
      %dma_wait3A_1080 = tpu.memref_slice %arg10[%dma_wait3A_1076, %dma_wait3A_1078, %dma_wait3A_1079] : memref<8x32x128xf32, #tpu.memory_space<vmem>> -> memref<1x32x128xf32, #tpu.memory_space<vmem>>
      %dma_wait3A_1081 = tpu.memref_squeeze %dma_wait3A_1080 : memref<1x32x128xf32, #tpu.memory_space<vmem>> -> memref<32x128xf32, #tpu.memory_space<vmem>>
      %dma_wait3A_1082 = arith.constant 0 : i32
      %dma_wait3A_1083 = tpu.memref_slice %arg8[%dma_wait3A_1077, %dma_wait3A_1082] : memref<20x32xi32, #tpu.memory_space<vmem>> -> memref<1x32xi32, #tpu.memory_space<vmem>>
      %dma_wait3A_1084 = tpu.memref_squeeze %dma_wait3A_1083 : memref<1x32xi32, #tpu.memory_space<vmem>> -> memref<32xi32, #tpu.memory_space<vmem>>
      %dma_wait3A_1085 = arith.constant 0 : i32
      %dma_wait3A_1086 = arith.constant 0 : i32
      %dma_wait3A_1087 = tpu.memref_slice %arg6[%dma_wait3A_1085, %dma_wait3A_1086] : memref<10112x128xf32, #tpu.memory_space<vmem_shared>> -> memref<10112x128xf32, #tpu.memory_space<vmem_shared>>
      tpu.wait_indirect_dma semaphore(%arg22 : memref<!tpu.dma_semaphore, #tpu.memory_space<semaphore_mem>>) src(%dma_wait3A_1081 : memref<32x128xf32, #tpu.memory_space<vmem>>) dst(%dma_wait3A_1087 : memref<10112x128xf32, #tpu.memory_space<vmem_shared>>)
      %dma_start3A_1088 = arith.constant 11 : i32
      %dma_start3A_1089 = arith.constant 3 : i32
      %dma_start3A_1090 = arith.constant 0 : i32
      %dma_start3A_1091 = arith.constant 0 : i32
      %dma_start3A_1092 = tpu.memref_slice %arg10[%dma_start3A_1089, %dma_start3A_1090, %dma_start3A_1091] : memref<8x32x128xf32, #tpu.memory_space<vmem>> -> memref<1x32x128xf32, #tpu.memory_space<vmem>>
      %dma_start3A_1093 = tpu.memref_squeeze %dma_start3A_1092 : memref<1x32x128xf32, #tpu.memory_space<vmem>> -> memref<32x128xf32, #tpu.memory_space<vmem>>
      %dma_start3A_1094 = arith.constant 0 : i32
      %dma_start3A_1095 = tpu.memref_slice %arg7[%dma_start3A_1088, %dma_start3A_1094] : memref<20x32xi32, #tpu.memory_space<vmem>> -> memref<1x32xi32, #tpu.memory_space<vmem>>
      %dma_start3A_1096 = tpu.memref_squeeze %dma_start3A_1095 : memref<1x32xi32, #tpu.memory_space<vmem>> -> memref<32xi32, #tpu.memory_space<vmem>>
      %dma_start3A_1097 = arith.constant 0 : i32
      %dma_start3A_1098 = arith.constant 0 : i32
      %dma_start3A_1099 = tpu.memref_slice %arg2[%dma_start3A_1097, %dma_start3A_1098] : memref<10000x128xf32, #tpu.memory_space<hbm>> -> memref<10000x128xf32, #tpu.memory_space<hbm>>
      tpu.enqueue_indirect_dma source(%dma_start3A_1099 : memref<10000x128xf32, #tpu.memory_space<hbm>>) target(%dma_start3A_1093 : memref<32x128xf32, #tpu.memory_space<vmem>>) offsets(%dma_start3A_1096 : memref<32xi32, #tpu.memory_space<vmem>>) semaphore(%arg14 : memref<!tpu.dma_semaphore, #tpu.memory_space<semaphore_mem>>)
      %dma_wait3A_1100 = arith.constant 6 : i32
      %dma_wait3A_1101 = arith.constant 6 : i32
      %dma_wait3A_1102 = arith.constant 0 : i32
      %dma_wait3A_1103 = arith.constant 0 : i32
      %dma_wait3A_1104 = tpu.memref_slice %arg10[%dma_wait3A_1101, %dma_wait3A_1102, %dma_wait3A_1103] : memref<8x32x128xf32, #tpu.memory_space<vmem>> -> memref<1x32x128xf32, #tpu.memory_space<vmem>>
      %dma_wait3A_1105 = tpu.memref_squeeze %dma_wait3A_1104 : memref<1x32x128xf32, #tpu.memory_space<vmem>> -> memref<32x128xf32, #tpu.memory_space<vmem>>
      %dma_wait3A_1106 = arith.constant 0 : i32
      %dma_wait3A_1107 = tpu.memref_slice %arg7[%dma_wait3A_1100, %dma_wait3A_1106] : memref<20x32xi32, #tpu.memory_space<vmem>> -> memref<1x32xi32, #tpu.memory_space<vmem>>
      %dma_wait3A_1108 = tpu.memref_squeeze %dma_wait3A_1107 : memref<1x32xi32, #tpu.memory_space<vmem>> -> memref<32xi32, #tpu.memory_space<vmem>>
      %dma_wait3A_1109 = arith.constant 0 : i32
      %dma_wait3A_1110 = arith.constant 0 : i32
      %dma_wait3A_1111 = tpu.memref_slice %arg2[%dma_wait3A_1109, %dma_wait3A_1110] : memref<10000x128xf32, #tpu.memory_space<hbm>> -> memref<10000x128xf32, #tpu.memory_space<hbm>>
      tpu.wait_indirect_dma semaphore(%arg17 : memref<!tpu.dma_semaphore, #tpu.memory_space<semaphore_mem>>) src(%dma_wait3A_1111 : memref<10000x128xf32, #tpu.memory_space<hbm>>) dst(%dma_wait3A_1105 : memref<32x128xf32, #tpu.memory_space<vmem>>)
      %dma_start3A_1112 = arith.constant 6 : i32
      %dma_start3A_1113 = arith.constant 6 : i32
      %dma_start3A_1114 = arith.constant 0 : i32
      %dma_start3A_1115 = arith.constant 0 : i32
      %dma_start3A_1116 = tpu.memref_slice %arg10[%dma_start3A_1112, %dma_start3A_1114, %dma_start3A_1115] : memref<8x32x128xf32, #tpu.memory_space<vmem>> -> memref<1x32x128xf32, #tpu.memory_space<vmem>>
      %dma_start3A_1117 = tpu.memref_squeeze %dma_start3A_1116 : memref<1x32x128xf32, #tpu.memory_space<vmem>> -> memref<32x128xf32, #tpu.memory_space<vmem>>
      %dma_start3A_1118 = arith.constant 0 : i32
      %dma_start3A_1119 = tpu.memref_slice %arg8[%dma_start3A_1113, %dma_start3A_1118] : memref<20x32xi32, #tpu.memory_space<vmem>> -> memref<1x32xi32, #tpu.memory_space<vmem>>
      %dma_start3A_1120 = tpu.memref_squeeze %dma_start3A_1119 : memref<1x32xi32, #tpu.memory_space<vmem>> -> memref<32xi32, #tpu.memory_space<vmem>>
      %dma_start3A_1121 = arith.constant 0 : i32
      %dma_start3A_1122 = arith.constant 0 : i32
      %dma_start3A_1123 = tpu.memref_slice %arg6[%dma_start3A_1121, %dma_start3A_1122] : memref<10112x128xf32, #tpu.memory_space<vmem_shared>> -> memref<10112x128xf32, #tpu.memory_space<vmem_shared>>
      tpu.enqueue_indirect_dma source(%dma_start3A_1117 : memref<32x128xf32, #tpu.memory_space<vmem>>) target(%dma_start3A_1123 : memref<10112x128xf32, #tpu.memory_space<vmem_shared>>) offsets(%dma_start3A_1120 : memref<32xi32, #tpu.memory_space<vmem>>) semaphore(%arg25 : memref<!tpu.dma_semaphore, #tpu.memory_space<semaphore_mem>>) {add = true}
      %get3A_1124 = arith.constant 6 : i32
      %get3A_1125 = arith.index_cast %get3A_1124 : i32 to index
      %get3A_1126 = arith.constant 0 : index
      %get3A_1127 = tpu.vector_load %arg8[%get3A_1125, %get3A_1126] {strides = array<i32>} : memref<20x32xi32, #tpu.memory_space<vmem>>, vector<16xi32>,
      %shift_right_logical3A_1128 = arith.constant 7 : i32
      %shift_right_logical3A_1129 = vector.broadcast %shift_right_logical3A_1128 : i32 to vector<16xi32>
      %shift_right_logical3A_1130 = arith.shrui %get3A_1127, %shift_right_logical3A_1129 : vector<16xi32>
      %and3A_1131 = arith.constant 127 : i32
      %and3A_1132 = vector.broadcast %and3A_1131 : i32 to vector<16xi32>
      %and3A_1133 = arith.andi %get3A_1127, %and3A_1132 : vector<16xi32>
      tpu.vector_store_idx %arg9[%shift_right_logical3A_1130, %and3A_1133], %broadcast_in_dim3A_589 {add = true} : memref<80x128xf32, #tpu.memory_space<vmem>>[vector<16xi32>, vector<16xi32>], vector<16xf32>,
      %get3A_1134 = arith.constant 6 : i32
      %get3A_1135 = arith.index_cast %get3A_1134 : i32 to index
      %get3A_1136 = arith.constant 16 : index
      %get3A_1137 = tpu.vector_load %arg8[%get3A_1135, %get3A_1136] {strides = array<i32>} : memref<20x32xi32, #tpu.memory_space<vmem>>, vector<16xi32>,
      %shift_right_logical3A_1138 = arith.constant 7 : i32
      %shift_right_logical3A_1139 = vector.broadcast %shift_right_logical3A_1138 : i32 to vector<16xi32>
      %shift_right_logical3A_1140 = arith.shrui %get3A_1137, %shift_right_logical3A_1139 : vector<16xi32>
      %and3A_1141 = arith.constant 127 : i32
      %and3A_1142 = vector.broadcast %and3A_1141 : i32 to vector<16xi32>
      %and3A_1143 = arith.andi %get3A_1137, %and3A_1142 : vector<16xi32>
      tpu.vector_store_idx %arg9[%shift_right_logical3A_1140, %and3A_1143], %broadcast_in_dim3A_589 {add = true} : memref<80x128xf32, #tpu.memory_space<vmem>>[vector<16xi32>, vector<16xi32>], vector<16xf32>,
      %dma_wait3A_1144 = arith.constant 4 : i32
      %dma_wait3A_1145 = arith.constant 4 : i32
      %dma_wait3A_1146 = arith.constant 0 : i32
      %dma_wait3A_1147 = arith.constant 0 : i32
      %dma_wait3A_1148 = tpu.memref_slice %arg10[%dma_wait3A_1144, %dma_wait3A_1146, %dma_wait3A_1147] : memref<8x32x128xf32, #tpu.memory_space<vmem>> -> memref<1x32x128xf32, #tpu.memory_space<vmem>>
      %dma_wait3A_1149 = tpu.memref_squeeze %dma_wait3A_1148 : memref<1x32x128xf32, #tpu.memory_space<vmem>> -> memref<32x128xf32, #tpu.memory_space<vmem>>
      %dma_wait3A_1150 = arith.constant 0 : i32
      %dma_wait3A_1151 = tpu.memref_slice %arg8[%dma_wait3A_1145, %dma_wait3A_1150] : memref<20x32xi32, #tpu.memory_space<vmem>> -> memref<1x32xi32, #tpu.memory_space<vmem>>
      %dma_wait3A_1152 = tpu.memref_squeeze %dma_wait3A_1151 : memref<1x32xi32, #tpu.memory_space<vmem>> -> memref<32xi32, #tpu.memory_space<vmem>>
      %dma_wait3A_1153 = arith.constant 0 : i32
      %dma_wait3A_1154 = arith.constant 0 : i32
      %dma_wait3A_1155 = tpu.memref_slice %arg6[%dma_wait3A_1153, %dma_wait3A_1154] : memref<10112x128xf32, #tpu.memory_space<vmem_shared>> -> memref<10112x128xf32, #tpu.memory_space<vmem_shared>>
      tpu.wait_indirect_dma semaphore(%arg23 : memref<!tpu.dma_semaphore, #tpu.memory_space<semaphore_mem>>) src(%dma_wait3A_1149 : memref<32x128xf32, #tpu.memory_space<vmem>>) dst(%dma_wait3A_1155 : memref<10112x128xf32, #tpu.memory_space<vmem_shared>>)
      %dma_start3A_1156 = arith.constant 12 : i32
      %dma_start3A_1157 = arith.constant 4 : i32
      %dma_start3A_1158 = arith.constant 0 : i32
      %dma_start3A_1159 = arith.constant 0 : i32
      %dma_start3A_1160 = tpu.memref_slice %arg10[%dma_start3A_1157, %dma_start3A_1158, %dma_start3A_1159] : memref<8x32x128xf32, #tpu.memory_space<vmem>> -> memref<1x32x128xf32, #tpu.memory_space<vmem>>
      %dma_start3A_1161 = tpu.memref_squeeze %dma_start3A_1160 : memref<1x32x128xf32, #tpu.memory_space<vmem>> -> memref<32x128xf32, #tpu.memory_space<vmem>>
      %dma_start3A_1162 = arith.constant 0 : i32
      %dma_start3A_1163 = tpu.memref_slice %arg7[%dma_start3A_1156, %dma_start3A_1162] : memref<20x32xi32, #tpu.memory_space<vmem>> -> memref<1x32xi32, #tpu.memory_space<vmem>>
      %dma_start3A_1164 = tpu.memref_squeeze %dma_start3A_1163 : memref<1x32xi32, #tpu.memory_space<vmem>> -> memref<32xi32, #tpu.memory_space<vmem>>
      %dma_start3A_1165 = arith.constant 0 : i32
      %dma_start3A_1166 = arith.constant 0 : i32
      %dma_start3A_1167 = tpu.memref_slice %arg2[%dma_start3A_1165, %dma_start3A_1166] : memref<10000x128xf32, #tpu.memory_space<hbm>> -> memref<10000x128xf32, #tpu.memory_space<hbm>>
      tpu.enqueue_indirect_dma source(%dma_start3A_1167 : memref<10000x128xf32, #tpu.memory_space<hbm>>) target(%dma_start3A_1161 : memref<32x128xf32, #tpu.memory_space<vmem>>) offsets(%dma_start3A_1164 : memref<32xi32, #tpu.memory_space<vmem>>) semaphore(%arg15 : memref<!tpu.dma_semaphore, #tpu.memory_space<semaphore_mem>>)
      %dma_wait3A_1168 = arith.constant 7 : i32
      %dma_wait3A_1169 = arith.constant 7 : i32
      %dma_wait3A_1170 = arith.constant 0 : i32
      %dma_wait3A_1171 = arith.constant 0 : i32
      %dma_wait3A_1172 = tpu.memref_slice %arg10[%dma_wait3A_1169, %dma_wait3A_1170, %dma_wait3A_1171] : memref<8x32x128xf32, #tpu.memory_space<vmem>> -> memref<1x32x128xf32, #tpu.memory_space<vmem>>
      %dma_wait3A_1173 = tpu.memref_squeeze %dma_wait3A_1172 : memref<1x32x128xf32, #tpu.memory_space<vmem>> -> memref<32x128xf32, #tpu.memory_space<vmem>>
      %dma_wait3A_1174 = arith.constant 0 : i32
      %dma_wait3A_1175 = tpu.memref_slice %arg7[%dma_wait3A_1168, %dma_wait3A_1174] : memref<20x32xi32, #tpu.memory_space<vmem>> -> memref<1x32xi32, #tpu.memory_space<vmem>>
      %dma_wait3A_1176 = tpu.memref_squeeze %dma_wait3A_1175 : memref<1x32xi32, #tpu.memory_space<vmem>> -> memref<32xi32, #tpu.memory_space<vmem>>
      %dma_wait3A_1177 = arith.constant 0 : i32
      %dma_wait3A_1178 = arith.constant 0 : i32
      %dma_wait3A_1179 = tpu.memref_slice %arg2[%dma_wait3A_1177, %dma_wait3A_1178] : memref<10000x128xf32, #tpu.memory_space<hbm>> -> memref<10000x128xf32, #tpu.memory_space<hbm>>
      tpu.wait_indirect_dma semaphore(%arg18 : memref<!tpu.dma_semaphore, #tpu.memory_space<semaphore_mem>>) src(%dma_wait3A_1179 : memref<10000x128xf32, #tpu.memory_space<hbm>>) dst(%dma_wait3A_1173 : memref<32x128xf32, #tpu.memory_space<vmem>>)
      %dma_start3A_1180 = arith.constant 7 : i32
      %dma_start3A_1181 = arith.constant 7 : i32
      %dma_start3A_1182 = arith.constant 0 : i32
      %dma_start3A_1183 = arith.constant 0 : i32
      %dma_start3A_1184 = tpu.memref_slice %arg10[%dma_start3A_1180, %dma_start3A_1182, %dma_start3A_1183] : memref<8x32x128xf32, #tpu.memory_space<vmem>> -> memref<1x32x128xf32, #tpu.memory_space<vmem>>
      %dma_start3A_1185 = tpu.memref_squeeze %dma_start3A_1184 : memref<1x32x128xf32, #tpu.memory_space<vmem>> -> memref<32x128xf32, #tpu.memory_space<vmem>>
      %dma_start3A_1186 = arith.constant 0 : i32
      %dma_start3A_1187 = tpu.memref_slice %arg8[%dma_start3A_1181, %dma_start3A_1186] : memref<20x32xi32, #tpu.memory_space<vmem>> -> memref<1x32xi32, #tpu.memory_space<vmem>>
      %dma_start3A_1188 = tpu.memref_squeeze %dma_start3A_1187 : memref<1x32xi32, #tpu.memory_space<vmem>> -> memref<32xi32, #tpu.memory_space<vmem>>
      %dma_start3A_1189 = arith.constant 0 : i32
      %dma_start3A_1190 = arith.constant 0 : i32
      %dma_start3A_1191 = tpu.memref_slice %arg6[%dma_start3A_1189, %dma_start3A_1190] : memref<10112x128xf32, #tpu.memory_space<vmem_shared>> -> memref<10112x128xf32, #tpu.memory_space<vmem_shared>>
      tpu.enqueue_indirect_dma source(%dma_start3A_1185 : memref<32x128xf32, #tpu.memory_space<vmem>>) target(%dma_start3A_1191 : memref<10112x128xf32, #tpu.memory_space<vmem_shared>>) offsets(%dma_start3A_1188 : memref<32xi32, #tpu.memory_space<vmem>>) semaphore(%arg26 : memref<!tpu.dma_semaphore, #tpu.memory_space<semaphore_mem>>) {add = true}
      %get3A_1192 = arith.constant 7 : i32
      %get3A_1193 = arith.index_cast %get3A_1192 : i32 to index
      %get3A_1194 = arith.constant 0 : index
      %get3A_1195 = tpu.vector_load %arg8[%get3A_1193, %get3A_1194] {strides = array<i32>} : memref<20x32xi32, #tpu.memory_space<vmem>>, vector<16xi32>,
      %shift_right_logical3A_1196 = arith.constant 7 : i32
      %shift_right_logical3A_1197 = vector.broadcast %shift_right_logical3A_1196 : i32 to vector<16xi32>
      %shift_right_logical3A_1198 = arith.shrui %get3A_1195, %shift_right_logical3A_1197 : vector<16xi32>
      %and3A_1199 = arith.constant 127 : i32
      %and3A_1200 = vector.broadcast %and3A_1199 : i32 to vector<16xi32>
      %and3A_1201 = arith.andi %get3A_1195, %and3A_1200 : vector<16xi32>
      tpu.vector_store_idx %arg9[%shift_right_logical3A_1198, %and3A_1201], %broadcast_in_dim3A_589 {add = true} : memref<80x128xf32, #tpu.memory_space<vmem>>[vector<16xi32>, vector<16xi32>], vector<16xf32>,
      %get3A_1202 = arith.constant 7 : i32
      %get3A_1203 = arith.index_cast %get3A_1202 : i32 to index
      %get3A_1204 = arith.constant 16 : index
      %get3A_1205 = tpu.vector_load %arg8[%get3A_1203, %get3A_1204] {strides = array<i32>} : memref<20x32xi32, #tpu.memory_space<vmem>>, vector<16xi32>,
      %shift_right_logical3A_1206 = arith.constant 7 : i32
      %shift_right_logical3A_1207 = vector.broadcast %shift_right_logical3A_1206 : i32 to vector<16xi32>
      %shift_right_logical3A_1208 = arith.shrui %get3A_1205, %shift_right_logical3A_1207 : vector<16xi32>
      %and3A_1209 = arith.constant 127 : i32
      %and3A_1210 = vector.broadcast %and3A_1209 : i32 to vector<16xi32>
      %and3A_1211 = arith.andi %get3A_1205, %and3A_1210 : vector<16xi32>
      tpu.vector_store_idx %arg9[%shift_right_logical3A_1208, %and3A_1211], %broadcast_in_dim3A_589 {add = true} : memref<80x128xf32, #tpu.memory_space<vmem>>[vector<16xi32>, vector<16xi32>], vector<16xf32>,
      %dma_wait3A_1212 = arith.constant 5 : i32
      %dma_wait3A_1213 = arith.constant 5 : i32
      %dma_wait3A_1214 = arith.constant 0 : i32
      %dma_wait3A_1215 = arith.constant 0 : i32
      %dma_wait3A_1216 = tpu.memref_slice %arg10[%dma_wait3A_1212, %dma_wait3A_1214, %dma_wait3A_1215] : memref<8x32x128xf32, #tpu.memory_space<vmem>> -> memref<1x32x128xf32, #tpu.memory_space<vmem>>
      %dma_wait3A_1217 = tpu.memref_squeeze %dma_wait3A_1216 : memref<1x32x128xf32, #tpu.memory_space<vmem>> -> memref<32x128xf32, #tpu.memory_space<vmem>>
      %dma_wait3A_1218 = arith.constant 0 : i32
      %dma_wait3A_1219 = tpu.memref_slice %arg8[%dma_wait3A_1213, %dma_wait3A_1218] : memref<20x32xi32, #tpu.memory_space<vmem>> -> memref<1x32xi32, #tpu.memory_space<vmem>>
      %dma_wait3A_1220 = tpu.memref_squeeze %dma_wait3A_1219 : memref<1x32xi32, #tpu.memory_space<vmem>> -> memref<32xi32, #tpu.memory_space<vmem>>
      %dma_wait3A_1221 = arith.constant 0 : i32
      %dma_wait3A_1222 = arith.constant 0 : i32
      %dma_wait3A_1223 = tpu.memref_slice %arg6[%dma_wait3A_1221, %dma_wait3A_1222] : memref<10112x128xf32, #tpu.memory_space<vmem_shared>> -> memref<10112x128xf32, #tpu.memory_space<vmem_shared>>
      tpu.wait_indirect_dma semaphore(%arg24 : memref<!tpu.dma_semaphore, #tpu.memory_space<semaphore_mem>>) src(%dma_wait3A_1217 : memref<32x128xf32, #tpu.memory_space<vmem>>) dst(%dma_wait3A_1223 : memref<10112x128xf32, #tpu.memory_space<vmem_shared>>)
      %dma_start3A_1224 = arith.constant 13 : i32
      %dma_start3A_1225 = arith.constant 5 : i32
      %dma_start3A_1226 = arith.constant 0 : i32
      %dma_start3A_1227 = arith.constant 0 : i32
      %dma_start3A_1228 = tpu.memref_slice %arg10[%dma_start3A_1225, %dma_start3A_1226, %dma_start3A_1227] : memref<8x32x128xf32, #tpu.memory_space<vmem>> -> memref<1x32x128xf32, #tpu.memory_space<vmem>>
      %dma_start3A_1229 = tpu.memref_squeeze %dma_start3A_1228 : memref<1x32x128xf32, #tpu.memory_space<vmem>> -> memref<32x128xf32, #tpu.memory_space<vmem>>
      %dma_start3A_1230 = arith.constant 0 : i32
      %dma_start3A_1231 = tpu.memref_slice %arg7[%dma_start3A_1224, %dma_start3A_1230] : memref<20x32xi32, #tpu.memory_space<vmem>> -> memref<1x32xi32, #tpu.memory_space<vmem>>
      %dma_start3A_1232 = tpu.memref_squeeze %dma_start3A_1231 : memref<1x32xi32, #tpu.memory_space<vmem>> -> memref<32xi32, #tpu.memory_space<vmem>>
      %dma_start3A_1233 = arith.constant 0 : i32
      %dma_start3A_1234 = arith.constant 0 : i32
      %dma_start3A_1235 = tpu.memref_slice %arg2[%dma_start3A_1233, %dma_start3A_1234] : memref<10000x128xf32, #tpu.memory_space<hbm>> -> memref<10000x128xf32, #tpu.memory_space<hbm>>
      tpu.enqueue_indirect_dma source(%dma_start3A_1235 : memref<10000x128xf32, #tpu.memory_space<hbm>>) target(%dma_start3A_1229 : memref<32x128xf32, #tpu.memory_space<vmem>>) offsets(%dma_start3A_1232 : memref<32xi32, #tpu.memory_space<vmem>>) semaphore(%arg16 : memref<!tpu.dma_semaphore, #tpu.memory_space<semaphore_mem>>)
      %dma_wait3A_1236 = arith.constant 8 : i32
      %dma_wait3A_1237 = arith.constant 0 : i32
      %dma_wait3A_1238 = arith.constant 0 : i32
      %dma_wait3A_1239 = arith.constant 0 : i32
      %dma_wait3A_1240 = tpu.memref_slice %arg10[%dma_wait3A_1237, %dma_wait3A_1238, %dma_wait3A_1239] : memref<8x32x128xf32, #tpu.memory_space<vmem>> -> memref<1x32x128xf32, #tpu.memory_space<vmem>>
      %dma_wait3A_1241 = tpu.memref_squeeze %dma_wait3A_1240 : memref<1x32x128xf32, #tpu.memory_space<vmem>> -> memref<32x128xf32, #tpu.memory_space<vmem>>
      %dma_wait3A_1242 = arith.constant 0 : i32
      %dma_wait3A_1243 = tpu.memref_slice %arg7[%dma_wait3A_1236, %dma_wait3A_1242] : memref<20x32xi32, #tpu.memory_space<vmem>> -> memref<1x32xi32, #tpu.memory_space<vmem>>
      %dma_wait3A_1244 = tpu.memref_squeeze %dma_wait3A_1243 : memref<1x32xi32, #tpu.memory_space<vmem>> -> memref<32xi32, #tpu.memory_space<vmem>>
      %dma_wait3A_1245 = arith.constant 0 : i32
      %dma_wait3A_1246 = arith.constant 0 : i32
      %dma_wait3A_1247 = tpu.memref_slice %arg2[%dma_wait3A_1245, %dma_wait3A_1246] : memref<10000x128xf32, #tpu.memory_space<hbm>> -> memref<10000x128xf32, #tpu.memory_space<hbm>>
      tpu.wait_indirect_dma semaphore(%arg11 : memref<!tpu.dma_semaphore, #tpu.memory_space<semaphore_mem>>) src(%dma_wait3A_1247 : memref<10000x128xf32, #tpu.memory_space<hbm>>) dst(%dma_wait3A_1241 : memref<32x128xf32, #tpu.memory_space<vmem>>)
      %dma_start3A_1248 = arith.constant 0 : i32
      %dma_start3A_1249 = arith.constant 8 : i32
      %dma_start3A_1250 = arith.constant 0 : i32
      %dma_start3A_1251 = arith.constant 0 : i32
      %dma_start3A_1252 = tpu.memref_slice %arg10[%dma_start3A_1248, %dma_start3A_1250, %dma_start3A_1251] : memref<8x32x128xf32, #tpu.memory_space<vmem>> -> memref<1x32x128xf32, #tpu.memory_space<vmem>>
      %dma_start3A_1253 = tpu.memref_squeeze %dma_start3A_1252 : memref<1x32x128xf32, #tpu.memory_space<vmem>> -> memref<32x128xf32, #tpu.memory_space<vmem>>
      %dma_start3A_1254 = arith.constant 0 : i32
      %dma_start3A_1255 = tpu.memref_slice %arg8[%dma_start3A_1249, %dma_start3A_1254] : memref<20x32xi32, #tpu.memory_space<vmem>> -> memref<1x32xi32, #tpu.memory_space<vmem>>
      %dma_start3A_1256 = tpu.memref_squeeze %dma_start3A_1255 : memref<1x32xi32, #tpu.memory_space<vmem>> -> memref<32xi32, #tpu.memory_space<vmem>>
      %dma_start3A_1257 = arith.constant 0 : i32
      %dma_start3A_1258 = arith.constant 0 : i32
      %dma_start3A_1259 = tpu.memref_slice %arg6[%dma_start3A_1257, %dma_start3A_1258] : memref<10112x128xf32, #tpu.memory_space<vmem_shared>> -> memref<10112x128xf32, #tpu.memory_space<vmem_shared>>
      tpu.enqueue_indirect_dma source(%dma_start3A_1253 : memref<32x128xf32, #tpu.memory_space<vmem>>) target(%dma_start3A_1259 : memref<10112x128xf32, #tpu.memory_space<vmem_shared>>) offsets(%dma_start3A_1256 : memref<32xi32, #tpu.memory_space<vmem>>) semaphore(%arg19 : memref<!tpu.dma_semaphore, #tpu.memory_space<semaphore_mem>>) {add = true}
      %get3A_1260 = arith.constant 8 : i32
      %get3A_1261 = arith.index_cast %get3A_1260 : i32 to index
      %get3A_1262 = arith.constant 0 : index
      %get3A_1263 = tpu.vector_load %arg8[%get3A_1261, %get3A_1262] {strides = array<i32>} : memref<20x32xi32, #tpu.memory_space<vmem>>, vector<16xi32>,
      %shift_right_logical3A_1264 = arith.constant 7 : i32
      %shift_right_logical3A_1265 = vector.broadcast %shift_right_logical3A_1264 : i32 to vector<16xi32>
      %shift_right_logical3A_1266 = arith.shrui %get3A_1263, %shift_right_logical3A_1265 : vector<16xi32>
      %and3A_1267 = arith.constant 127 : i32
      %and3A_1268 = vector.broadcast %and3A_1267 : i32 to vector<16xi32>
      %and3A_1269 = arith.andi %get3A_1263, %and3A_1268 : vector<16xi32>
      tpu.vector_store_idx %arg9[%shift_right_logical3A_1266, %and3A_1269], %broadcast_in_dim3A_589 {add = true} : memref<80x128xf32, #tpu.memory_space<vmem>>[vector<16xi32>, vector<16xi32>], vector<16xf32>,
      %get3A_1270 = arith.constant 8 : i32
      %get3A_1271 = arith.index_cast %get3A_1270 : i32 to index
      %get3A_1272 = arith.constant 16 : index
      %get3A_1273 = tpu.vector_load %arg8[%get3A_1271, %get3A_1272] {strides = array<i32>} : memref<20x32xi32, #tpu.memory_space<vmem>>, vector<16xi32>,
      %shift_right_logical3A_1274 = arith.constant 7 : i32
      %shift_right_logical3A_1275 = vector.broadcast %shift_right_logical3A_1274 : i32 to vector<16xi32>
      %shift_right_logical3A_1276 = arith.shrui %get3A_1273, %shift_right_logical3A_1275 : vector<16xi32>
      %and3A_1277 = arith.constant 127 : i32
      %and3A_1278 = vector.broadcast %and3A_1277 : i32 to vector<16xi32>
      %and3A_1279 = arith.andi %get3A_1273, %and3A_1278 : vector<16xi32>
      tpu.vector_store_idx %arg9[%shift_right_logical3A_1276, %and3A_1279], %broadcast_in_dim3A_589 {add = true} : memref<80x128xf32, #tpu.memory_space<vmem>>[vector<16xi32>, vector<16xi32>], vector<16xf32>,
      %dma_wait3A_1280 = arith.constant 6 : i32
      %dma_wait3A_1281 = arith.constant 6 : i32
      %dma_wait3A_1282 = arith.constant 0 : i32
      %dma_wait3A_1283 = arith.constant 0 : i32
      %dma_wait3A_1284 = tpu.memref_slice %arg10[%dma_wait3A_1280, %dma_wait3A_1282, %dma_wait3A_1283] : memref<8x32x128xf32, #tpu.memory_space<vmem>> -> memref<1x32x128xf32, #tpu.memory_space<vmem>>
      %dma_wait3A_1285 = tpu.memref_squeeze %dma_wait3A_1284 : memref<1x32x128xf32, #tpu.memory_space<vmem>> -> memref<32x128xf32, #tpu.memory_space<vmem>>
      %dma_wait3A_1286 = arith.constant 0 : i32
      %dma_wait3A_1287 = tpu.memref_slice %arg8[%dma_wait3A_1281, %dma_wait3A_1286] : memref<20x32xi32, #tpu.memory_space<vmem>> -> memref<1x32xi32, #tpu.memory_space<vmem>>
      %dma_wait3A_1288 = tpu.memref_squeeze %dma_wait3A_1287 : memref<1x32xi32, #tpu.memory_space<vmem>> -> memref<32xi32, #tpu.memory_space<vmem>>
      %dma_wait3A_1289 = arith.constant 0 : i32
      %dma_wait3A_1290 = arith.constant 0 : i32
      %dma_wait3A_1291 = tpu.memref_slice %arg6[%dma_wait3A_1289, %dma_wait3A_1290] : memref<10112x128xf32, #tpu.memory_space<vmem_shared>> -> memref<10112x128xf32, #tpu.memory_space<vmem_shared>>
      tpu.wait_indirect_dma semaphore(%arg25 : memref<!tpu.dma_semaphore, #tpu.memory_space<semaphore_mem>>) src(%dma_wait3A_1285 : memref<32x128xf32, #tpu.memory_space<vmem>>) dst(%dma_wait3A_1291 : memref<10112x128xf32, #tpu.memory_space<vmem_shared>>)
      %dma_start3A_1292 = arith.constant 14 : i32
      %dma_start3A_1293 = arith.constant 6 : i32
      %dma_start3A_1294 = arith.constant 0 : i32
      %dma_start3A_1295 = arith.constant 0 : i32
      %dma_start3A_1296 = tpu.memref_slice %arg10[%dma_start3A_1293, %dma_start3A_1294, %dma_start3A_1295] : memref<8x32x128xf32, #tpu.memory_space<vmem>> -> memref<1x32x128xf32, #tpu.memory_space<vmem>>
      %dma_start3A_1297 = tpu.memref_squeeze %dma_start3A_1296 : memref<1x32x128xf32, #tpu.memory_space<vmem>> -> memref<32x128xf32, #tpu.memory_space<vmem>>
      %dma_start3A_1298 = arith.constant 0 : i32
      %dma_start3A_1299 = tpu.memref_slice %arg7[%dma_start3A_1292, %dma_start3A_1298] : memref<20x32xi32, #tpu.memory_space<vmem>> -> memref<1x32xi32, #tpu.memory_space<vmem>>
      %dma_start3A_1300 = tpu.memref_squeeze %dma_start3A_1299 : memref<1x32xi32, #tpu.memory_space<vmem>> -> memref<32xi32, #tpu.memory_space<vmem>>
      %dma_start3A_1301 = arith.constant 0 : i32
      %dma_start3A_1302 = arith.constant 0 : i32
      %dma_start3A_1303 = tpu.memref_slice %arg2[%dma_start3A_1301, %dma_start3A_1302] : memref<10000x128xf32, #tpu.memory_space<hbm>> -> memref<10000x128xf32, #tpu.memory_space<hbm>>
      tpu.enqueue_indirect_dma source(%dma_start3A_1303 : memref<10000x128xf32, #tpu.memory_space<hbm>>) target(%dma_start3A_1297 : memref<32x128xf32, #tpu.memory_space<vmem>>) offsets(%dma_start3A_1300 : memref<32xi32, #tpu.memory_space<vmem>>) semaphore(%arg17 : memref<!tpu.dma_semaphore, #tpu.memory_space<semaphore_mem>>)
      %dma_wait3A_1304 = arith.constant 9 : i32
      %dma_wait3A_1305 = arith.constant 1 : i32
      %dma_wait3A_1306 = arith.constant 0 : i32
      %dma_wait3A_1307 = arith.constant 0 : i32
      %dma_wait3A_1308 = tpu.memref_slice %arg10[%dma_wait3A_1305, %dma_wait3A_1306, %dma_wait3A_1307] : memref<8x32x128xf32, #tpu.memory_space<vmem>> -> memref<1x32x128xf32, #tpu.memory_space<vmem>>
      %dma_wait3A_1309 = tpu.memref_squeeze %dma_wait3A_1308 : memref<1x32x128xf32, #tpu.memory_space<vmem>> -> memref<32x128xf32, #tpu.memory_space<vmem>>
      %dma_wait3A_1310 = arith.constant 0 : i32
      %dma_wait3A_1311 = tpu.memref_slice %arg7[%dma_wait3A_1304, %dma_wait3A_1310] : memref<20x32xi32, #tpu.memory_space<vmem>> -> memref<1x32xi32, #tpu.memory_space<vmem>>
      %dma_wait3A_1312 = tpu.memref_squeeze %dma_wait3A_1311 : memref<1x32xi32, #tpu.memory_space<vmem>> -> memref<32xi32, #tpu.memory_space<vmem>>
      %dma_wait3A_1313 = arith.constant 0 : i32
      %dma_wait3A_1314 = arith.constant 0 : i32
      %dma_wait3A_1315 = tpu.memref_slice %arg2[%dma_wait3A_1313, %dma_wait3A_1314] : memref<10000x128xf32, #tpu.memory_space<hbm>> -> memref<10000x128xf32, #tpu.memory_space<hbm>>
      tpu.wait_indirect_dma semaphore(%arg12 : memref<!tpu.dma_semaphore, #tpu.memory_space<semaphore_mem>>) src(%dma_wait3A_1315 : memref<10000x128xf32, #tpu.memory_space<hbm>>) dst(%dma_wait3A_1309 : memref<32x128xf32, #tpu.memory_space<vmem>>)
      %dma_start3A_1316 = arith.constant 1 : i32
      %dma_start3A_1317 = arith.constant 9 : i32
      %dma_start3A_1318 = arith.constant 0 : i32
      %dma_start3A_1319 = arith.constant 0 : i32
      %dma_start3A_1320 = tpu.memref_slice %arg10[%dma_start3A_1316, %dma_start3A_1318, %dma_start3A_1319] : memref<8x32x128xf32, #tpu.memory_space<vmem>> -> memref<1x32x128xf32, #tpu.memory_space<vmem>>
      %dma_start3A_1321 = tpu.memref_squeeze %dma_start3A_1320 : memref<1x32x128xf32, #tpu.memory_space<vmem>> -> memref<32x128xf32, #tpu.memory_space<vmem>>
      %dma_start3A_1322 = arith.constant 0 : i32
      %dma_start3A_1323 = tpu.memref_slice %arg8[%dma_start3A_1317, %dma_start3A_1322] : memref<20x32xi32, #tpu.memory_space<vmem>> -> memref<1x32xi32, #tpu.memory_space<vmem>>
      %dma_start3A_1324 = tpu.memref_squeeze %dma_start3A_1323 : memref<1x32xi32, #tpu.memory_space<vmem>> -> memref<32xi32, #tpu.memory_space<vmem>>
      %dma_start3A_1325 = arith.constant 0 : i32
      %dma_start3A_1326 = arith.constant 0 : i32
      %dma_start3A_1327 = tpu.memref_slice %arg6[%dma_start3A_1325, %dma_start3A_1326] : memref<10112x128xf32, #tpu.memory_space<vmem_shared>> -> memref<10112x128xf32, #tpu.memory_space<vmem_shared>>
      tpu.enqueue_indirect_dma source(%dma_start3A_1321 : memref<32x128xf32, #tpu.memory_space<vmem>>) target(%dma_start3A_1327 : memref<10112x128xf32, #tpu.memory_space<vmem_shared>>) offsets(%dma_start3A_1324 : memref<32xi32, #tpu.memory_space<vmem>>) semaphore(%arg20 : memref<!tpu.dma_semaphore, #tpu.memory_space<semaphore_mem>>) {add = true}
      %get3A_1328 = arith.constant 9 : i32
      %get3A_1329 = arith.index_cast %get3A_1328 : i32 to index
      %get3A_1330 = arith.constant 0 : index
      %get3A_1331 = tpu.vector_load %arg8[%get3A_1329, %get3A_1330] {strides = array<i32>} : memref<20x32xi32, #tpu.memory_space<vmem>>, vector<16xi32>,
      %shift_right_logical3A_1332 = arith.constant 7 : i32
      %shift_right_logical3A_1333 = vector.broadcast %shift_right_logical3A_1332 : i32 to vector<16xi32>
      %shift_right_logical3A_1334 = arith.shrui %get3A_1331, %shift_right_logical3A_1333 : vector<16xi32>
      %and3A_1335 = arith.constant 127 : i32
      %and3A_1336 = vector.broadcast %and3A_1335 : i32 to vector<16xi32>
      %and3A_1337 = arith.andi %get3A_1331, %and3A_1336 : vector<16xi32>
      tpu.vector_store_idx %arg9[%shift_right_logical3A_1334, %and3A_1337], %broadcast_in_dim3A_589 {add = true} : memref<80x128xf32, #tpu.memory_space<vmem>>[vector<16xi32>, vector<16xi32>], vector<16xf32>,
      %get3A_1338 = arith.constant 9 : i32
      %get3A_1339 = arith.index_cast %get3A_1338 : i32 to index
      %get3A_1340 = arith.constant 16 : index
      %get3A_1341 = tpu.vector_load %arg8[%get3A_1339, %get3A_1340] {strides = array<i32>} : memref<20x32xi32, #tpu.memory_space<vmem>>, vector<16xi32>,
      %shift_right_logical3A_1342 = arith.constant 7 : i32
      %shift_right_logical3A_1343 = vector.broadcast %shift_right_logical3A_1342 : i32 to vector<16xi32>
      %shift_right_logical3A_1344 = arith.shrui %get3A_1341, %shift_right_logical3A_1343 : vector<16xi32>
      %and3A_1345 = arith.constant 127 : i32
      %and3A_1346 = vector.broadcast %and3A_1345 : i32 to vector<16xi32>
      %and3A_1347 = arith.andi %get3A_1341, %and3A_1346 : vector<16xi32>
      tpu.vector_store_idx %arg9[%shift_right_logical3A_1344, %and3A_1347], %broadcast_in_dim3A_589 {add = true} : memref<80x128xf32, #tpu.memory_space<vmem>>[vector<16xi32>, vector<16xi32>], vector<16xf32>,
      %dma_wait3A_1348 = arith.constant 7 : i32
      %dma_wait3A_1349 = arith.constant 7 : i32
      %dma_wait3A_1350 = arith.constant 0 : i32
      %dma_wait3A_1351 = arith.constant 0 : i32
      %dma_wait3A_1352 = tpu.memref_slice %arg10[%dma_wait3A_1348, %dma_wait3A_1350, %dma_wait3A_1351] : memref<8x32x128xf32, #tpu.memory_space<vmem>> -> memref<1x32x128xf32, #tpu.memory_space<vmem>>
      %dma_wait3A_1353 = tpu.memref_squeeze %dma_wait3A_1352 : memref<1x32x128xf32, #tpu.memory_space<vmem>> -> memref<32x128xf32, #tpu.memory_space<vmem>>
      %dma_wait3A_1354 = arith.constant 0 : i32
      %dma_wait3A_1355 = tpu.memref_slice %arg8[%dma_wait3A_1349, %dma_wait3A_1354] : memref<20x32xi32, #tpu.memory_space<vmem>> -> memref<1x32xi32, #tpu.memory_space<vmem>>
      %dma_wait3A_1356 = tpu.memref_squeeze %dma_wait3A_1355 : memref<1x32xi32, #tpu.memory_space<vmem>> -> memref<32xi32, #tpu.memory_space<vmem>>
      %dma_wait3A_1357 = arith.constant 0 : i32
      %dma_wait3A_1358 = arith.constant 0 : i32
      %dma_wait3A_1359 = tpu.memref_slice %arg6[%dma_wait3A_1357, %dma_wait3A_1358] : memref<10112x128xf32, #tpu.memory_space<vmem_shared>> -> memref<10112x128xf32, #tpu.memory_space<vmem_shared>>
      tpu.wait_indirect_dma semaphore(%arg26 : memref<!tpu.dma_semaphore, #tpu.memory_space<semaphore_mem>>) src(%dma_wait3A_1353 : memref<32x128xf32, #tpu.memory_space<vmem>>) dst(%dma_wait3A_1359 : memref<10112x128xf32, #tpu.memory_space<vmem_shared>>)
      %dma_start3A_1360 = arith.constant 15 : i32
      %dma_start3A_1361 = arith.constant 7 : i32
      %dma_start3A_1362 = arith.constant 0 : i32
      %dma_start3A_1363 = arith.constant 0 : i32
      %dma_start3A_1364 = tpu.memref_slice %arg10[%dma_start3A_1361, %dma_start3A_1362, %dma_start3A_1363] : memref<8x32x128xf32, #tpu.memory_space<vmem>> -> memref<1x32x128xf32, #tpu.memory_space<vmem>>
      %dma_start3A_1365 = tpu.memref_squeeze %dma_start3A_1364 : memref<1x32x128xf32, #tpu.memory_space<vmem>> -> memref<32x128xf32, #tpu.memory_space<vmem>>
      %dma_start3A_1366 = arith.constant 0 : i32
      %dma_start3A_1367 = tpu.memref_slice %arg7[%dma_start3A_1360, %dma_start3A_1366] : memref<20x32xi32, #tpu.memory_space<vmem>> -> memref<1x32xi32, #tpu.memory_space<vmem>>
      %dma_start3A_1368 = tpu.memref_squeeze %dma_start3A_1367 : memref<1x32xi32, #tpu.memory_space<vmem>> -> memref<32xi32, #tpu.memory_space<vmem>>
      %dma_start3A_1369 = arith.constant 0 : i32
      %dma_start3A_1370 = arith.constant 0 : i32
      %dma_start3A_1371 = tpu.memref_slice %arg2[%dma_start3A_1369, %dma_start3A_1370] : memref<10000x128xf32, #tpu.memory_space<hbm>> -> memref<10000x128xf32, #tpu.memory_space<hbm>>
      tpu.enqueue_indirect_dma source(%dma_start3A_1371 : memref<10000x128xf32, #tpu.memory_space<hbm>>) target(%dma_start3A_1365 : memref<32x128xf32, #tpu.memory_space<vmem>>) offsets(%dma_start3A_1368 : memref<32xi32, #tpu.memory_space<vmem>>) semaphore(%arg18 : memref<!tpu.dma_semaphore, #tpu.memory_space<semaphore_mem>>)
      %dma_wait3A_1372 = arith.constant 10 : i32
      %dma_wait3A_1373 = arith.constant 2 : i32
      %dma_wait3A_1374 = arith.constant 0 : i32
      %dma_wait3A_1375 = arith.constant 0 : i32
      %dma_wait3A_1376 = tpu.memref_slice %arg10[%dma_wait3A_1373, %dma_wait3A_1374, %dma_wait3A_1375] : memref<8x32x128xf32, #tpu.memory_space<vmem>> -> memref<1x32x128xf32, #tpu.memory_space<vmem>>
      %dma_wait3A_1377 = tpu.memref_squeeze %dma_wait3A_1376 : memref<1x32x128xf32, #tpu.memory_space<vmem>> -> memref<32x128xf32, #tpu.memory_space<vmem>>
      %dma_wait3A_1378 = arith.constant 0 : i32
      %dma_wait3A_1379 = tpu.memref_slice %arg7[%dma_wait3A_1372, %dma_wait3A_1378] : memref<20x32xi32, #tpu.memory_space<vmem>> -> memref<1x32xi32, #tpu.memory_space<vmem>>
      %dma_wait3A_1380 = tpu.memref_squeeze %dma_wait3A_1379 : memref<1x32xi32, #tpu.memory_space<vmem>> -> memref<32xi32, #tpu.memory_space<vmem>>
      %dma_wait3A_1381 = arith.constant 0 : i32
      %dma_wait3A_1382 = arith.constant 0 : i32
      %dma_wait3A_1383 = tpu.memref_slice %arg2[%dma_wait3A_1381, %dma_wait3A_1382] : memref<10000x128xf32, #tpu.memory_space<hbm>> -> memref<10000x128xf32, #tpu.memory_space<hbm>>
      tpu.wait_indirect_dma semaphore(%arg13 : memref<!tpu.dma_semaphore, #tpu.memory_space<semaphore_mem>>) src(%dma_wait3A_1383 : memref<10000x128xf32, #tpu.memory_space<hbm>>) dst(%dma_wait3A_1377 : memref<32x128xf32, #tpu.memory_space<vmem>>)
      %dma_start3A_1384 = arith.constant 2 : i32
      %dma_start3A_1385 = arith.constant 10 : i32
      %dma_start3A_1386 = arith.constant 0 : i32
      %dma_start3A_1387 = arith.constant 0 : i32
      %dma_start3A_1388 = tpu.memref_slice %arg10[%dma_start3A_1384, %dma_start3A_1386, %dma_start3A_1387] : memref<8x32x128xf32, #tpu.memory_space<vmem>> -> memref<1x32x128xf32, #tpu.memory_space<vmem>>
      %dma_start3A_1389 = tpu.memref_squeeze %dma_start3A_1388 : memref<1x32x128xf32, #tpu.memory_space<vmem>> -> memref<32x128xf32, #tpu.memory_space<vmem>>
      %dma_start3A_1390 = arith.constant 0 : i32
      %dma_start3A_1391 = tpu.memref_slice %arg8[%dma_start3A_1385, %dma_start3A_1390] : memref<20x32xi32, #tpu.memory_space<vmem>> -> memref<1x32xi32, #tpu.memory_space<vmem>>
      %dma_start3A_1392 = tpu.memref_squeeze %dma_start3A_1391 : memref<1x32xi32, #tpu.memory_space<vmem>> -> memref<32xi32, #tpu.memory_space<vmem>>
      %dma_start3A_1393 = arith.constant 0 : i32
      %dma_start3A_1394 = arith.constant 0 : i32
      %dma_start3A_1395 = tpu.memref_slice %arg6[%dma_start3A_1393, %dma_start3A_1394] : memref<10112x128xf32, #tpu.memory_space<vmem_shared>> -> memref<10112x128xf32, #tpu.memory_space<vmem_shared>>
      tpu.enqueue_indirect_dma source(%dma_start3A_1389 : memref<32x128xf32, #tpu.memory_space<vmem>>) target(%dma_start3A_1395 : memref<10112x128xf32, #tpu.memory_space<vmem_shared>>) offsets(%dma_start3A_1392 : memref<32xi32, #tpu.memory_space<vmem>>) semaphore(%arg21 : memref<!tpu.dma_semaphore, #tpu.memory_space<semaphore_mem>>) {add = true}
      %get3A_1396 = arith.constant 10 : i32
      %get3A_1397 = arith.index_cast %get3A_1396 : i32 to index
      %get3A_1398 = arith.constant 0 : index
      %get3A_1399 = tpu.vector_load %arg8[%get3A_1397, %get3A_1398] {strides = array<i32>} : memref<20x32xi32, #tpu.memory_space<vmem>>, vector<16xi32>,
      %shift_right_logical3A_1400 = arith.constant 7 : i32
      %shift_right_logical3A_1401 = vector.broadcast %shift_right_logical3A_1400 : i32 to vector<16xi32>
      %shift_right_logical3A_1402 = arith.shrui %get3A_1399, %shift_right_logical3A_1401 : vector<16xi32>
      %and3A_1403 = arith.constant 127 : i32
      %and3A_1404 = vector.broadcast %and3A_1403 : i32 to vector<16xi32>
      %and3A_1405 = arith.andi %get3A_1399, %and3A_1404 : vector<16xi32>
      tpu.vector_store_idx %arg9[%shift_right_logical3A_1402, %and3A_1405], %broadcast_in_dim3A_589 {add = true} : memref<80x128xf32, #tpu.memory_space<vmem>>[vector<16xi32>, vector<16xi32>], vector<16xf32>,
      %get3A_1406 = arith.constant 10 : i32
      %get3A_1407 = arith.index_cast %get3A_1406 : i32 to index
      %get3A_1408 = arith.constant 16 : index
      %get3A_1409 = tpu.vector_load %arg8[%get3A_1407, %get3A_1408] {strides = array<i32>} : memref<20x32xi32, #tpu.memory_space<vmem>>, vector<16xi32>,
      %shift_right_logical3A_1410 = arith.constant 7 : i32
      %shift_right_logical3A_1411 = vector.broadcast %shift_right_logical3A_1410 : i32 to vector<16xi32>
      %shift_right_logical3A_1412 = arith.shrui %get3A_1409, %shift_right_logical3A_1411 : vector<16xi32>
      %and3A_1413 = arith.constant 127 : i32
      %and3A_1414 = vector.broadcast %and3A_1413 : i32 to vector<16xi32>
      %and3A_1415 = arith.andi %get3A_1409, %and3A_1414 : vector<16xi32>
      tpu.vector_store_idx %arg9[%shift_right_logical3A_1412, %and3A_1415], %broadcast_in_dim3A_589 {add = true} : memref<80x128xf32, #tpu.memory_space<vmem>>[vector<16xi32>, vector<16xi32>], vector<16xf32>,
      %dma_wait3A_1416 = arith.constant 0 : i32
      %dma_wait3A_1417 = arith.constant 8 : i32
      %dma_wait3A_1418 = arith.constant 0 : i32
      %dma_wait3A_1419 = arith.constant 0 : i32
      %dma_wait3A_1420 = tpu.memref_slice %arg10[%dma_wait3A_1416, %dma_wait3A_1418, %dma_wait3A_1419] : memref<8x32x128xf32, #tpu.memory_space<vmem>> -> memref<1x32x128xf32, #tpu.memory_space<vmem>>
      %dma_wait3A_1421 = tpu.memref_squeeze %dma_wait3A_1420 : memref<1x32x128xf32, #tpu.memory_space<vmem>> -> memref<32x128xf32, #tpu.memory_space<vmem>>
      %dma_wait3A_1422 = arith.constant 0 : i32
      %dma_wait3A_1423 = tpu.memref_slice %arg8[%dma_wait3A_1417, %dma_wait3A_1422] : memref<20x32xi32, #tpu.memory_space<vmem>> -> memref<1x32xi32, #tpu.memory_space<vmem>>
      %dma_wait3A_1424 = tpu.memref_squeeze %dma_wait3A_1423 : memref<1x32xi32, #tpu.memory_space<vmem>> -> memref<32xi32, #tpu.memory_space<vmem>>
      %dma_wait3A_1425 = arith.constant 0 : i32
      %dma_wait3A_1426 = arith.constant 0 : i32
      %dma_wait3A_1427 = tpu.memref_slice %arg6[%dma_wait3A_1425, %dma_wait3A_1426] : memref<10112x128xf32, #tpu.memory_space<vmem_shared>> -> memref<10112x128xf32, #tpu.memory_space<vmem_shared>>
      tpu.wait_indirect_dma semaphore(%arg19 : memref<!tpu.dma_semaphore, #tpu.memory_space<semaphore_mem>>) src(%dma_wait3A_1421 : memref<32x128xf32, #tpu.memory_space<vmem>>) dst(%dma_wait3A_1427 : memref<10112x128xf32, #tpu.memory_space<vmem_shared>>)
      %dma_start3A_1428 = arith.constant 16 : i32
      %dma_start3A_1429 = arith.constant 0 : i32
      %dma_start3A_1430 = arith.constant 0 : i32
      %dma_start3A_1431 = arith.constant 0 : i32
      %dma_start3A_1432 = tpu.memref_slice %arg10[%dma_start3A_1429, %dma_start3A_1430, %dma_start3A_1431] : memref<8x32x128xf32, #tpu.memory_space<vmem>> -> memref<1x32x128xf32, #tpu.memory_space<vmem>>
      %dma_start3A_1433 = tpu.memref_squeeze %dma_start3A_1432 : memref<1x32x128xf32, #tpu.memory_space<vmem>> -> memref<32x128xf32, #tpu.memory_space<vmem>>
      %dma_start3A_1434 = arith.constant 0 : i32
      %dma_start3A_1435 = tpu.memref_slice %arg7[%dma_start3A_1428, %dma_start3A_1434] : memref<20x32xi32, #tpu.memory_space<vmem>> -> memref<1x32xi32, #tpu.memory_space<vmem>>
      %dma_start3A_1436 = tpu.memref_squeeze %dma_start3A_1435 : memref<1x32xi32, #tpu.memory_space<vmem>> -> memref<32xi32, #tpu.memory_space<vmem>>
      %dma_start3A_1437 = arith.constant 0 : i32
      %dma_start3A_1438 = arith.constant 0 : i32
      %dma_start3A_1439 = tpu.memref_slice %arg2[%dma_start3A_1437, %dma_start3A_1438] : memref<10000x128xf32, #tpu.memory_space<hbm>> -> memref<10000x128xf32, #tpu.memory_space<hbm>>
      tpu.enqueue_indirect_dma source(%dma_start3A_1439 : memref<10000x128xf32, #tpu.memory_space<hbm>>) target(%dma_start3A_1433 : memref<32x128xf32, #tpu.memory_space<vmem>>) offsets(%dma_start3A_1436 : memref<32xi32, #tpu.memory_space<vmem>>) semaphore(%arg11 : memref<!tpu.dma_semaphore, #tpu.memory_space<semaphore_mem>>)
      %dma_wait3A_1440 = arith.constant 11 : i32
      %dma_wait3A_1441 = arith.constant 3 : i32
      %dma_wait3A_1442 = arith.constant 0 : i32
      %dma_wait3A_1443 = arith.constant 0 : i32
      %dma_wait3A_1444 = tpu.memref_slice %arg10[%dma_wait3A_1441, %dma_wait3A_1442, %dma_wait3A_1443] : memref<8x32x128xf32, #tpu.memory_space<vmem>> -> memref<1x32x128xf32, #tpu.memory_space<vmem>>
      %dma_wait3A_1445 = tpu.memref_squeeze %dma_wait3A_1444 : memref<1x32x128xf32, #tpu.memory_space<vmem>> -> memref<32x128xf32, #tpu.memory_space<vmem>>
      %dma_wait3A_1446 = arith.constant 0 : i32
      %dma_wait3A_1447 = tpu.memref_slice %arg7[%dma_wait3A_1440, %dma_wait3A_1446] : memref<20x32xi32, #tpu.memory_space<vmem>> -> memref<1x32xi32, #tpu.memory_space<vmem>>
      %dma_wait3A_1448 = tpu.memref_squeeze %dma_wait3A_1447 : memref<1x32xi32, #tpu.memory_space<vmem>> -> memref<32xi32, #tpu.memory_space<vmem>>
      %dma_wait3A_1449 = arith.constant 0 : i32
      %dma_wait3A_1450 = arith.constant 0 : i32
      %dma_wait3A_1451 = tpu.memref_slice %arg2[%dma_wait3A_1449, %dma_wait3A_1450] : memref<10000x128xf32, #tpu.memory_space<hbm>> -> memref<10000x128xf32, #tpu.memory_space<hbm>>
      tpu.wait_indirect_dma semaphore(%arg14 : memref<!tpu.dma_semaphore, #tpu.memory_space<semaphore_mem>>) src(%dma_wait3A_1451 : memref<10000x128xf32, #tpu.memory_space<hbm>>) dst(%dma_wait3A_1445 : memref<32x128xf32, #tpu.memory_space<vmem>>)
      %dma_start3A_1452 = arith.constant 3 : i32
      %dma_start3A_1453 = arith.constant 11 : i32
      %dma_start3A_1454 = arith.constant 0 : i32
      %dma_start3A_1455 = arith.constant 0 : i32
      %dma_start3A_1456 = tpu.memref_slice %arg10[%dma_start3A_1452, %dma_start3A_1454, %dma_start3A_1455] : memref<8x32x128xf32, #tpu.memory_space<vmem>> -> memref<1x32x128xf32, #tpu.memory_space<vmem>>
      %dma_start3A_1457 = tpu.memref_squeeze %dma_start3A_1456 : memref<1x32x128xf32, #tpu.memory_space<vmem>> -> memref<32x128xf32, #tpu.memory_space<vmem>>
      %dma_start3A_1458 = arith.constant 0 : i32
      %dma_start3A_1459 = tpu.memref_slice %arg8[%dma_start3A_1453, %dma_start3A_1458] : memref<20x32xi32, #tpu.memory_space<vmem>> -> memref<1x32xi32, #tpu.memory_space<vmem>>
      %dma_start3A_1460 = tpu.memref_squeeze %dma_start3A_1459 : memref<1x32xi32, #tpu.memory_space<vmem>> -> memref<32xi32, #tpu.memory_space<vmem>>
      %dma_start3A_1461 = arith.constant 0 : i32
      %dma_start3A_1462 = arith.constant 0 : i32
      %dma_start3A_1463 = tpu.memref_slice %arg6[%dma_start3A_1461, %dma_start3A_1462] : memref<10112x128xf32, #tpu.memory_space<vmem_shared>> -> memref<10112x128xf32, #tpu.memory_space<vmem_shared>>
      tpu.enqueue_indirect_dma source(%dma_start3A_1457 : memref<32x128xf32, #tpu.memory_space<vmem>>) target(%dma_start3A_1463 : memref<10112x128xf32, #tpu.memory_space<vmem_shared>>) offsets(%dma_start3A_1460 : memref<32xi32, #tpu.memory_space<vmem>>) semaphore(%arg22 : memref<!tpu.dma_semaphore, #tpu.memory_space<semaphore_mem>>) {add = true}
      %get3A_1464 = arith.constant 11 : i32
      %get3A_1465 = arith.index_cast %get3A_1464 : i32 to index
      %get3A_1466 = arith.constant 0 : index
      %get3A_1467 = tpu.vector_load %arg8[%get3A_1465, %get3A_1466] {strides = array<i32>} : memref<20x32xi32, #tpu.memory_space<vmem>>, vector<16xi32>,
      %shift_right_logical3A_1468 = arith.constant 7 : i32
      %shift_right_logical3A_1469 = vector.broadcast %shift_right_logical3A_1468 : i32 to vector<16xi32>
      %shift_right_logical3A_1470 = arith.shrui %get3A_1467, %shift_right_logical3A_1469 : vector<16xi32>
      %and3A_1471 = arith.constant 127 : i32
      %and3A_1472 = vector.broadcast %and3A_1471 : i32 to vector<16xi32>
      %and3A_1473 = arith.andi %get3A_1467, %and3A_1472 : vector<16xi32>
      tpu.vector_store_idx %arg9[%shift_right_logical3A_1470, %and3A_1473], %broadcast_in_dim3A_589 {add = true} : memref<80x128xf32, #tpu.memory_space<vmem>>[vector<16xi32>, vector<16xi32>], vector<16xf32>,
      %get3A_1474 = arith.constant 11 : i32
      %get3A_1475 = arith.index_cast %get3A_1474 : i32 to index
      %get3A_1476 = arith.constant 16 : index
      %get3A_1477 = tpu.vector_load %arg8[%get3A_1475, %get3A_1476] {strides = array<i32>} : memref<20x32xi32, #tpu.memory_space<vmem>>, vector<16xi32>,
      %shift_right_logical3A_1478 = arith.constant 7 : i32
      %shift_right_logical3A_1479 = vector.broadcast %shift_right_logical3A_1478 : i32 to vector<16xi32>
      %shift_right_logical3A_1480 = arith.shrui %get3A_1477, %shift_right_logical3A_1479 : vector<16xi32>
      %and3A_1481 = arith.constant 127 : i32
      %and3A_1482 = vector.broadcast %and3A_1481 : i32 to vector<16xi32>
      %and3A_1483 = arith.andi %get3A_1477, %and3A_1482 : vector<16xi32>
      tpu.vector_store_idx %arg9[%shift_right_logical3A_1480, %and3A_1483], %broadcast_in_dim3A_589 {add = true} : memref<80x128xf32, #tpu.memory_space<vmem>>[vector<16xi32>, vector<16xi32>], vector<16xf32>,
      %dma_wait3A_1484 = arith.constant 1 : i32
      %dma_wait3A_1485 = arith.constant 9 : i32
      %dma_wait3A_1486 = arith.constant 0 : i32
      %dma_wait3A_1487 = arith.constant 0 : i32
      %dma_wait3A_1488 = tpu.memref_slice %arg10[%dma_wait3A_1484, %dma_wait3A_1486, %dma_wait3A_1487] : memref<8x32x128xf32, #tpu.memory_space<vmem>> -> memref<1x32x128xf32, #tpu.memory_space<vmem>>
      %dma_wait3A_1489 = tpu.memref_squeeze %dma_wait3A_1488 : memref<1x32x128xf32, #tpu.memory_space<vmem>> -> memref<32x128xf32, #tpu.memory_space<vmem>>
      %dma_wait3A_1490 = arith.constant 0 : i32
      %dma_wait3A_1491 = tpu.memref_slice %arg8[%dma_wait3A_1485, %dma_wait3A_1490] : memref<20x32xi32, #tpu.memory_space<vmem>> -> memref<1x32xi32, #tpu.memory_space<vmem>>
      %dma_wait3A_1492 = tpu.memref_squeeze %dma_wait3A_1491 : memref<1x32xi32, #tpu.memory_space<vmem>> -> memref<32xi32, #tpu.memory_space<vmem>>
      %dma_wait3A_1493 = arith.constant 0 : i32
      %dma_wait3A_1494 = arith.constant 0 : i32
      %dma_wait3A_1495 = tpu.memref_slice %arg6[%dma_wait3A_1493, %dma_wait3A_1494] : memref<10112x128xf32, #tpu.memory_space<vmem_shared>> -> memref<10112x128xf32, #tpu.memory_space<vmem_shared>>
      tpu.wait_indirect_dma semaphore(%arg20 : memref<!tpu.dma_semaphore, #tpu.memory_space<semaphore_mem>>) src(%dma_wait3A_1489 : memref<32x128xf32, #tpu.memory_space<vmem>>) dst(%dma_wait3A_1495 : memref<10112x128xf32, #tpu.memory_space<vmem_shared>>)
      %dma_start3A_1496 = arith.constant 17 : i32
      %dma_start3A_1497 = arith.constant 1 : i32
      %dma_start3A_1498 = arith.constant 0 : i32
      %dma_start3A_1499 = arith.constant 0 : i32
      %dma_start3A_1500 = tpu.memref_slice %arg10[%dma_start3A_1497, %dma_start3A_1498, %dma_start3A_1499] : memref<8x32x128xf32, #tpu.memory_space<vmem>> -> memref<1x32x128xf32, #tpu.memory_space<vmem>>
      %dma_start3A_1501 = tpu.memref_squeeze %dma_start3A_1500 : memref<1x32x128xf32, #tpu.memory_space<vmem>> -> memref<32x128xf32, #tpu.memory_space<vmem>>
      %dma_start3A_1502 = arith.constant 0 : i32
      %dma_start3A_1503 = tpu.memref_slice %arg7[%dma_start3A_1496, %dma_start3A_1502] : memref<20x32xi32, #tpu.memory_space<vmem>> -> memref<1x32xi32, #tpu.memory_space<vmem>>
      %dma_start3A_1504 = tpu.memref_squeeze %dma_start3A_1503 : memref<1x32xi32, #tpu.memory_space<vmem>> -> memref<32xi32, #tpu.memory_space<vmem>>
      %dma_start3A_1505 = arith.constant 0 : i32
      %dma_start3A_1506 = arith.constant 0 : i32
      %dma_start3A_1507 = tpu.memref_slice %arg2[%dma_start3A_1505, %dma_start3A_1506] : memref<10000x128xf32, #tpu.memory_space<hbm>> -> memref<10000x128xf32, #tpu.memory_space<hbm>>
      tpu.enqueue_indirect_dma source(%dma_start3A_1507 : memref<10000x128xf32, #tpu.memory_space<hbm>>) target(%dma_start3A_1501 : memref<32x128xf32, #tpu.memory_space<vmem>>) offsets(%dma_start3A_1504 : memref<32xi32, #tpu.memory_space<vmem>>) semaphore(%arg12 : memref<!tpu.dma_semaphore, #tpu.memory_space<semaphore_mem>>)
      %dma_wait3A_1508 = arith.constant 12 : i32
      %dma_wait3A_1509 = arith.constant 4 : i32
      %dma_wait3A_1510 = arith.constant 0 : i32
      %dma_wait3A_1511 = arith.constant 0 : i32
      %dma_wait3A_1512 = tpu.memref_slice %arg10[%dma_wait3A_1509, %dma_wait3A_1510, %dma_wait3A_1511] : memref<8x32x128xf32, #tpu.memory_space<vmem>> -> memref<1x32x128xf32, #tpu.memory_space<vmem>>
      %dma_wait3A_1513 = tpu.memref_squeeze %dma_wait3A_1512 : memref<1x32x128xf32, #tpu.memory_space<vmem>> -> memref<32x128xf32, #tpu.memory_space<vmem>>
      %dma_wait3A_1514 = arith.constant 0 : i32
      %dma_wait3A_1515 = tpu.memref_slice %arg7[%dma_wait3A_1508, %dma_wait3A_1514] : memref<20x32xi32, #tpu.memory_space<vmem>> -> memref<1x32xi32, #tpu.memory_space<vmem>>
      %dma_wait3A_1516 = tpu.memref_squeeze %dma_wait3A_1515 : memref<1x32xi32, #tpu.memory_space<vmem>> -> memref<32xi32, #tpu.memory_space<vmem>>
      %dma_wait3A_1517 = arith.constant 0 : i32
      %dma_wait3A_1518 = arith.constant 0 : i32
      %dma_wait3A_1519 = tpu.memref_slice %arg2[%dma_wait3A_1517, %dma_wait3A_1518] : memref<10000x128xf32, #tpu.memory_space<hbm>> -> memref<10000x128xf32, #tpu.memory_space<hbm>>
      tpu.wait_indirect_dma semaphore(%arg15 : memref<!tpu.dma_semaphore, #tpu.memory_space<semaphore_mem>>) src(%dma_wait3A_1519 : memref<10000x128xf32, #tpu.memory_space<hbm>>) dst(%dma_wait3A_1513 : memref<32x128xf32, #tpu.memory_space<vmem>>)
      %dma_start3A_1520 = arith.constant 4 : i32
      %dma_start3A_1521 = arith.constant 12 : i32
      %dma_start3A_1522 = arith.constant 0 : i32
      %dma_start3A_1523 = arith.constant 0 : i32
      %dma_start3A_1524 = tpu.memref_slice %arg10[%dma_start3A_1520, %dma_start3A_1522, %dma_start3A_1523] : memref<8x32x128xf32, #tpu.memory_space<vmem>> -> memref<1x32x128xf32, #tpu.memory_space<vmem>>
      %dma_start3A_1525 = tpu.memref_squeeze %dma_start3A_1524 : memref<1x32x128xf32, #tpu.memory_space<vmem>> -> memref<32x128xf32, #tpu.memory_space<vmem>>
      %dma_start3A_1526 = arith.constant 0 : i32
      %dma_start3A_1527 = tpu.memref_slice %arg8[%dma_start3A_1521, %dma_start3A_1526] : memref<20x32xi32, #tpu.memory_space<vmem>> -> memref<1x32xi32, #tpu.memory_space<vmem>>
      %dma_start3A_1528 = tpu.memref_squeeze %dma_start3A_1527 : memref<1x32xi32, #tpu.memory_space<vmem>> -> memref<32xi32, #tpu.memory_space<vmem>>
      %dma_start3A_1529 = arith.constant 0 : i32
      %dma_start3A_1530 = arith.constant 0 : i32
      %dma_start3A_1531 = tpu.memref_slice %arg6[%dma_start3A_1529, %dma_start3A_1530] : memref<10112x128xf32, #tpu.memory_space<vmem_shared>> -> memref<10112x128xf32, #tpu.memory_space<vmem_shared>>
      tpu.enqueue_indirect_dma source(%dma_start3A_1525 : memref<32x128xf32, #tpu.memory_space<vmem>>) target(%dma_start3A_1531 : memref<10112x128xf32, #tpu.memory_space<vmem_shared>>) offsets(%dma_start3A_1528 : memref<32xi32, #tpu.memory_space<vmem>>) semaphore(%arg23 : memref<!tpu.dma_semaphore, #tpu.memory_space<semaphore_mem>>) {add = true}
      %get3A_1532 = arith.constant 12 : i32
      %get3A_1533 = arith.index_cast %get3A_1532 : i32 to index
      %get3A_1534 = arith.constant 0 : index
      %get3A_1535 = tpu.vector_load %arg8[%get3A_1533, %get3A_1534] {strides = array<i32>} : memref<20x32xi32, #tpu.memory_space<vmem>>, vector<16xi32>,
      %shift_right_logical3A_1536 = arith.constant 7 : i32
      %shift_right_logical3A_1537 = vector.broadcast %shift_right_logical3A_1536 : i32 to vector<16xi32>
      %shift_right_logical3A_1538 = arith.shrui %get3A_1535, %shift_right_logical3A_1537 : vector<16xi32>
      %and3A_1539 = arith.constant 127 : i32
      %and3A_1540 = vector.broadcast %and3A_1539 : i32 to vector<16xi32>
      %and3A_1541 = arith.andi %get3A_1535, %and3A_1540 : vector<16xi32>
      tpu.vector_store_idx %arg9[%shift_right_logical3A_1538, %and3A_1541], %broadcast_in_dim3A_589 {add = true} : memref<80x128xf32, #tpu.memory_space<vmem>>[vector<16xi32>, vector<16xi32>], vector<16xf32>,
      %get3A_1542 = arith.constant 12 : i32
      %get3A_1543 = arith.index_cast %get3A_1542 : i32 to index
      %get3A_1544 = arith.constant 16 : index
      %get3A_1545 = tpu.vector_load %arg8[%get3A_1543, %get3A_1544] {strides = array<i32>} : memref<20x32xi32, #tpu.memory_space<vmem>>, vector<16xi32>,
      %shift_right_logical3A_1546 = arith.constant 7 : i32
      %shift_right_logical3A_1547 = vector.broadcast %shift_right_logical3A_1546 : i32 to vector<16xi32>
      %shift_right_logical3A_1548 = arith.shrui %get3A_1545, %shift_right_logical3A_1547 : vector<16xi32>
      %and3A_1549 = arith.constant 127 : i32
      %and3A_1550 = vector.broadcast %and3A_1549 : i32 to vector<16xi32>
      %and3A_1551 = arith.andi %get3A_1545, %and3A_1550 : vector<16xi32>
      tpu.vector_store_idx %arg9[%shift_right_logical3A_1548, %and3A_1551], %broadcast_in_dim3A_589 {add = true} : memref<80x128xf32, #tpu.memory_space<vmem>>[vector<16xi32>, vector<16xi32>], vector<16xf32>,
      %dma_wait3A_1552 = arith.constant 2 : i32
      %dma_wait3A_1553 = arith.constant 10 : i32
      %dma_wait3A_1554 = arith.constant 0 : i32
      %dma_wait3A_1555 = arith.constant 0 : i32
      %dma_wait3A_1556 = tpu.memref_slice %arg10[%dma_wait3A_1552, %dma_wait3A_1554, %dma_wait3A_1555] : memref<8x32x128xf32, #tpu.memory_space<vmem>> -> memref<1x32x128xf32, #tpu.memory_space<vmem>>
      %dma_wait3A_1557 = tpu.memref_squeeze %dma_wait3A_1556 : memref<1x32x128xf32, #tpu.memory_space<vmem>> -> memref<32x128xf32, #tpu.memory_space<vmem>>
      %dma_wait3A_1558 = arith.constant 0 : i32
      %dma_wait3A_1559 = tpu.memref_slice %arg8[%dma_wait3A_1553, %dma_wait3A_1558] : memref<20x32xi32, #tpu.memory_space<vmem>> -> memref<1x32xi32, #tpu.memory_space<vmem>>
      %dma_wait3A_1560 = tpu.memref_squeeze %dma_wait3A_1559 : memref<1x32xi32, #tpu.memory_space<vmem>> -> memref<32xi32, #tpu.memory_space<vmem>>
      %dma_wait3A_1561 = arith.constant 0 : i32
      %dma_wait3A_1562 = arith.constant 0 : i32
      %dma_wait3A_1563 = tpu.memref_slice %arg6[%dma_wait3A_1561, %dma_wait3A_1562] : memref<10112x128xf32, #tpu.memory_space<vmem_shared>> -> memref<10112x128xf32, #tpu.memory_space<vmem_shared>>
      tpu.wait_indirect_dma semaphore(%arg21 : memref<!tpu.dma_semaphore, #tpu.memory_space<semaphore_mem>>) src(%dma_wait3A_1557 : memref<32x128xf32, #tpu.memory_space<vmem>>) dst(%dma_wait3A_1563 : memref<10112x128xf32, #tpu.memory_space<vmem_shared>>)
      %dma_start3A_1564 = arith.constant 18 : i32
      %dma_start3A_1565 = arith.constant 2 : i32
      %dma_start3A_1566 = arith.constant 0 : i32
      %dma_start3A_1567 = arith.constant 0 : i32
      %dma_start3A_1568 = tpu.memref_slice %arg10[%dma_start3A_1565, %dma_start3A_1566, %dma_start3A_1567] : memref<8x32x128xf32, #tpu.memory_space<vmem>> -> memref<1x32x128xf32, #tpu.memory_space<vmem>>
      %dma_start3A_1569 = tpu.memref_squeeze %dma_start3A_1568 : memref<1x32x128xf32, #tpu.memory_space<vmem>> -> memref<32x128xf32, #tpu.memory_space<vmem>>
      %dma_start3A_1570 = arith.constant 0 : i32
      %dma_start3A_1571 = tpu.memref_slice %arg7[%dma_start3A_1564, %dma_start3A_1570] : memref<20x32xi32, #tpu.memory_space<vmem>> -> memref<1x32xi32, #tpu.memory_space<vmem>>
      %dma_start3A_1572 = tpu.memref_squeeze %dma_start3A_1571 : memref<1x32xi32, #tpu.memory_space<vmem>> -> memref<32xi32, #tpu.memory_space<vmem>>
      %dma_start3A_1573 = arith.constant 0 : i32
      %dma_start3A_1574 = arith.constant 0 : i32
      %dma_start3A_1575 = tpu.memref_slice %arg2[%dma_start3A_1573, %dma_start3A_1574] : memref<10000x128xf32, #tpu.memory_space<hbm>> -> memref<10000x128xf32, #tpu.memory_space<hbm>>
      tpu.enqueue_indirect_dma source(%dma_start3A_1575 : memref<10000x128xf32, #tpu.memory_space<hbm>>) target(%dma_start3A_1569 : memref<32x128xf32, #tpu.memory_space<vmem>>) offsets(%dma_start3A_1572 : memref<32xi32, #tpu.memory_space<vmem>>) semaphore(%arg13 : memref<!tpu.dma_semaphore, #tpu.memory_space<semaphore_mem>>)
      %dma_wait3A_1576 = arith.constant 13 : i32
      %dma_wait3A_1577 = arith.constant 5 : i32
      %dma_wait3A_1578 = arith.constant 0 : i32
      %dma_wait3A_1579 = arith.constant 0 : i32
      %dma_wait3A_1580 = tpu.memref_slice %arg10[%dma_wait3A_1577, %dma_wait3A_1578, %dma_wait3A_1579] : memref<8x32x128xf32, #tpu.memory_space<vmem>> -> memref<1x32x128xf32, #tpu.memory_space<vmem>>
      %dma_wait3A_1581 = tpu.memref_squeeze %dma_wait3A_1580 : memref<1x32x128xf32, #tpu.memory_space<vmem>> -> memref<32x128xf32, #tpu.memory_space<vmem>>
      %dma_wait3A_1582 = arith.constant 0 : i32
      %dma_wait3A_1583 = tpu.memref_slice %arg7[%dma_wait3A_1576, %dma_wait3A_1582] : memref<20x32xi32, #tpu.memory_space<vmem>> -> memref<1x32xi32, #tpu.memory_space<vmem>>
      %dma_wait3A_1584 = tpu.memref_squeeze %dma_wait3A_1583 : memref<1x32xi32, #tpu.memory_space<vmem>> -> memref<32xi32, #tpu.memory_space<vmem>>
      %dma_wait3A_1585 = arith.constant 0 : i32
      %dma_wait3A_1586 = arith.constant 0 : i32
      %dma_wait3A_1587 = tpu.memref_slice %arg2[%dma_wait3A_1585, %dma_wait3A_1586] : memref<10000x128xf32, #tpu.memory_space<hbm>> -> memref<10000x128xf32, #tpu.memory_space<hbm>>
      tpu.wait_indirect_dma semaphore(%arg16 : memref<!tpu.dma_semaphore, #tpu.memory_space<semaphore_mem>>) src(%dma_wait3A_1587 : memref<10000x128xf32, #tpu.memory_space<hbm>>) dst(%dma_wait3A_1581 : memref<32x128xf32, #tpu.memory_space<vmem>>)
      %dma_start3A_1588 = arith.constant 5 : i32
      %dma_start3A_1589 = arith.constant 13 : i32
      %dma_start3A_1590 = arith.constant 0 : i32
      %dma_start3A_1591 = arith.constant 0 : i32
      %dma_start3A_1592 = tpu.memref_slice %arg10[%dma_start3A_1588, %dma_start3A_1590, %dma_start3A_1591] : memref<8x32x128xf32, #tpu.memory_space<vmem>> -> memref<1x32x128xf32, #tpu.memory_space<vmem>>
      %dma_start3A_1593 = tpu.memref_squeeze %dma_start3A_1592 : memref<1x32x128xf32, #tpu.memory_space<vmem>> -> memref<32x128xf32, #tpu.memory_space<vmem>>
      %dma_start3A_1594 = arith.constant 0 : i32
      %dma_start3A_1595 = tpu.memref_slice %arg8[%dma_start3A_1589, %dma_start3A_1594] : memref<20x32xi32, #tpu.memory_space<vmem>> -> memref<1x32xi32, #tpu.memory_space<vmem>>
      %dma_start3A_1596 = tpu.memref_squeeze %dma_start3A_1595 : memref<1x32xi32, #tpu.memory_space<vmem>> -> memref<32xi32, #tpu.memory_space<vmem>>
      %dma_start3A_1597 = arith.constant 0 : i32
      %dma_start3A_1598 = arith.constant 0 : i32
      %dma_start3A_1599 = tpu.memref_slice %arg6[%dma_start3A_1597, %dma_start3A_1598] : memref<10112x128xf32, #tpu.memory_space<vmem_shared>> -> memref<10112x128xf32, #tpu.memory_space<vmem_shared>>
      tpu.enqueue_indirect_dma source(%dma_start3A_1593 : memref<32x128xf32, #tpu.memory_space<vmem>>) target(%dma_start3A_1599 : memref<10112x128xf32, #tpu.memory_space<vmem_shared>>) offsets(%dma_start3A_1596 : memref<32xi32, #tpu.memory_space<vmem>>) semaphore(%arg24 : memref<!tpu.dma_semaphore, #tpu.memory_space<semaphore_mem>>) {add = true}
      %get3A_1600 = arith.constant 13 : i32
      %get3A_1601 = arith.index_cast %get3A_1600 : i32 to index
      %get3A_1602 = arith.constant 0 : index
      %get3A_1603 = tpu.vector_load %arg8[%get3A_1601, %get3A_1602] {strides = array<i32>} : memref<20x32xi32, #tpu.memory_space<vmem>>, vector<16xi32>,
      %shift_right_logical3A_1604 = arith.constant 7 : i32
      %shift_right_logical3A_1605 = vector.broadcast %shift_right_logical3A_1604 : i32 to vector<16xi32>
      %shift_right_logical3A_1606 = arith.shrui %get3A_1603, %shift_right_logical3A_1605 : vector<16xi32>
      %and3A_1607 = arith.constant 127 : i32
      %and3A_1608 = vector.broadcast %and3A_1607 : i32 to vector<16xi32>
      %and3A_1609 = arith.andi %get3A_1603, %and3A_1608 : vector<16xi32>
      tpu.vector_store_idx %arg9[%shift_right_logical3A_1606, %and3A_1609], %broadcast_in_dim3A_589 {add = true} : memref<80x128xf32, #tpu.memory_space<vmem>>[vector<16xi32>, vector<16xi32>], vector<16xf32>,
      %get3A_1610 = arith.constant 13 : i32
      %get3A_1611 = arith.index_cast %get3A_1610 : i32 to index
      %get3A_1612 = arith.constant 16 : index
      %get3A_1613 = tpu.vector_load %arg8[%get3A_1611, %get3A_1612] {strides = array<i32>} : memref<20x32xi32, #tpu.memory_space<vmem>>, vector<16xi32>,
      %shift_right_logical3A_1614 = arith.constant 7 : i32
      %shift_right_logical3A_1615 = vector.broadcast %shift_right_logical3A_1614 : i32 to vector<16xi32>
      %shift_right_logical3A_1616 = arith.shrui %get3A_1613, %shift_right_logical3A_1615 : vector<16xi32>
      %and3A_1617 = arith.constant 127 : i32
      %and3A_1618 = vector.broadcast %and3A_1617 : i32 to vector<16xi32>
      %and3A_1619 = arith.andi %get3A_1613, %and3A_1618 : vector<16xi32>
      tpu.vector_store_idx %arg9[%shift_right_logical3A_1616, %and3A_1619], %broadcast_in_dim3A_589 {add = true} : memref<80x128xf32, #tpu.memory_space<vmem>>[vector<16xi32>, vector<16xi32>], vector<16xf32>,
      %dma_wait3A_1620 = arith.constant 3 : i32
      %dma_wait3A_1621 = arith.constant 11 : i32
      %dma_wait3A_1622 = arith.constant 0 : i32
      %dma_wait3A_1623 = arith.constant 0 : i32
      %dma_wait3A_1624 = tpu.memref_slice %arg10[%dma_wait3A_1620, %dma_wait3A_1622, %dma_wait3A_1623] : memref<8x32x128xf32, #tpu.memory_space<vmem>> -> memref<1x32x128xf32, #tpu.memory_space<vmem>>
      %dma_wait3A_1625 = tpu.memref_squeeze %dma_wait3A_1624 : memref<1x32x128xf32, #tpu.memory_space<vmem>> -> memref<32x128xf32, #tpu.memory_space<vmem>>
      %dma_wait3A_1626 = arith.constant 0 : i32
      %dma_wait3A_1627 = tpu.memref_slice %arg8[%dma_wait3A_1621, %dma_wait3A_1626] : memref<20x32xi32, #tpu.memory_space<vmem>> -> memref<1x32xi32, #tpu.memory_space<vmem>>
      %dma_wait3A_1628 = tpu.memref_squeeze %dma_wait3A_1627 : memref<1x32xi32, #tpu.memory_space<vmem>> -> memref<32xi32, #tpu.memory_space<vmem>>
      %dma_wait3A_1629 = arith.constant 0 : i32
      %dma_wait3A_1630 = arith.constant 0 : i32
      %dma_wait3A_1631 = tpu.memref_slice %arg6[%dma_wait3A_1629, %dma_wait3A_1630] : memref<10112x128xf32, #tpu.memory_space<vmem_shared>> -> memref<10112x128xf32, #tpu.memory_space<vmem_shared>>
      tpu.wait_indirect_dma semaphore(%arg22 : memref<!tpu.dma_semaphore, #tpu.memory_space<semaphore_mem>>) src(%dma_wait3A_1625 : memref<32x128xf32, #tpu.memory_space<vmem>>) dst(%dma_wait3A_1631 : memref<10112x128xf32, #tpu.memory_space<vmem_shared>>)
      %dma_start3A_1632 = arith.constant 19 : i32
      %dma_start3A_1633 = arith.constant 3 : i32
      %dma_start3A_1634 = arith.constant 0 : i32
      %dma_start3A_1635 = arith.constant 0 : i32
      %dma_start3A_1636 = tpu.memref_slice %arg10[%dma_start3A_1633, %dma_start3A_1634, %dma_start3A_1635] : memref<8x32x128xf32, #tpu.memory_space<vmem>> -> memref<1x32x128xf32, #tpu.memory_space<vmem>>
      %dma_start3A_1637 = tpu.memref_squeeze %dma_start3A_1636 : memref<1x32x128xf32, #tpu.memory_space<vmem>> -> memref<32x128xf32, #tpu.memory_space<vmem>>
      %dma_start3A_1638 = arith.constant 0 : i32
      %dma_start3A_1639 = tpu.memref_slice %arg7[%dma_start3A_1632, %dma_start3A_1638] : memref<20x32xi32, #tpu.memory_space<vmem>> -> memref<1x32xi32, #tpu.memory_space<vmem>>
      %dma_start3A_1640 = tpu.memref_squeeze %dma_start3A_1639 : memref<1x32xi32, #tpu.memory_space<vmem>> -> memref<32xi32, #tpu.memory_space<vmem>>
      %dma_start3A_1641 = arith.constant 0 : i32
      %dma_start3A_1642 = arith.constant 0 : i32
      %dma_start3A_1643 = tpu.memref_slice %arg2[%dma_start3A_1641, %dma_start3A_1642] : memref<10000x128xf32, #tpu.memory_space<hbm>> -> memref<10000x128xf32, #tpu.memory_space<hbm>>
      tpu.enqueue_indirect_dma source(%dma_start3A_1643 : memref<10000x128xf32, #tpu.memory_space<hbm>>) target(%dma_start3A_1637 : memref<32x128xf32, #tpu.memory_space<vmem>>) offsets(%dma_start3A_1640 : memref<32xi32, #tpu.memory_space<vmem>>) semaphore(%arg14 : memref<!tpu.dma_semaphore, #tpu.memory_space<semaphore_mem>>)
      %dma_wait3A_1644 = arith.constant 14 : i32
      %dma_wait3A_1645 = arith.constant 6 : i32
      %dma_wait3A_1646 = arith.constant 0 : i32
      %dma_wait3A_1647 = arith.constant 0 : i32
      %dma_wait3A_1648 = tpu.memref_slice %arg10[%dma_wait3A_1645, %dma_wait3A_1646, %dma_wait3A_1647] : memref<8x32x128xf32, #tpu.memory_space<vmem>> -> memref<1x32x128xf32, #tpu.memory_space<vmem>>
      %dma_wait3A_1649 = tpu.memref_squeeze %dma_wait3A_1648 : memref<1x32x128xf32, #tpu.memory_space<vmem>> -> memref<32x128xf32, #tpu.memory_space<vmem>>
      %dma_wait3A_1650 = arith.constant 0 : i32
      %dma_wait3A_1651 = tpu.memref_slice %arg7[%dma_wait3A_1644, %dma_wait3A_1650] : memref<20x32xi32, #tpu.memory_space<vmem>> -> memref<1x32xi32, #tpu.memory_space<vmem>>
      %dma_wait3A_1652 = tpu.memref_squeeze %dma_wait3A_1651 : memref<1x32xi32, #tpu.memory_space<vmem>> -> memref<32xi32, #tpu.memory_space<vmem>>
      %dma_wait3A_1653 = arith.constant 0 : i32
      %dma_wait3A_1654 = arith.constant 0 : i32
      %dma_wait3A_1655 = tpu.memref_slice %arg2[%dma_wait3A_1653, %dma_wait3A_1654] : memref<10000x128xf32, #tpu.memory_space<hbm>> -> memref<10000x128xf32, #tpu.memory_space<hbm>>
      tpu.wait_indirect_dma semaphore(%arg17 : memref<!tpu.dma_semaphore, #tpu.memory_space<semaphore_mem>>) src(%dma_wait3A_1655 : memref<10000x128xf32, #tpu.memory_space<hbm>>) dst(%dma_wait3A_1649 : memref<32x128xf32, #tpu.memory_space<vmem>>)
      %dma_start3A_1656 = arith.constant 6 : i32
      %dma_start3A_1657 = arith.constant 14 : i32
      %dma_start3A_1658 = arith.constant 0 : i32
      %dma_start3A_1659 = arith.constant 0 : i32
      %dma_start3A_1660 = tpu.memref_slice %arg10[%dma_start3A_1656, %dma_start3A_1658, %dma_start3A_1659] : memref<8x32x128xf32, #tpu.memory_space<vmem>> -> memref<1x32x128xf32, #tpu.memory_space<vmem>>
      %dma_start3A_1661 = tpu.memref_squeeze %dma_start3A_1660 : memref<1x32x128xf32, #tpu.memory_space<vmem>> -> memref<32x128xf32, #tpu.memory_space<vmem>>
      %dma_start3A_1662 = arith.constant 0 : i32
      %dma_start3A_1663 = tpu.memref_slice %arg8[%dma_start3A_1657, %dma_start3A_1662] : memref<20x32xi32, #tpu.memory_space<vmem>> -> memref<1x32xi32, #tpu.memory_space<vmem>>
      %dma_start3A_1664 = tpu.memref_squeeze %dma_start3A_1663 : memref<1x32xi32, #tpu.memory_space<vmem>> -> memref<32xi32, #tpu.memory_space<vmem>>
      %dma_start3A_1665 = arith.constant 0 : i32
      %dma_start3A_1666 = arith.constant 0 : i32
      %dma_start3A_1667 = tpu.memref_slice %arg6[%dma_start3A_1665, %dma_start3A_1666] : memref<10112x128xf32, #tpu.memory_space<vmem_shared>> -> memref<10112x128xf32, #tpu.memory_space<vmem_shared>>
      tpu.enqueue_indirect_dma source(%dma_start3A_1661 : memref<32x128xf32, #tpu.memory_space<vmem>>) target(%dma_start3A_1667 : memref<10112x128xf32, #tpu.memory_space<vmem_shared>>) offsets(%dma_start3A_1664 : memref<32xi32, #tpu.memory_space<vmem>>) semaphore(%arg25 : memref<!tpu.dma_semaphore, #tpu.memory_space<semaphore_mem>>) {add = true}
      %get3A_1668 = arith.constant 14 : i32
      %get3A_1669 = arith.index_cast %get3A_1668 : i32 to index
      %get3A_1670 = arith.constant 0 : index
      %get3A_1671 = tpu.vector_load %arg8[%get3A_1669, %get3A_1670] {strides = array<i32>} : memref<20x32xi32, #tpu.memory_space<vmem>>, vector<16xi32>,
      %shift_right_logical3A_1672 = arith.constant 7 : i32
      %shift_right_logical3A_1673 = vector.broadcast %shift_right_logical3A_1672 : i32 to vector<16xi32>
      %shift_right_logical3A_1674 = arith.shrui %get3A_1671, %shift_right_logical3A_1673 : vector<16xi32>
      %and3A_1675 = arith.constant 127 : i32
      %and3A_1676 = vector.broadcast %and3A_1675 : i32 to vector<16xi32>
      %and3A_1677 = arith.andi %get3A_1671, %and3A_1676 : vector<16xi32>
      tpu.vector_store_idx %arg9[%shift_right_logical3A_1674, %and3A_1677], %broadcast_in_dim3A_589 {add = true} : memref<80x128xf32, #tpu.memory_space<vmem>>[vector<16xi32>, vector<16xi32>], vector<16xf32>,
      %get3A_1678 = arith.constant 14 : i32
      %get3A_1679 = arith.index_cast %get3A_1678 : i32 to index
      %get3A_1680 = arith.constant 16 : index
      %get3A_1681 = tpu.vector_load %arg8[%get3A_1679, %get3A_1680] {strides = array<i32>} : memref<20x32xi32, #tpu.memory_space<vmem>>, vector<16xi32>,
      %shift_right_logical3A_1682 = arith.constant 7 : i32
      %shift_right_logical3A_1683 = vector.broadcast %shift_right_logical3A_1682 : i32 to vector<16xi32>
      %shift_right_logical3A_1684 = arith.shrui %get3A_1681, %shift_right_logical3A_1683 : vector<16xi32>
      %and3A_1685 = arith.constant 127 : i32
      %and3A_1686 = vector.broadcast %and3A_1685 : i32 to vector<16xi32>
      %and3A_1687 = arith.andi %get3A_1681, %and3A_1686 : vector<16xi32>
      tpu.vector_store_idx %arg9[%shift_right_logical3A_1684, %and3A_1687], %broadcast_in_dim3A_589 {add = true} : memref<80x128xf32, #tpu.memory_space<vmem>>[vector<16xi32>, vector<16xi32>], vector<16xf32>,
      %dma_wait3A_1688 = arith.constant 15 : i32
      %dma_wait3A_1689 = arith.constant 7 : i32
      %dma_wait3A_1690 = arith.constant 0 : i32
      %dma_wait3A_1691 = arith.constant 0 : i32
      %dma_wait3A_1692 = tpu.memref_slice %arg10[%dma_wait3A_1689, %dma_wait3A_1690, %dma_wait3A_1691] : memref<8x32x128xf32, #tpu.memory_space<vmem>> -> memref<1x32x128xf32, #tpu.memory_space<vmem>>
      %dma_wait3A_1693 = tpu.memref_squeeze %dma_wait3A_1692 : memref<1x32x128xf32, #tpu.memory_space<vmem>> -> memref<32x128xf32, #tpu.memory_space<vmem>>
      %dma_wait3A_1694 = arith.constant 0 : i32
      %dma_wait3A_1695 = tpu.memref_slice %arg7[%dma_wait3A_1688, %dma_wait3A_1694] : memref<20x32xi32, #tpu.memory_space<vmem>> -> memref<1x32xi32, #tpu.memory_space<vmem>>
      %dma_wait3A_1696 = tpu.memref_squeeze %dma_wait3A_1695 : memref<1x32xi32, #tpu.memory_space<vmem>> -> memref<32xi32, #tpu.memory_space<vmem>>
      %dma_wait3A_1697 = arith.constant 0 : i32
      %dma_wait3A_1698 = arith.constant 0 : i32
      %dma_wait3A_1699 = tpu.memref_slice %arg2[%dma_wait3A_1697, %dma_wait3A_1698] : memref<10000x128xf32, #tpu.memory_space<hbm>> -> memref<10000x128xf32, #tpu.memory_space<hbm>>
      tpu.wait_indirect_dma semaphore(%arg18 : memref<!tpu.dma_semaphore, #tpu.memory_space<semaphore_mem>>) src(%dma_wait3A_1699 : memref<10000x128xf32, #tpu.memory_space<hbm>>) dst(%dma_wait3A_1693 : memref<32x128xf32, #tpu.memory_space<vmem>>)
      %dma_start3A_1700 = arith.constant 7 : i32
      %dma_start3A_1701 = arith.constant 15 : i32
      %dma_start3A_1702 = arith.constant 0 : i32
      %dma_start3A_1703 = arith.constant 0 : i32
      %dma_start3A_1704 = tpu.memref_slice %arg10[%dma_start3A_1700, %dma_start3A_1702, %dma_start3A_1703] : memref<8x32x128xf32, #tpu.memory_space<vmem>> -> memref<1x32x128xf32, #tpu.memory_space<vmem>>
      %dma_start3A_1705 = tpu.memref_squeeze %dma_start3A_1704 : memref<1x32x128xf32, #tpu.memory_space<vmem>> -> memref<32x128xf32, #tpu.memory_space<vmem>>
      %dma_start3A_1706 = arith.constant 0 : i32
      %dma_start3A_1707 = tpu.memref_slice %arg8[%dma_start3A_1701, %dma_start3A_1706] : memref<20x32xi32, #tpu.memory_space<vmem>> -> memref<1x32xi32, #tpu.memory_space<vmem>>
      %dma_start3A_1708 = tpu.memref_squeeze %dma_start3A_1707 : memref<1x32xi32, #tpu.memory_space<vmem>> -> memref<32xi32, #tpu.memory_space<vmem>>
      %dma_start3A_1709 = arith.constant 0 : i32
      %dma_start3A_1710 = arith.constant 0 : i32
      %dma_start3A_1711 = tpu.memref_slice %arg6[%dma_start3A_1709, %dma_start3A_1710] : memref<10112x128xf32, #tpu.memory_space<vmem_shared>> -> memref<10112x128xf32, #tpu.memory_space<vmem_shared>>
      tpu.enqueue_indirect_dma source(%dma_start3A_1705 : memref<32x128xf32, #tpu.memory_space<vmem>>) target(%dma_start3A_1711 : memref<10112x128xf32, #tpu.memory_space<vmem_shared>>) offsets(%dma_start3A_1708 : memref<32xi32, #tpu.memory_space<vmem>>) semaphore(%arg26 : memref<!tpu.dma_semaphore, #tpu.memory_space<semaphore_mem>>) {add = true}
      %get3A_1712 = arith.constant 15 : i32
      %get3A_1713 = arith.index_cast %get3A_1712 : i32 to index
      %get3A_1714 = arith.constant 0 : index
      %get3A_1715 = tpu.vector_load %arg8[%get3A_1713, %get3A_1714] {strides = array<i32>} : memref<20x32xi32, #tpu.memory_space<vmem>>, vector<16xi32>,
      %shift_right_logical3A_1716 = arith.constant 7 : i32
      %shift_right_logical3A_1717 = vector.broadcast %shift_right_logical3A_1716 : i32 to vector<16xi32>
      %shift_right_logical3A_1718 = arith.shrui %get3A_1715, %shift_right_logical3A_1717 : vector<16xi32>
      %and3A_1719 = arith.constant 127 : i32
      %and3A_1720 = vector.broadcast %and3A_1719 : i32 to vector<16xi32>
      %and3A_1721 = arith.andi %get3A_1715, %and3A_1720 : vector<16xi32>
      tpu.vector_store_idx %arg9[%shift_right_logical3A_1718, %and3A_1721], %broadcast_in_dim3A_589 {add = true} : memref<80x128xf32, #tpu.memory_space<vmem>>[vector<16xi32>, vector<16xi32>], vector<16xf32>,
      %get3A_1722 = arith.constant 15 : i32
      %get3A_1723 = arith.index_cast %get3A_1722 : i32 to index
      %get3A_1724 = arith.constant 16 : index
      %get3A_1725 = tpu.vector_load %arg8[%get3A_1723, %get3A_1724] {strides = array<i32>} : memref<20x32xi32, #tpu.memory_space<vmem>>, vector<16xi32>,
      %shift_right_logical3A_1726 = arith.constant 7 : i32
      %shift_right_logical3A_1727 = vector.broadcast %shift_right_logical3A_1726 : i32 to vector<16xi32>
      %shift_right_logical3A_1728 = arith.shrui %get3A_1725, %shift_right_logical3A_1727 : vector<16xi32>
      %and3A_1729 = arith.constant 127 : i32
      %and3A_1730 = vector.broadcast %and3A_1729 : i32 to vector<16xi32>
      %and3A_1731 = arith.andi %get3A_1725, %and3A_1730 : vector<16xi32>
      tpu.vector_store_idx %arg9[%shift_right_logical3A_1728, %and3A_1731], %broadcast_in_dim3A_589 {add = true} : memref<80x128xf32, #tpu.memory_space<vmem>>[vector<16xi32>, vector<16xi32>], vector<16xf32>,
      %dma_wait3A_1732 = arith.constant 16 : i32
      %dma_wait3A_1733 = arith.constant 0 : i32
      %dma_wait3A_1734 = arith.constant 0 : i32
      %dma_wait3A_1735 = arith.constant 0 : i32
      %dma_wait3A_1736 = tpu.memref_slice %arg10[%dma_wait3A_1733, %dma_wait3A_1734, %dma_wait3A_1735] : memref<8x32x128xf32, #tpu.memory_space<vmem>> -> memref<1x32x128xf32, #tpu.memory_space<vmem>>
      %dma_wait3A_1737 = tpu.memref_squeeze %dma_wait3A_1736 : memref<1x32x128xf32, #tpu.memory_space<vmem>> -> memref<32x128xf32, #tpu.memory_space<vmem>>
      %dma_wait3A_1738 = arith.constant 0 : i32
      %dma_wait3A_1739 = tpu.memref_slice %arg7[%dma_wait3A_1732, %dma_wait3A_1738] : memref<20x32xi32, #tpu.memory_space<vmem>> -> memref<1x32xi32, #tpu.memory_space<vmem>>
      %dma_wait3A_1740 = tpu.memref_squeeze %dma_wait3A_1739 : memref<1x32xi32, #tpu.memory_space<vmem>> -> memref<32xi32, #tpu.memory_space<vmem>>
      %dma_wait3A_1741 = arith.constant 0 : i32
      %dma_wait3A_1742 = arith.constant 0 : i32
      %dma_wait3A_1743 = tpu.memref_slice %arg2[%dma_wait3A_1741, %dma_wait3A_1742] : memref<10000x128xf32, #tpu.memory_space<hbm>> -> memref<10000x128xf32, #tpu.memory_space<hbm>>
      tpu.wait_indirect_dma semaphore(%arg11 : memref<!tpu.dma_semaphore, #tpu.memory_space<semaphore_mem>>) src(%dma_wait3A_1743 : memref<10000x128xf32, #tpu.memory_space<hbm>>) dst(%dma_wait3A_1737 : memref<32x128xf32, #tpu.memory_space<vmem>>)
      %dma_start3A_1744 = arith.constant 0 : i32
      %dma_start3A_1745 = arith.constant 16 : i32
      %dma_start3A_1746 = arith.constant 0 : i32
      %dma_start3A_1747 = arith.constant 0 : i32
      %dma_start3A_1748 = tpu.memref_slice %arg10[%dma_start3A_1744, %dma_start3A_1746, %dma_start3A_1747] : memref<8x32x128xf32, #tpu.memory_space<vmem>> -> memref<1x32x128xf32, #tpu.memory_space<vmem>>
      %dma_start3A_1749 = tpu.memref_squeeze %dma_start3A_1748 : memref<1x32x128xf32, #tpu.memory_space<vmem>> -> memref<32x128xf32, #tpu.memory_space<vmem>>
      %dma_start3A_1750 = arith.constant 0 : i32
      %dma_start3A_1751 = tpu.memref_slice %arg8[%dma_start3A_1745, %dma_start3A_1750] : memref<20x32xi32, #tpu.memory_space<vmem>> -> memref<1x32xi32, #tpu.memory_space<vmem>>
      %dma_start3A_1752 = tpu.memref_squeeze %dma_start3A_1751 : memref<1x32xi32, #tpu.memory_space<vmem>> -> memref<32xi32, #tpu.memory_space<vmem>>
      %dma_start3A_1753 = arith.constant 0 : i32
      %dma_start3A_1754 = arith.constant 0 : i32
      %dma_start3A_1755 = tpu.memref_slice %arg6[%dma_start3A_1753, %dma_start3A_1754] : memref<10112x128xf32, #tpu.memory_space<vmem_shared>> -> memref<10112x128xf32, #tpu.memory_space<vmem_shared>>
      tpu.enqueue_indirect_dma source(%dma_start3A_1749 : memref<32x128xf32, #tpu.memory_space<vmem>>) target(%dma_start3A_1755 : memref<10112x128xf32, #tpu.memory_space<vmem_shared>>) offsets(%dma_start3A_1752 : memref<32xi32, #tpu.memory_space<vmem>>) semaphore(%arg19 : memref<!tpu.dma_semaphore, #tpu.memory_space<semaphore_mem>>) {add = true}
      %get3A_1756 = arith.constant 16 : i32
      %get3A_1757 = arith.index_cast %get3A_1756 : i32 to index
      %get3A_1758 = arith.constant 0 : index
      %get3A_1759 = tpu.vector_load %arg8[%get3A_1757, %get3A_1758] {strides = array<i32>} : memref<20x32xi32, #tpu.memory_space<vmem>>, vector<16xi32>,
      %shift_right_logical3A_1760 = arith.constant 7 : i32
      %shift_right_logical3A_1761 = vector.broadcast %shift_right_logical3A_1760 : i32 to vector<16xi32>
      %shift_right_logical3A_1762 = arith.shrui %get3A_1759, %shift_right_logical3A_1761 : vector<16xi32>
      %and3A_1763 = arith.constant 127 : i32
      %and3A_1764 = vector.broadcast %and3A_1763 : i32 to vector<16xi32>
      %and3A_1765 = arith.andi %get3A_1759, %and3A_1764 : vector<16xi32>
      tpu.vector_store_idx %arg9[%shift_right_logical3A_1762, %and3A_1765], %broadcast_in_dim3A_589 {add = true} : memref<80x128xf32, #tpu.memory_space<vmem>>[vector<16xi32>, vector<16xi32>], vector<16xf32>,
      %get3A_1766 = arith.constant 16 : i32
      %get3A_1767 = arith.index_cast %get3A_1766 : i32 to index
      %get3A_1768 = arith.constant 16 : index
      %get3A_1769 = tpu.vector_load %arg8[%get3A_1767, %get3A_1768] {strides = array<i32>} : memref<20x32xi32, #tpu.memory_space<vmem>>, vector<16xi32>,
      %shift_right_logical3A_1770 = arith.constant 7 : i32
      %shift_right_logical3A_1771 = vector.broadcast %shift_right_logical3A_1770 : i32 to vector<16xi32>
      %shift_right_logical3A_1772 = arith.shrui %get3A_1769, %shift_right_logical3A_1771 : vector<16xi32>
      %and3A_1773 = arith.constant 127 : i32
      %and3A_1774 = vector.broadcast %and3A_1773 : i32 to vector<16xi32>
      %and3A_1775 = arith.andi %get3A_1769, %and3A_1774 : vector<16xi32>
      tpu.vector_store_idx %arg9[%shift_right_logical3A_1772, %and3A_1775], %broadcast_in_dim3A_589 {add = true} : memref<80x128xf32, #tpu.memory_space<vmem>>[vector<16xi32>, vector<16xi32>], vector<16xf32>,
      %dma_wait3A_1776 = arith.constant 17 : i32
      %dma_wait3A_1777 = arith.constant 1 : i32
      %dma_wait3A_1778 = arith.constant 0 : i32
      %dma_wait3A_1779 = arith.constant 0 : i32
      %dma_wait3A_1780 = tpu.memref_slice %arg10[%dma_wait3A_1777, %dma_wait3A_1778, %dma_wait3A_1779] : memref<8x32x128xf32, #tpu.memory_space<vmem>> -> memref<1x32x128xf32, #tpu.memory_space<vmem>>
      %dma_wait3A_1781 = tpu.memref_squeeze %dma_wait3A_1780 : memref<1x32x128xf32, #tpu.memory_space<vmem>> -> memref<32x128xf32, #tpu.memory_space<vmem>>
      %dma_wait3A_1782 = arith.constant 0 : i32
      %dma_wait3A_1783 = tpu.memref_slice %arg7[%dma_wait3A_1776, %dma_wait3A_1782] : memref<20x32xi32, #tpu.memory_space<vmem>> -> memref<1x32xi32, #tpu.memory_space<vmem>>
      %dma_wait3A_1784 = tpu.memref_squeeze %dma_wait3A_1783 : memref<1x32xi32, #tpu.memory_space<vmem>> -> memref<32xi32, #tpu.memory_space<vmem>>
      %dma_wait3A_1785 = arith.constant 0 : i32
      %dma_wait3A_1786 = arith.constant 0 : i32
      %dma_wait3A_1787 = tpu.memref_slice %arg2[%dma_wait3A_1785, %dma_wait3A_1786] : memref<10000x128xf32, #tpu.memory_space<hbm>> -> memref<10000x128xf32, #tpu.memory_space<hbm>>
      tpu.wait_indirect_dma semaphore(%arg12 : memref<!tpu.dma_semaphore, #tpu.memory_space<semaphore_mem>>) src(%dma_wait3A_1787 : memref<10000x128xf32, #tpu.memory_space<hbm>>) dst(%dma_wait3A_1781 : memref<32x128xf32, #tpu.memory_space<vmem>>)
      %dma_start3A_1788 = arith.constant 1 : i32
      %dma_start3A_1789 = arith.constant 17 : i32
      %dma_start3A_1790 = arith.constant 0 : i32
      %dma_start3A_1791 = arith.constant 0 : i32
      %dma_start3A_1792 = tpu.memref_slice %arg10[%dma_start3A_1788, %dma_start3A_1790, %dma_start3A_1791] : memref<8x32x128xf32, #tpu.memory_space<vmem>> -> memref<1x32x128xf32, #tpu.memory_space<vmem>>
      %dma_start3A_1793 = tpu.memref_squeeze %dma_start3A_1792 : memref<1x32x128xf32, #tpu.memory_space<vmem>> -> memref<32x128xf32, #tpu.memory_space<vmem>>
      %dma_start3A_1794 = arith.constant 0 : i32
      %dma_start3A_1795 = tpu.memref_slice %arg8[%dma_start3A_1789, %dma_start3A_1794] : memref<20x32xi32, #tpu.memory_space<vmem>> -> memref<1x32xi32, #tpu.memory_space<vmem>>
      %dma_start3A_1796 = tpu.memref_squeeze %dma_start3A_1795 : memref<1x32xi32, #tpu.memory_space<vmem>> -> memref<32xi32, #tpu.memory_space<vmem>>
      %dma_start3A_1797 = arith.constant 0 : i32
      %dma_start3A_1798 = arith.constant 0 : i32
      %dma_start3A_1799 = tpu.memref_slice %arg6[%dma_start3A_1797, %dma_start3A_1798] : memref<10112x128xf32, #tpu.memory_space<vmem_shared>> -> memref<10112x128xf32, #tpu.memory_space<vmem_shared>>
      tpu.enqueue_indirect_dma source(%dma_start3A_1793 : memref<32x128xf32, #tpu.memory_space<vmem>>) target(%dma_start3A_1799 : memref<10112x128xf32, #tpu.memory_space<vmem_shared>>) offsets(%dma_start3A_1796 : memref<32xi32, #tpu.memory_space<vmem>>) semaphore(%arg20 : memref<!tpu.dma_semaphore, #tpu.memory_space<semaphore_mem>>) {add = true}
      %get3A_1800 = arith.constant 17 : i32
      %get3A_1801 = arith.index_cast %get3A_1800 : i32 to index
      %get3A_1802 = arith.constant 0 : index
      %get3A_1803 = tpu.vector_load %arg8[%get3A_1801, %get3A_1802] {strides = array<i32>} : memref<20x32xi32, #tpu.memory_space<vmem>>, vector<16xi32>,
      %shift_right_logical3A_1804 = arith.constant 7 : i32
      %shift_right_logical3A_1805 = vector.broadcast %shift_right_logical3A_1804 : i32 to vector<16xi32>
      %shift_right_logical3A_1806 = arith.shrui %get3A_1803, %shift_right_logical3A_1805 : vector<16xi32>
      %and3A_1807 = arith.constant 127 : i32
      %and3A_1808 = vector.broadcast %and3A_1807 : i32 to vector<16xi32>
      %and3A_1809 = arith.andi %get3A_1803, %and3A_1808 : vector<16xi32>
      tpu.vector_store_idx %arg9[%shift_right_logical3A_1806, %and3A_1809], %broadcast_in_dim3A_589 {add = true} : memref<80x128xf32, #tpu.memory_space<vmem>>[vector<16xi32>, vector<16xi32>], vector<16xf32>,
      %get3A_1810 = arith.constant 17 : i32
      %get3A_1811 = arith.index_cast %get3A_1810 : i32 to index
      %get3A_1812 = arith.constant 16 : index
      %get3A_1813 = tpu.vector_load %arg8[%get3A_1811, %get3A_1812] {strides = array<i32>} : memref<20x32xi32, #tpu.memory_space<vmem>>, vector<16xi32>,
      %shift_right_logical3A_1814 = arith.constant 7 : i32
      %shift_right_logical3A_1815 = vector.broadcast %shift_right_logical3A_1814 : i32 to vector<16xi32>
      %shift_right_logical3A_1816 = arith.shrui %get3A_1813, %shift_right_logical3A_1815 : vector<16xi32>
      %and3A_1817 = arith.constant 127 : i32
      %and3A_1818 = vector.broadcast %and3A_1817 : i32 to vector<16xi32>
      %and3A_1819 = arith.andi %get3A_1813, %and3A_1818 : vector<16xi32>
      tpu.vector_store_idx %arg9[%shift_right_logical3A_1816, %and3A_1819], %broadcast_in_dim3A_589 {add = true} : memref<80x128xf32, #tpu.memory_space<vmem>>[vector<16xi32>, vector<16xi32>], vector<16xf32>,
      %dma_wait3A_1820 = arith.constant 18 : i32
      %dma_wait3A_1821 = arith.constant 2 : i32
      %dma_wait3A_1822 = arith.constant 0 : i32
      %dma_wait3A_1823 = arith.constant 0 : i32
      %dma_wait3A_1824 = tpu.memref_slice %arg10[%dma_wait3A_1821, %dma_wait3A_1822, %dma_wait3A_1823] : memref<8x32x128xf32, #tpu.memory_space<vmem>> -> memref<1x32x128xf32, #tpu.memory_space<vmem>>
      %dma_wait3A_1825 = tpu.memref_squeeze %dma_wait3A_1824 : memref<1x32x128xf32, #tpu.memory_space<vmem>> -> memref<32x128xf32, #tpu.memory_space<vmem>>
      %dma_wait3A_1826 = arith.constant 0 : i32
      %dma_wait3A_1827 = tpu.memref_slice %arg7[%dma_wait3A_1820, %dma_wait3A_1826] : memref<20x32xi32, #tpu.memory_space<vmem>> -> memref<1x32xi32, #tpu.memory_space<vmem>>
      %dma_wait3A_1828 = tpu.memref_squeeze %dma_wait3A_1827 : memref<1x32xi32, #tpu.memory_space<vmem>> -> memref<32xi32, #tpu.memory_space<vmem>>
      %dma_wait3A_1829 = arith.constant 0 : i32
      %dma_wait3A_1830 = arith.constant 0 : i32
      %dma_wait3A_1831 = tpu.memref_slice %arg2[%dma_wait3A_1829, %dma_wait3A_1830] : memref<10000x128xf32, #tpu.memory_space<hbm>> -> memref<10000x128xf32, #tpu.memory_space<hbm>>
      tpu.wait_indirect_dma semaphore(%arg13 : memref<!tpu.dma_semaphore, #tpu.memory_space<semaphore_mem>>) src(%dma_wait3A_1831 : memref<10000x128xf32, #tpu.memory_space<hbm>>) dst(%dma_wait3A_1825 : memref<32x128xf32, #tpu.memory_space<vmem>>)
      %dma_start3A_1832 = arith.constant 2 : i32
      %dma_start3A_1833 = arith.constant 18 : i32
      %dma_start3A_1834 = arith.constant 0 : i32
      %dma_start3A_1835 = arith.constant 0 : i32
      %dma_start3A_1836 = tpu.memref_slice %arg10[%dma_start3A_1832, %dma_start3A_1834, %dma_start3A_1835] : memref<8x32x128xf32, #tpu.memory_space<vmem>> -> memref<1x32x128xf32, #tpu.memory_space<vmem>>
      %dma_start3A_1837 = tpu.memref_squeeze %dma_start3A_1836 : memref<1x32x128xf32, #tpu.memory_space<vmem>> -> memref<32x128xf32, #tpu.memory_space<vmem>>
      %dma_start3A_1838 = arith.constant 0 : i32
      %dma_start3A_1839 = tpu.memref_slice %arg8[%dma_start3A_1833, %dma_start3A_1838] : memref<20x32xi32, #tpu.memory_space<vmem>> -> memref<1x32xi32, #tpu.memory_space<vmem>>
      %dma_start3A_1840 = tpu.memref_squeeze %dma_start3A_1839 : memref<1x32xi32, #tpu.memory_space<vmem>> -> memref<32xi32, #tpu.memory_space<vmem>>
      %dma_start3A_1841 = arith.constant 0 : i32
      %dma_start3A_1842 = arith.constant 0 : i32
      %dma_start3A_1843 = tpu.memref_slice %arg6[%dma_start3A_1841, %dma_start3A_1842] : memref<10112x128xf32, #tpu.memory_space<vmem_shared>> -> memref<10112x128xf32, #tpu.memory_space<vmem_shared>>
      tpu.enqueue_indirect_dma source(%dma_start3A_1837 : memref<32x128xf32, #tpu.memory_space<vmem>>) target(%dma_start3A_1843 : memref<10112x128xf32, #tpu.memory_space<vmem_shared>>) offsets(%dma_start3A_1840 : memref<32xi32, #tpu.memory_space<vmem>>) semaphore(%arg21 : memref<!tpu.dma_semaphore, #tpu.memory_space<semaphore_mem>>) {add = true}
      %get3A_1844 = arith.constant 18 : i32
      %get3A_1845 = arith.index_cast %get3A_1844 : i32 to index
      %get3A_1846 = arith.constant 0 : index
      %get3A_1847 = tpu.vector_load %arg8[%get3A_1845, %get3A_1846] {strides = array<i32>} : memref<20x32xi32, #tpu.memory_space<vmem>>, vector<16xi32>,
      %shift_right_logical3A_1848 = arith.constant 7 : i32
      %shift_right_logical3A_1849 = vector.broadcast %shift_right_logical3A_1848 : i32 to vector<16xi32>
      %shift_right_logical3A_1850 = arith.shrui %get3A_1847, %shift_right_logical3A_1849 : vector<16xi32>
      %and3A_1851 = arith.constant 127 : i32
      %and3A_1852 = vector.broadcast %and3A_1851 : i32 to vector<16xi32>
      %and3A_1853 = arith.andi %get3A_1847, %and3A_1852 : vector<16xi32>
      tpu.vector_store_idx %arg9[%shift_right_logical3A_1850, %and3A_1853], %broadcast_in_dim3A_589 {add = true} : memref<80x128xf32, #tpu.memory_space<vmem>>[vector<16xi32>, vector<16xi32>], vector<16xf32>,
      %get3A_1854 = arith.constant 18 : i32
      %get3A_1855 = arith.index_cast %get3A_1854 : i32 to index
      %get3A_1856 = arith.constant 16 : index
      %get3A_1857 = tpu.vector_load %arg8[%get3A_1855, %get3A_1856] {strides = array<i32>} : memref<20x32xi32, #tpu.memory_space<vmem>>, vector<16xi32>,
      %shift_right_logical3A_1858 = arith.constant 7 : i32
      %shift_right_logical3A_1859 = vector.broadcast %shift_right_logical3A_1858 : i32 to vector<16xi32>
      %shift_right_logical3A_1860 = arith.shrui %get3A_1857, %shift_right_logical3A_1859 : vector<16xi32>
      %and3A_1861 = arith.constant 127 : i32
      %and3A_1862 = vector.broadcast %and3A_1861 : i32 to vector<16xi32>
      %and3A_1863 = arith.andi %get3A_1857, %and3A_1862 : vector<16xi32>
      tpu.vector_store_idx %arg9[%shift_right_logical3A_1860, %and3A_1863], %broadcast_in_dim3A_589 {add = true} : memref<80x128xf32, #tpu.memory_space<vmem>>[vector<16xi32>, vector<16xi32>], vector<16xf32>,
      %dma_wait3A_1864 = arith.constant 19 : i32
      %dma_wait3A_1865 = arith.constant 3 : i32
      %dma_wait3A_1866 = arith.constant 0 : i32
      %dma_wait3A_1867 = arith.constant 0 : i32
      %dma_wait3A_1868 = tpu.memref_slice %arg10[%dma_wait3A_1865, %dma_wait3A_1866, %dma_wait3A_1867] : memref<8x32x128xf32, #tpu.memory_space<vmem>> -> memref<1x32x128xf32, #tpu.memory_space<vmem>>
      %dma_wait3A_1869 = tpu.memref_squeeze %dma_wait3A_1868 : memref<1x32x128xf32, #tpu.memory_space<vmem>> -> memref<32x128xf32, #tpu.memory_space<vmem>>
      %dma_wait3A_1870 = arith.constant 0 : i32
      %dma_wait3A_1871 = tpu.memref_slice %arg7[%dma_wait3A_1864, %dma_wait3A_1870] : memref<20x32xi32, #tpu.memory_space<vmem>> -> memref<1x32xi32, #tpu.memory_space<vmem>>
      %dma_wait3A_1872 = tpu.memref_squeeze %dma_wait3A_1871 : memref<1x32xi32, #tpu.memory_space<vmem>> -> memref<32xi32, #tpu.memory_space<vmem>>
      %dma_wait3A_1873 = arith.constant 0 : i32
      %dma_wait3A_1874 = arith.constant 0 : i32
      %dma_wait3A_1875 = tpu.memref_slice %arg2[%dma_wait3A_1873, %dma_wait3A_1874] : memref<10000x128xf32, #tpu.memory_space<hbm>> -> memref<10000x128xf32, #tpu.memory_space<hbm>>
      tpu.wait_indirect_dma semaphore(%arg14 : memref<!tpu.dma_semaphore, #tpu.memory_space<semaphore_mem>>) src(%dma_wait3A_1875 : memref<10000x128xf32, #tpu.memory_space<hbm>>) dst(%dma_wait3A_1869 : memref<32x128xf32, #tpu.memory_space<vmem>>)
      %dma_start3A_1876 = arith.constant 3 : i32
      %dma_start3A_1877 = arith.constant 19 : i32
      %dma_start3A_1878 = arith.constant 0 : i32
      %dma_start3A_1879 = arith.constant 0 : i32
      %dma_start3A_1880 = tpu.memref_slice %arg10[%dma_start3A_1876, %dma_start3A_1878, %dma_start3A_1879] : memref<8x32x128xf32, #tpu.memory_space<vmem>> -> memref<1x32x128xf32, #tpu.memory_space<vmem>>
      %dma_start3A_1881 = tpu.memref_squeeze %dma_start3A_1880 : memref<1x32x128xf32, #tpu.memory_space<vmem>> -> memref<32x128xf32, #tpu.memory_space<vmem>>
      %dma_start3A_1882 = arith.constant 0 : i32
      %dma_start3A_1883 = tpu.memref_slice %arg8[%dma_start3A_1877, %dma_start3A_1882] : memref<20x32xi32, #tpu.memory_space<vmem>> -> memref<1x32xi32, #tpu.memory_space<vmem>>
      %dma_start3A_1884 = tpu.memref_squeeze %dma_start3A_1883 : memref<1x32xi32, #tpu.memory_space<vmem>> -> memref<32xi32, #tpu.memory_space<vmem>>
      %dma_start3A_1885 = arith.constant 0 : i32
      %dma_start3A_1886 = arith.constant 0 : i32
      %dma_start3A_1887 = tpu.memref_slice %arg6[%dma_start3A_1885, %dma_start3A_1886] : memref<10112x128xf32, #tpu.memory_space<vmem_shared>> -> memref<10112x128xf32, #tpu.memory_space<vmem_shared>>
      tpu.enqueue_indirect_dma source(%dma_start3A_1881 : memref<32x128xf32, #tpu.memory_space<vmem>>) target(%dma_start3A_1887 : memref<10112x128xf32, #tpu.memory_space<vmem_shared>>) offsets(%dma_start3A_1884 : memref<32xi32, #tpu.memory_space<vmem>>) semaphore(%arg22 : memref<!tpu.dma_semaphore, #tpu.memory_space<semaphore_mem>>) {add = true}
      %get3A_1888 = arith.constant 19 : i32
      %get3A_1889 = arith.index_cast %get3A_1888 : i32 to index
      %get3A_1890 = arith.constant 0 : index
      %get3A_1891 = tpu.vector_load %arg8[%get3A_1889, %get3A_1890] {strides = array<i32>} : memref<20x32xi32, #tpu.memory_space<vmem>>, vector<16xi32>,
      %shift_right_logical3A_1892 = arith.constant 7 : i32
      %shift_right_logical3A_1893 = vector.broadcast %shift_right_logical3A_1892 : i32 to vector<16xi32>
      %shift_right_logical3A_1894 = arith.shrui %get3A_1891, %shift_right_logical3A_1893 : vector<16xi32>
      %and3A_1895 = arith.constant 127 : i32
      %and3A_1896 = vector.broadcast %and3A_1895 : i32 to vector<16xi32>
      %and3A_1897 = arith.andi %get3A_1891, %and3A_1896 : vector<16xi32>
      tpu.vector_store_idx %arg9[%shift_right_logical3A_1894, %and3A_1897], %broadcast_in_dim3A_589 {add = true} : memref<80x128xf32, #tpu.memory_space<vmem>>[vector<16xi32>, vector<16xi32>], vector<16xf32>,
      %get3A_1898 = arith.constant 19 : i32
      %get3A_1899 = arith.index_cast %get3A_1898 : i32 to index
      %get3A_1900 = arith.constant 16 : index
      %get3A_1901 = tpu.vector_load %arg8[%get3A_1899, %get3A_1900] {strides = array<i32>} : memref<20x32xi32, #tpu.memory_space<vmem>>, vector<16xi32>,
      %shift_right_logical3A_1902 = arith.constant 7 : i32
      %shift_right_logical3A_1903 = vector.broadcast %shift_right_logical3A_1902 : i32 to vector<16xi32>
      %shift_right_logical3A_1904 = arith.shrui %get3A_1901, %shift_right_logical3A_1903 : vector<16xi32>
      %and3A_1905 = arith.constant 127 : i32
      %and3A_1906 = vector.broadcast %and3A_1905 : i32 to vector<16xi32>
      %and3A_1907 = arith.andi %get3A_1901, %and3A_1906 : vector<16xi32>
      tpu.vector_store_idx %arg9[%shift_right_logical3A_1904, %and3A_1907], %broadcast_in_dim3A_589 {add = true} : memref<80x128xf32, #tpu.memory_space<vmem>>[vector<16xi32>, vector<16xi32>], vector<16xf32>,
      %dma_wait3A_1908 = arith.constant 4 : i32
      %dma_wait3A_1909 = arith.constant 12 : i32
      %dma_wait3A_1910 = arith.constant 0 : i32
      %dma_wait3A_1911 = arith.constant 0 : i32
      %dma_wait3A_1912 = tpu.memref_slice %arg10[%dma_wait3A_1908, %dma_wait3A_1910, %dma_wait3A_1911] : memref<8x32x128xf32, #tpu.memory_space<vmem>> -> memref<1x32x128xf32, #tpu.memory_space<vmem>>
      %dma_wait3A_1913 = tpu.memref_squeeze %dma_wait3A_1912 : memref<1x32x128xf32, #tpu.memory_space<vmem>> -> memref<32x128xf32, #tpu.memory_space<vmem>>
      %dma_wait3A_1914 = arith.constant 0 : i32
      %dma_wait3A_1915 = tpu.memref_slice %arg8[%dma_wait3A_1909, %dma_wait3A_1914] : memref<20x32xi32, #tpu.memory_space<vmem>> -> memref<1x32xi32, #tpu.memory_space<vmem>>
      %dma_wait3A_1916 = tpu.memref_squeeze %dma_wait3A_1915 : memref<1x32xi32, #tpu.memory_space<vmem>> -> memref<32xi32, #tpu.memory_space<vmem>>
      %dma_wait3A_1917 = arith.constant 0 : i32
      %dma_wait3A_1918 = arith.constant 0 : i32
      %dma_wait3A_1919 = tpu.memref_slice %arg6[%dma_wait3A_1917, %dma_wait3A_1918] : memref<10112x128xf32, #tpu.memory_space<vmem_shared>> -> memref<10112x128xf32, #tpu.memory_space<vmem_shared>>
      tpu.wait_indirect_dma semaphore(%arg23 : memref<!tpu.dma_semaphore, #tpu.memory_space<semaphore_mem>>) src(%dma_wait3A_1913 : memref<32x128xf32, #tpu.memory_space<vmem>>) dst(%dma_wait3A_1919 : memref<10112x128xf32, #tpu.memory_space<vmem_shared>>)
      %dma_wait3A_1920 = arith.constant 5 : i32
      %dma_wait3A_1921 = arith.constant 13 : i32
      %dma_wait3A_1922 = arith.constant 0 : i32
      %dma_wait3A_1923 = arith.constant 0 : i32
      %dma_wait3A_1924 = tpu.memref_slice %arg10[%dma_wait3A_1920, %dma_wait3A_1922, %dma_wait3A_1923] : memref<8x32x128xf32, #tpu.memory_space<vmem>> -> memref<1x32x128xf32, #tpu.memory_space<vmem>>
      %dma_wait3A_1925 = tpu.memref_squeeze %dma_wait3A_1924 : memref<1x32x128xf32, #tpu.memory_space<vmem>> -> memref<32x128xf32, #tpu.memory_space<vmem>>
      %dma_wait3A_1926 = arith.constant 0 : i32
      %dma_wait3A_1927 = tpu.memref_slice %arg8[%dma_wait3A_1921, %dma_wait3A_1926] : memref<20x32xi32, #tpu.memory_space<vmem>> -> memref<1x32xi32, #tpu.memory_space<vmem>>
      %dma_wait3A_1928 = tpu.memref_squeeze %dma_wait3A_1927 : memref<1x32xi32, #tpu.memory_space<vmem>> -> memref<32xi32, #tpu.memory_space<vmem>>
      %dma_wait3A_1929 = arith.constant 0 : i32
      %dma_wait3A_1930 = arith.constant 0 : i32
      %dma_wait3A_1931 = tpu.memref_slice %arg6[%dma_wait3A_1929, %dma_wait3A_1930] : memref<10112x128xf32, #tpu.memory_space<vmem_shared>> -> memref<10112x128xf32, #tpu.memory_space<vmem_shared>>
      tpu.wait_indirect_dma semaphore(%arg24 : memref<!tpu.dma_semaphore, #tpu.memory_space<semaphore_mem>>) src(%dma_wait3A_1925 : memref<32x128xf32, #tpu.memory_space<vmem>>) dst(%dma_wait3A_1931 : memref<10112x128xf32, #tpu.memory_space<vmem_shared>>)
      %dma_wait3A_1932 = arith.constant 6 : i32
      %dma_wait3A_1933 = arith.constant 14 : i32
      %dma_wait3A_1934 = arith.constant 0 : i32
      %dma_wait3A_1935 = arith.constant 0 : i32
      %dma_wait3A_1936 = tpu.memref_slice %arg10[%dma_wait3A_1932, %dma_wait3A_1934, %dma_wait3A_1935] : memref<8x32x128xf32, #tpu.memory_space<vmem>> -> memref<1x32x128xf32, #tpu.memory_space<vmem>>
      %dma_wait3A_1937 = tpu.memref_squeeze %dma_wait3A_1936 : memref<1x32x128xf32, #tpu.memory_space<vmem>> -> memref<32x128xf32, #tpu.memory_space<vmem>>
      %dma_wait3A_1938 = arith.constant 0 : i32
      %dma_wait3A_1939 = tpu.memref_slice %arg8[%dma_wait3A_1933, %dma_wait3A_1938] : memref<20x32xi32, #tpu.memory_space<vmem>> -> memref<1x32xi32, #tpu.memory_space<vmem>>
      %dma_wait3A_1940 = tpu.memref_squeeze %dma_wait3A_1939 : memref<1x32xi32, #tpu.memory_space<vmem>> -> memref<32xi32, #tpu.memory_space<vmem>>
      %dma_wait3A_1941 = arith.constant 0 : i32
      %dma_wait3A_1942 = arith.constant 0 : i32
      %dma_wait3A_1943 = tpu.memref_slice %arg6[%dma_wait3A_1941, %dma_wait3A_1942] : memref<10112x128xf32, #tpu.memory_space<vmem_shared>> -> memref<10112x128xf32, #tpu.memory_space<vmem_shared>>
      tpu.wait_indirect_dma semaphore(%arg25 : memref<!tpu.dma_semaphore, #tpu.memory_space<semaphore_mem>>) src(%dma_wait3A_1937 : memref<32x128xf32, #tpu.memory_space<vmem>>) dst(%dma_wait3A_1943 : memref<10112x128xf32, #tpu.memory_space<vmem_shared>>)
      %dma_wait3A_1944 = arith.constant 7 : i32
      %dma_wait3A_1945 = arith.constant 15 : i32
      %dma_wait3A_1946 = arith.constant 0 : i32
      %dma_wait3A_1947 = arith.constant 0 : i32
      %dma_wait3A_1948 = tpu.memref_slice %arg10[%dma_wait3A_1944, %dma_wait3A_1946, %dma_wait3A_1947] : memref<8x32x128xf32, #tpu.memory_space<vmem>> -> memref<1x32x128xf32, #tpu.memory_space<vmem>>
      %dma_wait3A_1949 = tpu.memref_squeeze %dma_wait3A_1948 : memref<1x32x128xf32, #tpu.memory_space<vmem>> -> memref<32x128xf32, #tpu.memory_space<vmem>>
      %dma_wait3A_1950 = arith.constant 0 : i32
      %dma_wait3A_1951 = tpu.memref_slice %arg8[%dma_wait3A_1945, %dma_wait3A_1950] : memref<20x32xi32, #tpu.memory_space<vmem>> -> memref<1x32xi32, #tpu.memory_space<vmem>>
      %dma_wait3A_1952 = tpu.memref_squeeze %dma_wait3A_1951 : memref<1x32xi32, #tpu.memory_space<vmem>> -> memref<32xi32, #tpu.memory_space<vmem>>
      %dma_wait3A_1953 = arith.constant 0 : i32
      %dma_wait3A_1954 = arith.constant 0 : i32
      %dma_wait3A_1955 = tpu.memref_slice %arg6[%dma_wait3A_1953, %dma_wait3A_1954] : memref<10112x128xf32, #tpu.memory_space<vmem_shared>> -> memref<10112x128xf32, #tpu.memory_space<vmem_shared>>
      tpu.wait_indirect_dma semaphore(%arg26 : memref<!tpu.dma_semaphore, #tpu.memory_space<semaphore_mem>>) src(%dma_wait3A_1949 : memref<32x128xf32, #tpu.memory_space<vmem>>) dst(%dma_wait3A_1955 : memref<10112x128xf32, #tpu.memory_space<vmem_shared>>)
      %dma_wait3A_1956 = arith.constant 0 : i32
      %dma_wait3A_1957 = arith.constant 16 : i32
      %dma_wait3A_1958 = arith.constant 0 : i32
      %dma_wait3A_1959 = arith.constant 0 : i32
      %dma_wait3A_1960 = tpu.memref_slice %arg10[%dma_wait3A_1956, %dma_wait3A_1958, %dma_wait3A_1959] : memref<8x32x128xf32, #tpu.memory_space<vmem>> -> memref<1x32x128xf32, #tpu.memory_space<vmem>>
      %dma_wait3A_1961 = tpu.memref_squeeze %dma_wait3A_1960 : memref<1x32x128xf32, #tpu.memory_space<vmem>> -> memref<32x128xf32, #tpu.memory_space<vmem>>
      %dma_wait3A_1962 = arith.constant 0 : i32
      %dma_wait3A_1963 = tpu.memref_slice %arg8[%dma_wait3A_1957, %dma_wait3A_1962] : memref<20x32xi32, #tpu.memory_space<vmem>> -> memref<1x32xi32, #tpu.memory_space<vmem>>
      %dma_wait3A_1964 = tpu.memref_squeeze %dma_wait3A_1963 : memref<1x32xi32, #tpu.memory_space<vmem>> -> memref<32xi32, #tpu.memory_space<vmem>>
      %dma_wait3A_1965 = arith.constant 0 : i32
      %dma_wait3A_1966 = arith.constant 0 : i32
      %dma_wait3A_1967 = tpu.memref_slice %arg6[%dma_wait3A_1965, %dma_wait3A_1966] : memref<10112x128xf32, #tpu.memory_space<vmem_shared>> -> memref<10112x128xf32, #tpu.memory_space<vmem_shared>>
      tpu.wait_indirect_dma semaphore(%arg19 : memref<!tpu.dma_semaphore, #tpu.memory_space<semaphore_mem>>) src(%dma_wait3A_1961 : memref<32x128xf32, #tpu.memory_space<vmem>>) dst(%dma_wait3A_1967 : memref<10112x128xf32, #tpu.memory_space<vmem_shared>>)
      %dma_wait3A_1968 = arith.constant 1 : i32
      %dma_wait3A_1969 = arith.constant 17 : i32
      %dma_wait3A_1970 = arith.constant 0 : i32
      %dma_wait3A_1971 = arith.constant 0 : i32
      %dma_wait3A_1972 = tpu.memref_slice %arg10[%dma_wait3A_1968, %dma_wait3A_1970, %dma_wait3A_1971] : memref<8x32x128xf32, #tpu.memory_space<vmem>> -> memref<1x32x128xf32, #tpu.memory_space<vmem>>
      %dma_wait3A_1973 = tpu.memref_squeeze %dma_wait3A_1972 : memref<1x32x128xf32, #tpu.memory_space<vmem>> -> memref<32x128xf32, #tpu.memory_space<vmem>>
      %dma_wait3A_1974 = arith.constant 0 : i32
      %dma_wait3A_1975 = tpu.memref_slice %arg8[%dma_wait3A_1969, %dma_wait3A_1974] : memref<20x32xi32, #tpu.memory_space<vmem>> -> memref<1x32xi32, #tpu.memory_space<vmem>>
      %dma_wait3A_1976 = tpu.memref_squeeze %dma_wait3A_1975 : memref<1x32xi32, #tpu.memory_space<vmem>> -> memref<32xi32, #tpu.memory_space<vmem>>
      %dma_wait3A_1977 = arith.constant 0 : i32
      %dma_wait3A_1978 = arith.constant 0 : i32
      %dma_wait3A_1979 = tpu.memref_slice %arg6[%dma_wait3A_1977, %dma_wait3A_1978] : memref<10112x128xf32, #tpu.memory_space<vmem_shared>> -> memref<10112x128xf32, #tpu.memory_space<vmem_shared>>
      tpu.wait_indirect_dma semaphore(%arg20 : memref<!tpu.dma_semaphore, #tpu.memory_space<semaphore_mem>>) src(%dma_wait3A_1973 : memref<32x128xf32, #tpu.memory_space<vmem>>) dst(%dma_wait3A_1979 : memref<10112x128xf32, #tpu.memory_space<vmem_shared>>)
      %dma_wait3A_1980 = arith.constant 2 : i32
      %dma_wait3A_1981 = arith.constant 18 : i32
      %dma_wait3A_1982 = arith.constant 0 : i32
      %dma_wait3A_1983 = arith.constant 0 : i32
      %dma_wait3A_1984 = tpu.memref_slice %arg10[%dma_wait3A_1980, %dma_wait3A_1982, %dma_wait3A_1983] : memref<8x32x128xf32, #tpu.memory_space<vmem>> -> memref<1x32x128xf32, #tpu.memory_space<vmem>>
      %dma_wait3A_1985 = tpu.memref_squeeze %dma_wait3A_1984 : memref<1x32x128xf32, #tpu.memory_space<vmem>> -> memref<32x128xf32, #tpu.memory_space<vmem>>
      %dma_wait3A_1986 = arith.constant 0 : i32
      %dma_wait3A_1987 = tpu.memref_slice %arg8[%dma_wait3A_1981, %dma_wait3A_1986] : memref<20x32xi32, #tpu.memory_space<vmem>> -> memref<1x32xi32, #tpu.memory_space<vmem>>
      %dma_wait3A_1988 = tpu.memref_squeeze %dma_wait3A_1987 : memref<1x32xi32, #tpu.memory_space<vmem>> -> memref<32xi32, #tpu.memory_space<vmem>>
      %dma_wait3A_1989 = arith.constant 0 : i32
      %dma_wait3A_1990 = arith.constant 0 : i32
      %dma_wait3A_1991 = tpu.memref_slice %arg6[%dma_wait3A_1989, %dma_wait3A_1990] : memref<10112x128xf32, #tpu.memory_space<vmem_shared>> -> memref<10112x128xf32, #tpu.memory_space<vmem_shared>>
      tpu.wait_indirect_dma semaphore(%arg21 : memref<!tpu.dma_semaphore, #tpu.memory_space<semaphore_mem>>) src(%dma_wait3A_1985 : memref<32x128xf32, #tpu.memory_space<vmem>>) dst(%dma_wait3A_1991 : memref<10112x128xf32, #tpu.memory_space<vmem_shared>>)
      %dma_wait3A_1992 = arith.constant 3 : i32
      %dma_wait3A_1993 = arith.constant 19 : i32
      %dma_wait3A_1994 = arith.constant 0 : i32
      %dma_wait3A_1995 = arith.constant 0 : i32
      %dma_wait3A_1996 = tpu.memref_slice %arg10[%dma_wait3A_1992, %dma_wait3A_1994, %dma_wait3A_1995] : memref<8x32x128xf32, #tpu.memory_space<vmem>> -> memref<1x32x128xf32, #tpu.memory_space<vmem>>
      %dma_wait3A_1997 = tpu.memref_squeeze %dma_wait3A_1996 : memref<1x32x128xf32, #tpu.memory_space<vmem>> -> memref<32x128xf32, #tpu.memory_space<vmem>>
      %dma_wait3A_1998 = arith.constant 0 : i32
      %dma_wait3A_1999 = tpu.memref_slice %arg8[%dma_wait3A_1993, %dma_wait3A_1998] : memref<20x32xi32, #tpu.memory_space<vmem>> -> memref<1x32xi32, #tpu.memory_space<vmem>>
      %dma_wait3A_2000 = tpu.memref_squeeze %dma_wait3A_1999 : memref<1x32xi32, #tpu.memory_space<vmem>> -> memref<32xi32, #tpu.memory_space<vmem>>
      %dma_wait3A_2001 = arith.constant 0 : i32
      %dma_wait3A_2002 = arith.constant 0 : i32
      %dma_wait3A_2003 = tpu.memref_slice %arg6[%dma_wait3A_2001, %dma_wait3A_2002] : memref<10112x128xf32, #tpu.memory_space<vmem_shared>> -> memref<10112x128xf32, #tpu.memory_space<vmem_shared>>
      tpu.wait_indirect_dma semaphore(%arg22 : memref<!tpu.dma_semaphore, #tpu.memory_space<semaphore_mem>>) src(%dma_wait3A_1997 : memref<32x128xf32, #tpu.memory_space<vmem>>) dst(%dma_wait3A_2003 : memref<10112x128xf32, #tpu.memory_space<vmem_shared>>)
      %scan3A_2004 = arith.constant 0 : i32
      scf.yield %scan3A_2004 : i32
    }
    %scan3A_596 = arith.constant 16 : i32
    %iota3A = tpu.iota {dimensions = array<i32: 0>} : vector<16xi32>
    %add3A_597 = arith.constant 10016 : i32
    %add3A_598 = vector.broadcast %add3A_597 : i32 to vector<16xi32>
    %add3A_599 = arith.addi %add3A_598, %iota3A : vector<16xi32>
    "tpu.region"() ({
      %run_scoped3A_613 = tpu.sem_alloc : memref<!tpu.dma_semaphore, #tpu.memory_space<semaphore_mem>>
      %dma_start3A_614 = arith.constant 0 : i32
      %dma_start3A_615 = arith.constant 0 : i32
      %dma_start3A_616 = tpu.memref_slice %arg9[%dma_start3A_614, %dma_start3A_615] : memref<80x128xf32, #tpu.memory_space<vmem>> -> memref<16x128xf32, #tpu.memory_space<vmem>>
      %dma_start3A_617 = arith.constant 0 : i32
      %dma_start3A_618 = arith.constant 0 : i32
      %dma_start3A_619 = tpu.memref_slice %arg6[%dma_start3A_617, %dma_start3A_618] : memref<10112x128xf32, #tpu.memory_space<vmem_shared>> -> memref<10112x128xf32, #tpu.memory_space<vmem_shared>>
      tpu.enqueue_indirect_dma source(%dma_start3A_616 : memref<16x128xf32, #tpu.memory_space<vmem>>) target(%dma_start3A_619 : memref<10112x128xf32, #tpu.memory_space<vmem_shared>>) offsets(%add3A_599 : vector<16xi32>) semaphore(%run_scoped3A_613 : memref<!tpu.dma_semaphore, #tpu.memory_space<semaphore_mem>>) {add = true}
      %dma_wait3A_620 = arith.constant 0 : i32
      %dma_wait3A_621 = arith.constant 0 : i32
      %dma_wait3A_622 = tpu.memref_slice %arg9[%dma_wait3A_620, %dma_wait3A_621] : memref<80x128xf32, #tpu.memory_space<vmem>> -> memref<16x128xf32, #tpu.memory_space<vmem>>
      %dma_wait3A_623 = arith.constant 0 : i32
      %dma_wait3A_624 = arith.constant 0 : i32
      %dma_wait3A_625 = tpu.memref_slice %arg6[%dma_wait3A_623, %dma_wait3A_624] : memref<10112x128xf32, #tpu.memory_space<vmem_shared>> -> memref<10112x128xf32, #tpu.memory_space<vmem_shared>>
      tpu.wait_indirect_dma semaphore(%run_scoped3A_613 : memref<!tpu.dma_semaphore, #tpu.memory_space<semaphore_mem>>) src(%dma_wait3A_622 : memref<16x128xf32, #tpu.memory_space<vmem>>) dst(%dma_wait3A_625 : memref<10112x128xf32, #tpu.memory_space<vmem_shared>>)
      tpu.yield
    }) : () -> ()
    %add3A_600 = arith.constant 10032 : i32
    %add3A_601 = vector.broadcast %add3A_600 : i32 to vector<16xi32>
    %add3A_602 = arith.addi %add3A_601, %iota3A : vector<16xi32>
    "tpu.region"() ({
      %run_scoped3A_613 = tpu.sem_alloc : memref<!tpu.dma_semaphore, #tpu.memory_space<semaphore_mem>>
      %dma_start3A_614 = arith.constant 16 : i32
      %dma_start3A_615 = arith.constant 0 : i32
      %dma_start3A_616 = tpu.memref_slice %arg9[%dma_start3A_614, %dma_start3A_615] : memref<80x128xf32, #tpu.memory_space<vmem>> -> memref<16x128xf32, #tpu.memory_space<vmem>>
      %dma_start3A_617 = arith.constant 0 : i32
      %dma_start3A_618 = arith.constant 0 : i32
      %dma_start3A_619 = tpu.memref_slice %arg6[%dma_start3A_617, %dma_start3A_618] : memref<10112x128xf32, #tpu.memory_space<vmem_shared>> -> memref<10112x128xf32, #tpu.memory_space<vmem_shared>>
      tpu.enqueue_indirect_dma source(%dma_start3A_616 : memref<16x128xf32, #tpu.memory_space<vmem>>) target(%dma_start3A_619 : memref<10112x128xf32, #tpu.memory_space<vmem_shared>>) offsets(%add3A_602 : vector<16xi32>) semaphore(%run_scoped3A_613 : memref<!tpu.dma_semaphore, #tpu.memory_space<semaphore_mem>>) {add = true}
      %dma_wait3A_620 = arith.constant 16 : i32
      %dma_wait3A_621 = arith.constant 0 : i32
      %dma_wait3A_622 = tpu.memref_slice %arg9[%dma_wait3A_620, %dma_wait3A_621] : memref<80x128xf32, #tpu.memory_space<vmem>> -> memref<16x128xf32, #tpu.memory_space<vmem>>
      %dma_wait3A_623 = arith.constant 0 : i32
      %dma_wait3A_624 = arith.constant 0 : i32
      %dma_wait3A_625 = tpu.memref_slice %arg6[%dma_wait3A_623, %dma_wait3A_624] : memref<10112x128xf32, #tpu.memory_space<vmem_shared>> -> memref<10112x128xf32, #tpu.memory_space<vmem_shared>>
      tpu.wait_indirect_dma semaphore(%run_scoped3A_613 : memref<!tpu.dma_semaphore, #tpu.memory_space<semaphore_mem>>) src(%dma_wait3A_622 : memref<16x128xf32, #tpu.memory_space<vmem>>) dst(%dma_wait3A_625 : memref<10112x128xf32, #tpu.memory_space<vmem_shared>>)
      tpu.yield
    }) : () -> ()
    %add3A_603 = arith.constant 10048 : i32
    %add3A_604 = vector.broadcast %add3A_603 : i32 to vector<16xi32>
    %add3A_605 = arith.addi %add3A_604, %iota3A : vector<16xi32>
    "tpu.region"() ({
      %run_scoped3A_613 = tpu.sem_alloc : memref<!tpu.dma_semaphore, #tpu.memory_space<semaphore_mem>>
      %dma_start3A_614 = arith.constant 32 : i32
      %dma_start3A_615 = arith.constant 0 : i32
      %dma_start3A_616 = tpu.memref_slice %arg9[%dma_start3A_614, %dma_start3A_615] : memref<80x128xf32, #tpu.memory_space<vmem>> -> memref<16x128xf32, #tpu.memory_space<vmem>>
      %dma_start3A_617 = arith.constant 0 : i32
      %dma_start3A_618 = arith.constant 0 : i32
      %dma_start3A_619 = tpu.memref_slice %arg6[%dma_start3A_617, %dma_start3A_618] : memref<10112x128xf32, #tpu.memory_space<vmem_shared>> -> memref<10112x128xf32, #tpu.memory_space<vmem_shared>>
      tpu.enqueue_indirect_dma source(%dma_start3A_616 : memref<16x128xf32, #tpu.memory_space<vmem>>) target(%dma_start3A_619 : memref<10112x128xf32, #tpu.memory_space<vmem_shared>>) offsets(%add3A_605 : vector<16xi32>) semaphore(%run_scoped3A_613 : memref<!tpu.dma_semaphore, #tpu.memory_space<semaphore_mem>>) {add = true}
      %dma_wait3A_620 = arith.constant 32 : i32
      %dma_wait3A_621 = arith.constant 0 : i32
      %dma_wait3A_622 = tpu.memref_slice %arg9[%dma_wait3A_620, %dma_wait3A_621] : memref<80x128xf32, #tpu.memory_space<vmem>> -> memref<16x128xf32, #tpu.memory_space<vmem>>
      %dma_wait3A_623 = arith.constant 0 : i32
      %dma_wait3A_624 = arith.constant 0 : i32
      %dma_wait3A_625 = tpu.memref_slice %arg6[%dma_wait3A_623, %dma_wait3A_624] : memref<10112x128xf32, #tpu.memory_space<vmem_shared>> -> memref<10112x128xf32, #tpu.memory_space<vmem_shared>>
      tpu.wait_indirect_dma semaphore(%run_scoped3A_613 : memref<!tpu.dma_semaphore, #tpu.memory_space<semaphore_mem>>) src(%dma_wait3A_622 : memref<16x128xf32, #tpu.memory_space<vmem>>) dst(%dma_wait3A_625 : memref<10112x128xf32, #tpu.memory_space<vmem_shared>>)
      tpu.yield
    }) : () -> ()
    %add3A_606 = arith.constant 10064 : i32
    %add3A_607 = vector.broadcast %add3A_606 : i32 to vector<16xi32>
    %add3A_608 = arith.addi %add3A_607, %iota3A : vector<16xi32>
    "tpu.region"() ({
      %run_scoped3A_613 = tpu.sem_alloc : memref<!tpu.dma_semaphore, #tpu.memory_space<semaphore_mem>>
      %dma_start3A_614 = arith.constant 48 : i32
      %dma_start3A_615 = arith.constant 0 : i32
      %dma_start3A_616 = tpu.memref_slice %arg9[%dma_start3A_614, %dma_start3A_615] : memref<80x128xf32, #tpu.memory_space<vmem>> -> memref<16x128xf32, #tpu.memory_space<vmem>>
      %dma_start3A_617 = arith.constant 0 : i32
      %dma_start3A_618 = arith.constant 0 : i32
      %dma_start3A_619 = tpu.memref_slice %arg6[%dma_start3A_617, %dma_start3A_618] : memref<10112x128xf32, #tpu.memory_space<vmem_shared>> -> memref<10112x128xf32, #tpu.memory_space<vmem_shared>>
      tpu.enqueue_indirect_dma source(%dma_start3A_616 : memref<16x128xf32, #tpu.memory_space<vmem>>) target(%dma_start3A_619 : memref<10112x128xf32, #tpu.memory_space<vmem_shared>>) offsets(%add3A_608 : vector<16xi32>) semaphore(%run_scoped3A_613 : memref<!tpu.dma_semaphore, #tpu.memory_space<semaphore_mem>>) {add = true}
      %dma_wait3A_620 = arith.constant 48 : i32
      %dma_wait3A_621 = arith.constant 0 : i32
      %dma_wait3A_622 = tpu.memref_slice %arg9[%dma_wait3A_620, %dma_wait3A_621] : memref<80x128xf32, #tpu.memory_space<vmem>> -> memref<16x128xf32, #tpu.memory_space<vmem>>
      %dma_wait3A_623 = arith.constant 0 : i32
      %dma_wait3A_624 = arith.constant 0 : i32
      %dma_wait3A_625 = tpu.memref_slice %arg6[%dma_wait3A_623, %dma_wait3A_624] : memref<10112x128xf32, #tpu.memory_space<vmem_shared>> -> memref<10112x128xf32, #tpu.memory_space<vmem_shared>>
      tpu.wait_indirect_dma semaphore(%run_scoped3A_613 : memref<!tpu.dma_semaphore, #tpu.memory_space<semaphore_mem>>) src(%dma_wait3A_622 : memref<16x128xf32, #tpu.memory_space<vmem>>) dst(%dma_wait3A_625 : memref<10112x128xf32, #tpu.memory_space<vmem_shared>>)
      tpu.yield
    }) : () -> ()
    %add3A_609 = arith.constant 10080 : i32
    %add3A_610 = vector.broadcast %add3A_609 : i32 to vector<16xi32>
    %add3A_611 = arith.addi %add3A_610, %iota3A : vector<16xi32>
    "tpu.region"() ({
      %run_scoped3A_613 = tpu.sem_alloc : memref<!tpu.dma_semaphore, #tpu.memory_space<semaphore_mem>>
      %dma_start3A_614 = arith.constant 64 : i32
      %dma_start3A_615 = arith.constant 0 : i32
      %dma_start3A_616 = tpu.memref_slice %arg9[%dma_start3A_614, %dma_start3A_615] : memref<80x128xf32, #tpu.memory_space<vmem>> -> memref<16x128xf32, #tpu.memory_space<vmem>>
      %dma_start3A_617 = arith.constant 0 : i32
      %dma_start3A_618 = arith.constant 0 : i32
      %dma_start3A_619 = tpu.memref_slice %arg6[%dma_start3A_617, %dma_start3A_618] : memref<10112x128xf32, #tpu.memory_space<vmem_shared>> -> memref<10112x128xf32, #tpu.memory_space<vmem_shared>>
      tpu.enqueue_indirect_dma source(%dma_start3A_616 : memref<16x128xf32, #tpu.memory_space<vmem>>) target(%dma_start3A_619 : memref<10112x128xf32, #tpu.memory_space<vmem_shared>>) offsets(%add3A_611 : vector<16xi32>) semaphore(%run_scoped3A_613 : memref<!tpu.dma_semaphore, #tpu.memory_space<semaphore_mem>>) {add = true}
      %dma_wait3A_620 = arith.constant 64 : i32
      %dma_wait3A_621 = arith.constant 0 : i32
      %dma_wait3A_622 = tpu.memref_slice %arg9[%dma_wait3A_620, %dma_wait3A_621] : memref<80x128xf32, #tpu.memory_space<vmem>> -> memref<16x128xf32, #tpu.memory_space<vmem>>
      %dma_wait3A_623 = arith.constant 0 : i32
      %dma_wait3A_624 = arith.constant 0 : i32
      %dma_wait3A_625 = tpu.memref_slice %arg6[%dma_wait3A_623, %dma_wait3A_624] : memref<10112x128xf32, #tpu.memory_space<vmem_shared>> -> memref<10112x128xf32, #tpu.memory_space<vmem_shared>>
      tpu.wait_indirect_dma semaphore(%run_scoped3A_613 : memref<!tpu.dma_semaphore, #tpu.memory_space<semaphore_mem>>) src(%dma_wait3A_622 : memref<16x128xf32, #tpu.memory_space<vmem>>) dst(%dma_wait3A_625 : memref<10112x128xf32, #tpu.memory_space<vmem_shared>>)
      tpu.yield
    }) : () -> ()
    %barrier3A_612 = arith.constant 0 : index
    tpu.barrier barrier_id(%barrier3A_612)
    "tpu.region"() ({
      %run_scoped3A_613 = tpu.sem_alloc : memref<!tpu.dma_semaphore, #tpu.memory_space<semaphore_mem>>
      %dma_start3A_614 = arith.constant 0 : i32
      %dma_start3A_615 = tpu.memref_slice %arg5[%arg0, %mul3A_16, %dma_start3A_614] : memref<2x10112x128xf32, #tpu.memory_space<hbm>> -> memref<1x632x128xf32, #tpu.memory_space<hbm>>
      %dma_start3A_616 = tpu.memref_squeeze %dma_start3A_615 : memref<1x632x128xf32, #tpu.memory_space<hbm>> -> memref<632x128xf32, #tpu.memory_space<hbm>>
      %dma_start3A_617 = arith.constant 0 : i32
      %dma_start3A_618 = tpu.memref_slice %arg6[%mul3A_16, %dma_start3A_617] : memref<10112x128xf32, #tpu.memory_space<vmem_shared>> -> memref<632x128xf32, #tpu.memory_space<vmem_shared>>
      tpu.enqueue_dma source(%dma_start3A_618 : memref<632x128xf32, #tpu.memory_space<vmem_shared>>) target(%dma_start3A_616 : memref<632x128xf32, #tpu.memory_space<hbm>>) target_semaphore(%run_scoped3A_613 : memref<!tpu.dma_semaphore, #tpu.memory_space<semaphore_mem>>)
      %dma_wait3A_619 = arith.constant 0 : i32
      %dma_wait3A_620 = tpu.memref_slice %arg5[%arg0, %mul3A_16, %dma_wait3A_619] : memref<2x10112x128xf32, #tpu.memory_space<hbm>> -> memref<1x632x128xf32, #tpu.memory_space<hbm>>
      %dma_wait3A_621 = tpu.memref_squeeze %dma_wait3A_620 : memref<1x632x128xf32, #tpu.memory_space<hbm>> -> memref<632x128xf32, #tpu.memory_space<hbm>>
      %dma_wait3A_622 = arith.constant 0 : i32
      %dma_wait3A_623 = tpu.memref_slice %arg6[%mul3A_16, %dma_wait3A_622] : memref<10112x128xf32, #tpu.memory_space<vmem_shared>> -> memref<632x128xf32, #tpu.memory_space<vmem_shared>>
      tpu.wait_dma2 semaphore(%run_scoped3A_613 : memref<!tpu.dma_semaphore, #tpu.memory_space<semaphore_mem>>) src(%dma_wait3A_623 : memref<632x128xf32, #tpu.memory_space<vmem_shared>>) dst(%dma_wait3A_621 : memref<632x128xf32, #tpu.memory_space<hbm>>)
      tpu.yield
    }) : () -> ()
    return
  }
}

module attributes {stable_mosaic.version = 14 : i64} {
  func.func @_tc_epilogue_body(%arg0: i32, %arg1: memref<2x1024x128xf32, #tpu.memory_space<vmem>>, %arg2: memref<2x1024x1xf32, #tpu.memory_space<vmem>>, %arg3: memref<1024x128xf32, #tpu.memory_space<vmem>>, %arg4: memref<128x128xf32, #tpu.memory_space<vmem>>, %arg5: memref<128x128xf32, #tpu.memory_space<vmem>>, %arg6: memref<1x128xf32, #tpu.memory_space<vmem>>, %arg7: memref<1x128xf32, #tpu.memory_space<vmem>>, %arg8: memref<1024x128xf32, #tpu.memory_space<vmem>>) attributes {dimension_semantics = [#tpu.dimension_semantics<arbitrary>], iteration_bounds = array<i64: 10>, scalar_prefetch = 0 : i64, scratch_operands = 0 : i64, tpu.core_type = #tpu.core_type<tc>, window_params = [{transform_indices = @transform_0, window_bounds = array<i64: 2, 1024, 128>}, {transform_indices = @transform_1, window_bounds = array<i64: 2, 1024, 1>}, {transform_indices = @transform_2, window_bounds = array<i64: 1024, 128>}, {pipeline_mode = #tpu.pipeline_mode<synchronous>, transform_indices = @transform_3, window_bounds = array<i64: 128, 128>}, {pipeline_mode = #tpu.pipeline_mode<synchronous>, transform_indices = @transform_4, window_bounds = array<i64: 128, 128>}, {pipeline_mode = #tpu.pipeline_mode<synchronous>, transform_indices = @transform_5, window_bounds = array<i64: 1, 128>}, {pipeline_mode = #tpu.pipeline_mode<synchronous>, transform_indices = @transform_6, window_bounds = array<i64: 1, 128>}, {transform_indices = @transform_7, window_bounds = array<i64: 1024, 128>}]} {
    %get3A = arith.constant 0 : index
    %get3A_0 = arith.constant 0 : index
    %get3A_1 = arith.constant 0 : index
    %get3A_2 = vector.load %arg1[%get3A, %get3A_0, %get3A_1] : memref<2x1024x128xf32, #tpu.memory_space<vmem>>, vector<2x1024x128xf32>
    %slice3A = vector.extract_strided_slice %get3A_2 {offsets = [0, 0, 0], sizes = [1, 1024, 128], strides = [1, 1, 1]} : vector<2x1024x128xf32> to vector<1x1024x128xf32>
    %squeeze3A = vector.shape_cast %slice3A : vector<1x1024x128xf32> to vector<1024x128xf32>
    %slice3A_3 = vector.extract_strided_slice %get3A_2 {offsets = [1, 0, 0], sizes = [1, 1024, 128], strides = [1, 1, 1]} : vector<2x1024x128xf32> to vector<1x1024x128xf32>
    %squeeze3A_4 = vector.shape_cast %slice3A_3 : vector<1x1024x128xf32> to vector<1024x128xf32>
    %add3A = arith.addf %squeeze3A, %squeeze3A_4 : vector<1024x128xf32>
    %get3A_5 = arith.constant 0 : index
    %get3A_6 = arith.constant 0 : index
    %get3A_7 = arith.constant 0 : index
    %get3A_8 = vector.load %arg2[%get3A_5, %get3A_6, %get3A_7] : memref<2x1024x1xf32, #tpu.memory_space<vmem>>, vector<2x1024x1xf32>
    %slice3A_9 = vector.extract_strided_slice %get3A_8 {offsets = [0, 0, 0], sizes = [1, 1024, 1], strides = [1, 1, 1]} : vector<2x1024x1xf32> to vector<1x1024x1xf32>
    %squeeze3A_10 = vector.shape_cast %slice3A_9 : vector<1x1024x1xf32> to vector<1024x1xf32>
    %slice3A_11 = vector.extract_strided_slice %get3A_8 {offsets = [1, 0, 0], sizes = [1, 1024, 1], strides = [1, 1, 1]} : vector<2x1024x1xf32> to vector<1x1024x1xf32>
    %squeeze3A_12 = vector.shape_cast %slice3A_11 : vector<1x1024x1xf32> to vector<1024x1xf32>
    %add3A_13 = arith.addf %squeeze3A_10, %squeeze3A_12 : vector<1024x1xf32>
    %max3A = arith.constant 1.000000e+00 : f32
    %max3A_14 = vector.broadcast %max3A : f32 to vector<1024x1xf32>
    %max3A_15 = arith.maximumf %add3A_13, %max3A_14 : vector<1024x1xf32>
    %div3A = arith.constant 1.000000e+00 : f32
    %div3A_16 = vector.broadcast %div3A : f32 to vector<1024x1xf32>
    %div3A_17 = arith.divf %div3A_16, %max3A_15 : vector<1024x1xf32>
    %get3A_18 = arith.constant 0 : index
    %get3A_19 = arith.constant 0 : index
    %get3A_20 = vector.load %arg3[%get3A_18, %get3A_19] : memref<1024x128xf32, #tpu.memory_space<vmem>>, vector<1024x128xf32>
    %get3A_21 = arith.constant 0 : index
    %get3A_22 = arith.constant 0 : index
    %get3A_23 = vector.load %arg4[%get3A_21, %get3A_22] : memref<128x128xf32, #tpu.memory_space<vmem>>, vector<128x128xf32>
    %dot_general3A = arith.constant dense<0.000000e+00> : vector<1024x128xf32>
    %dot_general3A_24 = tpu.matmul %get3A_20, %get3A_23, %dot_general3A {dimension_numbers = #tpu.dot_dimension_numbers<[1], [0], [0], [1], [0, 0, 1, 1], [], []>, transpose_lhs_hint = false} : vector<1024x128xf32>, vector<128x128xf32>, vector<1024x128xf32> -> vector<1024x128xf32>
    %get3A_25 = arith.constant 0 : index
    %get3A_26 = arith.constant 0 : index
    %get3A_27 = vector.load %arg6[%get3A_25, %get3A_26] : memref<1x128xf32, #tpu.memory_space<vmem>>, vector<1x128xf32>
    %add3A_28 = vector.broadcast %get3A_27 : vector<1x128xf32> to vector<1024x128xf32>
    %add3A_29 = arith.addf %dot_general3A_24, %add3A_28 : vector<1024x128xf32>
    %get3A_30 = arith.constant 0 : index
    %get3A_31 = arith.constant 0 : index
    %get3A_32 = vector.load %arg5[%get3A_30, %get3A_31] : memref<128x128xf32, #tpu.memory_space<vmem>>, vector<128x128xf32>
    %dot_general3A_33 = arith.constant dense<0.000000e+00> : vector<1024x128xf32>
    %dot_general3A_34 = tpu.matmul %add3A, %get3A_32, %dot_general3A_33 {dimension_numbers = #tpu.dot_dimension_numbers<[1], [0], [0], [1], [0, 0, 1, 1], [], []>, transpose_lhs_hint = false} : vector<1024x128xf32>, vector<128x128xf32>, vector<1024x128xf32> -> vector<1024x128xf32>
    %mul3A = vector.broadcast %div3A_17 : vector<1024x1xf32> to vector<1024x128xf32>
    %mul3A_35 = arith.mulf %mul3A, %dot_general3A_34 : vector<1024x128xf32>
    %add3A_36 = arith.addf %add3A_29, %mul3A_35 : vector<1024x128xf32>
    %get3A_37 = arith.constant 0 : index
    %get3A_38 = arith.constant 0 : index
    %get3A_39 = vector.load %arg7[%get3A_37, %get3A_38] : memref<1x128xf32, #tpu.memory_space<vmem>>, vector<1x128xf32>
    %add3A_40 = vector.broadcast %get3A_39 : vector<1x128xf32> to vector<1024x128xf32>
    %add3A_41 = arith.addf %add3A_36, %add3A_40 : vector<1024x128xf32>
    %swap3A = arith.constant 0 : index
    %swap3A_42 = arith.constant 0 : index
    %swap3A_43 = vector.load %arg8[%swap3A, %swap3A_42] : memref<1024x128xf32, #tpu.memory_space<vmem>>, vector<1024x128xf32>
    tpu.vector_store %arg8[%swap3A, %swap3A_42], %add3A_41 {strides = array<i32>} : memref<1024x128xf32, #tpu.memory_space<vmem>>, vector<1024x128xf32>,
    return
  }
  func.func @transform_0(%arg0: i32) -> (i32, i32, i32) {
    %c0_i32 = arith.constant 0 : i32
    %c0_i32_0 = arith.constant 0 : i32
    %c0_i32_1 = arith.constant 0 : i32
    return %c0_i32, %arg0, %c0_i32_0 : i32, i32, i32
  }
  func.func @transform_1(%arg0: i32) -> (i32, i32, i32) {
    %c0_i32 = arith.constant 0 : i32
    %c0_i32_0 = arith.constant 0 : i32
    %c0_i32_1 = arith.constant 0 : i32
    return %c0_i32, %arg0, %c0_i32_0 : i32, i32, i32
  }
  func.func @transform_2(%arg0: i32) -> (i32, i32) {
    %c0_i32 = arith.constant 0 : i32
    %c0_i32_0 = arith.constant 0 : i32
    return %arg0, %c0_i32 : i32, i32
  }
  func.func @transform_3(%arg0: i32) -> (i32, i32) {
    %c0_i32 = arith.constant 0 : i32
    %c0_i32_0 = arith.constant 0 : i32
    %c0_i32_1 = arith.constant 0 : i32
    return %c0_i32, %c0_i32_0 : i32, i32
  }
  func.func @transform_4(%arg0: i32) -> (i32, i32) {
    %c0_i32 = arith.constant 0 : i32
    %c0_i32_0 = arith.constant 0 : i32
    %c0_i32_1 = arith.constant 0 : i32
    return %c0_i32, %c0_i32_0 : i32, i32
  }
  func.func @transform_5(%arg0: i32) -> (i32, i32) {
    %c0_i32 = arith.constant 0 : i32
    %c0_i32_0 = arith.constant 0 : i32
    %c0_i32_1 = arith.constant 0 : i32
    return %c0_i32, %c0_i32_0 : i32, i32
  }
  func.func @transform_6(%arg0: i32) -> (i32, i32) {
    %c0_i32 = arith.constant 0 : i32
    %c0_i32_0 = arith.constant 0 : i32
    %c0_i32_1 = arith.constant 0 : i32
    return %c0_i32, %c0_i32_0 : i32, i32
  }
  func.func @transform_7(%arg0: i32) -> (i32, i32) {
    %c0_i32 = arith.constant 0 : i32
    %c0_i32_0 = arith.constant 0 : i32
    return %arg0, %c0_i32 : i32, i32
  }
}

</mosaic_0001>

<sc_bundles>
// kernel: kernel.4.cloned.1.call-start
scs
__scs_entry_jumppad:
0x0: {  	(pc) =	sbr.rel $0x88, $3  }
0x1: {  	(tag) =	ssettag $0x0;
	lr =	simm.s32 $0x1  }
0x2: {  	[smem:$0x3F9B] =	sst lr;
	_ =	strace $0xD0000000  }
0x3: {  	_ = 	snop  }
0x4: {  	_ = 	snop  }
0x5: {  	_ = 	snop  }
0x6: {  	_ = 	snop  }
0x7: {  	_ = 	snop  }
__scs_overlays_trampoline_lowered:
0x8: {  	[smem:$0x3FAA] =	sst s0  }
0x9: {  	[smem:$0x3FAB] =	sst s1  }
0xa: {  	[smem:$0x3FAC] =	sst s2  }
0xb: {  	[smem:$0x3FAD] =	sst s3  }
0xc: {  	[smem:$0x3FAE] =	sst s4  }
0xd: {  	[smem:$0x3FAF] =	sst s5  }
0xe: {  	[smem:$0x3FB0] =	sst s6  }
0xf: {  	[smem:$0x3FB1] =	sst s7  }
0x10: {  	[smem:$0x3FB2] =	sst s8  }
0x11: {  	[smem:$0x3FB3] =	sst s9;
	s0 =	simm.s32 @!p0 $0x0  }
0x12: {  	s1 =	sld [smem:$0x3F99];
	s0 =	simm.s32 @p0 $0x1  }
0x13: {  	[smem:$0x3FB4] =	sst s0;
	s0 =	simm.s32 @!p1 $0x0  }
0x14: {  	s2 =	sld [smem:$0x3F98];
	s0 =	simm.s32 @p1 $0x1  }
0x15: {  	[smem:$0x3FB5] =	sst s0;
	s0 =	simm.s32 @!p2 $0x0  }
0x16: {  	s3 =	sld [smem:$0x3FDB];
	s0 =	simm.s32 @p2 $0x1  }
0x17: {  	s4 =	simm.s32 $0x1BF5;
	[smem:$0x3FB7] =	sst s0  }
0x18: {  	s0 =	sld [smem:$0x3F9A];
	_ =	swait.ge [sflag:s4], $0x0  }
0x19: {  	s7 =	sld [smem:$0x3F9B]  }
0x1a: {  	s8 =	sadd.s32 $0xFFFFE003, lr  }
0x1b: {  	s9 =	sadd.s32 $0xFFFFFEF7, lr;
	s5 =	simm.s32 $0xFFFFFFFF;
	p2 =	slt.u32 s8, $0xFFFFF086  }
0x1c: {  	p1 =	slt.u32 s9, $0xF7A;
	s5 =	simm.s32 @!p2 $0x0  }
0x1d: {  	s5 =	simm.s32 @p1 $0x1;
	p0 =	seq.s32 s7, s2  }
0x1e: {  	s7 =	smul.u32 @!p0 $0xF7A, s2;
	p2 =	seq.s32 @!p0 s5, $0x0  }
0x1f: {  	s9 =	smul.u32 $0xF7A, s1;
	s8 =	simm.s32 @!p0 $0x1BF5;
	p2 =	por !p2, p0  }
0x20: {  	[sflag:s8] =	ssyncset.s32 @!p0 $0xFFFFF086;
	s6 =	sadd.s32 @!p0 s3, s7;
	s7 =	simm.s32 @!p0 $0x108  }
0x21: {  	s3 =	sadd.s32 s3, s9;
	s6 =	sadd.s32 @!p0 $0x88, s6;
	s7 =	simm.s32 @p2 $0x1082  }
0x22: {  	[simem:s7], [sflag:s8] =	dma.local @!p0 [hbm:s6], $0xF7A  }
0x23: {  	s9 =	sor.u32 $0xD0000000, s2;
	s6 =	simm.s32 $0x108;
	_ =	swait.ge @!p0 [sflag:s8], $0x0  }
0x24: {  	s3 =	sadd.s32 $0x88, s3;
	s6 =	simm.s32 @!p1 $0x1082;
	[sflag:s4] =	ssyncset.s32 $0xFFFFF086  }
0x25: {  	[simem:s6], [sflag:s4] =	dma.local [hbm:s3], $0xF7A  }
0x26: {  	[smem:$0x3F9B] =	sst s1;
	(tag) =	ssettag s2;
	_ =	strace s9  }
0x27: {  	s1 =	sld [smem:$0x3FAB]  }
0x28: {  	s2 =	sld [smem:$0x3FAC]  }
0x29: {  	s4 =	sld [smem:$0x3FAE]  }
0x2a: {  	p0 =	seq.s32 s5, $0x0;
	s5 =	sld [smem:$0x3FAF]  }
0x2b: {  	s6 =	sld [smem:$0x3FB0]  }
0x2c: {  	s7 =	sld [smem:$0x3FB1]  }
0x2d: {  	s3 =	simm.s32 $0x108;
	s8 =	sld [smem:$0x3FB2]  }
0x2e: {  	s3 =	simm.s32 @!p0 $0x1082;
	s9 =	sld [smem:$0x3FB3]  }
0x2f: {  	lr =	sadd.s32 s0, s3;
	s0 =	sld [smem:$0x3FAA]  }
0x30: {  	s3 =	sld [smem:$0x3FAD]  }
0x31: {  	[smem:$0x3FB6] =	sst s10  }
0x32: {  	s10 =	sld [smem:$0x3FB4];
	_ =	sdelay $0x3  }
0x33: {  	p0 =	seq.s32 s10, $0x1;
	s10 =	sld [smem:$0x3FB6];
	_ =	sdelay $0x3  }
0x34: {  	[smem:$0x3FB6] =	sst s10  }
0x35: {  	s10 =	sld [smem:$0x3FB5];
	_ =	sdelay $0x3  }
0x36: {  	p1 =	seq.s32 s10, $0x1;
	s10 =	sld [smem:$0x3FB6];
	_ =	sdelay $0x3  }
0x37: {  	[smem:$0x3FB6] =	sst s10  }
0x38: {  	s10 =	sld [smem:$0x3FB7]  }
0x39: {  	_ = 	snop;
	(pc) =	sbr.ind lr, $3  }
0x3a: {  	_ = 	snop  }
0x3b: {  	_ = 	snop  }
0x3c: {  	p2 =	seq.s32 s10, $0x1;
	s10 =	sld [smem:$0x3FB6]  }
0x3d: {  	_ =	shalt  }
0x3e: {  	_ =	shalt  }
0x3f: {  	_ =	shalt  }
0x40: {  	_ =	shalt  }
0x41: {  	_ =	shalt  }
0x42: {  	_ =	shalt  }
0x43: {  	_ =	shalt  }
0x44: {  	_ =	shalt  }
0x45: {  	_ =	shalt  }
0x46: {  	_ =	shalt  }
0x47: {  	_ =	shalt  }
0x48: {  	_ =	shalt  }
0x49: {  	_ =	shalt  }
0x4a: {  	_ =	shalt  }
0x4b: {  	_ =	shalt  }
0x4c: {  	_ =	shalt  }
0x4d: {  	_ =	shalt  }
0x4e: {  	_ =	shalt  }
0x4f: {  	_ =	shalt  }
0x50: {  	_ =	shalt  }
0x51: {  	_ =	shalt  }
0x52: {  	_ =	shalt  }
0x53: {  	_ =	shalt  }
0x54: {  	_ =	shalt  }
0x55: {  	_ =	shalt  }
0x56: {  	_ =	shalt  }
0x57: {  	_ =	shalt  }
0x58: {  	_ =	shalt  }
0x59: {  	_ =	shalt  }
0x5a: {  	_ =	shalt  }
0x5b: {  	_ =	shalt  }
0x5c: {  	_ =	shalt  }
0x5d: {  	_ =	shalt  }
0x5e: {  	_ =	shalt  }
0x5f: {  	_ =	shalt  }
0x60: {  	_ =	shalt  }
0x61: {  	_ =	shalt  }
0x62: {  	_ =	shalt  }
0x63: {  	_ =	shalt  }
0x64: {  	_ =	shalt  }
0x65: {  	_ =	shalt  }
0x66: {  	_ =	shalt  }
0x67: {  	_ =	shalt  }
0x68: {  	_ =	shalt  }
0x69: {  	_ =	shalt  }
0x6a: {  	_ =	shalt  }
0x6b: {  	_ =	shalt  }
0x6c: {  	_ =	shalt  }
0x6d: {  	_ =	shalt  }
0x6e: {  	_ =	shalt  }
0x6f: {  	_ =	shalt  }
0x70: {  	_ =	shalt  }
0x71: {  	_ =	shalt  }
0x72: {  	_ =	shalt  }
0x73: {  	_ =	shalt  }
0x74: {  	_ =	shalt  }
0x75: {  	_ =	shalt  }
0x76: {  	_ =	shalt  }
0x77: {  	_ =	shalt  }
0x78: {  	_ =	shalt  }
0x79: {  	_ =	shalt  }
0x7a: {  	_ =	shalt  }
0x7b: {  	_ =	shalt  }
0x7c: {  	_ =	shalt  }
0x7d: {  	_ =	shalt  }
0x7e: {  	_ =	shalt  }
0x7f: {  	_ =	shalt  }
0x80: {  	_ =	shalt  }
0x81: {  	_ =	shalt  }
0x82: {  	_ =	shalt  }
0x83: {  	_ =	shalt  }
0x84: {  	_ =	shalt  }
0x85: {  	_ =	shalt  }
0x86: {  	_ =	shalt  }
0x87: {  	_ =	shalt  }
.Lfunc_end0:
.L_simem_size_0:
called_computation_lowered:
.L_overlay_start_0:
0x88: {  	s2 =	sld [smem:$0x3FD9]  }
0x89: {  	s3 =	sld [smem:$0x3FFE];
	_ =	sdelay $0x1  }
0x8a: {  	s1 =	srdreg.scid  }
0x8b: {  	s0 =	sand.u32 $0x1, s1  }
0x8c: {  	s17 =	sshll.u32 s0, $0xA;
	s2 =	sadd.s32 s3, s2  }
0x8d: {  	s2 =	sadd.s32 s2, s17  }
0x8e: {  	[smem:$0x3FC2] =	sst s2  }
0x8f: {  	_ = 	snop  }
0x90: {  	s2 =	sld [smem:$0x3FC9];
	(tm) =	ssettm $0x1  }
0x91: {  	s18 =	sld [smem:$0x3FFB];
	_ =	sdelay $0x3  }
0x92: {  	_ =	strace s18  }
0x93: {  	s3 =	sld [smem:$0x3FFC];
	_ =	sdelay $0x3  }
0x94: {  	_ =	strace s3  }
0x95: {  	s3 =	sld [smem:$0x3FFD];
	_ =	sdelay $0x3  }
0x96: {  	_ =	strace s3  }
0x97: {  	_ =	strace $0x8FFFFFFF  }
0x98: {  	s19 =	sld [smem:$0x3FDB];
	_ =	sdelay $0x1  }
0x99: {  	s4 =	simm.s32 $_scs_section_size  }
0x9a: {  	s5 =	simm.s32 $_size__tile_overlayer_lowered;
	s6 =	simm.s32 $_tile_overlayer_lowered  }
0x9b: {  	s22 =	simm.s32 $0x1BFF;
	s21 =	sshll.u32 s6, $0x1;
	s3 =	sadd.s32 s4, s19  }
0x9c: {  	s7 =	simm.s32 $0x0;
	s20 =	sshll.u32 s5, $0x1;
	s5 =	sadd.s32 s21, s3  }
0x9d: {  	[timem:s7], [sflag:s22] =	dma.local [hbm:s5], s20  }
0x9e: {  	_ =	swait.ge [sflag:s22], s20  }
0x9f: {  	s4 =	ssub.s32 $0x0, s20;
	[sflag:s22] =	ssyncset.done $0x0  }
0xa0: {  	[sflag:s22] =	ssyncadd.s32 s4;
	_ =	sdelay $0x1  }
0xa1: {  	s23 =	simm.s32 $0x1B8B  }
0xa2: {  	_ =	swait.ge [sflag:s23], $0x1  }
0xa3: {  	[sflag:s23] =	ssyncset.done $0x0  }
0xa4: {  	s25 =	simm.s32 $0x1B8E;
	s24 =	sld [smem:$0x3FFE];
	[sflag:s23] =	ssyncadd.s32 $0xFFFFFFFF  }
0xa5: {  	s26 =	simm.s32 $execute0_lowered;
	[smem:$0x3FD2] =	sst s25  }
0xa6: {  	s5 =	sshll.u32 s26, $0x1;
	_ =	strace $0x80000046;
	[dreg:$0x1] =	wrdreg $0xFFFFFFFF  }
0xa7: {  	s28 =	simm.s32 $_size_execute0_lowered;
	s3 =	sadd.s32 s3, s5;
	[dreg:$0x0] =	wrdreg $0x0  }
0xa8: {  	s5 =	sshll.u32 s28, $0x1;
	[dreg:$0x2] =	wrdreg s3  }
0xa9: {  	[dreg:$0x3] =	wrdreg s5  }
0xaa: {  	[dreg:$0x4] =	wrdreg $0xC0  }
0xab: {  	_ =	task [dreg:s7], $0x5FFFF  }
0xac: {  	[dreg:$0x1] =	wrdreg $0xFFFFFFFF  }
0xad: {  	[dreg:$0x0] =	wrdreg $0x60  }
0xae: {  	[dreg:$0x2] =	wrdreg s2  }
0xaf: {  	[dreg:$0x3] =	wrdreg s24  }
0xb0: {  	[dreg:$0x4] =	wrdreg $0x0  }
0xb1: {  	[dreg:$0x5] =	wrdreg $0x9  }
0xb2: {  	_ =	task.clear_ibuf [dreg:s7], $0x6FFFF;
	_ =	strace $0x90000046  }
0xb3: {  	s29 =	simm.s32 $0x9;
	_ =	strace $0x80000048  }
0xb4: {  	_ =	swait.ge [sflag:s29], $0x1  }
0xb5: {  	[sflag:s29] =	ssyncadd.s32 $0xFFFFFFFF  }
0xb6: {  	_ =	strace $0x90000048  }
0xb7: {  	_ =	sfence  }
0xb8: {  	s30 =	sld [smem:$0x0];
	_ =	sdelay $0x2  }
0xb9: {  	s31 =	sshll.u32 s1, $0xD;
	s1 =	sshrl.u32 s1, $0x2  }
0xba: {  	s3 =	sand.u32 $0x4000, s31;
	s1 =	sadd.s32 s1, s30  }
0xbb: {  	s0 =	sor.u32 s3, s0;
	s1 =	sshll.u32 s1, $0x11  }
0xbc: {  	s0 =	sor.u32 s1, s0  }
0xbd: {  	s0 =	sadd.s32 $0x8F2B, s0  }
0xbe: {  	[sflag:s0] =	ssyncadd.remote.s32 $0x1  }
0xbf: {  	_ =	sfence.sel $0xFFFF  }
0xc0: {  	[dreg:$0x0] =	wrdreg $0xFFFFFFFF;
	(pc) =	sbr.abs _section_cstart, $3  }
0xc1: {  	[dreg:$0x1] =	wrdreg $0xFFFFFFFF  }
0xc2: {  	_ =	task.clear_ibuf [dreg:s7], $0x2FFFF;
	_ =	strace $0x9FFFFFFF  }
0xc3: {  	(tm) =	ssettm $0x7FFFFFFF  }
tec
execute0_lowered:
.L_overlay_start_1:
0x0: {  	(tag) =	ssettag $0x1  }
0x1: {  	s2 =	rddreg [dreg:$0x0]  }
0x2: {  	s5 =	rddreg [dreg:$0x1]  }
0x3: {  	s3 =	rddreg [dreg:$0x2];
	s31 =	simm.s32 $0x0  }
0x4: {  	s8 =	simm.s32 $0x13C80;
	[smem:$0x7FF] =	sst s31  }
0x5: {  	s9 =	simm.s32 $0x13D00;
	_ =	strace $0x80000047;
	[dreg:$0x6] =	wrdreg s8  }
0x6: {  	s10 =	simm.s32 $0x13D80;
	[dreg:$0x7] =	wrdreg s9  }
0x7: {  	s11 =	simm.s32 $0x13E00;
	[dreg:$0x8] =	wrdreg s10  }
0x8: {  	s12 =	simm.s32 $0x13E80;
	[dreg:$0x9] =	wrdreg s11  }
0x9: {  	s13 =	simm.s32 $0x13F00;
	[dreg:$0xa] =	wrdreg s12  }
0xa: {  	s14 =	simm.s32 $0x14880;
	[dreg:$0xb] =	wrdreg s13  }
0xb: {  	s15 =	simm.s32 $0x13F80;
	[dreg:$0xc] =	wrdreg s14  }
0xc: {  	s16 =	simm.s32 $0x14900;
	[dreg:$0xd] =	wrdreg s15  }
0xd: {  	s18 =	simm.s32 $0x14000;
	[dreg:$0xe] =	wrdreg s16  }
0xe: {  	s19 =	simm.s32 $0x14980;
	[dreg:$0xf] =	wrdreg s18  }
0xf: {  	s20 =	simm.s32 $0x14080;
	[dreg:$0x10] =	wrdreg s19  }
0x10: {  	s21 =	simm.s32 $0x14A00;
	[dreg:$0x11] =	wrdreg s20  }
0x11: {  	s22 =	simm.s32 $0x14100;
	[dreg:$0x12] =	wrdreg s21  }
0x12: {  	s23 =	simm.s32 $0x14A80;
	[dreg:$0x13] =	wrdreg s22  }
0x13: {  	s0 =	srdreg.scid;
	s24 =	simm.s32 $0x14180;
	[dreg:$0x14] =	wrdreg s23  }
0x14: {  	s7 =	stileid.u32;
	s26 =	simm.s32 $0x14B00;
	[dreg:$0x15] =	wrdreg s24  }
0x15: {  	s1 =	sand.u32 $0x1, s0;
	[dreg:$0x16] =	wrdreg s26;
	s8 =	simm.s32 $0x14B80  }
0x16: {  	s4 =	smul.u32 $0xC000, s7;
	s10 =	simm.s32 $0x14280;
	[dreg:$0x18] =	wrdreg s8  }
0x17: {  	s31 =	smul.u32 $0x4F000, s7;
	s11 =	simm.s32 $0x14C00;
	[dreg:$0x19] =	wrdreg s10  }
0x18: {  	s0 =	smul.u32 $0xC0000, s1;
	s13 =	simm.s32 $0x14300;
	[dreg:$0x1a] =	wrdreg s11  }
0x19: {  	s17 =	smul.u32 $0x13C000, s1;
	s15 =	simm.s32 $0x14C80;
	[dreg:$0x1b] =	wrdreg s13  }
0x1a: {  	s1 =	ssub.s32 $0x2, s1;
	s19 =	simm.s32 $0x14D00;
	[dreg:$0x1c] =	wrdreg s15  }
0x1b: {  	s21 =	simm.s32 $0x14400;
	s23 =	simm.s32 $0x14D80;
	[dreg:$0x1e] =	wrdreg s19  }
0x1c: {  	s25 =	sshrl.u32 s1, $0x1;
	s9 =	sshrl.u32 s31, $0x2;
	[dreg:$0x1f] =	wrdreg s21  }
0x1d: {  	[smem:$0x7E3] =	sst s23;
	s31 =	simm.s32 $0x14E00;
	s0 =	sadd.s32 s4, s0  }
0x1e: {  	s8 =	simm.s32 $0x14500;
	[smem:$0x7E7] =	sst s31;
	s0 =	sshrl.u32 s0, $0x3  }
0x1f: {  	s10 =	simm.s32 $0x14E80;
	[smem:$0x7E9] =	sst s8;
	s0 =	sadd.s32 s0, s5  }
0x20: {  	s1 =	ssub.s32 s1, s25;
	[smem:$0x7EB] =	sst s10;
	s6 =	sadd.s32 $0x30E00, s0  }
0x21: {  	s25 =	simm.s32 $0x14480;
	[dreg:$0x4] =	wrdreg s6;
	s6 =	smul.u32 $0x13C00, s7  }
0x22: {  	[smem:$0x7E5] =	sst s25;
	s0 =	sadd.s32 $0xE00, s0  }
0x23: {  	[dreg:$0x5] =	wrdreg s0;
	s7 =	simm.s32 $0x14200;
	s4 =	sadd.s32 s6, s17  }
0x24: {  	[dreg:$0x17] =	wrdreg s7;
	s17 =	simm.s32 $0x14380;
	s4 =	sshrl.u32 s4, $0x3  }
0x25: {  	[dreg:$0x1d] =	wrdreg s17;
	s0 =	sadd.s32 s4, s5;
	s5 =	sadd.s32 s9, s3  }
0x26: {  	s12 =	sadd.s32 $0x1000, s5;
	[smem:$0x7FC] =	sst s5  }
0x27: {  	s14 =	sadd.s32 $0x2000, s5;
	[smem:$0x7DC] =	sst s12  }
0x28: {  	s16 =	sadd.s32 $0x3000, s5;
	[smem:$0x7DD] =	sst s14  }
0x29: {  	s18 =	sadd.s32 $0x4000, s5;
	[smem:$0x7DE] =	sst s16  }
0x2a: {  	s20 =	sadd.s32 $0x5000, s5;
	[smem:$0x7DF] =	sst s18  }
0x2b: {  	s22 =	sadd.s32 $0x6000, s5;
	[smem:$0x7E0] =	sst s20  }
0x2c: {  	s24 =	sadd.s32 $0x7000, s5;
	[smem:$0x7E1] =	sst s22  }
0x2d: {  	s26 =	sadd.s32 $0x8000, s5;
	[smem:$0x7E2] =	sst s24  }
0x2e: {  	s7 =	sadd.s32 $0x9000, s5;
	[smem:$0x7E4] =	sst s26  }
0x2f: {  	s9 =	sadd.s32 $0xA000, s5;
	[smem:$0x7E6] =	sst s7  }
0x30: {  	s11 =	sadd.s32 $0xB000, s5;
	[smem:$0x7E8] =	sst s9  }
0x31: {  	s13 =	sadd.s32 $0xC000, s5;
	[smem:$0x7EA] =	sst s11  }
0x32: {  	s15 =	sadd.s32 $0xD000, s5;
	[smem:$0x7EC] =	sst s13  }
0x33: {  	s28 =	simm.s32 $0x17C00;
	s17 =	sadd.s32 $0xE000, s5;
	[smem:$0x7EE] =	sst s15  }
0x34: {  	s30 =	simm.s32 $0x1;
	s19 =	sadd.s32 $0xF000, s5;
	[smem:$0x7F0] =	sst s17  }
0x35: {  	s29 =	simm.s32 $0x10;
	s21 =	sadd.s32 $0x10000, s5;
	[smem:$0x7F2] =	sst s19  }
0x36: {  	s6 =	simm.s32 $0x20;
	s23 =	sadd.s32 $0x11000, s5;
	[smem:$0x7F4] =	sst s21  }
0x37: {  	s4 =	simm.s32 $0x0;
	s25 =	sadd.s32 $0x12000, s5;
	[smem:$0x7F6] =	sst s23  }
0x38: {  	s0 =	sadd.s32 $0x60E00, s0;
	s31 =	sadd.s32 $0x13000, s5;
	[smem:$0x7F9] =	sst s25  }
0x39: {  	s5 =	simm.s32 $0xF;
	s12 =	simm.s32 $0x14580;
	[smem:$0x7FA] =	sst s0  }
0x3a: {  	s14 =	simm.s32 $0x14F00;
	s16 =	simm.s32 $0x14F80;
	[smem:$0x7FD] =	sst s31  }
0x3b: {  	s18 =	simm.s32 $0x15000;
	s20 =	simm.s32 $0x15080;
	[smem:$0x7ED] =	sst s12  }
0x3c: {  	s22 =	simm.s32 $0x15100;
	s24 =	simm.s32 $0x15180;
	[smem:$0x7EF] =	sst s14  }
0x3d: {  	s26 =	smax.u32 s1, $0x1;
	s0 =	simm.s32 $0x2;
	[smem:$0x7F1] =	sst s16  }
0x3e: {  	s15 =	simm.s32 $0x3;
	s17 =	simm.s32 $0x4;
	[smem:$0x7F3] =	sst s18  }
0x3f: {  	s21 =	simm.s32 $0x6;
	s23 =	simm.s32 $0x7;
	[smem:$0x7F5] =	sst s20  }
0x40: {  	s25 =	simm.s32 $0x8;
	s11 =	simm.s32 $0x1BC00;
	[smem:$0x7F7] =	sst s22  }
0x41: {  	s13 =	simm.s32 $0x1CC00;
	s19 =	simm.s32 $0x1AC00;
	[smem:$0x7F8] =	sst s24  }
0x42: {  	v0 =	vimm.f32 $0.0e+00;
	v1 =	vimm.f32 $1.000000000e+00;
	v6 =	vlaneseq.u32;
	[smem:$0x7FB] =	sst s26;
	s12 =	simm.s32 $0x15400;
	s16 =	simm.s32 $0x9  }
0x43: {  	vm0 =	vmmov $0xffff;
	v2 =	vor.u32 $0x2720, v6;
	v3 =	vor.u32 $0x2730, v6;
	s18 =	simm.s32 $0xA;
	s20 =	simm.s32 $0xB;
	s22 =	simm.s32 $0xC  }
0x44: {  	v4 =	vor.u32 $0x2740, v6;
	v5 =	vor.u32 $0x2750, v6;
	v6 =	vor.u32 $0x2760, v6;
	s24 =	simm.s32 $0xD;
	s26 =	simm.s32 $0xE;
	s14 =	simm.s32 $0x1DC00  }
.LBB2_1:
0x45: {  	[smem:$0x7DB] =	sst s4;
	s4 =	simm.s32 $0x0;
	s31 =	simm.s32 $0x200  }
.LBB2_2:
0x46: {  	p0 =	sne.s32 s31, $0x3E00;
	[tilespmem:s4+$0x17C70] =	vst v0  }
0x47: {  	[tilespmem:s4+$0x17C00] =	vst v0  }
0x48: {  	[tilespmem:s4+$0x17C10] =	vst v0  }
.Ltmp0:
0x49: {  	[tilespmem:s4+$0x17C20] =	vst v0;
	(pc) =	sbr.rel @p0 .LBB2_2-.Ltmp0, $4  }
0x4a: {  	[tilespmem:s4+$0x17C30] =	vst v0  }
0x4b: {  	[tilespmem:s4+$0x17C40] =	vst v0  }
0x4c: {  	[tilespmem:s4+$0x17C50] =	vst v0  }
0x4d: {  	[tilespmem:s4+$0x17C60] =	vst v0;
	s4 =	sshra.s32 s31, $0x2;
	s31 =	sadd.s32 $0x200, s31  }
0x4e: {  	[tilespmem:s4+$0x17C70] =	vst v0  }
0x4f: {  	[tilespmem:s4+$0x17C00] =	vst v0  }
0x50: {  	[tilespmem:s4+$0x17C10] =	vst v0  }
0x51: {  	[tilespmem:s4+$0x17C20] =	vst v0  }
0x52: {  	[tilespmem:s4+$0x17C30] =	vst v0  }
0x53: {  	[tilespmem:s4+$0x17C40] =	vst v0  }
0x54: {  	[tilespmem:s4+$0x17C50] =	vst v0  }
0x55: {  	[tilespmem:s4+$0x17C60] =	vst v0;
	s4 =	simm.s32 $0x0;
	s31 =	simm.s32 $0x200  }
.LBB2_4:
0x56: {  	p0 =	sne.s32 s31, $0x9E00;
	[tilespmem:s4+$0x15470] =	vst v0  }
0x57: {  	[tilespmem:s4+$0x15400] =	vst v0  }
0x58: {  	[tilespmem:s4+$0x15410] =	vst v0  }
.Ltmp1:
0x59: {  	[tilespmem:s4+$0x15420] =	vst v0;
	(pc) =	sbr.rel @p0 .LBB2_4-.Ltmp1, $4  }
0x5a: {  	[tilespmem:s4+$0x15430] =	vst v0  }
0x5b: {  	[tilespmem:s4+$0x15440] =	vst v0  }
0x5c: {  	[tilespmem:s4+$0x15450] =	vst v0  }
0x5d: {  	[tilespmem:s4+$0x15460] =	vst v0;
	s4 =	sshra.s32 s31, $0x2;
	s31 =	sadd.s32 $0x200, s31  }
0x5e: {  	[tilespmem:s4+$0x15470] =	vst v0  }
0x5f: {  	[tilespmem:s4+$0x15400] =	vst v0  }
0x60: {  	[tilespmem:s4+$0x15410] =	vst v0  }
0x61: {  	[tilespmem:s4+$0x15420] =	vst v0  }
0x62: {  	[tilespmem:s4+$0x15430] =	vst v0  }
0x63: {  	[tilespmem:s4+$0x15440] =	vst v0;
	s1 =	sld [smem:$0x7FC]  }
0x64: {  	[tilespmem:s4+$0x15450] =	vst v0  }
0x65: {  	[tilespmem:s4+$0x15460] =	vst v0;
	s10 =	sld [smem:$0x7DC]  }
0x66: {  	[spmem:s1] =	stream.linear.scatter [tilespmem:s28], [sflag:$0x1], $0x1000, $0x38;
	[tilespmem:$0x1FC00] =	vst v63  }
0x67: {  	s31 =	sld [smem:$0x7DD]  }
0x68: {  	[spmem:s10] =	stream.linear.scatter [tilespmem:s28], [sflag:$0x1], $0x1000, $0x38;
	[tilespmem:$0x1FC00] =	vst v63  }
0x69: {  	s4 =	sld [smem:$0x7DE]  }
0x6a: {  	[spmem:s31] =	stream.linear.scatter [tilespmem:s28], [sflag:$0x1], $0x1000, $0x38;
	[tilespmem:$0x1FC00] =	vst v63  }
0x6b: {  	s7 =	sld [smem:$0x7DF]  }
0x6c: {  	[spmem:s4] =	stream.linear.scatter [tilespmem:s28], [sflag:$0x1], $0x1000, $0x38;
	[tilespmem:$0x1FC00] =	vst v63  }
0x6d: {  	s8 =	sld [smem:$0x7E0]  }
0x6e: {  	[spmem:s7] =	stream.linear.scatter [tilespmem:s28], [sflag:$0x1], $0x1000, $0x38;
	[tilespmem:$0x1FC00] =	vst v63  }
0x6f: {  	s9 =	sld [smem:$0x7E1]  }
0x70: {  	[spmem:s8] =	stream.linear.scatter [tilespmem:s28], [sflag:$0x1], $0x1000, $0x38;
	[tilespmem:$0x1FC00] =	vst v63  }
0x71: {  	s10 =	sld [smem:$0x7E2]  }
0x72: {  	[spmem:s9] =	stream.linear.scatter [tilespmem:s28], [sflag:$0x1], $0x1000, $0x38;
	[tilespmem:$0x1FC00] =	vst v63  }
0x73: {  	s31 =	sld [smem:$0x7E4]  }
0x74: {  	[spmem:s10] =	stream.linear.scatter [tilespmem:s28], [sflag:$0x1], $0x1000, $0x38;
	[tilespmem:$0x1FC00] =	vst v63  }
0x75: {  	s4 =	sld [smem:$0x7E6]  }
0x76: {  	[spmem:s31] =	stream.linear.scatter [tilespmem:s28], [sflag:$0x1], $0x1000, $0x38;
	[tilespmem:$0x1FC00] =	vst v63  }
0x77: {  	s7 =	sld [smem:$0x7E8]  }
0x78: {  	[spmem:s4] =	stream.linear.scatter [tilespmem:s28], [sflag:$0x1], $0x1000, $0x38;
	[tilespmem:$0x1FC00] =	vst v63  }
0x79: {  	s8 =	sld [smem:$0x7EA]  }
0x7a: {  	[spmem:s7] =	stream.linear.scatter [tilespmem:s28], [sflag:$0x1], $0x1000, $0x38;
	[tilespmem:$0x1FC00] =	vst v63  }
0x7b: {  	s9 =	sld [smem:$0x7EC]  }
0x7c: {  	[spmem:s8] =	stream.linear.scatter [tilespmem:s28], [sflag:$0x1], $0x1000, $0x38;
	[tilespmem:$0x1FC00] =	vst v63  }
0x7d: {  	s10 =	sld [smem:$0x7EE]  }
0x7e: {  	[spmem:s9] =	stream.linear.scatter [tilespmem:s28], [sflag:$0x1], $0x1000, $0x38;
	[tilespmem:$0x1FC00] =	vst v63  }
0x7f: {  	s31 =	sld [smem:$0x7F0]  }
0x80: {  	[spmem:s10] =	stream.linear.scatter [tilespmem:s28], [sflag:$0x1], $0x1000, $0x38;
	[tilespmem:$0x1FC00] =	vst v63  }
0x81: {  	s4 =	sld [smem:$0x7F2]  }
0x82: {  	[spmem:s31] =	stream.linear.scatter [tilespmem:s28], [sflag:$0x1], $0x1000, $0x38;
	[tilespmem:$0x1FC00] =	vst v63  }
0x83: {  	s7 =	sld [smem:$0x7F4]  }
0x84: {  	[spmem:s4] =	stream.linear.scatter [tilespmem:s28], [sflag:$0x1], $0x1000, $0x38;
	[tilespmem:$0x1FC00] =	vst v63  }
0x85: {  	s8 =	sld [smem:$0x7F6]  }
0x86: {  	[spmem:s7] =	stream.linear.scatter [tilespmem:s28], [sflag:$0x1], $0x1000, $0x38;
	[tilespmem:$0x1FC00] =	vst v63  }
0x87: {  	s9 =	sld [smem:$0x7F9]  }
0x88: {  	[spmem:s8] =	stream.linear.scatter [tilespmem:s28], [sflag:$0x1], $0x1000, $0x38;
	[tilespmem:$0x1FC00] =	vst v63  }
0x89: {  	s10 =	sld [smem:$0x7FD]  }
0x8a: {  	[spmem:s9] =	stream.linear.scatter [tilespmem:s28], [sflag:$0x1], $0x1000, $0x38;
	[tilespmem:$0x1FC00] =	vst v63  }
0x8b: {  	s31 =	simm.s32 $0x11  }
0x8c: {  	[spmem:s10] =	stream.linear.scatter [tilespmem:s28], [sflag:$0x11], $0xC00, $0x38;
	[tilespmem:$0x1FC00] =	vst v63  }
0x8d: {  	_ =	swait.ge [sflag:s31], $0xC00  }
0x8e: {  	[sflag:s31] =	ssyncset.done $0x0  }
0x8f: {  	[sflag:s31] =	ssyncadd.s32 $0xFFFFF400  }
0x90: {  	_ =	swait.ge [sflag:s30], $0x1000  }
0x91: {  	[sflag:s30] =	ssyncset.done $0x0  }
0x92: {  	[sflag:s30] =	ssyncadd.s32 $0xFFFFF000  }
0x93: {  	_ =	swait.ge [sflag:s30], $0x1000  }
0x94: {  	[sflag:s30] =	ssyncset.done $0x0  }
0x95: {  	[sflag:s30] =	ssyncadd.s32 $0xFFFFF000  }
0x96: {  	_ =	swait.ge [sflag:s30], $0x1000  }
0x97: {  	[sflag:s30] =	ssyncset.done $0x0  }
0x98: {  	[sflag:s30] =	ssyncadd.s32 $0xFFFFF000  }
0x99: {  	_ =	swait.ge [sflag:s30], $0x1000  }
0x9a: {  	[sflag:s30] =	ssyncset.done $0x0  }
0x9b: {  	[sflag:s30] =	ssyncadd.s32 $0xFFFFF000  }
0x9c: {  	_ =	swait.ge [sflag:s30], $0x1000  }
0x9d: {  	[sflag:s30] =	ssyncset.done $0x0  }
0x9e: {  	[sflag:s30] =	ssyncadd.s32 $0xFFFFF000  }
0x9f: {  	_ =	swait.ge [sflag:s30], $0x1000  }
0xa0: {  	[sflag:s30] =	ssyncset.done $0x0  }
0xa1: {  	[sflag:s30] =	ssyncadd.s32 $0xFFFFF000  }
0xa2: {  	_ =	swait.ge [sflag:s30], $0x1000  }
0xa3: {  	[sflag:s30] =	ssyncset.done $0x0  }
0xa4: {  	[sflag:s30] =	ssyncadd.s32 $0xFFFFF000  }
0xa5: {  	_ =	swait.ge [sflag:s30], $0x1000  }
0xa6: {  	[sflag:s30] =	ssyncset.done $0x0  }
0xa7: {  	[sflag:s30] =	ssyncadd.s32 $0xFFFFF000  }
0xa8: {  	_ =	swait.ge [sflag:s30], $0x1000  }
0xa9: {  	[sflag:s30] =	ssyncset.done $0x0  }
0xaa: {  	[sflag:s30] =	ssyncadd.s32 $0xFFFFF000  }
0xab: {  	_ =	swait.ge [sflag:s30], $0x1000  }
0xac: {  	[sflag:s30] =	ssyncset.done $0x0  }
0xad: {  	[sflag:s30] =	ssyncadd.s32 $0xFFFFF000  }
0xae: {  	_ =	swait.ge [sflag:s30], $0x1000  }
0xaf: {  	[sflag:s30] =	ssyncset.done $0x0  }
0xb0: {  	[sflag:s30] =	ssyncadd.s32 $0xFFFFF000  }
0xb1: {  	_ =	swait.ge [sflag:s30], $0x1000  }
0xb2: {  	[sflag:s30] =	ssyncset.done $0x0  }
0xb3: {  	[sflag:s30] =	ssyncadd.s32 $0xFFFFF000  }
0xb4: {  	_ =	swait.ge [sflag:s30], $0x1000  }
0xb5: {  	[sflag:s30] =	ssyncset.done $0x0  }
0xb6: {  	[sflag:s30] =	ssyncadd.s32 $0xFFFFF000  }
0xb7: {  	_ =	swait.ge [sflag:s30], $0x1000  }
0xb8: {  	[sflag:s30] =	ssyncset.done $0x0  }
0xb9: {  	[sflag:s30] =	ssyncadd.s32 $0xFFFFF000  }
0xba: {  	_ =	swait.ge [sflag:s30], $0x1000  }
0xbb: {  	[sflag:s30] =	ssyncset.done $0x0  }
0xbc: {  	[sflag:s30] =	ssyncadd.s32 $0xFFFFF000  }
0xbd: {  	_ =	swait.ge [sflag:s30], $0x1000  }
0xbe: {  	[sflag:s30] =	ssyncset.done $0x0  }
0xbf: {  	[sflag:s30] =	ssyncadd.s32 $0xFFFFF000  }
0xc0: {  	_ =	swait.ge [sflag:s30], $0x1000  }
0xc1: {  	[sflag:s30] =	ssyncset.done $0x0  }
0xc2: {  	[sflag:s30] =	ssyncadd.s32 $0xFFFFF000  }
0xc3: {  	_ =	swait.ge [sflag:s30], $0x1000  }
0xc4: {  	[sflag:s30] =	ssyncset.done $0x0  }
0xc5: {  	[sflag:s30] =	ssyncadd.s32 $0xFFFFF000  }
0xc6: {  	_ =	swait.ge [sflag:s30], $0x1000  }
0xc7: {  	[sflag:s30] =	ssyncset.done $0x0  }
0xc8: {  	[sflag:s30] =	ssyncadd.s32 $0xFFFFF000  }
0xc9: {  	s4 =	simm.s32 $0x0;
	s10 =	simm.s32 $0x1EC00;
	[bflag:$0x0] =	sbarrier.arrive $0xFFFF  }
.LBB2_6:
0xca: {  	s31 =	rddreg [dreg:$0x5]  }
0xcb: {  	s1 =	rddreg [dreg:$0x4]  }
0xcc: {  	s7 =	simm.s32 $0x13C00;
	s8 =	simm.s32 $0x0;
	s31 =	sadd.s32 s4, s31  }
0xcd: {  	[tilespmem:s7], [sflag:$0x1] =	stream.linear.gather [hbm4b:s31+s8], $0xA00, $0x38;
	[tilespmem:$0x1FC00] =	vst v63  }
0xce: {  	s9 =	simm.s32 $0x14800;
	s1 =	sadd.s32 s4, s1  }
0xcf: {  	[tilespmem:s9], [sflag:$0x2] =	stream.linear.gather [hbm4b:s1+s8], $0xA00, $0x38;
	[tilespmem:$0x1FC00] =	vst v63  }
0xd0: {  	_ =	swait.ge [sflag:s30], $0xA00  }
0xd1: {  	[sflag:s30] =	ssyncset.done $0x0  }
0xd2: {  	[sflag:s30] =	ssyncadd.s32 $0xFFFFF600  }
0xd3: {  	_ =	swait.ge [sflag:s0], $0xA00  }
0xd4: {  	[sflag:s0] =	ssyncset.done $0x0  }
0xd5: {  	[sflag:s0] =	ssyncadd.s32 $0xFFFFF600  }
0xd6: {  	[tilespmem:s28], [sflag:$0x1] =	stream.indirect.gather [hbm4b:s2+s6], $0x80, s7, s6, $0xb8;
	[tilespmem:$0x1FC00] =	vst v63  }
0xd7: {  	s1 =	rddreg [dreg:$0x6];
	s7 =	simm.s32 $0x18C00  }
0xd8: {  	[tilespmem:s7], [sflag:$0x2] =	stream.indirect.gather [hbm4b:s2+s6], $0x80, s1, s6, $0xb8;
	[tilespmem:$0x1FC00] =	vst v63  }
0xd9: {  	s8 =	simm.s32 $0x19C00;
	s31 =	rddreg [dreg:$0x7]  }
0xda: {  	[tilespmem:s8], [sflag:$0x3] =	stream.indirect.gather [hbm4b:s2+s6], $0x80, s31, s6, $0xb8;
	[tilespmem:$0x1FC00] =	vst v63  }
0xdb: {  	s1 =	rddreg [dreg:$0x8]  }
0xdc: {  	[tilespmem:s19], [sflag:$0x4] =	stream.indirect.gather [hbm4b:s2+s6], $0x80, s1, s6, $0xb8;
	[tilespmem:$0x1FC00] =	vst v63  }
0xdd: {  	s31 =	rddreg [dreg:$0x9]  }
0xde: {  	[tilespmem:s11], [sflag:$0x5] =	stream.indirect.gather [hbm4b:s2+s6], $0x80, s31, s6, $0xb8;
	[tilespmem:$0x1FC00] =	vst v63  }
0xdf: {  	s1 =	rddreg [dreg:$0xa]  }
0xe0: {  	[tilespmem:s13], [sflag:$0x6] =	stream.indirect.gather [hbm4b:s2+s6], $0x80, s1, s6, $0xb8;
	[tilespmem:$0x1FC00] =	vst v63  }
0xe1: {  	_ =	swait.ge [sflag:s30], $0x1000  }
0xe2: {  	[sflag:s30] =	ssyncset.done $0x0  }
0xe3: {  	[sflag:s30] =	ssyncadd.s32 $0xFFFFF000  }
0xe4: {  	[spmem:s3] =	stream.indirect.scatter.add.f32 [tilespmem:s28], [sflag:$0x9], $0x80, s9, s6, $0xb8;
	[tilespmem:$0x1FC00] =	vst v63  }
0xe5: {  	v7 =	vld [tilespmem:$0x14800];
	_ =	sdelay $0x7  }
0xe6: {  	[tilespmem:v7+s12+$0x0] =	vst.idx.add.f32.msk $0xffff, v1  }
0xe7: {  	v7 =	vld [tilespmem:$0x14810];
	_ =	sdelay $0x7  }
0xe8: {  	s31 =	rddreg [dreg:$0xb];
	[tilespmem:v7+s12+$0x0] =	vst.idx.add.f32.msk $0xffff, v1  }
0xe9: {  	[tilespmem:s14], [sflag:$0x7] =	stream.indirect.gather [hbm4b:s2+s6], $0x80, s31, s6, $0xb8;
	[tilespmem:$0x1FC00] =	vst v63  }
0xea: {  	_ =	swait.ge [sflag:s0], $0x1000  }
0xeb: {  	[sflag:s0] =	ssyncset.done $0x0  }
0xec: {  	s31 =	rddreg [dreg:$0xc];
	[sflag:s0] =	ssyncadd.s32 $0xFFFFF000  }
0xed: {  	[spmem:s3] =	stream.indirect.scatter.add.f32 [tilespmem:s7], [sflag:$0xA], $0x80, s31, s6, $0xb8;
	[tilespmem:$0x1FC00] =	vst v63  }
0xee: {  	v7 =	vld [tilespmem:$0x14880];
	_ =	sdelay $0x7  }
0xef: {  	[tilespmem:v7+s12+$0x0] =	vst.idx.add.f32.msk $0xffff, v1  }
0xf0: {  	v7 =	vld [tilespmem:$0x14890];
	_ =	sdelay $0x7  }
0xf1: {  	s31 =	rddreg [dreg:$0xd];
	[tilespmem:v7+s12+$0x0] =	vst.idx.add.f32.msk $0xffff, v1  }
0xf2: {  	[tilespmem:s10], [sflag:$0x8] =	stream.indirect.gather [hbm4b:s2+s6], $0x80, s31, s6, $0xb8;
	[tilespmem:$0x1FC00] =	vst v63  }
0xf3: {  	_ =	swait.ge [sflag:s15], $0x1000  }
0xf4: {  	[sflag:s15] =	ssyncset.done $0x0  }
0xf5: {  	s31 =	rddreg [dreg:$0xe];
	[sflag:s15] =	ssyncadd.s32 $0xFFFFF000  }
0xf6: {  	[spmem:s3] =	stream.indirect.scatter.add.f32 [tilespmem:s8], [sflag:$0xB], $0x80, s31, s6, $0xb8;
	[tilespmem:$0x1FC00] =	vst v63  }
0xf7: {  	v7 =	vld [tilespmem:$0x14900];
	_ =	sdelay $0x7  }
0xf8: {  	[tilespmem:v7+s12+$0x0] =	vst.idx.add.f32.msk $0xffff, v1  }
0xf9: {  	v7 =	vld [tilespmem:$0x14910];
	_ =	sdelay $0x7  }
0xfa: {  	[tilespmem:v7+s12+$0x0] =	vst.idx.add.f32.msk $0xffff, v1  }
0xfb: {  	_ =	swait.ge [sflag:s16], $0x1000  }
0xfc: {  	[sflag:s16] =	ssyncset.done $0x0  }
0xfd: {  	s31 =	rddreg [dreg:$0xf];
	[sflag:s16] =	ssyncadd.s32 $0xFFFFF000  }
0xfe: {  	[tilespmem:s28], [sflag:$0x1] =	stream.indirect.gather [hbm4b:s2+s6], $0x80, s31, s6, $0xb8;
	[tilespmem:$0x1FC00] =	vst v63  }
0xff: {  	_ =	swait.ge [sflag:s17], $0x1000  }
0x100: {  	[sflag:s17] =	ssyncset.done $0x0  }
0x101: {  	s31 =	rddreg [dreg:$0x10];
	[sflag:s17] =	ssyncadd.s32 $0xFFFFF000  }
0x102: {  	[spmem:s3] =	stream.indirect.scatter.add.f32 [tilespmem:s19], [sflag:$0xC], $0x80, s31, s6, $0xb8;
	[tilespmem:$0x1FC00] =	vst v63  }
0x103: {  	v7 =	vld [tilespmem:$0x14980];
	_ =	sdelay $0x7  }
0x104: {  	[tilespmem:v7+s12+$0x0] =	vst.idx.add.f32.msk $0xffff, v1  }
0x105: {  	v7 =	vld [tilespmem:$0x14990];
	_ =	sdelay $0x7  }
0x106: {  	[tilespmem:v7+s12+$0x0] =	vst.idx.add.f32.msk $0xffff, v1  }
0x107: {  	_ =	swait.ge [sflag:s18], $0x1000  }
0x108: {  	[sflag:s18] =	ssyncset.done $0x0  }
0x109: {  	s9 =	simm.s32 $0x5;
	s31 =	rddreg [dreg:$0x11];
	[sflag:s18] =	ssyncadd.s32 $0xFFFFF000  }
0x10a: {  	[tilespmem:s7], [sflag:$0x2] =	stream.indirect.gather [hbm4b:s2+s6], $0x80, s31, s6, $0xb8;
	[tilespmem:$0x1FC00] =	vst v63  }
0x10b: {  	_ =	swait.ge [sflag:s9], $0x1000  }
0x10c: {  	[sflag:s9] =	ssyncset.done $0x0  }
0x10d: {  	s31 =	rddreg [dreg:$0x12];
	[sflag:s9] =	ssyncadd.s32 $0xFFFFF000  }
0x10e: {  	[spmem:s3] =	stream.indirect.scatter.add.f32 [tilespmem:s11], [sflag:$0xD], $0x80, s31, s6, $0xb8;
	[tilespmem:$0x1FC00] =	vst v63  }
0x10f: {  	v7 =	vld [tilespmem:$0x14A00];
	_ =	sdelay $0x7  }
0x110: {  	[tilespmem:v7+s12+$0x0] =	vst.idx.add.f32.msk $0xffff, v1  }
0x111: {  	v7 =	vld [tilespmem:$0x14A10];
	_ =	sdelay $0x7  }
0x112: {  	[tilespmem:v7+s12+$0x0] =	vst.idx.add.f32.msk $0xffff, v1  }
0x113: {  	_ =	swait.ge [sflag:s20], $0x1000  }
0x114: {  	[sflag:s20] =	ssyncset.done $0x0  }
0x115: {  	s31 =	rddreg [dreg:$0x13];
	[sflag:s20] =	ssyncadd.s32 $0xFFFFF000  }
0x116: {  	[tilespmem:s8], [sflag:$0x3] =	stream.indirect.gather [hbm4b:s2+s6], $0x80, s31, s6, $0xb8;
	[tilespmem:$0x1FC00] =	vst v63  }
0x117: {  	_ =	swait.ge [sflag:s21], $0x1000  }
0x118: {  	[sflag:s21] =	ssyncset.done $0x0  }
0x119: {  	s31 =	rddreg [dreg:$0x14];
	[sflag:s21] =	ssyncadd.s32 $0xFFFFF000  }
0x11a: {  	[spmem:s3] =	stream.indirect.scatter.add.f32 [tilespmem:s13], [sflag:$0xE], $0x80, s31, s6, $0xb8;
	[tilespmem:$0x1FC00] =	vst v63  }
0x11b: {  	v7 =	vld [tilespmem:$0x14A80];
	_ =	sdelay $0x7  }
0x11c: {  	[tilespmem:v7+s12+$0x0] =	vst.idx.add.f32.msk $0xffff, v1  }
0x11d: {  	v7 =	vld [tilespmem:$0x14A90];
	_ =	sdelay $0x7  }
0x11e: {  	[tilespmem:v7+s12+$0x0] =	vst.idx.add.f32.msk $0xffff, v1  }
0x11f: {  	_ =	swait.ge [sflag:s22], $0x1000  }
0x120: {  	[sflag:s22] =	ssyncset.done $0x0  }
0x121: {  	s31 =	rddreg [dreg:$0x15];
	[sflag:s22] =	ssyncadd.s32 $0xFFFFF000  }
0x122: {  	[tilespmem:s19], [sflag:$0x4] =	stream.indirect.gather [hbm4b:s2+s6], $0x80, s31, s6, $0xb8;
	[tilespmem:$0x1FC00] =	vst v63  }
0x123: {  	_ =	swait.ge [sflag:s23], $0x1000  }
0x124: {  	[sflag:s23] =	ssyncset.done $0x0  }
0x125: {  	s31 =	rddreg [dreg:$0x16];
	[sflag:s23] =	ssyncadd.s32 $0xFFFFF000  }
0x126: {  	[spmem:s3] =	stream.indirect.scatter.add.f32 [tilespmem:s14], [sflag:$0xF], $0x80, s31, s6, $0xb8;
	[tilespmem:$0x1FC00] =	vst v63  }
0x127: {  	v7 =	vld [tilespmem:$0x14B00];
	_ =	sdelay $0x7  }
0x128: {  	[tilespmem:v7+s12+$0x0] =	vst.idx.add.f32.msk $0xffff, v1  }
0x129: {  	v7 =	vld [tilespmem:$0x14B10];
	_ =	sdelay $0x7  }
0x12a: {  	[tilespmem:v7+s12+$0x0] =	vst.idx.add.f32.msk $0xffff, v1  }
0x12b: {  	_ =	swait.ge [sflag:s24], $0x1000  }
0x12c: {  	[sflag:s24] =	ssyncset.done $0x0  }
0x12d: {  	s31 =	rddreg [dreg:$0x17];
	[sflag:s24] =	ssyncadd.s32 $0xFFFFF000  }
0x12e: {  	[tilespmem:s11], [sflag:$0x5] =	stream.indirect.gather [hbm4b:s2+s6], $0x80, s31, s6, $0xb8;
	[tilespmem:$0x1FC00] =	vst v63  }
0x12f: {  	_ =	swait.ge [sflag:s25], $0x1000  }
0x130: {  	[sflag:s25] =	ssyncset.done $0x0  }
0x131: {  	s31 =	rddreg [dreg:$0x18];
	[sflag:s25] =	ssyncadd.s32 $0xFFFFF000  }
0x132: {  	[spmem:s3] =	stream.indirect.scatter.add.f32 [tilespmem:s10], [sflag:$0x10], $0x80, s31, s6, $0xb8;
	[tilespmem:$0x1FC00] =	vst v63  }
0x133: {  	v7 =	vld [tilespmem:$0x14B80];
	_ =	sdelay $0x7  }
0x134: {  	[tilespmem:v7+s12+$0x0] =	vst.idx.add.f32.msk $0xffff, v1  }
0x135: {  	v7 =	vld [tilespmem:$0x14B90];
	_ =	sdelay $0x7  }
0x136: {  	[tilespmem:v7+s12+$0x0] =	vst.idx.add.f32.msk $0xffff, v1  }
0x137: {  	_ =	swait.ge [sflag:s26], $0x1000  }
0x138: {  	[sflag:s26] =	ssyncset.done $0x0  }
0x139: {  	s31 =	rddreg [dreg:$0x19];
	[sflag:s26] =	ssyncadd.s32 $0xFFFFF000  }
0x13a: {  	[tilespmem:s13], [sflag:$0x6] =	stream.indirect.gather [hbm4b:s2+s6], $0x80, s31, s6, $0xb8;
	[tilespmem:$0x1FC00] =	vst v63  }
0x13b: {  	_ =	swait.ge [sflag:s30], $0x1000  }
0x13c: {  	[sflag:s30] =	ssyncset.done $0x0  }
0x13d: {  	s31 =	rddreg [dreg:$0x1a];
	[sflag:s30] =	ssyncadd.s32 $0xFFFFF000  }
0x13e: {  	[spmem:s3] =	stream.indirect.scatter.add.f32 [tilespmem:s28], [sflag:$0x9], $0x80, s31, s6, $0xb8;
	[tilespmem:$0x1FC00] =	vst v63  }
0x13f: {  	v7 =	vld [tilespmem:$0x14C00];
	_ =	sdelay $0x7  }
0x140: {  	[tilespmem:v7+s12+$0x0] =	vst.idx.add.f32.msk $0xffff, v1  }
0x141: {  	v7 =	vld [tilespmem:$0x14C10];
	_ =	sdelay $0x7  }
0x142: {  	[tilespmem:v7+s12+$0x0] =	vst.idx.add.f32.msk $0xffff, v1  }
0x143: {  	_ =	swait.ge [sflag:s5], $0x1000  }
0x144: {  	[sflag:s5] =	ssyncset.done $0x0  }
0x145: {  	s31 =	rddreg [dreg:$0x1b];
	[sflag:s5] =	ssyncadd.s32 $0xFFFFF000  }
0x146: {  	[tilespmem:s14], [sflag:$0x7] =	stream.indirect.gather [hbm4b:s2+s6], $0x80, s31, s6, $0xb8;
	[tilespmem:$0x1FC00] =	vst v63  }
0x147: {  	_ =	swait.ge [sflag:s0], $0x1000  }
0x148: {  	[sflag:s0] =	ssyncset.done $0x0  }
0x149: {  	s31 =	rddreg [dreg:$0x1c];
	[sflag:s0] =	ssyncadd.s32 $0xFFFFF000  }
0x14a: {  	[spmem:s3] =	stream.indirect.scatter.add.f32 [tilespmem:s7], [sflag:$0xA], $0x80, s31, s6, $0xb8;
	[tilespmem:$0x1FC00] =	vst v63  }
0x14b: {  	v7 =	vld [tilespmem:$0x14C80];
	_ =	sdelay $0x7  }
0x14c: {  	[tilespmem:v7+s12+$0x0] =	vst.idx.add.f32.msk $0xffff, v1  }
0x14d: {  	v7 =	vld [tilespmem:$0x14C90];
	_ =	sdelay $0x7  }
0x14e: {  	[tilespmem:v7+s12+$0x0] =	vst.idx.add.f32.msk $0xffff, v1  }
0x14f: {  	_ =	swait.ge [sflag:s29], $0x1000  }
0x150: {  	[sflag:s29] =	ssyncset.done $0x0  }
0x151: {  	s31 =	rddreg [dreg:$0x1d];
	[sflag:s29] =	ssyncadd.s32 $0xFFFFF000  }
0x152: {  	[tilespmem:s10], [sflag:$0x8] =	stream.indirect.gather [hbm4b:s2+s6], $0x80, s31, s6, $0xb8;
	[tilespmem:$0x1FC00] =	vst v63  }
0x153: {  	_ =	swait.ge [sflag:s15], $0x1000  }
0x154: {  	[sflag:s15] =	ssyncset.done $0x0  }
0x155: {  	s31 =	rddreg [dreg:$0x1e];
	[sflag:s15] =	ssyncadd.s32 $0xFFFFF000  }
0x156: {  	[spmem:s3] =	stream.indirect.scatter.add.f32 [tilespmem:s8], [sflag:$0xB], $0x80, s31, s6, $0xb8;
	[tilespmem:$0x1FC00] =	vst v63  }
0x157: {  	v7 =	vld [tilespmem:$0x14D00];
	_ =	sdelay $0x7  }
0x158: {  	[tilespmem:v7+s12+$0x0] =	vst.idx.add.f32.msk $0xffff, v1  }
0x159: {  	v7 =	vld [tilespmem:$0x14D10];
	_ =	sdelay $0x7  }
0x15a: {  	[tilespmem:v7+s12+$0x0] =	vst.idx.add.f32.msk $0xffff, v1  }
0x15b: {  	_ =	swait.ge [sflag:s16], $0x1000  }
0x15c: {  	[sflag:s16] =	ssyncset.done $0x0  }
0x15d: {  	s31 =	rddreg [dreg:$0x1f];
	[sflag:s16] =	ssyncadd.s32 $0xFFFFF000  }
0x15e: {  	[tilespmem:s28], [sflag:$0x1] =	stream.indirect.gather [hbm4b:s2+s6], $0x80, s31, s6, $0xb8;
	[tilespmem:$0x1FC00] =	vst v63  }
0x15f: {  	_ =	swait.ge [sflag:s17], $0x1000  }
0x160: {  	s31 =	sld [smem:$0x7E3]  }
0x161: {  	[sflag:s17] =	ssyncset.done $0x0  }
0x162: {  	[sflag:s17] =	ssyncadd.s32 $0xFFFFF000  }
0x163: {  	[spmem:s3] =	stream.indirect.scatter.add.f32 [tilespmem:s19], [sflag:$0xC], $0x80, s31, s6, $0xb8;
	[tilespmem:$0x1FC00] =	vst v63  }
0x164: {  	v7 =	vld [tilespmem:$0x14D80];
	_ =	sdelay $0x7  }
0x165: {  	[tilespmem:v7+s12+$0x0] =	vst.idx.add.f32.msk $0xffff, v1  }
0x166: {  	v7 =	vld [tilespmem:$0x14D90];
	_ =	sdelay $0x7  }
0x167: {  	[tilespmem:v7+s12+$0x0] =	vst.idx.add.f32.msk $0xffff, v1  }
0x168: {  	_ =	swait.ge [sflag:s18], $0x1000  }
0x169: {  	s31 =	sld [smem:$0x7E5]  }
0x16a: {  	[sflag:s18] =	ssyncset.done $0x0  }
0x16b: {  	[sflag:s18] =	ssyncadd.s32 $0xFFFFF000  }
0x16c: {  	[tilespmem:s7], [sflag:$0x2] =	stream.indirect.gather [hbm4b:s2+s6], $0x80, s31, s6, $0xb8;
	[tilespmem:$0x1FC00] =	vst v63  }
0x16d: {  	_ =	swait.ge [sflag:s9], $0x1000  }
0x16e: {  	s31 =	sld [smem:$0x7E7]  }
0x16f: {  	[sflag:s9] =	ssyncset.done $0x0  }
0x170: {  	[sflag:s9] =	ssyncadd.s32 $0xFFFFF000  }
0x171: {  	[spmem:s3] =	stream.indirect.scatter.add.f32 [tilespmem:s11], [sflag:$0xD], $0x80, s31, s6, $0xb8;
	[tilespmem:$0x1FC00] =	vst v63  }
0x172: {  	v7 =	vld [tilespmem:$0x14E00];
	_ =	sdelay $0x7  }
0x173: {  	[tilespmem:v7+s12+$0x0] =	vst.idx.add.f32.msk $0xffff, v1  }
0x174: {  	v7 =	vld [tilespmem:$0x14E10];
	_ =	sdelay $0x7  }
0x175: {  	[tilespmem:v7+s12+$0x0] =	vst.idx.add.f32.msk $0xffff, v1  }
0x176: {  	_ =	swait.ge [sflag:s20], $0x1000  }
0x177: {  	s31 =	sld [smem:$0x7E9]  }
0x178: {  	[sflag:s20] =	ssyncset.done $0x0  }
0x179: {  	[sflag:s20] =	ssyncadd.s32 $0xFFFFF000  }
0x17a: {  	[tilespmem:s8], [sflag:$0x3] =	stream.indirect.gather [hbm4b:s2+s6], $0x80, s31, s6, $0xb8;
	[tilespmem:$0x1FC00] =	vst v63  }
0x17b: {  	_ =	swait.ge [sflag:s21], $0x1000  }
0x17c: {  	s9 =	sld [smem:$0x7EB]  }
0x17d: {  	[sflag:s21] =	ssyncset.done $0x0  }
0x17e: {  	[sflag:s21] =	ssyncadd.s32 $0xFFFFF000  }
0x17f: {  	[spmem:s3] =	stream.indirect.scatter.add.f32 [tilespmem:s13], [sflag:$0xE], $0x80, s9, s6, $0xb8;
	[tilespmem:$0x1FC00] =	vst v63  }
0x180: {  	v7 =	vld [tilespmem:$0x14E80];
	_ =	sdelay $0x7  }
0x181: {  	[tilespmem:v7+s12+$0x0] =	vst.idx.add.f32.msk $0xffff, v1  }
0x182: {  	v7 =	vld [tilespmem:$0x14E90];
	_ =	sdelay $0x7  }
0x183: {  	[tilespmem:v7+s12+$0x0] =	vst.idx.add.f32.msk $0xffff, v1  }
0x184: {  	_ =	swait.ge [sflag:s22], $0x1000  }
0x185: {  	s31 =	sld [smem:$0x7ED]  }
0x186: {  	[sflag:s22] =	ssyncset.done $0x0  }
0x187: {  	[sflag:s22] =	ssyncadd.s32 $0xFFFFF000  }
0x188: {  	[tilespmem:s19], [sflag:$0x4] =	stream.indirect.gather [hbm4b:s2+s6], $0x80, s31, s6, $0xb8;
	[tilespmem:$0x1FC00] =	vst v63  }
0x189: {  	_ =	swait.ge [sflag:s23], $0x1000  }
0x18a: {  	s9 =	sld [smem:$0x7EF]  }
0x18b: {  	[sflag:s23] =	ssyncset.done $0x0  }
0x18c: {  	[sflag:s23] =	ssyncadd.s32 $0xFFFFF000  }
0x18d: {  	[spmem:s3] =	stream.indirect.scatter.add.f32 [tilespmem:s14], [sflag:$0xF], $0x80, s9, s6, $0xb8;
	[tilespmem:$0x1FC00] =	vst v63  }
0x18e: {  	v7 =	vld [tilespmem:$0x14F00];
	_ =	sdelay $0x7  }
0x18f: {  	[tilespmem:v7+s12+$0x0] =	vst.idx.add.f32.msk $0xffff, v1  }
0x190: {  	v7 =	vld [tilespmem:$0x14F10];
	_ =	sdelay $0x7  }
0x191: {  	[tilespmem:v7+s12+$0x0] =	vst.idx.add.f32.msk $0xffff, v1  }
0x192: {  	_ =	swait.ge [sflag:s25], $0x1000  }
0x193: {  	s31 =	sld [smem:$0x7F1]  }
0x194: {  	[sflag:s25] =	ssyncset.done $0x0  }
0x195: {  	[sflag:s25] =	ssyncadd.s32 $0xFFFFF000  }
0x196: {  	[spmem:s3] =	stream.indirect.scatter.add.f32 [tilespmem:s10], [sflag:$0x10], $0x80, s31, s6, $0xb8;
	[tilespmem:$0x1FC00] =	vst v63  }
0x197: {  	v7 =	vld [tilespmem:$0x14F80];
	_ =	sdelay $0x7  }
0x198: {  	[tilespmem:v7+s12+$0x0] =	vst.idx.add.f32.msk $0xffff, v1  }
0x199: {  	v7 =	vld [tilespmem:$0x14F90];
	_ =	sdelay $0x7  }
0x19a: {  	[tilespmem:v7+s12+$0x0] =	vst.idx.add.f32.msk $0xffff, v1  }
0x19b: {  	_ =	swait.ge [sflag:s30], $0x1000  }
0x19c: {  	s9 =	sld [smem:$0x7F3]  }
0x19d: {  	[sflag:s30] =	ssyncset.done $0x0  }
0x19e: {  	[sflag:s30] =	ssyncadd.s32 $0xFFFFF000  }
0x19f: {  	[spmem:s3] =	stream.indirect.scatter.add.f32 [tilespmem:s28], [sflag:$0x9], $0x80, s9, s6, $0xb8;
	[tilespmem:$0x1FC00] =	vst v63  }
0x1a0: {  	v7 =	vld [tilespmem:$0x15000];
	_ =	sdelay $0x7  }
0x1a1: {  	[tilespmem:v7+s12+$0x0] =	vst.idx.add.f32.msk $0xffff, v1  }
0x1a2: {  	v7 =	vld [tilespmem:$0x15010];
	_ =	sdelay $0x7  }
0x1a3: {  	[tilespmem:v7+s12+$0x0] =	vst.idx.add.f32.msk $0xffff, v1  }
0x1a4: {  	_ =	swait.ge [sflag:s0], $0x1000  }
0x1a5: {  	s31 =	sld [smem:$0x7F5]  }
0x1a6: {  	[sflag:s0] =	ssyncset.done $0x0  }
0x1a7: {  	[sflag:s0] =	ssyncadd.s32 $0xFFFFF000  }
0x1a8: {  	[spmem:s3] =	stream.indirect.scatter.add.f32 [tilespmem:s7], [sflag:$0xA], $0x80, s31, s6, $0xb8;
	[tilespmem:$0x1FC00] =	vst v63  }
0x1a9: {  	v7 =	vld [tilespmem:$0x15080];
	_ =	sdelay $0x7  }
0x1aa: {  	[tilespmem:v7+s12+$0x0] =	vst.idx.add.f32.msk $0xffff, v1  }
0x1ab: {  	v7 =	vld [tilespmem:$0x15090];
	_ =	sdelay $0x7  }
0x1ac: {  	[tilespmem:v7+s12+$0x0] =	vst.idx.add.f32.msk $0xffff, v1  }
0x1ad: {  	_ =	swait.ge [sflag:s15], $0x1000  }
0x1ae: {  	s9 =	sld [smem:$0x7F7]  }
0x1af: {  	[sflag:s15] =	ssyncset.done $0x0  }
0x1b0: {  	[sflag:s15] =	ssyncadd.s32 $0xFFFFF000  }
0x1b1: {  	[spmem:s3] =	stream.indirect.scatter.add.f32 [tilespmem:s8], [sflag:$0xB], $0x80, s9, s6, $0xb8;
	[tilespmem:$0x1FC00] =	vst v63  }
0x1b2: {  	v7 =	vld [tilespmem:$0x15100];
	_ =	sdelay $0x7  }
0x1b3: {  	[tilespmem:v7+s12+$0x0] =	vst.idx.add.f32.msk $0xffff, v1  }
0x1b4: {  	v7 =	vld [tilespmem:$0x15110];
	_ =	sdelay $0x7  }
0x1b5: {  	[tilespmem:v7+s12+$0x0] =	vst.idx.add.f32.msk $0xffff, v1  }
0x1b6: {  	_ =	swait.ge [sflag:s17], $0x1000  }
0x1b7: {  	s31 =	sld [smem:$0x7F8]  }
0x1b8: {  	[sflag:s17] =	ssyncset.done $0x0  }
0x1b9: {  	[sflag:s17] =	ssyncadd.s32 $0xFFFFF000  }
0x1ba: {  	[spmem:s3] =	stream.indirect.scatter.add.f32 [tilespmem:s19], [sflag:$0xC], $0x80, s31, s6, $0xb8;
	[tilespmem:$0x1FC00] =	vst v63  }
0x1bb: {  	v7 =	vld [tilespmem:$0x15180];
	_ =	sdelay $0x7  }
0x1bc: {  	[tilespmem:v7+s12+$0x0] =	vst.idx.add.f32.msk $0xffff, v1  }
0x1bd: {  	v7 =	vld [tilespmem:$0x15190];
	_ =	sdelay $0x7  }
0x1be: {  	[tilespmem:v7+s12+$0x0] =	vst.idx.add.f32.msk $0xffff, v1  }
0x1bf: {  	_ =	swait.ge [sflag:s24], $0x1000  }
0x1c0: {  	[sflag:s24] =	ssyncset.done $0x0  }
0x1c1: {  	[sflag:s24] =	ssyncadd.s32 $0xFFFFF000  }
0x1c2: {  	_ =	swait.ge [sflag:s26], $0x1000  }
0x1c3: {  	[sflag:s26] =	ssyncset.done $0x0  }
0x1c4: {  	[sflag:s26] =	ssyncadd.s32 $0xFFFFF000  }
0x1c5: {  	_ =	swait.ge [sflag:s5], $0x1000  }
0x1c6: {  	[sflag:s5] =	ssyncset.done $0x0  }
0x1c7: {  	[sflag:s5] =	ssyncadd.s32 $0xFFFFF000  }
0x1c8: {  	_ =	swait.ge [sflag:s29], $0x1000  }
0x1c9: {  	[sflag:s29] =	ssyncset.done $0x0  }
0x1ca: {  	[sflag:s29] =	ssyncadd.s32 $0xFFFFF000  }
0x1cb: {  	_ =	swait.ge [sflag:s16], $0x1000  }
0x1cc: {  	[sflag:s16] =	ssyncset.done $0x0  }
0x1cd: {  	[sflag:s16] =	ssyncadd.s32 $0xFFFFF000  }
0x1ce: {  	_ =	swait.ge [sflag:s18], $0x1000  }
0x1cf: {  	[sflag:s18] =	ssyncset.done $0x0  }
0x1d0: {  	[sflag:s18] =	ssyncadd.s32 $0xFFFFF000  }
0x1d1: {  	p0 =	sne.s32 s4, $0x1680;
	_ =	swait.ge [sflag:s20], $0x1000  }
.Ltmp2:
0x1d2: {  	[sflag:s20] =	ssyncset.done $0x0;
	(pc) =	sbr.rel @p0 .LBB2_6-.Ltmp2, $4  }
0x1d3: {  	[sflag:s20] =	ssyncadd.s32 $0xFFFFF000  }
0x1d4: {  	_ =	swait.ge [sflag:s22], $0x1000  }
0x1d5: {  	[sflag:s22] =	ssyncset.done $0x0  }
0x1d6: {  	s4 =	sadd.s32 $0x180, s4;
	[sflag:s22] =	ssyncadd.s32 $0xFFFFF000  }
0x1d7: {  	_ =	sdelay $0x3  }
0x1d8: {  	[spmem:s3] =	stream.indirect_vreg.scatter.add.f32 [tilespmem:s12], [sflag:$0x11], $0x80, v2, vm0, $0xb8;
	[tilespmem:$0x1FC00] =	vst v63  }
0x1d9: {  	s10 =	simm.s32 $0x11  }
0x1da: {  	_ =	swait.ge [sflag:s10], $0x800  }
0x1db: {  	[sflag:s10] =	ssyncset.done $0x0  }
0x1dc: {  	s1 =	simm.s32 $0x15C00;
	[sflag:s10] =	ssyncadd.s32 $0xFFFFF800  }
0x1dd: {  	[spmem:s3] =	stream.indirect_vreg.scatter.add.f32 [tilespmem:s1], [sflag:$0x11], $0x80, v3, vm0, $0xb8;
	[tilespmem:$0x1FC00] =	vst v63  }
0x1de: {  	_ =	swait.ge [sflag:s10], $0x800  }
0x1df: {  	[sflag:s10] =	ssyncset.done $0x0  }
0x1e0: {  	s31 =	simm.s32 $0x16400;
	[sflag:s10] =	ssyncadd.s32 $0xFFFFF800  }
0x1e1: {  	[spmem:s3] =	stream.indirect_vreg.scatter.add.f32 [tilespmem:s31], [sflag:$0x11], $0x80, v4, vm0, $0xb8;
	[tilespmem:$0x1FC00] =	vst v63  }
0x1e2: {  	_ =	swait.ge [sflag:s10], $0x800  }
0x1e3: {  	[sflag:s10] =	ssyncset.done $0x0  }
0x1e4: {  	s4 =	simm.s32 $0x16C00;
	[sflag:s10] =	ssyncadd.s32 $0xFFFFF800  }
0x1e5: {  	[spmem:s3] =	stream.indirect_vreg.scatter.add.f32 [tilespmem:s4], [sflag:$0x11], $0x80, v5, vm0, $0xb8;
	[tilespmem:$0x1FC00] =	vst v63  }
0x1e6: {  	_ =	swait.ge [sflag:s10], $0x800  }
0x1e7: {  	[sflag:s10] =	ssyncset.done $0x0  }
0x1e8: {  	s7 =	simm.s32 $0x17400;
	[sflag:s10] =	ssyncadd.s32 $0xFFFFF800  }
0x1e9: {  	[spmem:s3] =	stream.indirect_vreg.scatter.add.f32 [tilespmem:s7], [sflag:$0x11], $0x80, v6, vm0, $0xb8;
	[tilespmem:$0x1FC00] =	vst v63  }
0x1ea: {  	_ =	swait.ge [sflag:s10], $0x800  }
0x1eb: {  	[sflag:s10] =	ssyncset.done $0x0  }
0x1ec: {  	[sflag:s10] =	ssyncadd.s32 $0xFFFFF800  }
0x1ed: {  	[bflag:$0x0] =	sbarrier.arrive $0xFFFF  }
0x1ee: {  	s4 =	sld [smem:$0x7FC]  }
0x1ef: {  	s8 =	stileid.u32;
	s31 =	sld [smem:$0x7FA]  }
0x1f0: {  	s1 =	sshll.u32 s8, $0x6  }
0x1f1: {  	s1 =	sor.u32 $0x1C11, s1;
	s4 =	sshrl.u32 s4, $0x3  }
0x1f2: {  	[hbm:s31], [sflag:s1] =	dma.local [spmem:s4], $0x2780  }
0x1f3: {  	_ =	swait.ge [sflag:s10], $0x2780  }
0x1f4: {  	s9 =	sld [smem:$0x7DB]  }
0x1f5: {  	s31 =	sld [smem:$0x7FB];
	_ =	sdelay $0x1  }
0x1f6: {  	s4 =	sadd.s32 $0x1, s9  }
0x1f7: {  	p0 =	sne.s32 s4, s31  }
.Ltmp3:
0x1f8: {  	_ = 	snop;
	(pc) =	sbr.rel @p0 .LBB2_1-.Ltmp3, $3  }
0x1f9: {  	_ =	sdelay $0x1  }
0x1fa: {  	[sflag:s10] =	ssyncset.done $0x0  }
0x1fb: {  	[sflag:s10] =	ssyncadd.s32 $0xFFFFD880  }
0x1fc: {  	_ =	sfence.sel $0x180000  }
0x1fd: {  	[bflag:$0x0] =	sbarrier.arrive $0xFFFF  }
0x1fe: {  	_ =	strace $0x90000047  }
0x1ff: {  	s0 =	stileid.u32;
	[bflag:$0x2] =	sbarrier.arrive $0xFFFF  }
0x200: {  	p0 =	sne.s32 s0, $0x0;
	s0 =	rddreg [dreg:$0x3]  }
0x201: {  	s0 =	sadd.s32 @!p0 $0x100000, s0  }
0x202: {  	[sflag:s0] =	ssyncadd.tile.s32 @!p0 $0x1;
	_ =	shalt  }
.Lfunc_end2:
_tile_overlayer_lowered:
.L_overlay_start_2:
0x203: {  	(tag) =	ssettag $0x2  }
0x204: {  	s0 =	rddreg [dreg:$0x0];
	s2 =	stileid.u32  }
0x205: {  	s1 =	rddreg [dreg:$0x1];
	p0 =	sne.s32 s2, $0x0  }
0x206: {  	s3 =	rddreg [dreg:$0x2];
	[bflag:$0x3] =	sbarrier.arrive $0xFFFF;
	s2 =	simm.s32 @!p0 $0x1C11  }
0x207: {  	[timem:s3], [sflag:s2] =	dma.local @!p0 [hbm:s0], s1  }
0x208: {  	s0 =	simm.s32 @!p0 $0x11  }
0x209: {  	_ =	swait.ge @!p0 [sflag:s0], s1  }
0x20a: {  	s1 =	ssub.s32 @!p0 $0x0, s1;
	[sflag:s0] =	ssyncset.done @!p0 $0x0  }
0x20b: {  	[sflag:s0] =	ssyncadd.s32 @!p0 s1  }
0x20c: {  	[bflag:$0x3] =	sbarrier.arrive $0xFFFF  }
0x20d: {  	_ =	shalt  }

</sc_bundles>
